<compile_context>
chip_gen: v7x
topology: tpu7x:2x2x1
jax: 0.10.2.dev20260603
libtpu: 0.0.44.dev20260713+nightly
codegen_flags: <defaults>
</compile_context>

<pallas_src>
import functools

import jax
import jax.numpy as jnp
from jax import lax
from jax.experimental import pallas as pl
from jax.experimental.pallas import tpu as pltpu
from jax.experimental.pallas import tpu_sc as plsc

B = 16384
H = 200
D = 32
NC = 2
NS = 16
NW = NC * NS
RPT = B // NW
CB = 8
NCHUNK = RPT // CB
GLEN = 100
GPC = CB * H // GLEN
U = 8

_mesh = plsc.VectorSubcoreMesh(core_axis_name="c", subcore_axis_name="s")


@functools.partial(
    pl.kernel,
    out_type=jax.ShapeDtypeStruct((B, D), jnp.float32),
    mesh=_mesh,
    scratch_types=[
        pltpu.VMEM((2, GPC, GLEN), jnp.int32),
        pltpu.VMEM((2, CB * H, D), jnp.float32),
        pltpu.VMEM((2, CB, D), jnp.float32),
        pltpu.SemaphoreType.DMA,
        pltpu.SemaphoreType.DMA,
        pltpu.SemaphoreType.DMA,
        pltpu.SemaphoreType.DMA,
        pltpu.SemaphoreType.DMA,
        pltpu.SemaphoreType.DMA,
    ],
    compiler_params=pltpu.CompilerParams(use_tc_tiling_on_sc=False),
)
def _pool(idx_hbm, table_hbm, out_hbm, idx_v, rows_v, out_v,
          gsem0, gsem1, isem0, isem1, osem0, osem1):
    gsems = (gsem0, gsem1)
    isems = (isem0, isem1)
    osems = (osem0, osem1)
    wid = lax.axis_index("s") * NC + lax.axis_index("c")
    tile_base = wid * RPT

    def fire_idx(ci, buf):
        row0 = tile_base + ci * CB
        pltpu.async_copy(idx_hbm.at[pl.ds(row0 * (H // GLEN), GPC)],
                         idx_v.at[buf], isems[buf])

    def drain_idx(buf):
        pltpu.make_async_copy(idx_hbm.at[pl.ds(0, GPC)],
                              idx_v.at[buf], isems[buf]).wait()

    def fire_gathers(buf):
        for g in range(GPC):
            pltpu.async_copy(table_hbm.at[idx_v.at[buf, g]],
                             rows_v.at[buf, pl.ds(g * GLEN, GLEN)],
                             gsems[buf])

    def drain_gathers(buf):
        pltpu.make_async_copy(table_hbm.at[pl.ds(0, CB * H)],
                              rows_v.at[buf], gsems[buf]).wait()

    def accumulate_store(ci, buf):
        row0 = tile_base + ci * CB
        inv = jnp.float32(1.0 / H)
        for b in range(CB):
            def h_body(k, accs, _b=b, _buf=buf):
                r = _b * H + k * U
                nxt = []
                for u in range(U):
                    nxt.append(accs[2 * u] + rows_v[_buf, r + u, pl.ds(0, 16)])
                    nxt.append(accs[2 * u + 1] + rows_v[_buf, r + u, pl.ds(16, 16)])
                return tuple(nxt)

            zero = jnp.zeros((16,), jnp.float32)
            accs = lax.fori_loop(0, H // U, h_body, (zero,) * (2 * U))
            a0 = accs[0]
            a1 = accs[1]
            for u in range(1, U):
                a0 = a0 + accs[2 * u]
                a1 = a1 + accs[2 * u + 1]
            out_v[buf, b, pl.ds(0, 16)] = a0 * inv
            out_v[buf, b, pl.ds(16, 16)] = a1 * inv
        pltpu.async_copy(out_v.at[buf], out_hbm.at[pl.ds(row0, CB)],
                         osems[buf])

    def drain_out(buf):
        pltpu.make_async_copy(out_v.at[buf], out_hbm.at[pl.ds(0, CB)],
                              osems[buf]).wait()

    fire_idx(0, 0)
    drain_idx(0)
    fire_gathers(0)
    fire_idx(1, 1)

    @pl.loop(0, NCHUNK, step=2)
    def _outer(ci0):
        for par in range(2):
            ci = ci0 + par
            buf, nbuf = par, 1 - par

            @pl.when(ci + 1 < NCHUNK)
            def _():
                drain_idx(nbuf)

            drain_gathers(buf)

            @pl.when(ci + 1 < NCHUNK)
            def _():
                fire_gathers(nbuf)

            @pl.when(ci + 2 < NCHUNK)
            def _():
                fire_idx(ci + 2, buf)

            @pl.when(ci >= 2)
            def _():
                drain_out(buf)

            accumulate_store(ci, buf)

    drain_out(0)
    drain_out(1)


def kernel(item_tensors, table):
    idx2 = item_tensors.reshape(B * (H // GLEN), GLEN)
    return _pool(idx2, table)

# --- scband reference (transcript-rebuilt; emitter-appended) ---
"""Pipeline reference for scband-item-extractor-53206054863163 (READ-ONLY COPY).

The authoritative reference and input builder live on the scoring server;
editing this copy changes nothing except your own understanding.
"""

import jax, jax.numpy as jnp
import numpy as np

VOCAB = 1000000
DIM = 32
PAD = 0
BATCH = 16384
HIST = 200


def setup_inputs(seed: int = 0) -> dict:
    key = jax.random.key(seed)
    k1, k2 = jax.random.split(key)
    item_tensors = jax.random.randint(k1, (BATCH, HIST), 0, VOCAB, dtype=jnp.int64 if jax.config.jax_enable_x64 else jnp.int32).astype(jnp.int32)
    table = jax.random.normal(k2, (VOCAB, DIM), dtype=jnp.float32)
    table = table.at[PAD].set(0.0)
    return {"item_tensors": item_tensors, "table": table}


def reference(item_tensors, table):
    # per-row embedding lookup then mean over the sequence dimension.
    # torch loop: for each row r, embed(r).mean(dim=0); stack -> [B, DIM]
    emb = jnp.take(table, item_tensors, axis=0)  # [B, HIST, DIM]
    out = emb.mean(axis=1)                        # [B, DIM]
    return out

if __name__ == "__main__":
    import jax
    _d = setup_inputs()
    print(jax.jit(kernel)(*tuple(_d.values())))

</pallas_src>

<mosaic_0001>
#map = affine_map<(d0, d1) -> (0, 0)>
module attributes {stable_mosaic.version = 14 : i64} {
  func.func @_pool(%arg0: i32, %arg1: i32, %arg2: memref<32768x100xi32, #tpu.memory_space<hbm>>, %arg3: memref<1000000x32xf32, #tpu.memory_space<hbm>>, %arg4: memref<16384x32xf32, #tpu.memory_space<hbm>>, %arg5: memref<2x16x100xi32, #tpu.memory_space<vmem>>, %arg6: memref<2x1600x32xf32, #tpu.memory_space<vmem>>, %arg7: memref<2x8x32xf32, #tpu.memory_space<vmem>>, %arg8: memref<!tpu.dma_semaphore, #tpu.memory_space<semaphore_mem>>, %arg9: memref<!tpu.dma_semaphore, #tpu.memory_space<semaphore_mem>>, %arg10: memref<!tpu.dma_semaphore, #tpu.memory_space<semaphore_mem>>, %arg11: memref<!tpu.dma_semaphore, #tpu.memory_space<semaphore_mem>>, %arg12: memref<!tpu.dma_semaphore, #tpu.memory_space<semaphore_mem>>, %arg13: memref<!tpu.dma_semaphore, #tpu.memory_space<semaphore_mem>>) attributes {dimension_semantics = [#tpu.dimension_semantics<core_parallel>, #tpu.dimension_semantics<subcore_parallel>], iteration_bounds = array<i64: 2, 16>, scalar_prefetch = 0 : i64, scratch_operands = 9 : i64, tpu.core_type = #tpu.core_type<sc_vector_subcore>, window_params = [{transform_indices = #map}, {transform_indices = #map}, {transform_indices = #map}]} {
    %mul3A = arith.constant 2 : i32
    %mul3A_0 = arith.muli %arg1, %mul3A : i32
    %add3A = arith.addi %mul3A_0, %arg0 : i32
    %mul3A_1 = arith.constant 512 : i32
    %mul3A_2 = arith.muli %add3A, %mul3A_1 : i32
    %add3A_3 = arith.constant 0 : i32
    %add3A_4 = arith.addi %mul3A_2, %add3A_3 : i32
    %mul3A_5 = arith.constant 2 : i32
    %mul3A_6 = arith.muli %add3A_4, %mul3A_5 : i32
    %dma_start3A = arith.constant 0 : i32
    %dma_start3A_7 = arith.constant 0 : i32
    %dma_start3A_8 = arith.constant 0 : i32
    %dma_start3A_9 = tpu.memref_slice %arg5[%dma_start3A, %dma_start3A_7, %dma_start3A_8] : memref<2x16x100xi32, #tpu.memory_space<vmem>> -> memref<1x16x100xi32, #tpu.memory_space<vmem>>
    %dma_start3A_10 = tpu.memref_squeeze %dma_start3A_9 : memref<1x16x100xi32, #tpu.memory_space<vmem>> -> memref<16x100xi32, #tpu.memory_space<vmem>>
    %dma_start3A_11 = arith.constant 0 : i32
    %dma_start3A_12 = tpu.memref_slice %arg2[%mul3A_6, %dma_start3A_11] : memref<32768x100xi32, #tpu.memory_space<hbm>> -> memref<16x100xi32, #tpu.memory_space<hbm>>
    %dma_start3A_13 = arith.constant 0 : i32
    %dma_start3A_14 = arith.constant 0 : i32
    %dma_start3A_15 = tpu.memref_slice %arg5[%dma_start3A, %dma_start3A_13, %dma_start3A_14] : memref<2x16x100xi32, #tpu.memory_space<vmem>> -> memref<1x16x100xi32, #tpu.memory_space<vmem>>
    %dma_start3A_16 = tpu.memref_squeeze %dma_start3A_15 : memref<1x16x100xi32, #tpu.memory_space<vmem>> -> memref<16x100xi32, #tpu.memory_space<vmem>>
    %dma_start3A_17 = arith.constant 0 : i32
    %dma_start3A_18 = tpu.memref_slice %arg2[%mul3A_6, %dma_start3A_17] : memref<32768x100xi32, #tpu.memory_space<hbm>> -> memref<16x100xi32, #tpu.memory_space<hbm>>
    tpu.enqueue_dma source(%dma_start3A_18 : memref<16x100xi32, #tpu.memory_space<hbm>>) target(%dma_start3A_16 : memref<16x100xi32, #tpu.memory_space<vmem>>) target_semaphore(%arg10 : memref<!tpu.dma_semaphore, #tpu.memory_space<semaphore_mem>>)
    %dma_wait3A = arith.constant 0 : i32
    %dma_wait3A_19 = arith.constant 0 : i32
    %dma_wait3A_20 = arith.constant 0 : i32
    %dma_wait3A_21 = tpu.memref_slice %arg5[%dma_wait3A, %dma_wait3A_19, %dma_wait3A_20] : memref<2x16x100xi32, #tpu.memory_space<vmem>> -> memref<1x16x100xi32, #tpu.memory_space<vmem>>
    %dma_wait3A_22 = tpu.memref_squeeze %dma_wait3A_21 : memref<1x16x100xi32, #tpu.memory_space<vmem>> -> memref<16x100xi32, #tpu.memory_space<vmem>>
    %dma_wait3A_23 = arith.constant 0 : i32
    %dma_wait3A_24 = arith.constant 0 : i32
    %dma_wait3A_25 = tpu.memref_slice %arg2[%dma_wait3A_23, %dma_wait3A_24] : memref<32768x100xi32, #tpu.memory_space<hbm>> -> memref<16x100xi32, #tpu.memory_space<hbm>>
    %dma_wait3A_26 = arith.constant 0 : i32
    %dma_wait3A_27 = arith.constant 0 : i32
    %dma_wait3A_28 = tpu.memref_slice %arg5[%dma_wait3A, %dma_wait3A_26, %dma_wait3A_27] : memref<2x16x100xi32, #tpu.memory_space<vmem>> -> memref<1x16x100xi32, #tpu.memory_space<vmem>>
    %dma_wait3A_29 = tpu.memref_squeeze %dma_wait3A_28 : memref<1x16x100xi32, #tpu.memory_space<vmem>> -> memref<16x100xi32, #tpu.memory_space<vmem>>
    %dma_wait3A_30 = arith.constant 0 : i32
    %dma_wait3A_31 = arith.constant 0 : i32
    %dma_wait3A_32 = tpu.memref_slice %arg2[%dma_wait3A_30, %dma_wait3A_31] : memref<32768x100xi32, #tpu.memory_space<hbm>> -> memref<16x100xi32, #tpu.memory_space<hbm>>
    tpu.wait_dma2 semaphore(%arg10 : memref<!tpu.dma_semaphore, #tpu.memory_space<semaphore_mem>>) src(%dma_wait3A_32 : memref<16x100xi32, #tpu.memory_space<hbm>>) dst(%dma_wait3A_29 : memref<16x100xi32, #tpu.memory_space<vmem>>)
    %dma_start3A_33 = arith.constant 0 : i32
    %dma_start3A_34 = arith.constant 0 : i32
    %dma_start3A_35 = arith.constant 0 : i32
    %dma_start3A_36 = arith.constant 0 : i32
    %dma_start3A_37 = arith.constant 0 : i32
    %dma_start3A_38 = tpu.memref_slice %arg6[%dma_start3A_35, %dma_start3A_36, %dma_start3A_37] : memref<2x1600x32xf32, #tpu.memory_space<vmem>> -> memref<1x100x32xf32, #tpu.memory_space<vmem>>
    %dma_start3A_39 = tpu.memref_squeeze %dma_start3A_38 : memref<1x100x32xf32, #tpu.memory_space<vmem>> -> memref<100x32xf32, #tpu.memory_space<vmem>>
    %dma_start3A_40 = arith.constant 0 : i32
    %dma_start3A_41 = tpu.memref_slice %arg5[%dma_start3A_33, %dma_start3A_34, %dma_start3A_40] : memref<2x16x100xi32, #tpu.memory_space<vmem>> -> memref<1x1x100xi32, #tpu.memory_space<vmem>>
    %dma_start3A_42 = tpu.memref_squeeze %dma_start3A_41 : memref<1x1x100xi32, #tpu.memory_space<vmem>> -> memref<100xi32, #tpu.memory_space<vmem>>
    %dma_start3A_43 = arith.constant 0 : i32
    %dma_start3A_44 = arith.constant 0 : i32
    %dma_start3A_45 = tpu.memref_slice %arg3[%dma_start3A_43, %dma_start3A_44] : memref<1000000x32xf32, #tpu.memory_space<hbm>> -> memref<1000000x32xf32, #tpu.memory_space<hbm>>
    tpu.enqueue_indirect_dma source(%dma_start3A_45 : memref<1000000x32xf32, #tpu.memory_space<hbm>>) target(%dma_start3A_39 : memref<100x32xf32, #tpu.memory_space<vmem>>) offsets(%dma_start3A_42 : memref<100xi32, #tpu.memory_space<vmem>>) semaphore(%arg8 : memref<!tpu.dma_semaphore, #tpu.memory_space<semaphore_mem>>)
    %dma_start3A_46 = arith.constant 0 : i32
    %dma_start3A_47 = arith.constant 1 : i32
    %dma_start3A_48 = arith.constant 0 : i32
    %dma_start3A_49 = arith.constant 100 : i32
    %dma_start3A_50 = arith.constant 0 : i32
    %dma_start3A_51 = tpu.memref_slice %arg6[%dma_start3A_48, %dma_start3A_49, %dma_start3A_50] : memref<2x1600x32xf32, #tpu.memory_space<vmem>> -> memref<1x100x32xf32, #tpu.memory_space<vmem>>
    %dma_start3A_52 = tpu.memref_squeeze %dma_start3A_51 : memref<1x100x32xf32, #tpu.memory_space<vmem>> -> memref<100x32xf32, #tpu.memory_space<vmem>>
    %dma_start3A_53 = arith.constant 0 : i32
    %dma_start3A_54 = tpu.memref_slice %arg5[%dma_start3A_46, %dma_start3A_47, %dma_start3A_53] : memref<2x16x100xi32, #tpu.memory_space<vmem>> -> memref<1x1x100xi32, #tpu.memory_space<vmem>>
    %dma_start3A_55 = tpu.memref_squeeze %dma_start3A_54 : memref<1x1x100xi32, #tpu.memory_space<vmem>> -> memref<100xi32, #tpu.memory_space<vmem>>
    %dma_start3A_56 = arith.constant 0 : i32
    %dma_start3A_57 = arith.constant 0 : i32
    %dma_start3A_58 = tpu.memref_slice %arg3[%dma_start3A_56, %dma_start3A_57] : memref<1000000x32xf32, #tpu.memory_space<hbm>> -> memref<1000000x32xf32, #tpu.memory_space<hbm>>
    tpu.enqueue_indirect_dma source(%dma_start3A_58 : memref<1000000x32xf32, #tpu.memory_space<hbm>>) target(%dma_start3A_52 : memref<100x32xf32, #tpu.memory_space<vmem>>) offsets(%dma_start3A_55 : memref<100xi32, #tpu.memory_space<vmem>>) semaphore(%arg8 : memref<!tpu.dma_semaphore, #tpu.memory_space<semaphore_mem>>)
    %dma_start3A_59 = arith.constant 0 : i32
    %dma_start3A_60 = arith.constant 2 : i32
    %dma_start3A_61 = arith.constant 0 : i32
    %dma_start3A_62 = arith.constant 200 : i32
    %dma_start3A_63 = arith.constant 0 : i32
    %dma_start3A_64 = tpu.memref_slice %arg6[%dma_start3A_61, %dma_start3A_62, %dma_start3A_63] : memref<2x1600x32xf32, #tpu.memory_space<vmem>> -> memref<1x100x32xf32, #tpu.memory_space<vmem>>
    %dma_start3A_65 = tpu.memref_squeeze %dma_start3A_64 : memref<1x100x32xf32, #tpu.memory_space<vmem>> -> memref<100x32xf32, #tpu.memory_space<vmem>>
    %dma_start3A_66 = arith.constant 0 : i32
    %dma_start3A_67 = tpu.memref_slice %arg5[%dma_start3A_59, %dma_start3A_60, %dma_start3A_66] : memref<2x16x100xi32, #tpu.memory_space<vmem>> -> memref<1x1x100xi32, #tpu.memory_space<vmem>>
    %dma_start3A_68 = tpu.memref_squeeze %dma_start3A_67 : memref<1x1x100xi32, #tpu.memory_space<vmem>> -> memref<100xi32, #tpu.memory_space<vmem>>
    %dma_start3A_69 = arith.constant 0 : i32
    %dma_start3A_70 = arith.constant 0 : i32
    %dma_start3A_71 = tpu.memref_slice %arg3[%dma_start3A_69, %dma_start3A_70] : memref<1000000x32xf32, #tpu.memory_space<hbm>> -> memref<1000000x32xf32, #tpu.memory_space<hbm>>
    tpu.enqueue_indirect_dma source(%dma_start3A_71 : memref<1000000x32xf32, #tpu.memory_space<hbm>>) target(%dma_start3A_65 : memref<100x32xf32, #tpu.memory_space<vmem>>) offsets(%dma_start3A_68 : memref<100xi32, #tpu.memory_space<vmem>>) semaphore(%arg8 : memref<!tpu.dma_semaphore, #tpu.memory_space<semaphore_mem>>)
    %dma_start3A_72 = arith.constant 0 : i32
    %dma_start3A_73 = arith.constant 3 : i32
    %dma_start3A_74 = arith.constant 0 : i32
    %dma_start3A_75 = arith.constant 300 : i32
    %dma_start3A_76 = arith.constant 0 : i32
    %dma_start3A_77 = tpu.memref_slice %arg6[%dma_start3A_74, %dma_start3A_75, %dma_start3A_76] : memref<2x1600x32xf32, #tpu.memory_space<vmem>> -> memref<1x100x32xf32, #tpu.memory_space<vmem>>
    %dma_start3A_78 = tpu.memref_squeeze %dma_start3A_77 : memref<1x100x32xf32, #tpu.memory_space<vmem>> -> memref<100x32xf32, #tpu.memory_space<vmem>>
    %dma_start3A_79 = arith.constant 0 : i32
    %dma_start3A_80 = tpu.memref_slice %arg5[%dma_start3A_72, %dma_start3A_73, %dma_start3A_79] : memref<2x16x100xi32, #tpu.memory_space<vmem>> -> memref<1x1x100xi32, #tpu.memory_space<vmem>>
    %dma_start3A_81 = tpu.memref_squeeze %dma_start3A_80 : memref<1x1x100xi32, #tpu.memory_space<vmem>> -> memref<100xi32, #tpu.memory_space<vmem>>
    %dma_start3A_82 = arith.constant 0 : i32
    %dma_start3A_83 = arith.constant 0 : i32
    %dma_start3A_84 = tpu.memref_slice %arg3[%dma_start3A_82, %dma_start3A_83] : memref<1000000x32xf32, #tpu.memory_space<hbm>> -> memref<1000000x32xf32, #tpu.memory_space<hbm>>
    tpu.enqueue_indirect_dma source(%dma_start3A_84 : memref<1000000x32xf32, #tpu.memory_space<hbm>>) target(%dma_start3A_78 : memref<100x32xf32, #tpu.memory_space<vmem>>) offsets(%dma_start3A_81 : memref<100xi32, #tpu.memory_space<vmem>>) semaphore(%arg8 : memref<!tpu.dma_semaphore, #tpu.memory_space<semaphore_mem>>)
    %dma_start3A_85 = arith.constant 0 : i32
    %dma_start3A_86 = arith.constant 4 : i32
    %dma_start3A_87 = arith.constant 0 : i32
    %dma_start3A_88 = arith.constant 400 : i32
    %dma_start3A_89 = arith.constant 0 : i32
    %dma_start3A_90 = tpu.memref_slice %arg6[%dma_start3A_87, %dma_start3A_88, %dma_start3A_89] : memref<2x1600x32xf32, #tpu.memory_space<vmem>> -> memref<1x100x32xf32, #tpu.memory_space<vmem>>
    %dma_start3A_91 = tpu.memref_squeeze %dma_start3A_90 : memref<1x100x32xf32, #tpu.memory_space<vmem>> -> memref<100x32xf32, #tpu.memory_space<vmem>>
    %dma_start3A_92 = arith.constant 0 : i32
    %dma_start3A_93 = tpu.memref_slice %arg5[%dma_start3A_85, %dma_start3A_86, %dma_start3A_92] : memref<2x16x100xi32, #tpu.memory_space<vmem>> -> memref<1x1x100xi32, #tpu.memory_space<vmem>>
    %dma_start3A_94 = tpu.memref_squeeze %dma_start3A_93 : memref<1x1x100xi32, #tpu.memory_space<vmem>> -> memref<100xi32, #tpu.memory_space<vmem>>
    %dma_start3A_95 = arith.constant 0 : i32
    %dma_start3A_96 = arith.constant 0 : i32
    %dma_start3A_97 = tpu.memref_slice %arg3[%dma_start3A_95, %dma_start3A_96] : memref<1000000x32xf32, #tpu.memory_space<hbm>> -> memref<1000000x32xf32, #tpu.memory_space<hbm>>
    tpu.enqueue_indirect_dma source(%dma_start3A_97 : memref<1000000x32xf32, #tpu.memory_space<hbm>>) target(%dma_start3A_91 : memref<100x32xf32, #tpu.memory_space<vmem>>) offsets(%dma_start3A_94 : memref<100xi32, #tpu.memory_space<vmem>>) semaphore(%arg8 : memref<!tpu.dma_semaphore, #tpu.memory_space<semaphore_mem>>)
    %dma_start3A_98 = arith.constant 0 : i32
    %dma_start3A_99 = arith.constant 5 : i32
    %dma_start3A_100 = arith.constant 0 : i32
    %dma_start3A_101 = arith.constant 500 : i32
    %dma_start3A_102 = arith.constant 0 : i32
    %dma_start3A_103 = tpu.memref_slice %arg6[%dma_start3A_100, %dma_start3A_101, %dma_start3A_102] : memref<2x1600x32xf32, #tpu.memory_space<vmem>> -> memref<1x100x32xf32, #tpu.memory_space<vmem>>
    %dma_start3A_104 = tpu.memref_squeeze %dma_start3A_103 : memref<1x100x32xf32, #tpu.memory_space<vmem>> -> memref<100x32xf32, #tpu.memory_space<vmem>>
    %dma_start3A_105 = arith.constant 0 : i32
    %dma_start3A_106 = tpu.memref_slice %arg5[%dma_start3A_98, %dma_start3A_99, %dma_start3A_105] : memref<2x16x100xi32, #tpu.memory_space<vmem>> -> memref<1x1x100xi32, #tpu.memory_space<vmem>>
    %dma_start3A_107 = tpu.memref_squeeze %dma_start3A_106 : memref<1x1x100xi32, #tpu.memory_space<vmem>> -> memref<100xi32, #tpu.memory_space<vmem>>
    %dma_start3A_108 = arith.constant 0 : i32
    %dma_start3A_109 = arith.constant 0 : i32
    %dma_start3A_110 = tpu.memref_slice %arg3[%dma_start3A_108, %dma_start3A_109] : memref<1000000x32xf32, #tpu.memory_space<hbm>> -> memref<1000000x32xf32, #tpu.memory_space<hbm>>
    tpu.enqueue_indirect_dma source(%dma_start3A_110 : memref<1000000x32xf32, #tpu.memory_space<hbm>>) target(%dma_start3A_104 : memref<100x32xf32, #tpu.memory_space<vmem>>) offsets(%dma_start3A_107 : memref<100xi32, #tpu.memory_space<vmem>>) semaphore(%arg8 : memref<!tpu.dma_semaphore, #tpu.memory_space<semaphore_mem>>)
    %dma_start3A_111 = arith.constant 0 : i32
    %dma_start3A_112 = arith.constant 6 : i32
    %dma_start3A_113 = arith.constant 0 : i32
    %dma_start3A_114 = arith.constant 600 : i32
    %dma_start3A_115 = arith.constant 0 : i32
    %dma_start3A_116 = tpu.memref_slice %arg6[%dma_start3A_113, %dma_start3A_114, %dma_start3A_115] : memref<2x1600x32xf32, #tpu.memory_space<vmem>> -> memref<1x100x32xf32, #tpu.memory_space<vmem>>
    %dma_start3A_117 = tpu.memref_squeeze %dma_start3A_116 : memref<1x100x32xf32, #tpu.memory_space<vmem>> -> memref<100x32xf32, #tpu.memory_space<vmem>>
    %dma_start3A_118 = arith.constant 0 : i32
    %dma_start3A_119 = tpu.memref_slice %arg5[%dma_start3A_111, %dma_start3A_112, %dma_start3A_118] : memref<2x16x100xi32, #tpu.memory_space<vmem>> -> memref<1x1x100xi32, #tpu.memory_space<vmem>>
    %dma_start3A_120 = tpu.memref_squeeze %dma_start3A_119 : memref<1x1x100xi32, #tpu.memory_space<vmem>> -> memref<100xi32, #tpu.memory_space<vmem>>
    %dma_start3A_121 = arith.constant 0 : i32
    %dma_start3A_122 = arith.constant 0 : i32
    %dma_start3A_123 = tpu.memref_slice %arg3[%dma_start3A_121, %dma_start3A_122] : memref<1000000x32xf32, #tpu.memory_space<hbm>> -> memref<1000000x32xf32, #tpu.memory_space<hbm>>
    tpu.enqueue_indirect_dma source(%dma_start3A_123 : memref<1000000x32xf32, #tpu.memory_space<hbm>>) target(%dma_start3A_117 : memref<100x32xf32, #tpu.memory_space<vmem>>) offsets(%dma_start3A_120 : memref<100xi32, #tpu.memory_space<vmem>>) semaphore(%arg8 : memref<!tpu.dma_semaphore, #tpu.memory_space<semaphore_mem>>)
    %dma_start3A_124 = arith.constant 0 : i32
    %dma_start3A_125 = arith.constant 7 : i32
    %dma_start3A_126 = arith.constant 0 : i32
    %dma_start3A_127 = arith.constant 700 : i32
    %dma_start3A_128 = arith.constant 0 : i32
    %dma_start3A_129 = tpu.memref_slice %arg6[%dma_start3A_126, %dma_start3A_127, %dma_start3A_128] : memref<2x1600x32xf32, #tpu.memory_space<vmem>> -> memref<1x100x32xf32, #tpu.memory_space<vmem>>
    %dma_start3A_130 = tpu.memref_squeeze %dma_start3A_129 : memref<1x100x32xf32, #tpu.memory_space<vmem>> -> memref<100x32xf32, #tpu.memory_space<vmem>>
    %dma_start3A_131 = arith.constant 0 : i32
    %dma_start3A_132 = tpu.memref_slice %arg5[%dma_start3A_124, %dma_start3A_125, %dma_start3A_131] : memref<2x16x100xi32, #tpu.memory_space<vmem>> -> memref<1x1x100xi32, #tpu.memory_space<vmem>>
    %dma_start3A_133 = tpu.memref_squeeze %dma_start3A_132 : memref<1x1x100xi32, #tpu.memory_space<vmem>> -> memref<100xi32, #tpu.memory_space<vmem>>
    %dma_start3A_134 = arith.constant 0 : i32
    %dma_start3A_135 = arith.constant 0 : i32
    %dma_start3A_136 = tpu.memref_slice %arg3[%dma_start3A_134, %dma_start3A_135] : memref<1000000x32xf32, #tpu.memory_space<hbm>> -> memref<1000000x32xf32, #tpu.memory_space<hbm>>
    tpu.enqueue_indirect_dma source(%dma_start3A_136 : memref<1000000x32xf32, #tpu.memory_space<hbm>>) target(%dma_start3A_130 : memref<100x32xf32, #tpu.memory_space<vmem>>) offsets(%dma_start3A_133 : memref<100xi32, #tpu.memory_space<vmem>>) semaphore(%arg8 : memref<!tpu.dma_semaphore, #tpu.memory_space<semaphore_mem>>)
    %dma_start3A_137 = arith.constant 0 : i32
    %dma_start3A_138 = arith.constant 8 : i32
    %dma_start3A_139 = arith.constant 0 : i32
    %dma_start3A_140 = arith.constant 800 : i32
    %dma_start3A_141 = arith.constant 0 : i32
    %dma_start3A_142 = tpu.memref_slice %arg6[%dma_start3A_139, %dma_start3A_140, %dma_start3A_141] : memref<2x1600x32xf32, #tpu.memory_space<vmem>> -> memref<1x100x32xf32, #tpu.memory_space<vmem>>
    %dma_start3A_143 = tpu.memref_squeeze %dma_start3A_142 : memref<1x100x32xf32, #tpu.memory_space<vmem>> -> memref<100x32xf32, #tpu.memory_space<vmem>>
    %dma_start3A_144 = arith.constant 0 : i32
    %dma_start3A_145 = tpu.memref_slice %arg5[%dma_start3A_137, %dma_start3A_138, %dma_start3A_144] : memref<2x16x100xi32, #tpu.memory_space<vmem>> -> memref<1x1x100xi32, #tpu.memory_space<vmem>>
    %dma_start3A_146 = tpu.memref_squeeze %dma_start3A_145 : memref<1x1x100xi32, #tpu.memory_space<vmem>> -> memref<100xi32, #tpu.memory_space<vmem>>
    %dma_start3A_147 = arith.constant 0 : i32
    %dma_start3A_148 = arith.constant 0 : i32
    %dma_start3A_149 = tpu.memref_slice %arg3[%dma_start3A_147, %dma_start3A_148] : memref<1000000x32xf32, #tpu.memory_space<hbm>> -> memref<1000000x32xf32, #tpu.memory_space<hbm>>
    tpu.enqueue_indirect_dma source(%dma_start3A_149 : memref<1000000x32xf32, #tpu.memory_space<hbm>>) target(%dma_start3A_143 : memref<100x32xf32, #tpu.memory_space<vmem>>) offsets(%dma_start3A_146 : memref<100xi32, #tpu.memory_space<vmem>>) semaphore(%arg8 : memref<!tpu.dma_semaphore, #tpu.memory_space<semaphore_mem>>)
    %dma_start3A_150 = arith.constant 0 : i32
    %dma_start3A_151 = arith.constant 9 : i32
    %dma_start3A_152 = arith.constant 0 : i32
    %dma_start3A_153 = arith.constant 900 : i32
    %dma_start3A_154 = arith.constant 0 : i32
    %dma_start3A_155 = tpu.memref_slice %arg6[%dma_start3A_152, %dma_start3A_153, %dma_start3A_154] : memref<2x1600x32xf32, #tpu.memory_space<vmem>> -> memref<1x100x32xf32, #tpu.memory_space<vmem>>
    %dma_start3A_156 = tpu.memref_squeeze %dma_start3A_155 : memref<1x100x32xf32, #tpu.memory_space<vmem>> -> memref<100x32xf32, #tpu.memory_space<vmem>>
    %dma_start3A_157 = arith.constant 0 : i32
    %dma_start3A_158 = tpu.memref_slice %arg5[%dma_start3A_150, %dma_start3A_151, %dma_start3A_157] : memref<2x16x100xi32, #tpu.memory_space<vmem>> -> memref<1x1x100xi32, #tpu.memory_space<vmem>>
    %dma_start3A_159 = tpu.memref_squeeze %dma_start3A_158 : memref<1x1x100xi32, #tpu.memory_space<vmem>> -> memref<100xi32, #tpu.memory_space<vmem>>
    %dma_start3A_160 = arith.constant 0 : i32
    %dma_start3A_161 = arith.constant 0 : i32
    %dma_start3A_162 = tpu.memref_slice %arg3[%dma_start3A_160, %dma_start3A_161] : memref<1000000x32xf32, #tpu.memory_space<hbm>> -> memref<1000000x32xf32, #tpu.memory_space<hbm>>
    tpu.enqueue_indirect_dma source(%dma_start3A_162 : memref<1000000x32xf32, #tpu.memory_space<hbm>>) target(%dma_start3A_156 : memref<100x32xf32, #tpu.memory_space<vmem>>) offsets(%dma_start3A_159 : memref<100xi32, #tpu.memory_space<vmem>>) semaphore(%arg8 : memref<!tpu.dma_semaphore, #tpu.memory_space<semaphore_mem>>)
    %dma_start3A_163 = arith.constant 0 : i32
    %dma_start3A_164 = arith.constant 10 : i32
    %dma_start3A_165 = arith.constant 0 : i32
    %dma_start3A_166 = arith.constant 1000 : i32
    %dma_start3A_167 = arith.constant 0 : i32
    %dma_start3A_168 = tpu.memref_slice %arg6[%dma_start3A_165, %dma_start3A_166, %dma_start3A_167] : memref<2x1600x32xf32, #tpu.memory_space<vmem>> -> memref<1x100x32xf32, #tpu.memory_space<vmem>>
    %dma_start3A_169 = tpu.memref_squeeze %dma_start3A_168 : memref<1x100x32xf32, #tpu.memory_space<vmem>> -> memref<100x32xf32, #tpu.memory_space<vmem>>
    %dma_start3A_170 = arith.constant 0 : i32
    %dma_start3A_171 = tpu.memref_slice %arg5[%dma_start3A_163, %dma_start3A_164, %dma_start3A_170] : memref<2x16x100xi32, #tpu.memory_space<vmem>> -> memref<1x1x100xi32, #tpu.memory_space<vmem>>
    %dma_start3A_172 = tpu.memref_squeeze %dma_start3A_171 : memref<1x1x100xi32, #tpu.memory_space<vmem>> -> memref<100xi32, #tpu.memory_space<vmem>>
    %dma_start3A_173 = arith.constant 0 : i32
    %dma_start3A_174 = arith.constant 0 : i32
    %dma_start3A_175 = tpu.memref_slice %arg3[%dma_start3A_173, %dma_start3A_174] : memref<1000000x32xf32, #tpu.memory_space<hbm>> -> memref<1000000x32xf32, #tpu.memory_space<hbm>>
    tpu.enqueue_indirect_dma source(%dma_start3A_175 : memref<1000000x32xf32, #tpu.memory_space<hbm>>) target(%dma_start3A_169 : memref<100x32xf32, #tpu.memory_space<vmem>>) offsets(%dma_start3A_172 : memref<100xi32, #tpu.memory_space<vmem>>) semaphore(%arg8 : memref<!tpu.dma_semaphore, #tpu.memory_space<semaphore_mem>>)
    %dma_start3A_176 = arith.constant 0 : i32
    %dma_start3A_177 = arith.constant 11 : i32
    %dma_start3A_178 = arith.constant 0 : i32
    %dma_start3A_179 = arith.constant 1100 : i32
    %dma_start3A_180 = arith.constant 0 : i32
    %dma_start3A_181 = tpu.memref_slice %arg6[%dma_start3A_178, %dma_start3A_179, %dma_start3A_180] : memref<2x1600x32xf32, #tpu.memory_space<vmem>> -> memref<1x100x32xf32, #tpu.memory_space<vmem>>
    %dma_start3A_182 = tpu.memref_squeeze %dma_start3A_181 : memref<1x100x32xf32, #tpu.memory_space<vmem>> -> memref<100x32xf32, #tpu.memory_space<vmem>>
    %dma_start3A_183 = arith.constant 0 : i32
    %dma_start3A_184 = tpu.memref_slice %arg5[%dma_start3A_176, %dma_start3A_177, %dma_start3A_183] : memref<2x16x100xi32, #tpu.memory_space<vmem>> -> memref<1x1x100xi32, #tpu.memory_space<vmem>>
    %dma_start3A_185 = tpu.memref_squeeze %dma_start3A_184 : memref<1x1x100xi32, #tpu.memory_space<vmem>> -> memref<100xi32, #tpu.memory_space<vmem>>
    %dma_start3A_186 = arith.constant 0 : i32
    %dma_start3A_187 = arith.constant 0 : i32
    %dma_start3A_188 = tpu.memref_slice %arg3[%dma_start3A_186, %dma_start3A_187] : memref<1000000x32xf32, #tpu.memory_space<hbm>> -> memref<1000000x32xf32, #tpu.memory_space<hbm>>
    tpu.enqueue_indirect_dma source(%dma_start3A_188 : memref<1000000x32xf32, #tpu.memory_space<hbm>>) target(%dma_start3A_182 : memref<100x32xf32, #tpu.memory_space<vmem>>) offsets(%dma_start3A_185 : memref<100xi32, #tpu.memory_space<vmem>>) semaphore(%arg8 : memref<!tpu.dma_semaphore, #tpu.memory_space<semaphore_mem>>)
    %dma_start3A_189 = arith.constant 0 : i32
    %dma_start3A_190 = arith.constant 12 : i32
    %dma_start3A_191 = arith.constant 0 : i32
    %dma_start3A_192 = arith.constant 1200 : i32
    %dma_start3A_193 = arith.constant 0 : i32
    %dma_start3A_194 = tpu.memref_slice %arg6[%dma_start3A_191, %dma_start3A_192, %dma_start3A_193] : memref<2x1600x32xf32, #tpu.memory_space<vmem>> -> memref<1x100x32xf32, #tpu.memory_space<vmem>>
    %dma_start3A_195 = tpu.memref_squeeze %dma_start3A_194 : memref<1x100x32xf32, #tpu.memory_space<vmem>> -> memref<100x32xf32, #tpu.memory_space<vmem>>
    %dma_start3A_196 = arith.constant 0 : i32
    %dma_start3A_197 = tpu.memref_slice %arg5[%dma_start3A_189, %dma_start3A_190, %dma_start3A_196] : memref<2x16x100xi32, #tpu.memory_space<vmem>> -> memref<1x1x100xi32, #tpu.memory_space<vmem>>
    %dma_start3A_198 = tpu.memref_squeeze %dma_start3A_197 : memref<1x1x100xi32, #tpu.memory_space<vmem>> -> memref<100xi32, #tpu.memory_space<vmem>>
    %dma_start3A_199 = arith.constant 0 : i32
    %dma_start3A_200 = arith.constant 0 : i32
    %dma_start3A_201 = tpu.memref_slice %arg3[%dma_start3A_199, %dma_start3A_200] : memref<1000000x32xf32, #tpu.memory_space<hbm>> -> memref<1000000x32xf32, #tpu.memory_space<hbm>>
    tpu.enqueue_indirect_dma source(%dma_start3A_201 : memref<1000000x32xf32, #tpu.memory_space<hbm>>) target(%dma_start3A_195 : memref<100x32xf32, #tpu.memory_space<vmem>>) offsets(%dma_start3A_198 : memref<100xi32, #tpu.memory_space<vmem>>) semaphore(%arg8 : memref<!tpu.dma_semaphore, #tpu.memory_space<semaphore_mem>>)
    %dma_start3A_202 = arith.constant 0 : i32
    %dma_start3A_203 = arith.constant 13 : i32
    %dma_start3A_204 = arith.constant 0 : i32
    %dma_start3A_205 = arith.constant 1300 : i32
    %dma_start3A_206 = arith.constant 0 : i32
    %dma_start3A_207 = tpu.memref_slice %arg6[%dma_start3A_204, %dma_start3A_205, %dma_start3A_206] : memref<2x1600x32xf32, #tpu.memory_space<vmem>> -> memref<1x100x32xf32, #tpu.memory_space<vmem>>
    %dma_start3A_208 = tpu.memref_squeeze %dma_start3A_207 : memref<1x100x32xf32, #tpu.memory_space<vmem>> -> memref<100x32xf32, #tpu.memory_space<vmem>>
    %dma_start3A_209 = arith.constant 0 : i32
    %dma_start3A_210 = tpu.memref_slice %arg5[%dma_start3A_202, %dma_start3A_203, %dma_start3A_209] : memref<2x16x100xi32, #tpu.memory_space<vmem>> -> memref<1x1x100xi32, #tpu.memory_space<vmem>>
    %dma_start3A_211 = tpu.memref_squeeze %dma_start3A_210 : memref<1x1x100xi32, #tpu.memory_space<vmem>> -> memref<100xi32, #tpu.memory_space<vmem>>
    %dma_start3A_212 = arith.constant 0 : i32
    %dma_start3A_213 = arith.constant 0 : i32
    %dma_start3A_214 = tpu.memref_slice %arg3[%dma_start3A_212, %dma_start3A_213] : memref<1000000x32xf32, #tpu.memory_space<hbm>> -> memref<1000000x32xf32, #tpu.memory_space<hbm>>
    tpu.enqueue_indirect_dma source(%dma_start3A_214 : memref<1000000x32xf32, #tpu.memory_space<hbm>>) target(%dma_start3A_208 : memref<100x32xf32, #tpu.memory_space<vmem>>) offsets(%dma_start3A_211 : memref<100xi32, #tpu.memory_space<vmem>>) semaphore(%arg8 : memref<!tpu.dma_semaphore, #tpu.memory_space<semaphore_mem>>)
    %dma_start3A_215 = arith.constant 0 : i32
    %dma_start3A_216 = arith.constant 14 : i32
    %dma_start3A_217 = arith.constant 0 : i32
    %dma_start3A_218 = arith.constant 1400 : i32
    %dma_start3A_219 = arith.constant 0 : i32
    %dma_start3A_220 = tpu.memref_slice %arg6[%dma_start3A_217, %dma_start3A_218, %dma_start3A_219] : memref<2x1600x32xf32, #tpu.memory_space<vmem>> -> memref<1x100x32xf32, #tpu.memory_space<vmem>>
    %dma_start3A_221 = tpu.memref_squeeze %dma_start3A_220 : memref<1x100x32xf32, #tpu.memory_space<vmem>> -> memref<100x32xf32, #tpu.memory_space<vmem>>
    %dma_start3A_222 = arith.constant 0 : i32
    %dma_start3A_223 = tpu.memref_slice %arg5[%dma_start3A_215, %dma_start3A_216, %dma_start3A_222] : memref<2x16x100xi32, #tpu.memory_space<vmem>> -> memref<1x1x100xi32, #tpu.memory_space<vmem>>
    %dma_start3A_224 = tpu.memref_squeeze %dma_start3A_223 : memref<1x1x100xi32, #tpu.memory_space<vmem>> -> memref<100xi32, #tpu.memory_space<vmem>>
    %dma_start3A_225 = arith.constant 0 : i32
    %dma_start3A_226 = arith.constant 0 : i32
    %dma_start3A_227 = tpu.memref_slice %arg3[%dma_start3A_225, %dma_start3A_226] : memref<1000000x32xf32, #tpu.memory_space<hbm>> -> memref<1000000x32xf32, #tpu.memory_space<hbm>>
    tpu.enqueue_indirect_dma source(%dma_start3A_227 : memref<1000000x32xf32, #tpu.memory_space<hbm>>) target(%dma_start3A_221 : memref<100x32xf32, #tpu.memory_space<vmem>>) offsets(%dma_start3A_224 : memref<100xi32, #tpu.memory_space<vmem>>) semaphore(%arg8 : memref<!tpu.dma_semaphore, #tpu.memory_space<semaphore_mem>>)
    %dma_start3A_228 = arith.constant 0 : i32
    %dma_start3A_229 = arith.constant 15 : i32
    %dma_start3A_230 = arith.constant 0 : i32
    %dma_start3A_231 = arith.constant 1500 : i32
    %dma_start3A_232 = arith.constant 0 : i32
    %dma_start3A_233 = tpu.memref_slice %arg6[%dma_start3A_230, %dma_start3A_231, %dma_start3A_232] : memref<2x1600x32xf32, #tpu.memory_space<vmem>> -> memref<1x100x32xf32, #tpu.memory_space<vmem>>
    %dma_start3A_234 = tpu.memref_squeeze %dma_start3A_233 : memref<1x100x32xf32, #tpu.memory_space<vmem>> -> memref<100x32xf32, #tpu.memory_space<vmem>>
    %dma_start3A_235 = arith.constant 0 : i32
    %dma_start3A_236 = tpu.memref_slice %arg5[%dma_start3A_228, %dma_start3A_229, %dma_start3A_235] : memref<2x16x100xi32, #tpu.memory_space<vmem>> -> memref<1x1x100xi32, #tpu.memory_space<vmem>>
    %dma_start3A_237 = tpu.memref_squeeze %dma_start3A_236 : memref<1x1x100xi32, #tpu.memory_space<vmem>> -> memref<100xi32, #tpu.memory_space<vmem>>
    %dma_start3A_238 = arith.constant 0 : i32
    %dma_start3A_239 = arith.constant 0 : i32
    %dma_start3A_240 = tpu.memref_slice %arg3[%dma_start3A_238, %dma_start3A_239] : memref<1000000x32xf32, #tpu.memory_space<hbm>> -> memref<1000000x32xf32, #tpu.memory_space<hbm>>
    tpu.enqueue_indirect_dma source(%dma_start3A_240 : memref<1000000x32xf32, #tpu.memory_space<hbm>>) target(%dma_start3A_234 : memref<100x32xf32, #tpu.memory_space<vmem>>) offsets(%dma_start3A_237 : memref<100xi32, #tpu.memory_space<vmem>>) semaphore(%arg8 : memref<!tpu.dma_semaphore, #tpu.memory_space<semaphore_mem>>)
    %add3A_241 = arith.constant 8 : i32
    %add3A_242 = arith.addi %mul3A_2, %add3A_241 : i32
    %mul3A_243 = arith.constant 2 : i32
    %mul3A_244 = arith.muli %add3A_242, %mul3A_243 : i32
    %dma_start3A_245 = arith.constant 1 : i32
    %dma_start3A_246 = arith.constant 0 : i32
    %dma_start3A_247 = arith.constant 0 : i32
    %dma_start3A_248 = tpu.memref_slice %arg5[%dma_start3A_245, %dma_start3A_246, %dma_start3A_247] : memref<2x16x100xi32, #tpu.memory_space<vmem>> -> memref<1x16x100xi32, #tpu.memory_space<vmem>>
    %dma_start3A_249 = tpu.memref_squeeze %dma_start3A_248 : memref<1x16x100xi32, #tpu.memory_space<vmem>> -> memref<16x100xi32, #tpu.memory_space<vmem>>
    %dma_start3A_250 = arith.constant 0 : i32
    %dma_start3A_251 = tpu.memref_slice %arg2[%mul3A_244, %dma_start3A_250] : memref<32768x100xi32, #tpu.memory_space<hbm>> -> memref<16x100xi32, #tpu.memory_space<hbm>>
    %dma_start3A_252 = arith.constant 0 : i32
    %dma_start3A_253 = arith.constant 0 : i32
    %dma_start3A_254 = tpu.memref_slice %arg5[%dma_start3A_245, %dma_start3A_252, %dma_start3A_253] : memref<2x16x100xi32, #tpu.memory_space<vmem>> -> memref<1x16x100xi32, #tpu.memory_space<vmem>>
    %dma_start3A_255 = tpu.memref_squeeze %dma_start3A_254 : memref<1x16x100xi32, #tpu.memory_space<vmem>> -> memref<16x100xi32, #tpu.memory_space<vmem>>
    %dma_start3A_256 = arith.constant 0 : i32
    %dma_start3A_257 = tpu.memref_slice %arg2[%mul3A_244, %dma_start3A_256] : memref<32768x100xi32, #tpu.memory_space<hbm>> -> memref<16x100xi32, #tpu.memory_space<hbm>>
    tpu.enqueue_dma source(%dma_start3A_257 : memref<16x100xi32, #tpu.memory_space<hbm>>) target(%dma_start3A_255 : memref<16x100xi32, #tpu.memory_space<vmem>>) target_semaphore(%arg11 : memref<!tpu.dma_semaphore, #tpu.memory_space<semaphore_mem>>)
    %scan3A = arith.constant 0 : i32
    %scan3A_258 = arith.constant 32 : i32
    %scan3A_259 = arith.addi %scan3A, %scan3A_258 : i32
    %scan3A_260 = arith.constant 1 : i32
    scf.for %scan3A_292 = %scan3A to %scan3A_259 step %scan3A_260  : i32 {
      %mul3A_293 = arith.constant 2 : i32
      %mul3A_294 = arith.muli %scan3A_292, %mul3A_293 : i32
      %add3A_295 = arith.constant 0 : i32
      %add3A_296 = arith.addi %add3A_295, %mul3A_294 : i32
      %add3A_297 = arith.constant 0 : i32
      %add3A_298 = arith.addi %add3A_296, %add3A_297 : i32
      %add3A_299 = arith.constant 1 : i32
      %add3A_300 = arith.addi %add3A_298, %add3A_299 : i32
      %lt3A = arith.constant 64 : i32
      %lt3A_301 = arith.cmpi slt, %add3A_300, %lt3A : i32
      %convert_element_type3A = arith.extui %lt3A_301 : i1 to i32
      %cond3A = arith.constant 0 : i32
      %cond3A_302 = arith.cmpi ne, %convert_element_type3A, %cond3A : i32
      scf.if %cond3A_302 {
        %dma_wait3A_1113 = arith.constant 1 : i32
        %dma_wait3A_1114 = arith.constant 0 : i32
        %dma_wait3A_1115 = arith.constant 0 : i32
        %dma_wait3A_1116 = tpu.memref_slice %arg5[%dma_wait3A_1113, %dma_wait3A_1114, %dma_wait3A_1115] : memref<2x16x100xi32, #tpu.memory_space<vmem>> -> memref<1x16x100xi32, #tpu.memory_space<vmem>>
        %dma_wait3A_1117 = tpu.memref_squeeze %dma_wait3A_1116 : memref<1x16x100xi32, #tpu.memory_space<vmem>> -> memref<16x100xi32, #tpu.memory_space<vmem>>
        %dma_wait3A_1118 = arith.constant 0 : i32
        %dma_wait3A_1119 = arith.constant 0 : i32
        %dma_wait3A_1120 = tpu.memref_slice %arg2[%dma_wait3A_1118, %dma_wait3A_1119] : memref<32768x100xi32, #tpu.memory_space<hbm>> -> memref<16x100xi32, #tpu.memory_space<hbm>>
        %dma_wait3A_1121 = arith.constant 0 : i32
        %dma_wait3A_1122 = arith.constant 0 : i32
        %dma_wait3A_1123 = tpu.memref_slice %arg5[%dma_wait3A_1113, %dma_wait3A_1121, %dma_wait3A_1122] : memref<2x16x100xi32, #tpu.memory_space<vmem>> -> memref<1x16x100xi32, #tpu.memory_space<vmem>>
        %dma_wait3A_1124 = tpu.memref_squeeze %dma_wait3A_1123 : memref<1x16x100xi32, #tpu.memory_space<vmem>> -> memref<16x100xi32, #tpu.memory_space<vmem>>
        %dma_wait3A_1125 = arith.constant 0 : i32
        %dma_wait3A_1126 = arith.constant 0 : i32
        %dma_wait3A_1127 = tpu.memref_slice %arg2[%dma_wait3A_1125, %dma_wait3A_1126] : memref<32768x100xi32, #tpu.memory_space<hbm>> -> memref<16x100xi32, #tpu.memory_space<hbm>>
        tpu.wait_dma2 semaphore(%arg11 : memref<!tpu.dma_semaphore, #tpu.memory_space<semaphore_mem>>) src(%dma_wait3A_1127 : memref<16x100xi32, #tpu.memory_space<hbm>>) dst(%dma_wait3A_1124 : memref<16x100xi32, #tpu.memory_space<vmem>>)
      } else {
      }
      %dma_wait3A_303 = arith.constant 0 : i32
      %dma_wait3A_304 = arith.constant 0 : i32
      %dma_wait3A_305 = arith.constant 0 : i32
      %dma_wait3A_306 = tpu.memref_slice %arg6[%dma_wait3A_303, %dma_wait3A_304, %dma_wait3A_305] : memref<2x1600x32xf32, #tpu.memory_space<vmem>> -> memref<1x1600x32xf32, #tpu.memory_space<vmem>>
      %dma_wait3A_307 = tpu.memref_squeeze %dma_wait3A_306 : memref<1x1600x32xf32, #tpu.memory_space<vmem>> -> memref<1600x32xf32, #tpu.memory_space<vmem>>
      %dma_wait3A_308 = arith.constant 0 : i32
      %dma_wait3A_309 = arith.constant 0 : i32
      %dma_wait3A_310 = tpu.memref_slice %arg3[%dma_wait3A_308, %dma_wait3A_309] : memref<1000000x32xf32, #tpu.memory_space<hbm>> -> memref<1600x32xf32, #tpu.memory_space<hbm>>
      %dma_wait3A_311 = arith.constant 0 : i32
      %dma_wait3A_312 = arith.constant 0 : i32
      %dma_wait3A_313 = tpu.memref_slice %arg6[%dma_wait3A_303, %dma_wait3A_311, %dma_wait3A_312] : memref<2x1600x32xf32, #tpu.memory_space<vmem>> -> memref<1x1600x32xf32, #tpu.memory_space<vmem>>
      %dma_wait3A_314 = tpu.memref_squeeze %dma_wait3A_313 : memref<1x1600x32xf32, #tpu.memory_space<vmem>> -> memref<1600x32xf32, #tpu.memory_space<vmem>>
      %dma_wait3A_315 = arith.constant 0 : i32
      %dma_wait3A_316 = arith.constant 0 : i32
      %dma_wait3A_317 = tpu.memref_slice %arg3[%dma_wait3A_315, %dma_wait3A_316] : memref<1000000x32xf32, #tpu.memory_space<hbm>> -> memref<1600x32xf32, #tpu.memory_space<hbm>>
      tpu.wait_dma2 semaphore(%arg8 : memref<!tpu.dma_semaphore, #tpu.memory_space<semaphore_mem>>) src(%dma_wait3A_317 : memref<1600x32xf32, #tpu.memory_space<hbm>>) dst(%dma_wait3A_314 : memref<1600x32xf32, #tpu.memory_space<vmem>>)
      %add3A_318 = arith.constant 1 : i32
      %add3A_319 = arith.addi %add3A_298, %add3A_318 : i32
      %lt3A_320 = arith.constant 64 : i32
      %lt3A_321 = arith.cmpi slt, %add3A_319, %lt3A_320 : i32
      %convert_element_type3A_322 = arith.extui %lt3A_321 : i1 to i32
      %cond3A_323 = arith.constant 0 : i32
      %cond3A_324 = arith.cmpi ne, %convert_element_type3A_322, %cond3A_323 : i32
      scf.if %cond3A_324 {
        %dma_start3A_1113 = arith.constant 1 : i32
        %dma_start3A_1114 = arith.constant 0 : i32
        %dma_start3A_1115 = arith.constant 1 : i32
        %dma_start3A_1116 = arith.constant 0 : i32
        %dma_start3A_1117 = arith.constant 0 : i32
        %dma_start3A_1118 = tpu.memref_slice %arg6[%dma_start3A_1115, %dma_start3A_1116, %dma_start3A_1117] : memref<2x1600x32xf32, #tpu.memory_space<vmem>> -> memref<1x100x32xf32, #tpu.memory_space<vmem>>
        %dma_start3A_1119 = tpu.memref_squeeze %dma_start3A_1118 : memref<1x100x32xf32, #tpu.memory_space<vmem>> -> memref<100x32xf32, #tpu.memory_space<vmem>>
        %dma_start3A_1120 = arith.constant 0 : i32
        %dma_start3A_1121 = tpu.memref_slice %arg5[%dma_start3A_1113, %dma_start3A_1114, %dma_start3A_1120] : memref<2x16x100xi32, #tpu.memory_space<vmem>> -> memref<1x1x100xi32, #tpu.memory_space<vmem>>
        %dma_start3A_1122 = tpu.memref_squeeze %dma_start3A_1121 : memref<1x1x100xi32, #tpu.memory_space<vmem>> -> memref<100xi32, #tpu.memory_space<vmem>>
        %dma_start3A_1123 = arith.constant 0 : i32
        %dma_start3A_1124 = arith.constant 0 : i32
        %dma_start3A_1125 = tpu.memref_slice %arg3[%dma_start3A_1123, %dma_start3A_1124] : memref<1000000x32xf32, #tpu.memory_space<hbm>> -> memref<1000000x32xf32, #tpu.memory_space<hbm>>
        tpu.enqueue_indirect_dma source(%dma_start3A_1125 : memref<1000000x32xf32, #tpu.memory_space<hbm>>) target(%dma_start3A_1119 : memref<100x32xf32, #tpu.memory_space<vmem>>) offsets(%dma_start3A_1122 : memref<100xi32, #tpu.memory_space<vmem>>) semaphore(%arg9 : memref<!tpu.dma_semaphore, #tpu.memory_space<semaphore_mem>>)
        %dma_start3A_1126 = arith.constant 1 : i32
        %dma_start3A_1127 = arith.constant 1 : i32
        %dma_start3A_1128 = arith.constant 1 : i32
        %dma_start3A_1129 = arith.constant 100 : i32
        %dma_start3A_1130 = arith.constant 0 : i32
        %dma_start3A_1131 = tpu.memref_slice %arg6[%dma_start3A_1128, %dma_start3A_1129, %dma_start3A_1130] : memref<2x1600x32xf32, #tpu.memory_space<vmem>> -> memref<1x100x32xf32, #tpu.memory_space<vmem>>
        %dma_start3A_1132 = tpu.memref_squeeze %dma_start3A_1131 : memref<1x100x32xf32, #tpu.memory_space<vmem>> -> memref<100x32xf32, #tpu.memory_space<vmem>>
        %dma_start3A_1133 = arith.constant 0 : i32
        %dma_start3A_1134 = tpu.memref_slice %arg5[%dma_start3A_1126, %dma_start3A_1127, %dma_start3A_1133] : memref<2x16x100xi32, #tpu.memory_space<vmem>> -> memref<1x1x100xi32, #tpu.memory_space<vmem>>
        %dma_start3A_1135 = tpu.memref_squeeze %dma_start3A_1134 : memref<1x1x100xi32, #tpu.memory_space<vmem>> -> memref<100xi32, #tpu.memory_space<vmem>>
        %dma_start3A_1136 = arith.constant 0 : i32
        %dma_start3A_1137 = arith.constant 0 : i32
        %dma_start3A_1138 = tpu.memref_slice %arg3[%dma_start3A_1136, %dma_start3A_1137] : memref<1000000x32xf32, #tpu.memory_space<hbm>> -> memref<1000000x32xf32, #tpu.memory_space<hbm>>
        tpu.enqueue_indirect_dma source(%dma_start3A_1138 : memref<1000000x32xf32, #tpu.memory_space<hbm>>) target(%dma_start3A_1132 : memref<100x32xf32, #tpu.memory_space<vmem>>) offsets(%dma_start3A_1135 : memref<100xi32, #tpu.memory_space<vmem>>) semaphore(%arg9 : memref<!tpu.dma_semaphore, #tpu.memory_space<semaphore_mem>>)
        %dma_start3A_1139 = arith.constant 1 : i32
        %dma_start3A_1140 = arith.constant 2 : i32
        %dma_start3A_1141 = arith.constant 1 : i32
        %dma_start3A_1142 = arith.constant 200 : i32
        %dma_start3A_1143 = arith.constant 0 : i32
        %dma_start3A_1144 = tpu.memref_slice %arg6[%dma_start3A_1141, %dma_start3A_1142, %dma_start3A_1143] : memref<2x1600x32xf32, #tpu.memory_space<vmem>> -> memref<1x100x32xf32, #tpu.memory_space<vmem>>
        %dma_start3A_1145 = tpu.memref_squeeze %dma_start3A_1144 : memref<1x100x32xf32, #tpu.memory_space<vmem>> -> memref<100x32xf32, #tpu.memory_space<vmem>>
        %dma_start3A_1146 = arith.constant 0 : i32
        %dma_start3A_1147 = tpu.memref_slice %arg5[%dma_start3A_1139, %dma_start3A_1140, %dma_start3A_1146] : memref<2x16x100xi32, #tpu.memory_space<vmem>> -> memref<1x1x100xi32, #tpu.memory_space<vmem>>
        %dma_start3A_1148 = tpu.memref_squeeze %dma_start3A_1147 : memref<1x1x100xi32, #tpu.memory_space<vmem>> -> memref<100xi32, #tpu.memory_space<vmem>>
        %dma_start3A_1149 = arith.constant 0 : i32
        %dma_start3A_1150 = arith.constant 0 : i32
        %dma_start3A_1151 = tpu.memref_slice %arg3[%dma_start3A_1149, %dma_start3A_1150] : memref<1000000x32xf32, #tpu.memory_space<hbm>> -> memref<1000000x32xf32, #tpu.memory_space<hbm>>
        tpu.enqueue_indirect_dma source(%dma_start3A_1151 : memref<1000000x32xf32, #tpu.memory_space<hbm>>) target(%dma_start3A_1145 : memref<100x32xf32, #tpu.memory_space<vmem>>) offsets(%dma_start3A_1148 : memref<100xi32, #tpu.memory_space<vmem>>) semaphore(%arg9 : memref<!tpu.dma_semaphore, #tpu.memory_space<semaphore_mem>>)
        %dma_start3A_1152 = arith.constant 1 : i32
        %dma_start3A_1153 = arith.constant 3 : i32
        %dma_start3A_1154 = arith.constant 1 : i32
        %dma_start3A_1155 = arith.constant 300 : i32
        %dma_start3A_1156 = arith.constant 0 : i32
        %dma_start3A_1157 = tpu.memref_slice %arg6[%dma_start3A_1154, %dma_start3A_1155, %dma_start3A_1156] : memref<2x1600x32xf32, #tpu.memory_space<vmem>> -> memref<1x100x32xf32, #tpu.memory_space<vmem>>
        %dma_start3A_1158 = tpu.memref_squeeze %dma_start3A_1157 : memref<1x100x32xf32, #tpu.memory_space<vmem>> -> memref<100x32xf32, #tpu.memory_space<vmem>>
        %dma_start3A_1159 = arith.constant 0 : i32
        %dma_start3A_1160 = tpu.memref_slice %arg5[%dma_start3A_1152, %dma_start3A_1153, %dma_start3A_1159] : memref<2x16x100xi32, #tpu.memory_space<vmem>> -> memref<1x1x100xi32, #tpu.memory_space<vmem>>
        %dma_start3A_1161 = tpu.memref_squeeze %dma_start3A_1160 : memref<1x1x100xi32, #tpu.memory_space<vmem>> -> memref<100xi32, #tpu.memory_space<vmem>>
        %dma_start3A_1162 = arith.constant 0 : i32
        %dma_start3A_1163 = arith.constant 0 : i32
        %dma_start3A_1164 = tpu.memref_slice %arg3[%dma_start3A_1162, %dma_start3A_1163] : memref<1000000x32xf32, #tpu.memory_space<hbm>> -> memref<1000000x32xf32, #tpu.memory_space<hbm>>
        tpu.enqueue_indirect_dma source(%dma_start3A_1164 : memref<1000000x32xf32, #tpu.memory_space<hbm>>) target(%dma_start3A_1158 : memref<100x32xf32, #tpu.memory_space<vmem>>) offsets(%dma_start3A_1161 : memref<100xi32, #tpu.memory_space<vmem>>) semaphore(%arg9 : memref<!tpu.dma_semaphore, #tpu.memory_space<semaphore_mem>>)
        %dma_start3A_1165 = arith.constant 1 : i32
        %dma_start3A_1166 = arith.constant 4 : i32
        %dma_start3A_1167 = arith.constant 1 : i32
        %dma_start3A_1168 = arith.constant 400 : i32
        %dma_start3A_1169 = arith.constant 0 : i32
        %dma_start3A_1170 = tpu.memref_slice %arg6[%dma_start3A_1167, %dma_start3A_1168, %dma_start3A_1169] : memref<2x1600x32xf32, #tpu.memory_space<vmem>> -> memref<1x100x32xf32, #tpu.memory_space<vmem>>
        %dma_start3A_1171 = tpu.memref_squeeze %dma_start3A_1170 : memref<1x100x32xf32, #tpu.memory_space<vmem>> -> memref<100x32xf32, #tpu.memory_space<vmem>>
        %dma_start3A_1172 = arith.constant 0 : i32
        %dma_start3A_1173 = tpu.memref_slice %arg5[%dma_start3A_1165, %dma_start3A_1166, %dma_start3A_1172] : memref<2x16x100xi32, #tpu.memory_space<vmem>> -> memref<1x1x100xi32, #tpu.memory_space<vmem>>
        %dma_start3A_1174 = tpu.memref_squeeze %dma_start3A_1173 : memref<1x1x100xi32, #tpu.memory_space<vmem>> -> memref<100xi32, #tpu.memory_space<vmem>>
        %dma_start3A_1175 = arith.constant 0 : i32
        %dma_start3A_1176 = arith.constant 0 : i32
        %dma_start3A_1177 = tpu.memref_slice %arg3[%dma_start3A_1175, %dma_start3A_1176] : memref<1000000x32xf32, #tpu.memory_space<hbm>> -> memref<1000000x32xf32, #tpu.memory_space<hbm>>
        tpu.enqueue_indirect_dma source(%dma_start3A_1177 : memref<1000000x32xf32, #tpu.memory_space<hbm>>) target(%dma_start3A_1171 : memref<100x32xf32, #tpu.memory_space<vmem>>) offsets(%dma_start3A_1174 : memref<100xi32, #tpu.memory_space<vmem>>) semaphore(%arg9 : memref<!tpu.dma_semaphore, #tpu.memory_space<semaphore_mem>>)
        %dma_start3A_1178 = arith.constant 1 : i32
        %dma_start3A_1179 = arith.constant 5 : i32
        %dma_start3A_1180 = arith.constant 1 : i32
        %dma_start3A_1181 = arith.constant 500 : i32
        %dma_start3A_1182 = arith.constant 0 : i32
        %dma_start3A_1183 = tpu.memref_slice %arg6[%dma_start3A_1180, %dma_start3A_1181, %dma_start3A_1182] : memref<2x1600x32xf32, #tpu.memory_space<vmem>> -> memref<1x100x32xf32, #tpu.memory_space<vmem>>
        %dma_start3A_1184 = tpu.memref_squeeze %dma_start3A_1183 : memref<1x100x32xf32, #tpu.memory_space<vmem>> -> memref<100x32xf32, #tpu.memory_space<vmem>>
        %dma_start3A_1185 = arith.constant 0 : i32
        %dma_start3A_1186 = tpu.memref_slice %arg5[%dma_start3A_1178, %dma_start3A_1179, %dma_start3A_1185] : memref<2x16x100xi32, #tpu.memory_space<vmem>> -> memref<1x1x100xi32, #tpu.memory_space<vmem>>
        %dma_start3A_1187 = tpu.memref_squeeze %dma_start3A_1186 : memref<1x1x100xi32, #tpu.memory_space<vmem>> -> memref<100xi32, #tpu.memory_space<vmem>>
        %dma_start3A_1188 = arith.constant 0 : i32
        %dma_start3A_1189 = arith.constant 0 : i32
        %dma_start3A_1190 = tpu.memref_slice %arg3[%dma_start3A_1188, %dma_start3A_1189] : memref<1000000x32xf32, #tpu.memory_space<hbm>> -> memref<1000000x32xf32, #tpu.memory_space<hbm>>
        tpu.enqueue_indirect_dma source(%dma_start3A_1190 : memref<1000000x32xf32, #tpu.memory_space<hbm>>) target(%dma_start3A_1184 : memref<100x32xf32, #tpu.memory_space<vmem>>) offsets(%dma_start3A_1187 : memref<100xi32, #tpu.memory_space<vmem>>) semaphore(%arg9 : memref<!tpu.dma_semaphore, #tpu.memory_space<semaphore_mem>>)
        %dma_start3A_1191 = arith.constant 1 : i32
        %dma_start3A_1192 = arith.constant 6 : i32
        %dma_start3A_1193 = arith.constant 1 : i32
        %dma_start3A_1194 = arith.constant 600 : i32
        %dma_start3A_1195 = arith.constant 0 : i32
        %dma_start3A_1196 = tpu.memref_slice %arg6[%dma_start3A_1193, %dma_start3A_1194, %dma_start3A_1195] : memref<2x1600x32xf32, #tpu.memory_space<vmem>> -> memref<1x100x32xf32, #tpu.memory_space<vmem>>
        %dma_start3A_1197 = tpu.memref_squeeze %dma_start3A_1196 : memref<1x100x32xf32, #tpu.memory_space<vmem>> -> memref<100x32xf32, #tpu.memory_space<vmem>>
        %dma_start3A_1198 = arith.constant 0 : i32
        %dma_start3A_1199 = tpu.memref_slice %arg5[%dma_start3A_1191, %dma_start3A_1192, %dma_start3A_1198] : memref<2x16x100xi32, #tpu.memory_space<vmem>> -> memref<1x1x100xi32, #tpu.memory_space<vmem>>
        %dma_start3A_1200 = tpu.memref_squeeze %dma_start3A_1199 : memref<1x1x100xi32, #tpu.memory_space<vmem>> -> memref<100xi32, #tpu.memory_space<vmem>>
        %dma_start3A_1201 = arith.constant 0 : i32
        %dma_start3A_1202 = arith.constant 0 : i32
        %dma_start3A_1203 = tpu.memref_slice %arg3[%dma_start3A_1201, %dma_start3A_1202] : memref<1000000x32xf32, #tpu.memory_space<hbm>> -> memref<1000000x32xf32, #tpu.memory_space<hbm>>
        tpu.enqueue_indirect_dma source(%dma_start3A_1203 : memref<1000000x32xf32, #tpu.memory_space<hbm>>) target(%dma_start3A_1197 : memref<100x32xf32, #tpu.memory_space<vmem>>) offsets(%dma_start3A_1200 : memref<100xi32, #tpu.memory_space<vmem>>) semaphore(%arg9 : memref<!tpu.dma_semaphore, #tpu.memory_space<semaphore_mem>>)
        %dma_start3A_1204 = arith.constant 1 : i32
        %dma_start3A_1205 = arith.constant 7 : i32
        %dma_start3A_1206 = arith.constant 1 : i32
        %dma_start3A_1207 = arith.constant 700 : i32
        %dma_start3A_1208 = arith.constant 0 : i32
        %dma_start3A_1209 = tpu.memref_slice %arg6[%dma_start3A_1206, %dma_start3A_1207, %dma_start3A_1208] : memref<2x1600x32xf32, #tpu.memory_space<vmem>> -> memref<1x100x32xf32, #tpu.memory_space<vmem>>
        %dma_start3A_1210 = tpu.memref_squeeze %dma_start3A_1209 : memref<1x100x32xf32, #tpu.memory_space<vmem>> -> memref<100x32xf32, #tpu.memory_space<vmem>>
        %dma_start3A_1211 = arith.constant 0 : i32
        %dma_start3A_1212 = tpu.memref_slice %arg5[%dma_start3A_1204, %dma_start3A_1205, %dma_start3A_1211] : memref<2x16x100xi32, #tpu.memory_space<vmem>> -> memref<1x1x100xi32, #tpu.memory_space<vmem>>
        %dma_start3A_1213 = tpu.memref_squeeze %dma_start3A_1212 : memref<1x1x100xi32, #tpu.memory_space<vmem>> -> memref<100xi32, #tpu.memory_space<vmem>>
        %dma_start3A_1214 = arith.constant 0 : i32
        %dma_start3A_1215 = arith.constant 0 : i32
        %dma_start3A_1216 = tpu.memref_slice %arg3[%dma_start3A_1214, %dma_start3A_1215] : memref<1000000x32xf32, #tpu.memory_space<hbm>> -> memref<1000000x32xf32, #tpu.memory_space<hbm>>
        tpu.enqueue_indirect_dma source(%dma_start3A_1216 : memref<1000000x32xf32, #tpu.memory_space<hbm>>) target(%dma_start3A_1210 : memref<100x32xf32, #tpu.memory_space<vmem>>) offsets(%dma_start3A_1213 : memref<100xi32, #tpu.memory_space<vmem>>) semaphore(%arg9 : memref<!tpu.dma_semaphore, #tpu.memory_space<semaphore_mem>>)
        %dma_start3A_1217 = arith.constant 1 : i32
        %dma_start3A_1218 = arith.constant 8 : i32
        %dma_start3A_1219 = arith.constant 1 : i32
        %dma_start3A_1220 = arith.constant 800 : i32
        %dma_start3A_1221 = arith.constant 0 : i32
        %dma_start3A_1222 = tpu.memref_slice %arg6[%dma_start3A_1219, %dma_start3A_1220, %dma_start3A_1221] : memref<2x1600x32xf32, #tpu.memory_space<vmem>> -> memref<1x100x32xf32, #tpu.memory_space<vmem>>
        %dma_start3A_1223 = tpu.memref_squeeze %dma_start3A_1222 : memref<1x100x32xf32, #tpu.memory_space<vmem>> -> memref<100x32xf32, #tpu.memory_space<vmem>>
        %dma_start3A_1224 = arith.constant 0 : i32
        %dma_start3A_1225 = tpu.memref_slice %arg5[%dma_start3A_1217, %dma_start3A_1218, %dma_start3A_1224] : memref<2x16x100xi32, #tpu.memory_space<vmem>> -> memref<1x1x100xi32, #tpu.memory_space<vmem>>
        %dma_start3A_1226 = tpu.memref_squeeze %dma_start3A_1225 : memref<1x1x100xi32, #tpu.memory_space<vmem>> -> memref<100xi32, #tpu.memory_space<vmem>>
        %dma_start3A_1227 = arith.constant 0 : i32
        %dma_start3A_1228 = arith.constant 0 : i32
        %dma_start3A_1229 = tpu.memref_slice %arg3[%dma_start3A_1227, %dma_start3A_1228] : memref<1000000x32xf32, #tpu.memory_space<hbm>> -> memref<1000000x32xf32, #tpu.memory_space<hbm>>
        tpu.enqueue_indirect_dma source(%dma_start3A_1229 : memref<1000000x32xf32, #tpu.memory_space<hbm>>) target(%dma_start3A_1223 : memref<100x32xf32, #tpu.memory_space<vmem>>) offsets(%dma_start3A_1226 : memref<100xi32, #tpu.memory_space<vmem>>) semaphore(%arg9 : memref<!tpu.dma_semaphore, #tpu.memory_space<semaphore_mem>>)
        %dma_start3A_1230 = arith.constant 1 : i32
        %dma_start3A_1231 = arith.constant 9 : i32
        %dma_start3A_1232 = arith.constant 1 : i32
        %dma_start3A_1233 = arith.constant 900 : i32
        %dma_start3A_1234 = arith.constant 0 : i32
        %dma_start3A_1235 = tpu.memref_slice %arg6[%dma_start3A_1232, %dma_start3A_1233, %dma_start3A_1234] : memref<2x1600x32xf32, #tpu.memory_space<vmem>> -> memref<1x100x32xf32, #tpu.memory_space<vmem>>
        %dma_start3A_1236 = tpu.memref_squeeze %dma_start3A_1235 : memref<1x100x32xf32, #tpu.memory_space<vmem>> -> memref<100x32xf32, #tpu.memory_space<vmem>>
        %dma_start3A_1237 = arith.constant 0 : i32
        %dma_start3A_1238 = tpu.memref_slice %arg5[%dma_start3A_1230, %dma_start3A_1231, %dma_start3A_1237] : memref<2x16x100xi32, #tpu.memory_space<vmem>> -> memref<1x1x100xi32, #tpu.memory_space<vmem>>
        %dma_start3A_1239 = tpu.memref_squeeze %dma_start3A_1238 : memref<1x1x100xi32, #tpu.memory_space<vmem>> -> memref<100xi32, #tpu.memory_space<vmem>>
        %dma_start3A_1240 = arith.constant 0 : i32
        %dma_start3A_1241 = arith.constant 0 : i32
        %dma_start3A_1242 = tpu.memref_slice %arg3[%dma_start3A_1240, %dma_start3A_1241] : memref<1000000x32xf32, #tpu.memory_space<hbm>> -> memref<1000000x32xf32, #tpu.memory_space<hbm>>
        tpu.enqueue_indirect_dma source(%dma_start3A_1242 : memref<1000000x32xf32, #tpu.memory_space<hbm>>) target(%dma_start3A_1236 : memref<100x32xf32, #tpu.memory_space<vmem>>) offsets(%dma_start3A_1239 : memref<100xi32, #tpu.memory_space<vmem>>) semaphore(%arg9 : memref<!tpu.dma_semaphore, #tpu.memory_space<semaphore_mem>>)
        %dma_start3A_1243 = arith.constant 1 : i32
        %dma_start3A_1244 = arith.constant 10 : i32
        %dma_start3A_1245 = arith.constant 1 : i32
        %dma_start3A_1246 = arith.constant 1000 : i32
        %dma_start3A_1247 = arith.constant 0 : i32
        %dma_start3A_1248 = tpu.memref_slice %arg6[%dma_start3A_1245, %dma_start3A_1246, %dma_start3A_1247] : memref<2x1600x32xf32, #tpu.memory_space<vmem>> -> memref<1x100x32xf32, #tpu.memory_space<vmem>>
        %dma_start3A_1249 = tpu.memref_squeeze %dma_start3A_1248 : memref<1x100x32xf32, #tpu.memory_space<vmem>> -> memref<100x32xf32, #tpu.memory_space<vmem>>
        %dma_start3A_1250 = arith.constant 0 : i32
        %dma_start3A_1251 = tpu.memref_slice %arg5[%dma_start3A_1243, %dma_start3A_1244, %dma_start3A_1250] : memref<2x16x100xi32, #tpu.memory_space<vmem>> -> memref<1x1x100xi32, #tpu.memory_space<vmem>>
        %dma_start3A_1252 = tpu.memref_squeeze %dma_start3A_1251 : memref<1x1x100xi32, #tpu.memory_space<vmem>> -> memref<100xi32, #tpu.memory_space<vmem>>
        %dma_start3A_1253 = arith.constant 0 : i32
        %dma_start3A_1254 = arith.constant 0 : i32
        %dma_start3A_1255 = tpu.memref_slice %arg3[%dma_start3A_1253, %dma_start3A_1254] : memref<1000000x32xf32, #tpu.memory_space<hbm>> -> memref<1000000x32xf32, #tpu.memory_space<hbm>>
        tpu.enqueue_indirect_dma source(%dma_start3A_1255 : memref<1000000x32xf32, #tpu.memory_space<hbm>>) target(%dma_start3A_1249 : memref<100x32xf32, #tpu.memory_space<vmem>>) offsets(%dma_start3A_1252 : memref<100xi32, #tpu.memory_space<vmem>>) semaphore(%arg9 : memref<!tpu.dma_semaphore, #tpu.memory_space<semaphore_mem>>)
        %dma_start3A_1256 = arith.constant 1 : i32
        %dma_start3A_1257 = arith.constant 11 : i32
        %dma_start3A_1258 = arith.constant 1 : i32
        %dma_start3A_1259 = arith.constant 1100 : i32
        %dma_start3A_1260 = arith.constant 0 : i32
        %dma_start3A_1261 = tpu.memref_slice %arg6[%dma_start3A_1258, %dma_start3A_1259, %dma_start3A_1260] : memref<2x1600x32xf32, #tpu.memory_space<vmem>> -> memref<1x100x32xf32, #tpu.memory_space<vmem>>
        %dma_start3A_1262 = tpu.memref_squeeze %dma_start3A_1261 : memref<1x100x32xf32, #tpu.memory_space<vmem>> -> memref<100x32xf32, #tpu.memory_space<vmem>>
        %dma_start3A_1263 = arith.constant 0 : i32
        %dma_start3A_1264 = tpu.memref_slice %arg5[%dma_start3A_1256, %dma_start3A_1257, %dma_start3A_1263] : memref<2x16x100xi32, #tpu.memory_space<vmem>> -> memref<1x1x100xi32, #tpu.memory_space<vmem>>
        %dma_start3A_1265 = tpu.memref_squeeze %dma_start3A_1264 : memref<1x1x100xi32, #tpu.memory_space<vmem>> -> memref<100xi32, #tpu.memory_space<vmem>>
        %dma_start3A_1266 = arith.constant 0 : i32
        %dma_start3A_1267 = arith.constant 0 : i32
        %dma_start3A_1268 = tpu.memref_slice %arg3[%dma_start3A_1266, %dma_start3A_1267] : memref<1000000x32xf32, #tpu.memory_space<hbm>> -> memref<1000000x32xf32, #tpu.memory_space<hbm>>
        tpu.enqueue_indirect_dma source(%dma_start3A_1268 : memref<1000000x32xf32, #tpu.memory_space<hbm>>) target(%dma_start3A_1262 : memref<100x32xf32, #tpu.memory_space<vmem>>) offsets(%dma_start3A_1265 : memref<100xi32, #tpu.memory_space<vmem>>) semaphore(%arg9 : memref<!tpu.dma_semaphore, #tpu.memory_space<semaphore_mem>>)
        %dma_start3A_1269 = arith.constant 1 : i32
        %dma_start3A_1270 = arith.constant 12 : i32
        %dma_start3A_1271 = arith.constant 1 : i32
        %dma_start3A_1272 = arith.constant 1200 : i32
        %dma_start3A_1273 = arith.constant 0 : i32
        %dma_start3A_1274 = tpu.memref_slice %arg6[%dma_start3A_1271, %dma_start3A_1272, %dma_start3A_1273] : memref<2x1600x32xf32, #tpu.memory_space<vmem>> -> memref<1x100x32xf32, #tpu.memory_space<vmem>>
        %dma_start3A_1275 = tpu.memref_squeeze %dma_start3A_1274 : memref<1x100x32xf32, #tpu.memory_space<vmem>> -> memref<100x32xf32, #tpu.memory_space<vmem>>
        %dma_start3A_1276 = arith.constant 0 : i32
        %dma_start3A_1277 = tpu.memref_slice %arg5[%dma_start3A_1269, %dma_start3A_1270, %dma_start3A_1276] : memref<2x16x100xi32, #tpu.memory_space<vmem>> -> memref<1x1x100xi32, #tpu.memory_space<vmem>>
        %dma_start3A_1278 = tpu.memref_squeeze %dma_start3A_1277 : memref<1x1x100xi32, #tpu.memory_space<vmem>> -> memref<100xi32, #tpu.memory_space<vmem>>
        %dma_start3A_1279 = arith.constant 0 : i32
        %dma_start3A_1280 = arith.constant 0 : i32
        %dma_start3A_1281 = tpu.memref_slice %arg3[%dma_start3A_1279, %dma_start3A_1280] : memref<1000000x32xf32, #tpu.memory_space<hbm>> -> memref<1000000x32xf32, #tpu.memory_space<hbm>>
        tpu.enqueue_indirect_dma source(%dma_start3A_1281 : memref<1000000x32xf32, #tpu.memory_space<hbm>>) target(%dma_start3A_1275 : memref<100x32xf32, #tpu.memory_space<vmem>>) offsets(%dma_start3A_1278 : memref<100xi32, #tpu.memory_space<vmem>>) semaphore(%arg9 : memref<!tpu.dma_semaphore, #tpu.memory_space<semaphore_mem>>)
        %dma_start3A_1282 = arith.constant 1 : i32
        %dma_start3A_1283 = arith.constant 13 : i32
        %dma_start3A_1284 = arith.constant 1 : i32
        %dma_start3A_1285 = arith.constant 1300 : i32
        %dma_start3A_1286 = arith.constant 0 : i32
        %dma_start3A_1287 = tpu.memref_slice %arg6[%dma_start3A_1284, %dma_start3A_1285, %dma_start3A_1286] : memref<2x1600x32xf32, #tpu.memory_space<vmem>> -> memref<1x100x32xf32, #tpu.memory_space<vmem>>
        %dma_start3A_1288 = tpu.memref_squeeze %dma_start3A_1287 : memref<1x100x32xf32, #tpu.memory_space<vmem>> -> memref<100x32xf32, #tpu.memory_space<vmem>>
        %dma_start3A_1289 = arith.constant 0 : i32
        %dma_start3A_1290 = tpu.memref_slice %arg5[%dma_start3A_1282, %dma_start3A_1283, %dma_start3A_1289] : memref<2x16x100xi32, #tpu.memory_space<vmem>> -> memref<1x1x100xi32, #tpu.memory_space<vmem>>
        %dma_start3A_1291 = tpu.memref_squeeze %dma_start3A_1290 : memref<1x1x100xi32, #tpu.memory_space<vmem>> -> memref<100xi32, #tpu.memory_space<vmem>>
        %dma_start3A_1292 = arith.constant 0 : i32
        %dma_start3A_1293 = arith.constant 0 : i32
        %dma_start3A_1294 = tpu.memref_slice %arg3[%dma_start3A_1292, %dma_start3A_1293] : memref<1000000x32xf32, #tpu.memory_space<hbm>> -> memref<1000000x32xf32, #tpu.memory_space<hbm>>
        tpu.enqueue_indirect_dma source(%dma_start3A_1294 : memref<1000000x32xf32, #tpu.memory_space<hbm>>) target(%dma_start3A_1288 : memref<100x32xf32, #tpu.memory_space<vmem>>) offsets(%dma_start3A_1291 : memref<100xi32, #tpu.memory_space<vmem>>) semaphore(%arg9 : memref<!tpu.dma_semaphore, #tpu.memory_space<semaphore_mem>>)
        %dma_start3A_1295 = arith.constant 1 : i32
        %dma_start3A_1296 = arith.constant 14 : i32
        %dma_start3A_1297 = arith.constant 1 : i32
        %dma_start3A_1298 = arith.constant 1400 : i32
        %dma_start3A_1299 = arith.constant 0 : i32
        %dma_start3A_1300 = tpu.memref_slice %arg6[%dma_start3A_1297, %dma_start3A_1298, %dma_start3A_1299] : memref<2x1600x32xf32, #tpu.memory_space<vmem>> -> memref<1x100x32xf32, #tpu.memory_space<vmem>>
        %dma_start3A_1301 = tpu.memref_squeeze %dma_start3A_1300 : memref<1x100x32xf32, #tpu.memory_space<vmem>> -> memref<100x32xf32, #tpu.memory_space<vmem>>
        %dma_start3A_1302 = arith.constant 0 : i32
        %dma_start3A_1303 = tpu.memref_slice %arg5[%dma_start3A_1295, %dma_start3A_1296, %dma_start3A_1302] : memref<2x16x100xi32, #tpu.memory_space<vmem>> -> memref<1x1x100xi32, #tpu.memory_space<vmem>>
        %dma_start3A_1304 = tpu.memref_squeeze %dma_start3A_1303 : memref<1x1x100xi32, #tpu.memory_space<vmem>> -> memref<100xi32, #tpu.memory_space<vmem>>
        %dma_start3A_1305 = arith.constant 0 : i32
        %dma_start3A_1306 = arith.constant 0 : i32
        %dma_start3A_1307 = tpu.memref_slice %arg3[%dma_start3A_1305, %dma_start3A_1306] : memref<1000000x32xf32, #tpu.memory_space<hbm>> -> memref<1000000x32xf32, #tpu.memory_space<hbm>>
        tpu.enqueue_indirect_dma source(%dma_start3A_1307 : memref<1000000x32xf32, #tpu.memory_space<hbm>>) target(%dma_start3A_1301 : memref<100x32xf32, #tpu.memory_space<vmem>>) offsets(%dma_start3A_1304 : memref<100xi32, #tpu.memory_space<vmem>>) semaphore(%arg9 : memref<!tpu.dma_semaphore, #tpu.memory_space<semaphore_mem>>)
        %dma_start3A_1308 = arith.constant 1 : i32
        %dma_start3A_1309 = arith.constant 15 : i32
        %dma_start3A_1310 = arith.constant 1 : i32
        %dma_start3A_1311 = arith.constant 1500 : i32
        %dma_start3A_1312 = arith.constant 0 : i32
        %dma_start3A_1313 = tpu.memref_slice %arg6[%dma_start3A_1310, %dma_start3A_1311, %dma_start3A_1312] : memref<2x1600x32xf32, #tpu.memory_space<vmem>> -> memref<1x100x32xf32, #tpu.memory_space<vmem>>
        %dma_start3A_1314 = tpu.memref_squeeze %dma_start3A_1313 : memref<1x100x32xf32, #tpu.memory_space<vmem>> -> memref<100x32xf32, #tpu.memory_space<vmem>>
        %dma_start3A_1315 = arith.constant 0 : i32
        %dma_start3A_1316 = tpu.memref_slice %arg5[%dma_start3A_1308, %dma_start3A_1309, %dma_start3A_1315] : memref<2x16x100xi32, #tpu.memory_space<vmem>> -> memref<1x1x100xi32, #tpu.memory_space<vmem>>
        %dma_start3A_1317 = tpu.memref_squeeze %dma_start3A_1316 : memref<1x1x100xi32, #tpu.memory_space<vmem>> -> memref<100xi32, #tpu.memory_space<vmem>>
        %dma_start3A_1318 = arith.constant 0 : i32
        %dma_start3A_1319 = arith.constant 0 : i32
        %dma_start3A_1320 = tpu.memref_slice %arg3[%dma_start3A_1318, %dma_start3A_1319] : memref<1000000x32xf32, #tpu.memory_space<hbm>> -> memref<1000000x32xf32, #tpu.memory_space<hbm>>
        tpu.enqueue_indirect_dma source(%dma_start3A_1320 : memref<1000000x32xf32, #tpu.memory_space<hbm>>) target(%dma_start3A_1314 : memref<100x32xf32, #tpu.memory_space<vmem>>) offsets(%dma_start3A_1317 : memref<100xi32, #tpu.memory_space<vmem>>) semaphore(%arg9 : memref<!tpu.dma_semaphore, #tpu.memory_space<semaphore_mem>>)
      } else {
      }
      %add3A_325 = arith.constant 2 : i32
      %add3A_326 = arith.addi %add3A_298, %add3A_325 : i32
      %lt3A_327 = arith.constant 64 : i32
      %lt3A_328 = arith.cmpi slt, %add3A_326, %lt3A_327 : i32
      %convert_element_type3A_329 = arith.extui %lt3A_328 : i1 to i32
      %cond3A_330 = arith.constant 0 : i32
      %cond3A_331 = arith.cmpi ne, %convert_element_type3A_329, %cond3A_330 : i32
      scf.if %cond3A_331 {
        %add3A_1113 = arith.constant 2 : i32
        %add3A_1114 = arith.addi %add3A_298, %add3A_1113 : i32
        %mul3A_1115 = arith.constant 8 : i32
        %mul3A_1116 = arith.muli %add3A_1114, %mul3A_1115 : i32
        %add3A_1117 = arith.addi %mul3A_2, %mul3A_1116 : i32
        %mul3A_1118 = arith.constant 2 : i32
        %mul3A_1119 = arith.muli %add3A_1117, %mul3A_1118 : i32
        %dma_start3A_1120 = arith.constant 0 : i32
        %dma_start3A_1121 = arith.constant 0 : i32
        %dma_start3A_1122 = arith.constant 0 : i32
        %dma_start3A_1123 = tpu.memref_slice %arg5[%dma_start3A_1120, %dma_start3A_1121, %dma_start3A_1122] : memref<2x16x100xi32, #tpu.memory_space<vmem>> -> memref<1x16x100xi32, #tpu.memory_space<vmem>>
        %dma_start3A_1124 = tpu.memref_squeeze %dma_start3A_1123 : memref<1x16x100xi32, #tpu.memory_space<vmem>> -> memref<16x100xi32, #tpu.memory_space<vmem>>
        %dma_start3A_1125 = arith.constant 0 : i32
        %dma_start3A_1126 = tpu.memref_slice %arg2[%mul3A_1119, %dma_start3A_1125] : memref<32768x100xi32, #tpu.memory_space<hbm>> -> memref<16x100xi32, #tpu.memory_space<hbm>>
        %dma_start3A_1127 = arith.constant 0 : i32
        %dma_start3A_1128 = arith.constant 0 : i32
        %dma_start3A_1129 = tpu.memref_slice %arg5[%dma_start3A_1120, %dma_start3A_1127, %dma_start3A_1128] : memref<2x16x100xi32, #tpu.memory_space<vmem>> -> memref<1x16x100xi32, #tpu.memory_space<vmem>>
        %dma_start3A_1130 = tpu.memref_squeeze %dma_start3A_1129 : memref<1x16x100xi32, #tpu.memory_space<vmem>> -> memref<16x100xi32, #tpu.memory_space<vmem>>
        %dma_start3A_1131 = arith.constant 0 : i32
        %dma_start3A_1132 = tpu.memref_slice %arg2[%mul3A_1119, %dma_start3A_1131] : memref<32768x100xi32, #tpu.memory_space<hbm>> -> memref<16x100xi32, #tpu.memory_space<hbm>>
        tpu.enqueue_dma source(%dma_start3A_1132 : memref<16x100xi32, #tpu.memory_space<hbm>>) target(%dma_start3A_1130 : memref<16x100xi32, #tpu.memory_space<vmem>>) target_semaphore(%arg10 : memref<!tpu.dma_semaphore, #tpu.memory_space<semaphore_mem>>)
      } else {
      }
      %ge3A = arith.constant 2 : i32
      %ge3A_332 = arith.cmpi sge, %add3A_298, %ge3A : i32
      %convert_element_type3A_333 = arith.extui %ge3A_332 : i1 to i32
      %cond3A_334 = arith.constant 0 : i32
      %cond3A_335 = arith.cmpi ne, %convert_element_type3A_333, %cond3A_334 : i32
      scf.if %cond3A_335 {
        %dma_wait3A_1113 = arith.constant 0 : i32
        %dma_wait3A_1114 = arith.constant 0 : i32
        %dma_wait3A_1115 = arith.constant 0 : i32
        %dma_wait3A_1116 = tpu.memref_slice %arg7[%dma_wait3A_1113, %dma_wait3A_1114, %dma_wait3A_1115] : memref<2x8x32xf32, #tpu.memory_space<vmem>> -> memref<1x8x32xf32, #tpu.memory_space<vmem>>
        %dma_wait3A_1117 = tpu.memref_squeeze %dma_wait3A_1116 : memref<1x8x32xf32, #tpu.memory_space<vmem>> -> memref<8x32xf32, #tpu.memory_space<vmem>>
        %dma_wait3A_1118 = arith.constant 0 : i32
        %dma_wait3A_1119 = arith.constant 0 : i32
        %dma_wait3A_1120 = tpu.memref_slice %arg4[%dma_wait3A_1118, %dma_wait3A_1119] : memref<16384x32xf32, #tpu.memory_space<hbm>> -> memref<8x32xf32, #tpu.memory_space<hbm>>
        %dma_wait3A_1121 = arith.constant 0 : i32
        %dma_wait3A_1122 = arith.constant 0 : i32
        %dma_wait3A_1123 = tpu.memref_slice %arg4[%dma_wait3A_1121, %dma_wait3A_1122] : memref<16384x32xf32, #tpu.memory_space<hbm>> -> memref<8x32xf32, #tpu.memory_space<hbm>>
        %dma_wait3A_1124 = arith.constant 0 : i32
        %dma_wait3A_1125 = arith.constant 0 : i32
        %dma_wait3A_1126 = tpu.memref_slice %arg7[%dma_wait3A_1113, %dma_wait3A_1124, %dma_wait3A_1125] : memref<2x8x32xf32, #tpu.memory_space<vmem>> -> memref<1x8x32xf32, #tpu.memory_space<vmem>>
        %dma_wait3A_1127 = tpu.memref_squeeze %dma_wait3A_1126 : memref<1x8x32xf32, #tpu.memory_space<vmem>> -> memref<8x32xf32, #tpu.memory_space<vmem>>
        tpu.wait_dma2 semaphore(%arg12 : memref<!tpu.dma_semaphore, #tpu.memory_space<semaphore_mem>>) src(%dma_wait3A_1127 : memref<8x32xf32, #tpu.memory_space<vmem>>) dst(%dma_wait3A_1123 : memref<8x32xf32, #tpu.memory_space<hbm>>)
      } else {
      }
      %mul3A_336 = arith.constant 8 : i32
      %mul3A_337 = arith.muli %add3A_298, %mul3A_336 : i32
      %add3A_338 = arith.addi %mul3A_2, %mul3A_337 : i32
      %broadcast_in_dim3A = arith.constant 0.000000e+00 : f32
      %broadcast_in_dim3A_339 = vector.broadcast %broadcast_in_dim3A : f32 to vector<16xf32>
      %scan3A_340 = arith.constant 0 : i32
      %scan3A_341 = arith.constant 25 : i32
      %scan3A_342 = arith.addi %scan3A_340, %scan3A_341 : i32
      %scan3A_343 = arith.constant 1 : i32
      %scan3A_344:16 = scf.for %scan3A_1113 = %scan3A_340 to %scan3A_342 step %scan3A_343 iter_args(%scan3A_1114 = %broadcast_in_dim3A_339, %scan3A_1115 = %broadcast_in_dim3A_339, %scan3A_1116 = %broadcast_in_dim3A_339, %scan3A_1117 = %broadcast_in_dim3A_339, %scan3A_1118 = %broadcast_in_dim3A_339, %scan3A_1119 = %broadcast_in_dim3A_339, %scan3A_1120 = %broadcast_in_dim3A_339, %scan3A_1121 = %broadcast_in_dim3A_339, %scan3A_1122 = %broadcast_in_dim3A_339, %scan3A_1123 = %broadcast_in_dim3A_339, %scan3A_1124 = %broadcast_in_dim3A_339, %scan3A_1125 = %broadcast_in_dim3A_339, %scan3A_1126 = %broadcast_in_dim3A_339, %scan3A_1127 = %broadcast_in_dim3A_339, %scan3A_1128 = %broadcast_in_dim3A_339, %scan3A_1129 = %broadcast_in_dim3A_339) -> (vector<16xf32>, vector<16xf32>, vector<16xf32>, vector<16xf32>, vector<16xf32>, vector<16xf32>, vector<16xf32>, vector<16xf32>, vector<16xf32>, vector<16xf32>, vector<16xf32>, vector<16xf32>, vector<16xf32>, vector<16xf32>, vector<16xf32>, vector<16xf32>)  : i32 {
        %mul3A_1130 = arith.constant 8 : i32
        %mul3A_1131 = arith.muli %scan3A_1113, %mul3A_1130 : i32
        %add3A_1132 = arith.constant 0 : i32
        %add3A_1133 = arith.addi %add3A_1132, %mul3A_1131 : i32
        %add3A_1134 = arith.constant 0 : i32
        %add3A_1135 = arith.addi %add3A_1133, %add3A_1134 : i32
        %get3A = arith.constant 0 : i32
        %get3A_1136 = arith.index_cast %get3A : i32 to index
        %get3A_1137 = arith.index_cast %add3A_1135 : i32 to index
        %get3A_1138 = arith.constant 0 : index
        %get3A_1139 = tpu.vector_load %arg6[%get3A_1136, %get3A_1137, %get3A_1138] {strides = array<i32>} : memref<2x1600x32xf32, #tpu.memory_space<vmem>>, vector<1x1x16xf32>,
        %get3A_1140 = vector.shape_cast %get3A_1139 : vector<1x1x16xf32> to vector<16xf32>
        %add3A_1141 = arith.addf %scan3A_1114, %get3A_1140 : vector<16xf32>
        %add3A_1142 = arith.constant 0 : i32
        %add3A_1143 = arith.addi %add3A_1133, %add3A_1142 : i32
        %get3A_1144 = arith.constant 0 : i32
        %get3A_1145 = arith.index_cast %get3A_1144 : i32 to index
        %get3A_1146 = arith.index_cast %add3A_1143 : i32 to index
        %get3A_1147 = arith.constant 16 : index
        %get3A_1148 = tpu.vector_load %arg6[%get3A_1145, %get3A_1146, %get3A_1147] {strides = array<i32>} : memref<2x1600x32xf32, #tpu.memory_space<vmem>>, vector<1x1x16xf32>,
        %get3A_1149 = vector.shape_cast %get3A_1148 : vector<1x1x16xf32> to vector<16xf32>
        %add3A_1150 = arith.addf %scan3A_1115, %get3A_1149 : vector<16xf32>
        %add3A_1151 = arith.constant 1 : i32
        %add3A_1152 = arith.addi %add3A_1133, %add3A_1151 : i32
        %get3A_1153 = arith.constant 0 : i32
        %get3A_1154 = arith.index_cast %get3A_1153 : i32 to index
        %get3A_1155 = arith.index_cast %add3A_1152 : i32 to index
        %get3A_1156 = arith.constant 0 : index
        %get3A_1157 = tpu.vector_load %arg6[%get3A_1154, %get3A_1155, %get3A_1156] {strides = array<i32>} : memref<2x1600x32xf32, #tpu.memory_space<vmem>>, vector<1x1x16xf32>,
        %get3A_1158 = vector.shape_cast %get3A_1157 : vector<1x1x16xf32> to vector<16xf32>
        %add3A_1159 = arith.addf %scan3A_1116, %get3A_1158 : vector<16xf32>
        %add3A_1160 = arith.constant 1 : i32
        %add3A_1161 = arith.addi %add3A_1133, %add3A_1160 : i32
        %get3A_1162 = arith.constant 0 : i32
        %get3A_1163 = arith.index_cast %get3A_1162 : i32 to index
        %get3A_1164 = arith.index_cast %add3A_1161 : i32 to index
        %get3A_1165 = arith.constant 16 : index
        %get3A_1166 = tpu.vector_load %arg6[%get3A_1163, %get3A_1164, %get3A_1165] {strides = array<i32>} : memref<2x1600x32xf32, #tpu.memory_space<vmem>>, vector<1x1x16xf32>,
        %get3A_1167 = vector.shape_cast %get3A_1166 : vector<1x1x16xf32> to vector<16xf32>
        %add3A_1168 = arith.addf %scan3A_1117, %get3A_1167 : vector<16xf32>
        %add3A_1169 = arith.constant 2 : i32
        %add3A_1170 = arith.addi %add3A_1133, %add3A_1169 : i32
        %get3A_1171 = arith.constant 0 : i32
        %get3A_1172 = arith.index_cast %get3A_1171 : i32 to index
        %get3A_1173 = arith.index_cast %add3A_1170 : i32 to index
        %get3A_1174 = arith.constant 0 : index
        %get3A_1175 = tpu.vector_load %arg6[%get3A_1172, %get3A_1173, %get3A_1174] {strides = array<i32>} : memref<2x1600x32xf32, #tpu.memory_space<vmem>>, vector<1x1x16xf32>,
        %get3A_1176 = vector.shape_cast %get3A_1175 : vector<1x1x16xf32> to vector<16xf32>
        %add3A_1177 = arith.addf %scan3A_1118, %get3A_1176 : vector<16xf32>
        %add3A_1178 = arith.constant 2 : i32
        %add3A_1179 = arith.addi %add3A_1133, %add3A_1178 : i32
        %get3A_1180 = arith.constant 0 : i32
        %get3A_1181 = arith.index_cast %get3A_1180 : i32 to index
        %get3A_1182 = arith.index_cast %add3A_1179 : i32 to index
        %get3A_1183 = arith.constant 16 : index
        %get3A_1184 = tpu.vector_load %arg6[%get3A_1181, %get3A_1182, %get3A_1183] {strides = array<i32>} : memref<2x1600x32xf32, #tpu.memory_space<vmem>>, vector<1x1x16xf32>,
        %get3A_1185 = vector.shape_cast %get3A_1184 : vector<1x1x16xf32> to vector<16xf32>
        %add3A_1186 = arith.addf %scan3A_1119, %get3A_1185 : vector<16xf32>
        %add3A_1187 = arith.constant 3 : i32
        %add3A_1188 = arith.addi %add3A_1133, %add3A_1187 : i32
        %get3A_1189 = arith.constant 0 : i32
        %get3A_1190 = arith.index_cast %get3A_1189 : i32 to index
        %get3A_1191 = arith.index_cast %add3A_1188 : i32 to index
        %get3A_1192 = arith.constant 0 : index
        %get3A_1193 = tpu.vector_load %arg6[%get3A_1190, %get3A_1191, %get3A_1192] {strides = array<i32>} : memref<2x1600x32xf32, #tpu.memory_space<vmem>>, vector<1x1x16xf32>,
        %get3A_1194 = vector.shape_cast %get3A_1193 : vector<1x1x16xf32> to vector<16xf32>
        %add3A_1195 = arith.addf %scan3A_1120, %get3A_1194 : vector<16xf32>
        %add3A_1196 = arith.constant 3 : i32
        %add3A_1197 = arith.addi %add3A_1133, %add3A_1196 : i32
        %get3A_1198 = arith.constant 0 : i32
        %get3A_1199 = arith.index_cast %get3A_1198 : i32 to index
        %get3A_1200 = arith.index_cast %add3A_1197 : i32 to index
        %get3A_1201 = arith.constant 16 : index
        %get3A_1202 = tpu.vector_load %arg6[%get3A_1199, %get3A_1200, %get3A_1201] {strides = array<i32>} : memref<2x1600x32xf32, #tpu.memory_space<vmem>>, vector<1x1x16xf32>,
        %get3A_1203 = vector.shape_cast %get3A_1202 : vector<1x1x16xf32> to vector<16xf32>
        %add3A_1204 = arith.addf %scan3A_1121, %get3A_1203 : vector<16xf32>
        %add3A_1205 = arith.constant 4 : i32
        %add3A_1206 = arith.addi %add3A_1133, %add3A_1205 : i32
        %get3A_1207 = arith.constant 0 : i32
        %get3A_1208 = arith.index_cast %get3A_1207 : i32 to index
        %get3A_1209 = arith.index_cast %add3A_1206 : i32 to index
        %get3A_1210 = arith.constant 0 : index
        %get3A_1211 = tpu.vector_load %arg6[%get3A_1208, %get3A_1209, %get3A_1210] {strides = array<i32>} : memref<2x1600x32xf32, #tpu.memory_space<vmem>>, vector<1x1x16xf32>,
        %get3A_1212 = vector.shape_cast %get3A_1211 : vector<1x1x16xf32> to vector<16xf32>
        %add3A_1213 = arith.addf %scan3A_1122, %get3A_1212 : vector<16xf32>
        %add3A_1214 = arith.constant 4 : i32
        %add3A_1215 = arith.addi %add3A_1133, %add3A_1214 : i32
        %get3A_1216 = arith.constant 0 : i32
        %get3A_1217 = arith.index_cast %get3A_1216 : i32 to index
        %get3A_1218 = arith.index_cast %add3A_1215 : i32 to index
        %get3A_1219 = arith.constant 16 : index
        %get3A_1220 = tpu.vector_load %arg6[%get3A_1217, %get3A_1218, %get3A_1219] {strides = array<i32>} : memref<2x1600x32xf32, #tpu.memory_space<vmem>>, vector<1x1x16xf32>,
        %get3A_1221 = vector.shape_cast %get3A_1220 : vector<1x1x16xf32> to vector<16xf32>
        %add3A_1222 = arith.addf %scan3A_1123, %get3A_1221 : vector<16xf32>
        %add3A_1223 = arith.constant 5 : i32
        %add3A_1224 = arith.addi %add3A_1133, %add3A_1223 : i32
        %get3A_1225 = arith.constant 0 : i32
        %get3A_1226 = arith.index_cast %get3A_1225 : i32 to index
        %get3A_1227 = arith.index_cast %add3A_1224 : i32 to index
        %get3A_1228 = arith.constant 0 : index
        %get3A_1229 = tpu.vector_load %arg6[%get3A_1226, %get3A_1227, %get3A_1228] {strides = array<i32>} : memref<2x1600x32xf32, #tpu.memory_space<vmem>>, vector<1x1x16xf32>,
        %get3A_1230 = vector.shape_cast %get3A_1229 : vector<1x1x16xf32> to vector<16xf32>
        %add3A_1231 = arith.addf %scan3A_1124, %get3A_1230 : vector<16xf32>
        %add3A_1232 = arith.constant 5 : i32
        %add3A_1233 = arith.addi %add3A_1133, %add3A_1232 : i32
        %get3A_1234 = arith.constant 0 : i32
        %get3A_1235 = arith.index_cast %get3A_1234 : i32 to index
        %get3A_1236 = arith.index_cast %add3A_1233 : i32 to index
        %get3A_1237 = arith.constant 16 : index
        %get3A_1238 = tpu.vector_load %arg6[%get3A_1235, %get3A_1236, %get3A_1237] {strides = array<i32>} : memref<2x1600x32xf32, #tpu.memory_space<vmem>>, vector<1x1x16xf32>,
        %get3A_1239 = vector.shape_cast %get3A_1238 : vector<1x1x16xf32> to vector<16xf32>
        %add3A_1240 = arith.addf %scan3A_1125, %get3A_1239 : vector<16xf32>
        %add3A_1241 = arith.constant 6 : i32
        %add3A_1242 = arith.addi %add3A_1133, %add3A_1241 : i32
        %get3A_1243 = arith.constant 0 : i32
        %get3A_1244 = arith.index_cast %get3A_1243 : i32 to index
        %get3A_1245 = arith.index_cast %add3A_1242 : i32 to index
        %get3A_1246 = arith.constant 0 : index
        %get3A_1247 = tpu.vector_load %arg6[%get3A_1244, %get3A_1245, %get3A_1246] {strides = array<i32>} : memref<2x1600x32xf32, #tpu.memory_space<vmem>>, vector<1x1x16xf32>,
        %get3A_1248 = vector.shape_cast %get3A_1247 : vector<1x1x16xf32> to vector<16xf32>
        %add3A_1249 = arith.addf %scan3A_1126, %get3A_1248 : vector<16xf32>
        %add3A_1250 = arith.constant 6 : i32
        %add3A_1251 = arith.addi %add3A_1133, %add3A_1250 : i32
        %get3A_1252 = arith.constant 0 : i32
        %get3A_1253 = arith.index_cast %get3A_1252 : i32 to index
        %get3A_1254 = arith.index_cast %add3A_1251 : i32 to index
        %get3A_1255 = arith.constant 16 : index
        %get3A_1256 = tpu.vector_load %arg6[%get3A_1253, %get3A_1254, %get3A_1255] {strides = array<i32>} : memref<2x1600x32xf32, #tpu.memory_space<vmem>>, vector<1x1x16xf32>,
        %get3A_1257 = vector.shape_cast %get3A_1256 : vector<1x1x16xf32> to vector<16xf32>
        %add3A_1258 = arith.addf %scan3A_1127, %get3A_1257 : vector<16xf32>
        %add3A_1259 = arith.constant 7 : i32
        %add3A_1260 = arith.addi %add3A_1133, %add3A_1259 : i32
        %get3A_1261 = arith.constant 0 : i32
        %get3A_1262 = arith.index_cast %get3A_1261 : i32 to index
        %get3A_1263 = arith.index_cast %add3A_1260 : i32 to index
        %get3A_1264 = arith.constant 0 : index
        %get3A_1265 = tpu.vector_load %arg6[%get3A_1262, %get3A_1263, %get3A_1264] {strides = array<i32>} : memref<2x1600x32xf32, #tpu.memory_space<vmem>>, vector<1x1x16xf32>,
        %get3A_1266 = vector.shape_cast %get3A_1265 : vector<1x1x16xf32> to vector<16xf32>
        %add3A_1267 = arith.addf %scan3A_1128, %get3A_1266 : vector<16xf32>
        %add3A_1268 = arith.constant 7 : i32
        %add3A_1269 = arith.addi %add3A_1133, %add3A_1268 : i32
        %get3A_1270 = arith.constant 0 : i32
        %get3A_1271 = arith.index_cast %get3A_1270 : i32 to index
        %get3A_1272 = arith.index_cast %add3A_1269 : i32 to index
        %get3A_1273 = arith.constant 16 : index
        %get3A_1274 = tpu.vector_load %arg6[%get3A_1271, %get3A_1272, %get3A_1273] {strides = array<i32>} : memref<2x1600x32xf32, #tpu.memory_space<vmem>>, vector<1x1x16xf32>,
        %get3A_1275 = vector.shape_cast %get3A_1274 : vector<1x1x16xf32> to vector<16xf32>
        %add3A_1276 = arith.addf %scan3A_1129, %get3A_1275 : vector<16xf32>
        scf.yield %add3A_1141, %add3A_1150, %add3A_1159, %add3A_1168, %add3A_1177, %add3A_1186, %add3A_1195, %add3A_1204, %add3A_1213, %add3A_1222, %add3A_1231, %add3A_1240, %add3A_1249, %add3A_1258, %add3A_1267, %add3A_1276 : vector<16xf32>, vector<16xf32>, vector<16xf32>, vector<16xf32>, vector<16xf32>, vector<16xf32>, vector<16xf32>, vector<16xf32>, vector<16xf32>, vector<16xf32>, vector<16xf32>, vector<16xf32>, vector<16xf32>, vector<16xf32>, vector<16xf32>, vector<16xf32>
      }
      %scan3A_345 = arith.constant 25 : i32
      %add3A_346 = arith.addf %scan3A_344#0, %scan3A_344#2 : vector<16xf32>
      %add3A_347 = arith.addf %scan3A_344#1, %scan3A_344#3 : vector<16xf32>
      %add3A_348 = arith.addf %add3A_346, %scan3A_344#4 : vector<16xf32>
      %add3A_349 = arith.addf %add3A_347, %scan3A_344#5 : vector<16xf32>
      %add3A_350 = arith.addf %add3A_348, %scan3A_344#6 : vector<16xf32>
      %add3A_351 = arith.addf %add3A_349, %scan3A_344#7 : vector<16xf32>
      %add3A_352 = arith.addf %add3A_350, %scan3A_344#8 : vector<16xf32>
      %add3A_353 = arith.addf %add3A_351, %scan3A_344#9 : vector<16xf32>
      %add3A_354 = arith.addf %add3A_352, %scan3A_344#10 : vector<16xf32>
      %add3A_355 = arith.addf %add3A_353, %scan3A_344#11 : vector<16xf32>
      %add3A_356 = arith.addf %add3A_354, %scan3A_344#12 : vector<16xf32>
      %add3A_357 = arith.addf %add3A_355, %scan3A_344#13 : vector<16xf32>
      %add3A_358 = arith.addf %add3A_356, %scan3A_344#14 : vector<16xf32>
      %add3A_359 = arith.addf %add3A_357, %scan3A_344#15 : vector<16xf32>
      %mul3A_360 = arith.constant 5.000000e-03 : f32
      %mul3A_361 = vector.broadcast %mul3A_360 : f32 to vector<16xf32>
      %mul3A_362 = arith.mulf %add3A_358, %mul3A_361 : vector<16xf32>
      %swap3A = arith.constant 0 : i32
      %swap3A_363 = arith.constant 0 : i32
      %swap3A_364 = arith.index_cast %swap3A : i32 to index
      %swap3A_365 = arith.index_cast %swap3A_363 : i32 to index
      %swap3A_366 = arith.constant 0 : index
      %swap3A_367 = tpu.vector_load %arg7[%swap3A_364, %swap3A_365, %swap3A_366] {strides = array<i32>} : memref<2x8x32xf32, #tpu.memory_space<vmem>>, vector<1x1x16xf32>,
      %swap3A_368 = vector.shape_cast %swap3A_367 : vector<1x1x16xf32> to vector<16xf32>
      %swap3A_369 = vector.shape_cast %mul3A_362 : vector<16xf32> to vector<1x1x16xf32>
      tpu.vector_store %arg7[%swap3A_364, %swap3A_365, %swap3A_366], %swap3A_369 {strides = array<i32>} : memref<2x8x32xf32, #tpu.memory_space<vmem>>, vector<1x1x16xf32>,
      %mul3A_370 = arith.constant 5.000000e-03 : f32
      %mul3A_371 = vector.broadcast %mul3A_370 : f32 to vector<16xf32>
      %mul3A_372 = arith.mulf %add3A_359, %mul3A_371 : vector<16xf32>
      %swap3A_373 = arith.constant 0 : i32
      %swap3A_374 = arith.constant 0 : i32
      %swap3A_375 = arith.index_cast %swap3A_373 : i32 to index
      %swap3A_376 = arith.index_cast %swap3A_374 : i32 to index
      %swap3A_377 = arith.constant 16 : index
      %swap3A_378 = tpu.vector_load %arg7[%swap3A_375, %swap3A_376, %swap3A_377] {strides = array<i32>} : memref<2x8x32xf32, #tpu.memory_space<vmem>>, vector<1x1x16xf32>,
      %swap3A_379 = vector.shape_cast %swap3A_378 : vector<1x1x16xf32> to vector<16xf32>
      %swap3A_380 = vector.shape_cast %mul3A_372 : vector<16xf32> to vector<1x1x16xf32>
      tpu.vector_store %arg7[%swap3A_375, %swap3A_376, %swap3A_377], %swap3A_380 {strides = array<i32>} : memref<2x8x32xf32, #tpu.memory_space<vmem>>, vector<1x1x16xf32>,
      %broadcast_in_dim3A_381 = arith.constant 0.000000e+00 : f32
      %broadcast_in_dim3A_382 = vector.broadcast %broadcast_in_dim3A_381 : f32 to vector<16xf32>
      %scan3A_383 = arith.constant 0 : i32
      %scan3A_384 = arith.constant 25 : i32
      %scan3A_385 = arith.addi %scan3A_383, %scan3A_384 : i32
      %scan3A_386 = arith.constant 1 : i32
      %scan3A_387:16 = scf.for %scan3A_1113 = %scan3A_383 to %scan3A_385 step %scan3A_386 iter_args(%scan3A_1114 = %broadcast_in_dim3A_382, %scan3A_1115 = %broadcast_in_dim3A_382, %scan3A_1116 = %broadcast_in_dim3A_382, %scan3A_1117 = %broadcast_in_dim3A_382, %scan3A_1118 = %broadcast_in_dim3A_382, %scan3A_1119 = %broadcast_in_dim3A_382, %scan3A_1120 = %broadcast_in_dim3A_382, %scan3A_1121 = %broadcast_in_dim3A_382, %scan3A_1122 = %broadcast_in_dim3A_382, %scan3A_1123 = %broadcast_in_dim3A_382, %scan3A_1124 = %broadcast_in_dim3A_382, %scan3A_1125 = %broadcast_in_dim3A_382, %scan3A_1126 = %broadcast_in_dim3A_382, %scan3A_1127 = %broadcast_in_dim3A_382, %scan3A_1128 = %broadcast_in_dim3A_382, %scan3A_1129 = %broadcast_in_dim3A_382) -> (vector<16xf32>, vector<16xf32>, vector<16xf32>, vector<16xf32>, vector<16xf32>, vector<16xf32>, vector<16xf32>, vector<16xf32>, vector<16xf32>, vector<16xf32>, vector<16xf32>, vector<16xf32>, vector<16xf32>, vector<16xf32>, vector<16xf32>, vector<16xf32>)  : i32 {
        %mul3A_1130 = arith.constant 8 : i32
        %mul3A_1131 = arith.muli %scan3A_1113, %mul3A_1130 : i32
        %add3A_1132 = arith.constant 200 : i32
        %add3A_1133 = arith.addi %add3A_1132, %mul3A_1131 : i32
        %add3A_1134 = arith.constant 0 : i32
        %add3A_1135 = arith.addi %add3A_1133, %add3A_1134 : i32
        %get3A = arith.constant 0 : i32
        %get3A_1136 = arith.index_cast %get3A : i32 to index
        %get3A_1137 = arith.index_cast %add3A_1135 : i32 to index
        %get3A_1138 = arith.constant 0 : index
        %get3A_1139 = tpu.vector_load %arg6[%get3A_1136, %get3A_1137, %get3A_1138] {strides = array<i32>} : memref<2x1600x32xf32, #tpu.memory_space<vmem>>, vector<1x1x16xf32>,
        %get3A_1140 = vector.shape_cast %get3A_1139 : vector<1x1x16xf32> to vector<16xf32>
        %add3A_1141 = arith.addf %scan3A_1114, %get3A_1140 : vector<16xf32>
        %add3A_1142 = arith.constant 0 : i32
        %add3A_1143 = arith.addi %add3A_1133, %add3A_1142 : i32
        %get3A_1144 = arith.constant 0 : i32
        %get3A_1145 = arith.index_cast %get3A_1144 : i32 to index
        %get3A_1146 = arith.index_cast %add3A_1143 : i32 to index
        %get3A_1147 = arith.constant 16 : index
        %get3A_1148 = tpu.vector_load %arg6[%get3A_1145, %get3A_1146, %get3A_1147] {strides = array<i32>} : memref<2x1600x32xf32, #tpu.memory_space<vmem>>, vector<1x1x16xf32>,
        %get3A_1149 = vector.shape_cast %get3A_1148 : vector<1x1x16xf32> to vector<16xf32>
        %add3A_1150 = arith.addf %scan3A_1115, %get3A_1149 : vector<16xf32>
        %add3A_1151 = arith.constant 1 : i32
        %add3A_1152 = arith.addi %add3A_1133, %add3A_1151 : i32
        %get3A_1153 = arith.constant 0 : i32
        %get3A_1154 = arith.index_cast %get3A_1153 : i32 to index
        %get3A_1155 = arith.index_cast %add3A_1152 : i32 to index
        %get3A_1156 = arith.constant 0 : index
        %get3A_1157 = tpu.vector_load %arg6[%get3A_1154, %get3A_1155, %get3A_1156] {strides = array<i32>} : memref<2x1600x32xf32, #tpu.memory_space<vmem>>, vector<1x1x16xf32>,
        %get3A_1158 = vector.shape_cast %get3A_1157 : vector<1x1x16xf32> to vector<16xf32>
        %add3A_1159 = arith.addf %scan3A_1116, %get3A_1158 : vector<16xf32>
        %add3A_1160 = arith.constant 1 : i32
        %add3A_1161 = arith.addi %add3A_1133, %add3A_1160 : i32
        %get3A_1162 = arith.constant 0 : i32
        %get3A_1163 = arith.index_cast %get3A_1162 : i32 to index
        %get3A_1164 = arith.index_cast %add3A_1161 : i32 to index
        %get3A_1165 = arith.constant 16 : index
        %get3A_1166 = tpu.vector_load %arg6[%get3A_1163, %get3A_1164, %get3A_1165] {strides = array<i32>} : memref<2x1600x32xf32, #tpu.memory_space<vmem>>, vector<1x1x16xf32>,
        %get3A_1167 = vector.shape_cast %get3A_1166 : vector<1x1x16xf32> to vector<16xf32>
        %add3A_1168 = arith.addf %scan3A_1117, %get3A_1167 : vector<16xf32>
        %add3A_1169 = arith.constant 2 : i32
        %add3A_1170 = arith.addi %add3A_1133, %add3A_1169 : i32
        %get3A_1171 = arith.constant 0 : i32
        %get3A_1172 = arith.index_cast %get3A_1171 : i32 to index
        %get3A_1173 = arith.index_cast %add3A_1170 : i32 to index
        %get3A_1174 = arith.constant 0 : index
        %get3A_1175 = tpu.vector_load %arg6[%get3A_1172, %get3A_1173, %get3A_1174] {strides = array<i32>} : memref<2x1600x32xf32, #tpu.memory_space<vmem>>, vector<1x1x16xf32>,
        %get3A_1176 = vector.shape_cast %get3A_1175 : vector<1x1x16xf32> to vector<16xf32>
        %add3A_1177 = arith.addf %scan3A_1118, %get3A_1176 : vector<16xf32>
        %add3A_1178 = arith.constant 2 : i32
        %add3A_1179 = arith.addi %add3A_1133, %add3A_1178 : i32
        %get3A_1180 = arith.constant 0 : i32
        %get3A_1181 = arith.index_cast %get3A_1180 : i32 to index
        %get3A_1182 = arith.index_cast %add3A_1179 : i32 to index
        %get3A_1183 = arith.constant 16 : index
        %get3A_1184 = tpu.vector_load %arg6[%get3A_1181, %get3A_1182, %get3A_1183] {strides = array<i32>} : memref<2x1600x32xf32, #tpu.memory_space<vmem>>, vector<1x1x16xf32>,
        %get3A_1185 = vector.shape_cast %get3A_1184 : vector<1x1x16xf32> to vector<16xf32>
        %add3A_1186 = arith.addf %scan3A_1119, %get3A_1185 : vector<16xf32>
        %add3A_1187 = arith.constant 3 : i32
        %add3A_1188 = arith.addi %add3A_1133, %add3A_1187 : i32
        %get3A_1189 = arith.constant 0 : i32
        %get3A_1190 = arith.index_cast %get3A_1189 : i32 to index
        %get3A_1191 = arith.index_cast %add3A_1188 : i32 to index
        %get3A_1192 = arith.constant 0 : index
        %get3A_1193 = tpu.vector_load %arg6[%get3A_1190, %get3A_1191, %get3A_1192] {strides = array<i32>} : memref<2x1600x32xf32, #tpu.memory_space<vmem>>, vector<1x1x16xf32>,
        %get3A_1194 = vector.shape_cast %get3A_1193 : vector<1x1x16xf32> to vector<16xf32>
        %add3A_1195 = arith.addf %scan3A_1120, %get3A_1194 : vector<16xf32>
        %add3A_1196 = arith.constant 3 : i32
        %add3A_1197 = arith.addi %add3A_1133, %add3A_1196 : i32
        %get3A_1198 = arith.constant 0 : i32
        %get3A_1199 = arith.index_cast %get3A_1198 : i32 to index
        %get3A_1200 = arith.index_cast %add3A_1197 : i32 to index
        %get3A_1201 = arith.constant 16 : index
        %get3A_1202 = tpu.vector_load %arg6[%get3A_1199, %get3A_1200, %get3A_1201] {strides = array<i32>} : memref<2x1600x32xf32, #tpu.memory_space<vmem>>, vector<1x1x16xf32>,
        %get3A_1203 = vector.shape_cast %get3A_1202 : vector<1x1x16xf32> to vector<16xf32>
        %add3A_1204 = arith.addf %scan3A_1121, %get3A_1203 : vector<16xf32>
        %add3A_1205 = arith.constant 4 : i32
        %add3A_1206 = arith.addi %add3A_1133, %add3A_1205 : i32
        %get3A_1207 = arith.constant 0 : i32
        %get3A_1208 = arith.index_cast %get3A_1207 : i32 to index
        %get3A_1209 = arith.index_cast %add3A_1206 : i32 to index
        %get3A_1210 = arith.constant 0 : index
        %get3A_1211 = tpu.vector_load %arg6[%get3A_1208, %get3A_1209, %get3A_1210] {strides = array<i32>} : memref<2x1600x32xf32, #tpu.memory_space<vmem>>, vector<1x1x16xf32>,
        %get3A_1212 = vector.shape_cast %get3A_1211 : vector<1x1x16xf32> to vector<16xf32>
        %add3A_1213 = arith.addf %scan3A_1122, %get3A_1212 : vector<16xf32>
        %add3A_1214 = arith.constant 4 : i32
        %add3A_1215 = arith.addi %add3A_1133, %add3A_1214 : i32
        %get3A_1216 = arith.constant 0 : i32
        %get3A_1217 = arith.index_cast %get3A_1216 : i32 to index
        %get3A_1218 = arith.index_cast %add3A_1215 : i32 to index
        %get3A_1219 = arith.constant 16 : index
        %get3A_1220 = tpu.vector_load %arg6[%get3A_1217, %get3A_1218, %get3A_1219] {strides = array<i32>} : memref<2x1600x32xf32, #tpu.memory_space<vmem>>, vector<1x1x16xf32>,
        %get3A_1221 = vector.shape_cast %get3A_1220 : vector<1x1x16xf32> to vector<16xf32>
        %add3A_1222 = arith.addf %scan3A_1123, %get3A_1221 : vector<16xf32>
        %add3A_1223 = arith.constant 5 : i32
        %add3A_1224 = arith.addi %add3A_1133, %add3A_1223 : i32
        %get3A_1225 = arith.constant 0 : i32
        %get3A_1226 = arith.index_cast %get3A_1225 : i32 to index
        %get3A_1227 = arith.index_cast %add3A_1224 : i32 to index
        %get3A_1228 = arith.constant 0 : index
        %get3A_1229 = tpu.vector_load %arg6[%get3A_1226, %get3A_1227, %get3A_1228] {strides = array<i32>} : memref<2x1600x32xf32, #tpu.memory_space<vmem>>, vector<1x1x16xf32>,
        %get3A_1230 = vector.shape_cast %get3A_1229 : vector<1x1x16xf32> to vector<16xf32>
        %add3A_1231 = arith.addf %scan3A_1124, %get3A_1230 : vector<16xf32>
        %add3A_1232 = arith.constant 5 : i32
        %add3A_1233 = arith.addi %add3A_1133, %add3A_1232 : i32
        %get3A_1234 = arith.constant 0 : i32
        %get3A_1235 = arith.index_cast %get3A_1234 : i32 to index
        %get3A_1236 = arith.index_cast %add3A_1233 : i32 to index
        %get3A_1237 = arith.constant 16 : index
        %get3A_1238 = tpu.vector_load %arg6[%get3A_1235, %get3A_1236, %get3A_1237] {strides = array<i32>} : memref<2x1600x32xf32, #tpu.memory_space<vmem>>, vector<1x1x16xf32>,
        %get3A_1239 = vector.shape_cast %get3A_1238 : vector<1x1x16xf32> to vector<16xf32>
        %add3A_1240 = arith.addf %scan3A_1125, %get3A_1239 : vector<16xf32>
        %add3A_1241 = arith.constant 6 : i32
        %add3A_1242 = arith.addi %add3A_1133, %add3A_1241 : i32
        %get3A_1243 = arith.constant 0 : i32
        %get3A_1244 = arith.index_cast %get3A_1243 : i32 to index
        %get3A_1245 = arith.index_cast %add3A_1242 : i32 to index
        %get3A_1246 = arith.constant 0 : index
        %get3A_1247 = tpu.vector_load %arg6[%get3A_1244, %get3A_1245, %get3A_1246] {strides = array<i32>} : memref<2x1600x32xf32, #tpu.memory_space<vmem>>, vector<1x1x16xf32>,
        %get3A_1248 = vector.shape_cast %get3A_1247 : vector<1x1x16xf32> to vector<16xf32>
        %add3A_1249 = arith.addf %scan3A_1126, %get3A_1248 : vector<16xf32>
        %add3A_1250 = arith.constant 6 : i32
        %add3A_1251 = arith.addi %add3A_1133, %add3A_1250 : i32
        %get3A_1252 = arith.constant 0 : i32
        %get3A_1253 = arith.index_cast %get3A_1252 : i32 to index
        %get3A_1254 = arith.index_cast %add3A_1251 : i32 to index
        %get3A_1255 = arith.constant 16 : index
        %get3A_1256 = tpu.vector_load %arg6[%get3A_1253, %get3A_1254, %get3A_1255] {strides = array<i32>} : memref<2x1600x32xf32, #tpu.memory_space<vmem>>, vector<1x1x16xf32>,
        %get3A_1257 = vector.shape_cast %get3A_1256 : vector<1x1x16xf32> to vector<16xf32>
        %add3A_1258 = arith.addf %scan3A_1127, %get3A_1257 : vector<16xf32>
        %add3A_1259 = arith.constant 7 : i32
        %add3A_1260 = arith.addi %add3A_1133, %add3A_1259 : i32
        %get3A_1261 = arith.constant 0 : i32
        %get3A_1262 = arith.index_cast %get3A_1261 : i32 to index
        %get3A_1263 = arith.index_cast %add3A_1260 : i32 to index
        %get3A_1264 = arith.constant 0 : index
        %get3A_1265 = tpu.vector_load %arg6[%get3A_1262, %get3A_1263, %get3A_1264] {strides = array<i32>} : memref<2x1600x32xf32, #tpu.memory_space<vmem>>, vector<1x1x16xf32>,
        %get3A_1266 = vector.shape_cast %get3A_1265 : vector<1x1x16xf32> to vector<16xf32>
        %add3A_1267 = arith.addf %scan3A_1128, %get3A_1266 : vector<16xf32>
        %add3A_1268 = arith.constant 7 : i32
        %add3A_1269 = arith.addi %add3A_1133, %add3A_1268 : i32
        %get3A_1270 = arith.constant 0 : i32
        %get3A_1271 = arith.index_cast %get3A_1270 : i32 to index
        %get3A_1272 = arith.index_cast %add3A_1269 : i32 to index
        %get3A_1273 = arith.constant 16 : index
        %get3A_1274 = tpu.vector_load %arg6[%get3A_1271, %get3A_1272, %get3A_1273] {strides = array<i32>} : memref<2x1600x32xf32, #tpu.memory_space<vmem>>, vector<1x1x16xf32>,
        %get3A_1275 = vector.shape_cast %get3A_1274 : vector<1x1x16xf32> to vector<16xf32>
        %add3A_1276 = arith.addf %scan3A_1129, %get3A_1275 : vector<16xf32>
        scf.yield %add3A_1141, %add3A_1150, %add3A_1159, %add3A_1168, %add3A_1177, %add3A_1186, %add3A_1195, %add3A_1204, %add3A_1213, %add3A_1222, %add3A_1231, %add3A_1240, %add3A_1249, %add3A_1258, %add3A_1267, %add3A_1276 : vector<16xf32>, vector<16xf32>, vector<16xf32>, vector<16xf32>, vector<16xf32>, vector<16xf32>, vector<16xf32>, vector<16xf32>, vector<16xf32>, vector<16xf32>, vector<16xf32>, vector<16xf32>, vector<16xf32>, vector<16xf32>, vector<16xf32>, vector<16xf32>
      }
      %scan3A_388 = arith.constant 25 : i32
      %add3A_389 = arith.addf %scan3A_387#0, %scan3A_387#2 : vector<16xf32>
      %add3A_390 = arith.addf %scan3A_387#1, %scan3A_387#3 : vector<16xf32>
      %add3A_391 = arith.addf %add3A_389, %scan3A_387#4 : vector<16xf32>
      %add3A_392 = arith.addf %add3A_390, %scan3A_387#5 : vector<16xf32>
      %add3A_393 = arith.addf %add3A_391, %scan3A_387#6 : vector<16xf32>
      %add3A_394 = arith.addf %add3A_392, %scan3A_387#7 : vector<16xf32>
      %add3A_395 = arith.addf %add3A_393, %scan3A_387#8 : vector<16xf32>
      %add3A_396 = arith.addf %add3A_394, %scan3A_387#9 : vector<16xf32>
      %add3A_397 = arith.addf %add3A_395, %scan3A_387#10 : vector<16xf32>
      %add3A_398 = arith.addf %add3A_396, %scan3A_387#11 : vector<16xf32>
      %add3A_399 = arith.addf %add3A_397, %scan3A_387#12 : vector<16xf32>
      %add3A_400 = arith.addf %add3A_398, %scan3A_387#13 : vector<16xf32>
      %add3A_401 = arith.addf %add3A_399, %scan3A_387#14 : vector<16xf32>
      %add3A_402 = arith.addf %add3A_400, %scan3A_387#15 : vector<16xf32>
      %mul3A_403 = arith.constant 5.000000e-03 : f32
      %mul3A_404 = vector.broadcast %mul3A_403 : f32 to vector<16xf32>
      %mul3A_405 = arith.mulf %add3A_401, %mul3A_404 : vector<16xf32>
      %swap3A_406 = arith.constant 0 : i32
      %swap3A_407 = arith.constant 1 : i32
      %swap3A_408 = arith.index_cast %swap3A_406 : i32 to index
      %swap3A_409 = arith.index_cast %swap3A_407 : i32 to index
      %swap3A_410 = arith.constant 0 : index
      %swap3A_411 = tpu.vector_load %arg7[%swap3A_408, %swap3A_409, %swap3A_410] {strides = array<i32>} : memref<2x8x32xf32, #tpu.memory_space<vmem>>, vector<1x1x16xf32>,
      %swap3A_412 = vector.shape_cast %swap3A_411 : vector<1x1x16xf32> to vector<16xf32>
      %swap3A_413 = vector.shape_cast %mul3A_405 : vector<16xf32> to vector<1x1x16xf32>
      tpu.vector_store %arg7[%swap3A_408, %swap3A_409, %swap3A_410], %swap3A_413 {strides = array<i32>} : memref<2x8x32xf32, #tpu.memory_space<vmem>>, vector<1x1x16xf32>,
      %mul3A_414 = arith.constant 5.000000e-03 : f32
      %mul3A_415 = vector.broadcast %mul3A_414 : f32 to vector<16xf32>
      %mul3A_416 = arith.mulf %add3A_402, %mul3A_415 : vector<16xf32>
      %swap3A_417 = arith.constant 0 : i32
      %swap3A_418 = arith.constant 1 : i32
      %swap3A_419 = arith.index_cast %swap3A_417 : i32 to index
      %swap3A_420 = arith.index_cast %swap3A_418 : i32 to index
      %swap3A_421 = arith.constant 16 : index
      %swap3A_422 = tpu.vector_load %arg7[%swap3A_419, %swap3A_420, %swap3A_421] {strides = array<i32>} : memref<2x8x32xf32, #tpu.memory_space<vmem>>, vector<1x1x16xf32>,
      %swap3A_423 = vector.shape_cast %swap3A_422 : vector<1x1x16xf32> to vector<16xf32>
      %swap3A_424 = vector.shape_cast %mul3A_416 : vector<16xf32> to vector<1x1x16xf32>
      tpu.vector_store %arg7[%swap3A_419, %swap3A_420, %swap3A_421], %swap3A_424 {strides = array<i32>} : memref<2x8x32xf32, #tpu.memory_space<vmem>>, vector<1x1x16xf32>,
      %broadcast_in_dim3A_425 = arith.constant 0.000000e+00 : f32
      %broadcast_in_dim3A_426 = vector.broadcast %broadcast_in_dim3A_425 : f32 to vector<16xf32>
      %scan3A_427 = arith.constant 0 : i32
      %scan3A_428 = arith.constant 25 : i32
      %scan3A_429 = arith.addi %scan3A_427, %scan3A_428 : i32
      %scan3A_430 = arith.constant 1 : i32
      %scan3A_431:16 = scf.for %scan3A_1113 = %scan3A_427 to %scan3A_429 step %scan3A_430 iter_args(%scan3A_1114 = %broadcast_in_dim3A_426, %scan3A_1115 = %broadcast_in_dim3A_426, %scan3A_1116 = %broadcast_in_dim3A_426, %scan3A_1117 = %broadcast_in_dim3A_426, %scan3A_1118 = %broadcast_in_dim3A_426, %scan3A_1119 = %broadcast_in_dim3A_426, %scan3A_1120 = %broadcast_in_dim3A_426, %scan3A_1121 = %broadcast_in_dim3A_426, %scan3A_1122 = %broadcast_in_dim3A_426, %scan3A_1123 = %broadcast_in_dim3A_426, %scan3A_1124 = %broadcast_in_dim3A_426, %scan3A_1125 = %broadcast_in_dim3A_426, %scan3A_1126 = %broadcast_in_dim3A_426, %scan3A_1127 = %broadcast_in_dim3A_426, %scan3A_1128 = %broadcast_in_dim3A_426, %scan3A_1129 = %broadcast_in_dim3A_426) -> (vector<16xf32>, vector<16xf32>, vector<16xf32>, vector<16xf32>, vector<16xf32>, vector<16xf32>, vector<16xf32>, vector<16xf32>, vector<16xf32>, vector<16xf32>, vector<16xf32>, vector<16xf32>, vector<16xf32>, vector<16xf32>, vector<16xf32>, vector<16xf32>)  : i32 {
        %mul3A_1130 = arith.constant 8 : i32
        %mul3A_1131 = arith.muli %scan3A_1113, %mul3A_1130 : i32
        %add3A_1132 = arith.constant 400 : i32
        %add3A_1133 = arith.addi %add3A_1132, %mul3A_1131 : i32
        %add3A_1134 = arith.constant 0 : i32
        %add3A_1135 = arith.addi %add3A_1133, %add3A_1134 : i32
        %get3A = arith.constant 0 : i32
        %get3A_1136 = arith.index_cast %get3A : i32 to index
        %get3A_1137 = arith.index_cast %add3A_1135 : i32 to index
        %get3A_1138 = arith.constant 0 : index
        %get3A_1139 = tpu.vector_load %arg6[%get3A_1136, %get3A_1137, %get3A_1138] {strides = array<i32>} : memref<2x1600x32xf32, #tpu.memory_space<vmem>>, vector<1x1x16xf32>,
        %get3A_1140 = vector.shape_cast %get3A_1139 : vector<1x1x16xf32> to vector<16xf32>
        %add3A_1141 = arith.addf %scan3A_1114, %get3A_1140 : vector<16xf32>
        %add3A_1142 = arith.constant 0 : i32
        %add3A_1143 = arith.addi %add3A_1133, %add3A_1142 : i32
        %get3A_1144 = arith.constant 0 : i32
        %get3A_1145 = arith.index_cast %get3A_1144 : i32 to index
        %get3A_1146 = arith.index_cast %add3A_1143 : i32 to index
        %get3A_1147 = arith.constant 16 : index
        %get3A_1148 = tpu.vector_load %arg6[%get3A_1145, %get3A_1146, %get3A_1147] {strides = array<i32>} : memref<2x1600x32xf32, #tpu.memory_space<vmem>>, vector<1x1x16xf32>,
        %get3A_1149 = vector.shape_cast %get3A_1148 : vector<1x1x16xf32> to vector<16xf32>
        %add3A_1150 = arith.addf %scan3A_1115, %get3A_1149 : vector<16xf32>
        %add3A_1151 = arith.constant 1 : i32
        %add3A_1152 = arith.addi %add3A_1133, %add3A_1151 : i32
        %get3A_1153 = arith.constant 0 : i32
        %get3A_1154 = arith.index_cast %get3A_1153 : i32 to index
        %get3A_1155 = arith.index_cast %add3A_1152 : i32 to index
        %get3A_1156 = arith.constant 0 : index
        %get3A_1157 = tpu.vector_load %arg6[%get3A_1154, %get3A_1155, %get3A_1156] {strides = array<i32>} : memref<2x1600x32xf32, #tpu.memory_space<vmem>>, vector<1x1x16xf32>,
        %get3A_1158 = vector.shape_cast %get3A_1157 : vector<1x1x16xf32> to vector<16xf32>
        %add3A_1159 = arith.addf %scan3A_1116, %get3A_1158 : vector<16xf32>
        %add3A_1160 = arith.constant 1 : i32
        %add3A_1161 = arith.addi %add3A_1133, %add3A_1160 : i32
        %get3A_1162 = arith.constant 0 : i32
        %get3A_1163 = arith.index_cast %get3A_1162 : i32 to index
        %get3A_1164 = arith.index_cast %add3A_1161 : i32 to index
        %get3A_1165 = arith.constant 16 : index
        %get3A_1166 = tpu.vector_load %arg6[%get3A_1163, %get3A_1164, %get3A_1165] {strides = array<i32>} : memref<2x1600x32xf32, #tpu.memory_space<vmem>>, vector<1x1x16xf32>,
        %get3A_1167 = vector.shape_cast %get3A_1166 : vector<1x1x16xf32> to vector<16xf32>
        %add3A_1168 = arith.addf %scan3A_1117, %get3A_1167 : vector<16xf32>
        %add3A_1169 = arith.constant 2 : i32
        %add3A_1170 = arith.addi %add3A_1133, %add3A_1169 : i32
        %get3A_1171 = arith.constant 0 : i32
        %get3A_1172 = arith.index_cast %get3A_1171 : i32 to index
        %get3A_1173 = arith.index_cast %add3A_1170 : i32 to index
        %get3A_1174 = arith.constant 0 : index
        %get3A_1175 = tpu.vector_load %arg6[%get3A_1172, %get3A_1173, %get3A_1174] {strides = array<i32>} : memref<2x1600x32xf32, #tpu.memory_space<vmem>>, vector<1x1x16xf32>,
        %get3A_1176 = vector.shape_cast %get3A_1175 : vector<1x1x16xf32> to vector<16xf32>
        %add3A_1177 = arith.addf %scan3A_1118, %get3A_1176 : vector<16xf32>
        %add3A_1178 = arith.constant 2 : i32
        %add3A_1179 = arith.addi %add3A_1133, %add3A_1178 : i32
        %get3A_1180 = arith.constant 0 : i32
        %get3A_1181 = arith.index_cast %get3A_1180 : i32 to index
        %get3A_1182 = arith.index_cast %add3A_1179 : i32 to index
        %get3A_1183 = arith.constant 16 : index
        %get3A_1184 = tpu.vector_load %arg6[%get3A_1181, %get3A_1182, %get3A_1183] {strides = array<i32>} : memref<2x1600x32xf32, #tpu.memory_space<vmem>>, vector<1x1x16xf32>,
        %get3A_1185 = vector.shape_cast %get3A_1184 : vector<1x1x16xf32> to vector<16xf32>
        %add3A_1186 = arith.addf %scan3A_1119, %get3A_1185 : vector<16xf32>
        %add3A_1187 = arith.constant 3 : i32
        %add3A_1188 = arith.addi %add3A_1133, %add3A_1187 : i32
        %get3A_1189 = arith.constant 0 : i32
        %get3A_1190 = arith.index_cast %get3A_1189 : i32 to index
        %get3A_1191 = arith.index_cast %add3A_1188 : i32 to index
        %get3A_1192 = arith.constant 0 : index
        %get3A_1193 = tpu.vector_load %arg6[%get3A_1190, %get3A_1191, %get3A_1192] {strides = array<i32>} : memref<2x1600x32xf32, #tpu.memory_space<vmem>>, vector<1x1x16xf32>,
        %get3A_1194 = vector.shape_cast %get3A_1193 : vector<1x1x16xf32> to vector<16xf32>
        %add3A_1195 = arith.addf %scan3A_1120, %get3A_1194 : vector<16xf32>
        %add3A_1196 = arith.constant 3 : i32
        %add3A_1197 = arith.addi %add3A_1133, %add3A_1196 : i32
        %get3A_1198 = arith.constant 0 : i32
        %get3A_1199 = arith.index_cast %get3A_1198 : i32 to index
        %get3A_1200 = arith.index_cast %add3A_1197 : i32 to index
        %get3A_1201 = arith.constant 16 : index
        %get3A_1202 = tpu.vector_load %arg6[%get3A_1199, %get3A_1200, %get3A_1201] {strides = array<i32>} : memref<2x1600x32xf32, #tpu.memory_space<vmem>>, vector<1x1x16xf32>,
        %get3A_1203 = vector.shape_cast %get3A_1202 : vector<1x1x16xf32> to vector<16xf32>
        %add3A_1204 = arith.addf %scan3A_1121, %get3A_1203 : vector<16xf32>
        %add3A_1205 = arith.constant 4 : i32
        %add3A_1206 = arith.addi %add3A_1133, %add3A_1205 : i32
        %get3A_1207 = arith.constant 0 : i32
        %get3A_1208 = arith.index_cast %get3A_1207 : i32 to index
        %get3A_1209 = arith.index_cast %add3A_1206 : i32 to index
        %get3A_1210 = arith.constant 0 : index
        %get3A_1211 = tpu.vector_load %arg6[%get3A_1208, %get3A_1209, %get3A_1210] {strides = array<i32>} : memref<2x1600x32xf32, #tpu.memory_space<vmem>>, vector<1x1x16xf32>,
        %get3A_1212 = vector.shape_cast %get3A_1211 : vector<1x1x16xf32> to vector<16xf32>
        %add3A_1213 = arith.addf %scan3A_1122, %get3A_1212 : vector<16xf32>
        %add3A_1214 = arith.constant 4 : i32
        %add3A_1215 = arith.addi %add3A_1133, %add3A_1214 : i32
        %get3A_1216 = arith.constant 0 : i32
        %get3A_1217 = arith.index_cast %get3A_1216 : i32 to index
        %get3A_1218 = arith.index_cast %add3A_1215 : i32 to index
        %get3A_1219 = arith.constant 16 : index
        %get3A_1220 = tpu.vector_load %arg6[%get3A_1217, %get3A_1218, %get3A_1219] {strides = array<i32>} : memref<2x1600x32xf32, #tpu.memory_space<vmem>>, vector<1x1x16xf32>,
        %get3A_1221 = vector.shape_cast %get3A_1220 : vector<1x1x16xf32> to vector<16xf32>
        %add3A_1222 = arith.addf %scan3A_1123, %get3A_1221 : vector<16xf32>
        %add3A_1223 = arith.constant 5 : i32
        %add3A_1224 = arith.addi %add3A_1133, %add3A_1223 : i32
        %get3A_1225 = arith.constant 0 : i32
        %get3A_1226 = arith.index_cast %get3A_1225 : i32 to index
        %get3A_1227 = arith.index_cast %add3A_1224 : i32 to index
        %get3A_1228 = arith.constant 0 : index
        %get3A_1229 = tpu.vector_load %arg6[%get3A_1226, %get3A_1227, %get3A_1228] {strides = array<i32>} : memref<2x1600x32xf32, #tpu.memory_space<vmem>>, vector<1x1x16xf32>,
        %get3A_1230 = vector.shape_cast %get3A_1229 : vector<1x1x16xf32> to vector<16xf32>
        %add3A_1231 = arith.addf %scan3A_1124, %get3A_1230 : vector<16xf32>
        %add3A_1232 = arith.constant 5 : i32
        %add3A_1233 = arith.addi %add3A_1133, %add3A_1232 : i32
        %get3A_1234 = arith.constant 0 : i32
        %get3A_1235 = arith.index_cast %get3A_1234 : i32 to index
        %get3A_1236 = arith.index_cast %add3A_1233 : i32 to index
        %get3A_1237 = arith.constant 16 : index
        %get3A_1238 = tpu.vector_load %arg6[%get3A_1235, %get3A_1236, %get3A_1237] {strides = array<i32>} : memref<2x1600x32xf32, #tpu.memory_space<vmem>>, vector<1x1x16xf32>,
        %get3A_1239 = vector.shape_cast %get3A_1238 : vector<1x1x16xf32> to vector<16xf32>
        %add3A_1240 = arith.addf %scan3A_1125, %get3A_1239 : vector<16xf32>
        %add3A_1241 = arith.constant 6 : i32
        %add3A_1242 = arith.addi %add3A_1133, %add3A_1241 : i32
        %get3A_1243 = arith.constant 0 : i32
        %get3A_1244 = arith.index_cast %get3A_1243 : i32 to index
        %get3A_1245 = arith.index_cast %add3A_1242 : i32 to index
        %get3A_1246 = arith.constant 0 : index
        %get3A_1247 = tpu.vector_load %arg6[%get3A_1244, %get3A_1245, %get3A_1246] {strides = array<i32>} : memref<2x1600x32xf32, #tpu.memory_space<vmem>>, vector<1x1x16xf32>,
        %get3A_1248 = vector.shape_cast %get3A_1247 : vector<1x1x16xf32> to vector<16xf32>
        %add3A_1249 = arith.addf %scan3A_1126, %get3A_1248 : vector<16xf32>
        %add3A_1250 = arith.constant 6 : i32
        %add3A_1251 = arith.addi %add3A_1133, %add3A_1250 : i32
        %get3A_1252 = arith.constant 0 : i32
        %get3A_1253 = arith.index_cast %get3A_1252 : i32 to index
        %get3A_1254 = arith.index_cast %add3A_1251 : i32 to index
        %get3A_1255 = arith.constant 16 : index
        %get3A_1256 = tpu.vector_load %arg6[%get3A_1253, %get3A_1254, %get3A_1255] {strides = array<i32>} : memref<2x1600x32xf32, #tpu.memory_space<vmem>>, vector<1x1x16xf32>,
        %get3A_1257 = vector.shape_cast %get3A_1256 : vector<1x1x16xf32> to vector<16xf32>
        %add3A_1258 = arith.addf %scan3A_1127, %get3A_1257 : vector<16xf32>
        %add3A_1259 = arith.constant 7 : i32
        %add3A_1260 = arith.addi %add3A_1133, %add3A_1259 : i32
        %get3A_1261 = arith.constant 0 : i32
        %get3A_1262 = arith.index_cast %get3A_1261 : i32 to index
        %get3A_1263 = arith.index_cast %add3A_1260 : i32 to index
        %get3A_1264 = arith.constant 0 : index
        %get3A_1265 = tpu.vector_load %arg6[%get3A_1262, %get3A_1263, %get3A_1264] {strides = array<i32>} : memref<2x1600x32xf32, #tpu.memory_space<vmem>>, vector<1x1x16xf32>,
        %get3A_1266 = vector.shape_cast %get3A_1265 : vector<1x1x16xf32> to vector<16xf32>
        %add3A_1267 = arith.addf %scan3A_1128, %get3A_1266 : vector<16xf32>
        %add3A_1268 = arith.constant 7 : i32
        %add3A_1269 = arith.addi %add3A_1133, %add3A_1268 : i32
        %get3A_1270 = arith.constant 0 : i32
        %get3A_1271 = arith.index_cast %get3A_1270 : i32 to index
        %get3A_1272 = arith.index_cast %add3A_1269 : i32 to index
        %get3A_1273 = arith.constant 16 : index
        %get3A_1274 = tpu.vector_load %arg6[%get3A_1271, %get3A_1272, %get3A_1273] {strides = array<i32>} : memref<2x1600x32xf32, #tpu.memory_space<vmem>>, vector<1x1x16xf32>,
        %get3A_1275 = vector.shape_cast %get3A_1274 : vector<1x1x16xf32> to vector<16xf32>
        %add3A_1276 = arith.addf %scan3A_1129, %get3A_1275 : vector<16xf32>
        scf.yield %add3A_1141, %add3A_1150, %add3A_1159, %add3A_1168, %add3A_1177, %add3A_1186, %add3A_1195, %add3A_1204, %add3A_1213, %add3A_1222, %add3A_1231, %add3A_1240, %add3A_1249, %add3A_1258, %add3A_1267, %add3A_1276 : vector<16xf32>, vector<16xf32>, vector<16xf32>, vector<16xf32>, vector<16xf32>, vector<16xf32>, vector<16xf32>, vector<16xf32>, vector<16xf32>, vector<16xf32>, vector<16xf32>, vector<16xf32>, vector<16xf32>, vector<16xf32>, vector<16xf32>, vector<16xf32>
      }
      %scan3A_432 = arith.constant 25 : i32
      %add3A_433 = arith.addf %scan3A_431#0, %scan3A_431#2 : vector<16xf32>
      %add3A_434 = arith.addf %scan3A_431#1, %scan3A_431#3 : vector<16xf32>
      %add3A_435 = arith.addf %add3A_433, %scan3A_431#4 : vector<16xf32>
      %add3A_436 = arith.addf %add3A_434, %scan3A_431#5 : vector<16xf32>
      %add3A_437 = arith.addf %add3A_435, %scan3A_431#6 : vector<16xf32>
      %add3A_438 = arith.addf %add3A_436, %scan3A_431#7 : vector<16xf32>
      %add3A_439 = arith.addf %add3A_437, %scan3A_431#8 : vector<16xf32>
      %add3A_440 = arith.addf %add3A_438, %scan3A_431#9 : vector<16xf32>
      %add3A_441 = arith.addf %add3A_439, %scan3A_431#10 : vector<16xf32>
      %add3A_442 = arith.addf %add3A_440, %scan3A_431#11 : vector<16xf32>
      %add3A_443 = arith.addf %add3A_441, %scan3A_431#12 : vector<16xf32>
      %add3A_444 = arith.addf %add3A_442, %scan3A_431#13 : vector<16xf32>
      %add3A_445 = arith.addf %add3A_443, %scan3A_431#14 : vector<16xf32>
      %add3A_446 = arith.addf %add3A_444, %scan3A_431#15 : vector<16xf32>
      %mul3A_447 = arith.constant 5.000000e-03 : f32
      %mul3A_448 = vector.broadcast %mul3A_447 : f32 to vector<16xf32>
      %mul3A_449 = arith.mulf %add3A_445, %mul3A_448 : vector<16xf32>
      %swap3A_450 = arith.constant 0 : i32
      %swap3A_451 = arith.constant 2 : i32
      %swap3A_452 = arith.index_cast %swap3A_450 : i32 to index
      %swap3A_453 = arith.index_cast %swap3A_451 : i32 to index
      %swap3A_454 = arith.constant 0 : index
      %swap3A_455 = tpu.vector_load %arg7[%swap3A_452, %swap3A_453, %swap3A_454] {strides = array<i32>} : memref<2x8x32xf32, #tpu.memory_space<vmem>>, vector<1x1x16xf32>,
      %swap3A_456 = vector.shape_cast %swap3A_455 : vector<1x1x16xf32> to vector<16xf32>
      %swap3A_457 = vector.shape_cast %mul3A_449 : vector<16xf32> to vector<1x1x16xf32>
      tpu.vector_store %arg7[%swap3A_452, %swap3A_453, %swap3A_454], %swap3A_457 {strides = array<i32>} : memref<2x8x32xf32, #tpu.memory_space<vmem>>, vector<1x1x16xf32>,
      %mul3A_458 = arith.constant 5.000000e-03 : f32
      %mul3A_459 = vector.broadcast %mul3A_458 : f32 to vector<16xf32>
      %mul3A_460 = arith.mulf %add3A_446, %mul3A_459 : vector<16xf32>
      %swap3A_461 = arith.constant 0 : i32
      %swap3A_462 = arith.constant 2 : i32
      %swap3A_463 = arith.index_cast %swap3A_461 : i32 to index
      %swap3A_464 = arith.index_cast %swap3A_462 : i32 to index
      %swap3A_465 = arith.constant 16 : index
      %swap3A_466 = tpu.vector_load %arg7[%swap3A_463, %swap3A_464, %swap3A_465] {strides = array<i32>} : memref<2x8x32xf32, #tpu.memory_space<vmem>>, vector<1x1x16xf32>,
      %swap3A_467 = vector.shape_cast %swap3A_466 : vector<1x1x16xf32> to vector<16xf32>
      %swap3A_468 = vector.shape_cast %mul3A_460 : vector<16xf32> to vector<1x1x16xf32>
      tpu.vector_store %arg7[%swap3A_463, %swap3A_464, %swap3A_465], %swap3A_468 {strides = array<i32>} : memref<2x8x32xf32, #tpu.memory_space<vmem>>, vector<1x1x16xf32>,
      %broadcast_in_dim3A_469 = arith.constant 0.000000e+00 : f32
      %broadcast_in_dim3A_470 = vector.broadcast %broadcast_in_dim3A_469 : f32 to vector<16xf32>
      %scan3A_471 = arith.constant 0 : i32
      %scan3A_472 = arith.constant 25 : i32
      %scan3A_473 = arith.addi %scan3A_471, %scan3A_472 : i32
      %scan3A_474 = arith.constant 1 : i32
      %scan3A_475:16 = scf.for %scan3A_1113 = %scan3A_471 to %scan3A_473 step %scan3A_474 iter_args(%scan3A_1114 = %broadcast_in_dim3A_470, %scan3A_1115 = %broadcast_in_dim3A_470, %scan3A_1116 = %broadcast_in_dim3A_470, %scan3A_1117 = %broadcast_in_dim3A_470, %scan3A_1118 = %broadcast_in_dim3A_470, %scan3A_1119 = %broadcast_in_dim3A_470, %scan3A_1120 = %broadcast_in_dim3A_470, %scan3A_1121 = %broadcast_in_dim3A_470, %scan3A_1122 = %broadcast_in_dim3A_470, %scan3A_1123 = %broadcast_in_dim3A_470, %scan3A_1124 = %broadcast_in_dim3A_470, %scan3A_1125 = %broadcast_in_dim3A_470, %scan3A_1126 = %broadcast_in_dim3A_470, %scan3A_1127 = %broadcast_in_dim3A_470, %scan3A_1128 = %broadcast_in_dim3A_470, %scan3A_1129 = %broadcast_in_dim3A_470) -> (vector<16xf32>, vector<16xf32>, vector<16xf32>, vector<16xf32>, vector<16xf32>, vector<16xf32>, vector<16xf32>, vector<16xf32>, vector<16xf32>, vector<16xf32>, vector<16xf32>, vector<16xf32>, vector<16xf32>, vector<16xf32>, vector<16xf32>, vector<16xf32>)  : i32 {
        %mul3A_1130 = arith.constant 8 : i32
        %mul3A_1131 = arith.muli %scan3A_1113, %mul3A_1130 : i32
        %add3A_1132 = arith.constant 600 : i32
        %add3A_1133 = arith.addi %add3A_1132, %mul3A_1131 : i32
        %add3A_1134 = arith.constant 0 : i32
        %add3A_1135 = arith.addi %add3A_1133, %add3A_1134 : i32
        %get3A = arith.constant 0 : i32
        %get3A_1136 = arith.index_cast %get3A : i32 to index
        %get3A_1137 = arith.index_cast %add3A_1135 : i32 to index
        %get3A_1138 = arith.constant 0 : index
        %get3A_1139 = tpu.vector_load %arg6[%get3A_1136, %get3A_1137, %get3A_1138] {strides = array<i32>} : memref<2x1600x32xf32, #tpu.memory_space<vmem>>, vector<1x1x16xf32>,
        %get3A_1140 = vector.shape_cast %get3A_1139 : vector<1x1x16xf32> to vector<16xf32>
        %add3A_1141 = arith.addf %scan3A_1114, %get3A_1140 : vector<16xf32>
        %add3A_1142 = arith.constant 0 : i32
        %add3A_1143 = arith.addi %add3A_1133, %add3A_1142 : i32
        %get3A_1144 = arith.constant 0 : i32
        %get3A_1145 = arith.index_cast %get3A_1144 : i32 to index
        %get3A_1146 = arith.index_cast %add3A_1143 : i32 to index
        %get3A_1147 = arith.constant 16 : index
        %get3A_1148 = tpu.vector_load %arg6[%get3A_1145, %get3A_1146, %get3A_1147] {strides = array<i32>} : memref<2x1600x32xf32, #tpu.memory_space<vmem>>, vector<1x1x16xf32>,
        %get3A_1149 = vector.shape_cast %get3A_1148 : vector<1x1x16xf32> to vector<16xf32>
        %add3A_1150 = arith.addf %scan3A_1115, %get3A_1149 : vector<16xf32>
        %add3A_1151 = arith.constant 1 : i32
        %add3A_1152 = arith.addi %add3A_1133, %add3A_1151 : i32
        %get3A_1153 = arith.constant 0 : i32
        %get3A_1154 = arith.index_cast %get3A_1153 : i32 to index
        %get3A_1155 = arith.index_cast %add3A_1152 : i32 to index
        %get3A_1156 = arith.constant 0 : index
        %get3A_1157 = tpu.vector_load %arg6[%get3A_1154, %get3A_1155, %get3A_1156] {strides = array<i32>} : memref<2x1600x32xf32, #tpu.memory_space<vmem>>, vector<1x1x16xf32>,
        %get3A_1158 = vector.shape_cast %get3A_1157 : vector<1x1x16xf32> to vector<16xf32>
        %add3A_1159 = arith.addf %scan3A_1116, %get3A_1158 : vector<16xf32>
        %add3A_1160 = arith.constant 1 : i32
        %add3A_1161 = arith.addi %add3A_1133, %add3A_1160 : i32
        %get3A_1162 = arith.constant 0 : i32
        %get3A_1163 = arith.index_cast %get3A_1162 : i32 to index
        %get3A_1164 = arith.index_cast %add3A_1161 : i32 to index
        %get3A_1165 = arith.constant 16 : index
        %get3A_1166 = tpu.vector_load %arg6[%get3A_1163, %get3A_1164, %get3A_1165] {strides = array<i32>} : memref<2x1600x32xf32, #tpu.memory_space<vmem>>, vector<1x1x16xf32>,
        %get3A_1167 = vector.shape_cast %get3A_1166 : vector<1x1x16xf32> to vector<16xf32>
        %add3A_1168 = arith.addf %scan3A_1117, %get3A_1167 : vector<16xf32>
        %add3A_1169 = arith.constant 2 : i32
        %add3A_1170 = arith.addi %add3A_1133, %add3A_1169 : i32
        %get3A_1171 = arith.constant 0 : i32
        %get3A_1172 = arith.index_cast %get3A_1171 : i32 to index
        %get3A_1173 = arith.index_cast %add3A_1170 : i32 to index
        %get3A_1174 = arith.constant 0 : index
        %get3A_1175 = tpu.vector_load %arg6[%get3A_1172, %get3A_1173, %get3A_1174] {strides = array<i32>} : memref<2x1600x32xf32, #tpu.memory_space<vmem>>, vector<1x1x16xf32>,
        %get3A_1176 = vector.shape_cast %get3A_1175 : vector<1x1x16xf32> to vector<16xf32>
        %add3A_1177 = arith.addf %scan3A_1118, %get3A_1176 : vector<16xf32>
        %add3A_1178 = arith.constant 2 : i32
        %add3A_1179 = arith.addi %add3A_1133, %add3A_1178 : i32
        %get3A_1180 = arith.constant 0 : i32
        %get3A_1181 = arith.index_cast %get3A_1180 : i32 to index
        %get3A_1182 = arith.index_cast %add3A_1179 : i32 to index
        %get3A_1183 = arith.constant 16 : index
        %get3A_1184 = tpu.vector_load %arg6[%get3A_1181, %get3A_1182, %get3A_1183] {strides = array<i32>} : memref<2x1600x32xf32, #tpu.memory_space<vmem>>, vector<1x1x16xf32>,
        %get3A_1185 = vector.shape_cast %get3A_1184 : vector<1x1x16xf32> to vector<16xf32>
        %add3A_1186 = arith.addf %scan3A_1119, %get3A_1185 : vector<16xf32>
        %add3A_1187 = arith.constant 3 : i32
        %add3A_1188 = arith.addi %add3A_1133, %add3A_1187 : i32
        %get3A_1189 = arith.constant 0 : i32
        %get3A_1190 = arith.index_cast %get3A_1189 : i32 to index
        %get3A_1191 = arith.index_cast %add3A_1188 : i32 to index
        %get3A_1192 = arith.constant 0 : index
        %get3A_1193 = tpu.vector_load %arg6[%get3A_1190, %get3A_1191, %get3A_1192] {strides = array<i32>} : memref<2x1600x32xf32, #tpu.memory_space<vmem>>, vector<1x1x16xf32>,
        %get3A_1194 = vector.shape_cast %get3A_1193 : vector<1x1x16xf32> to vector<16xf32>
        %add3A_1195 = arith.addf %scan3A_1120, %get3A_1194 : vector<16xf32>
        %add3A_1196 = arith.constant 3 : i32
        %add3A_1197 = arith.addi %add3A_1133, %add3A_1196 : i32
        %get3A_1198 = arith.constant 0 : i32
        %get3A_1199 = arith.index_cast %get3A_1198 : i32 to index
        %get3A_1200 = arith.index_cast %add3A_1197 : i32 to index
        %get3A_1201 = arith.constant 16 : index
        %get3A_1202 = tpu.vector_load %arg6[%get3A_1199, %get3A_1200, %get3A_1201] {strides = array<i32>} : memref<2x1600x32xf32, #tpu.memory_space<vmem>>, vector<1x1x16xf32>,
        %get3A_1203 = vector.shape_cast %get3A_1202 : vector<1x1x16xf32> to vector<16xf32>
        %add3A_1204 = arith.addf %scan3A_1121, %get3A_1203 : vector<16xf32>
        %add3A_1205 = arith.constant 4 : i32
        %add3A_1206 = arith.addi %add3A_1133, %add3A_1205 : i32
        %get3A_1207 = arith.constant 0 : i32
        %get3A_1208 = arith.index_cast %get3A_1207 : i32 to index
        %get3A_1209 = arith.index_cast %add3A_1206 : i32 to index
        %get3A_1210 = arith.constant 0 : index
        %get3A_1211 = tpu.vector_load %arg6[%get3A_1208, %get3A_1209, %get3A_1210] {strides = array<i32>} : memref<2x1600x32xf32, #tpu.memory_space<vmem>>, vector<1x1x16xf32>,
        %get3A_1212 = vector.shape_cast %get3A_1211 : vector<1x1x16xf32> to vector<16xf32>
        %add3A_1213 = arith.addf %scan3A_1122, %get3A_1212 : vector<16xf32>
        %add3A_1214 = arith.constant 4 : i32
        %add3A_1215 = arith.addi %add3A_1133, %add3A_1214 : i32
        %get3A_1216 = arith.constant 0 : i32
        %get3A_1217 = arith.index_cast %get3A_1216 : i32 to index
        %get3A_1218 = arith.index_cast %add3A_1215 : i32 to index
        %get3A_1219 = arith.constant 16 : index
        %get3A_1220 = tpu.vector_load %arg6[%get3A_1217, %get3A_1218, %get3A_1219] {strides = array<i32>} : memref<2x1600x32xf32, #tpu.memory_space<vmem>>, vector<1x1x16xf32>,
        %get3A_1221 = vector.shape_cast %get3A_1220 : vector<1x1x16xf32> to vector<16xf32>
        %add3A_1222 = arith.addf %scan3A_1123, %get3A_1221 : vector<16xf32>
        %add3A_1223 = arith.constant 5 : i32
        %add3A_1224 = arith.addi %add3A_1133, %add3A_1223 : i32
        %get3A_1225 = arith.constant 0 : i32
        %get3A_1226 = arith.index_cast %get3A_1225 : i32 to index
        %get3A_1227 = arith.index_cast %add3A_1224 : i32 to index
        %get3A_1228 = arith.constant 0 : index
        %get3A_1229 = tpu.vector_load %arg6[%get3A_1226, %get3A_1227, %get3A_1228] {strides = array<i32>} : memref<2x1600x32xf32, #tpu.memory_space<vmem>>, vector<1x1x16xf32>,
        %get3A_1230 = vector.shape_cast %get3A_1229 : vector<1x1x16xf32> to vector<16xf32>
        %add3A_1231 = arith.addf %scan3A_1124, %get3A_1230 : vector<16xf32>
        %add3A_1232 = arith.constant 5 : i32
        %add3A_1233 = arith.addi %add3A_1133, %add3A_1232 : i32
        %get3A_1234 = arith.constant 0 : i32
        %get3A_1235 = arith.index_cast %get3A_1234 : i32 to index
        %get3A_1236 = arith.index_cast %add3A_1233 : i32 to index
        %get3A_1237 = arith.constant 16 : index
        %get3A_1238 = tpu.vector_load %arg6[%get3A_1235, %get3A_1236, %get3A_1237] {strides = array<i32>} : memref<2x1600x32xf32, #tpu.memory_space<vmem>>, vector<1x1x16xf32>,
        %get3A_1239 = vector.shape_cast %get3A_1238 : vector<1x1x16xf32> to vector<16xf32>
        %add3A_1240 = arith.addf %scan3A_1125, %get3A_1239 : vector<16xf32>
        %add3A_1241 = arith.constant 6 : i32
        %add3A_1242 = arith.addi %add3A_1133, %add3A_1241 : i32
        %get3A_1243 = arith.constant 0 : i32
        %get3A_1244 = arith.index_cast %get3A_1243 : i32 to index
        %get3A_1245 = arith.index_cast %add3A_1242 : i32 to index
        %get3A_1246 = arith.constant 0 : index
        %get3A_1247 = tpu.vector_load %arg6[%get3A_1244, %get3A_1245, %get3A_1246] {strides = array<i32>} : memref<2x1600x32xf32, #tpu.memory_space<vmem>>, vector<1x1x16xf32>,
        %get3A_1248 = vector.shape_cast %get3A_1247 : vector<1x1x16xf32> to vector<16xf32>
        %add3A_1249 = arith.addf %scan3A_1126, %get3A_1248 : vector<16xf32>
        %add3A_1250 = arith.constant 6 : i32
        %add3A_1251 = arith.addi %add3A_1133, %add3A_1250 : i32
        %get3A_1252 = arith.constant 0 : i32
        %get3A_1253 = arith.index_cast %get3A_1252 : i32 to index
        %get3A_1254 = arith.index_cast %add3A_1251 : i32 to index
        %get3A_1255 = arith.constant 16 : index
        %get3A_1256 = tpu.vector_load %arg6[%get3A_1253, %get3A_1254, %get3A_1255] {strides = array<i32>} : memref<2x1600x32xf32, #tpu.memory_space<vmem>>, vector<1x1x16xf32>,
        %get3A_1257 = vector.shape_cast %get3A_1256 : vector<1x1x16xf32> to vector<16xf32>
        %add3A_1258 = arith.addf %scan3A_1127, %get3A_1257 : vector<16xf32>
        %add3A_1259 = arith.constant 7 : i32
        %add3A_1260 = arith.addi %add3A_1133, %add3A_1259 : i32
        %get3A_1261 = arith.constant 0 : i32
        %get3A_1262 = arith.index_cast %get3A_1261 : i32 to index
        %get3A_1263 = arith.index_cast %add3A_1260 : i32 to index
        %get3A_1264 = arith.constant 0 : index
        %get3A_1265 = tpu.vector_load %arg6[%get3A_1262, %get3A_1263, %get3A_1264] {strides = array<i32>} : memref<2x1600x32xf32, #tpu.memory_space<vmem>>, vector<1x1x16xf32>,
        %get3A_1266 = vector.shape_cast %get3A_1265 : vector<1x1x16xf32> to vector<16xf32>
        %add3A_1267 = arith.addf %scan3A_1128, %get3A_1266 : vector<16xf32>
        %add3A_1268 = arith.constant 7 : i32
        %add3A_1269 = arith.addi %add3A_1133, %add3A_1268 : i32
        %get3A_1270 = arith.constant 0 : i32
        %get3A_1271 = arith.index_cast %get3A_1270 : i32 to index
        %get3A_1272 = arith.index_cast %add3A_1269 : i32 to index
        %get3A_1273 = arith.constant 16 : index
        %get3A_1274 = tpu.vector_load %arg6[%get3A_1271, %get3A_1272, %get3A_1273] {strides = array<i32>} : memref<2x1600x32xf32, #tpu.memory_space<vmem>>, vector<1x1x16xf32>,
        %get3A_1275 = vector.shape_cast %get3A_1274 : vector<1x1x16xf32> to vector<16xf32>
        %add3A_1276 = arith.addf %scan3A_1129, %get3A_1275 : vector<16xf32>
        scf.yield %add3A_1141, %add3A_1150, %add3A_1159, %add3A_1168, %add3A_1177, %add3A_1186, %add3A_1195, %add3A_1204, %add3A_1213, %add3A_1222, %add3A_1231, %add3A_1240, %add3A_1249, %add3A_1258, %add3A_1267, %add3A_1276 : vector<16xf32>, vector<16xf32>, vector<16xf32>, vector<16xf32>, vector<16xf32>, vector<16xf32>, vector<16xf32>, vector<16xf32>, vector<16xf32>, vector<16xf32>, vector<16xf32>, vector<16xf32>, vector<16xf32>, vector<16xf32>, vector<16xf32>, vector<16xf32>
      }
      %scan3A_476 = arith.constant 25 : i32
      %add3A_477 = arith.addf %scan3A_475#0, %scan3A_475#2 : vector<16xf32>
      %add3A_478 = arith.addf %scan3A_475#1, %scan3A_475#3 : vector<16xf32>
      %add3A_479 = arith.addf %add3A_477, %scan3A_475#4 : vector<16xf32>
      %add3A_480 = arith.addf %add3A_478, %scan3A_475#5 : vector<16xf32>
      %add3A_481 = arith.addf %add3A_479, %scan3A_475#6 : vector<16xf32>
      %add3A_482 = arith.addf %add3A_480, %scan3A_475#7 : vector<16xf32>
      %add3A_483 = arith.addf %add3A_481, %scan3A_475#8 : vector<16xf32>
      %add3A_484 = arith.addf %add3A_482, %scan3A_475#9 : vector<16xf32>
      %add3A_485 = arith.addf %add3A_483, %scan3A_475#10 : vector<16xf32>
      %add3A_486 = arith.addf %add3A_484, %scan3A_475#11 : vector<16xf32>
      %add3A_487 = arith.addf %add3A_485, %scan3A_475#12 : vector<16xf32>
      %add3A_488 = arith.addf %add3A_486, %scan3A_475#13 : vector<16xf32>
      %add3A_489 = arith.addf %add3A_487, %scan3A_475#14 : vector<16xf32>
      %add3A_490 = arith.addf %add3A_488, %scan3A_475#15 : vector<16xf32>
      %mul3A_491 = arith.constant 5.000000e-03 : f32
      %mul3A_492 = vector.broadcast %mul3A_491 : f32 to vector<16xf32>
      %mul3A_493 = arith.mulf %add3A_489, %mul3A_492 : vector<16xf32>
      %swap3A_494 = arith.constant 0 : i32
      %swap3A_495 = arith.constant 3 : i32
      %swap3A_496 = arith.index_cast %swap3A_494 : i32 to index
      %swap3A_497 = arith.index_cast %swap3A_495 : i32 to index
      %swap3A_498 = arith.constant 0 : index
      %swap3A_499 = tpu.vector_load %arg7[%swap3A_496, %swap3A_497, %swap3A_498] {strides = array<i32>} : memref<2x8x32xf32, #tpu.memory_space<vmem>>, vector<1x1x16xf32>,
      %swap3A_500 = vector.shape_cast %swap3A_499 : vector<1x1x16xf32> to vector<16xf32>
      %swap3A_501 = vector.shape_cast %mul3A_493 : vector<16xf32> to vector<1x1x16xf32>
      tpu.vector_store %arg7[%swap3A_496, %swap3A_497, %swap3A_498], %swap3A_501 {strides = array<i32>} : memref<2x8x32xf32, #tpu.memory_space<vmem>>, vector<1x1x16xf32>,
      %mul3A_502 = arith.constant 5.000000e-03 : f32
      %mul3A_503 = vector.broadcast %mul3A_502 : f32 to vector<16xf32>
      %mul3A_504 = arith.mulf %add3A_490, %mul3A_503 : vector<16xf32>
      %swap3A_505 = arith.constant 0 : i32
      %swap3A_506 = arith.constant 3 : i32
      %swap3A_507 = arith.index_cast %swap3A_505 : i32 to index
      %swap3A_508 = arith.index_cast %swap3A_506 : i32 to index
      %swap3A_509 = arith.constant 16 : index
      %swap3A_510 = tpu.vector_load %arg7[%swap3A_507, %swap3A_508, %swap3A_509] {strides = array<i32>} : memref<2x8x32xf32, #tpu.memory_space<vmem>>, vector<1x1x16xf32>,
      %swap3A_511 = vector.shape_cast %swap3A_510 : vector<1x1x16xf32> to vector<16xf32>
      %swap3A_512 = vector.shape_cast %mul3A_504 : vector<16xf32> to vector<1x1x16xf32>
      tpu.vector_store %arg7[%swap3A_507, %swap3A_508, %swap3A_509], %swap3A_512 {strides = array<i32>} : memref<2x8x32xf32, #tpu.memory_space<vmem>>, vector<1x1x16xf32>,
      %broadcast_in_dim3A_513 = arith.constant 0.000000e+00 : f32
      %broadcast_in_dim3A_514 = vector.broadcast %broadcast_in_dim3A_513 : f32 to vector<16xf32>
      %scan3A_515 = arith.constant 0 : i32
      %scan3A_516 = arith.constant 25 : i32
      %scan3A_517 = arith.addi %scan3A_515, %scan3A_516 : i32
      %scan3A_518 = arith.constant 1 : i32
      %scan3A_519:16 = scf.for %scan3A_1113 = %scan3A_515 to %scan3A_517 step %scan3A_518 iter_args(%scan3A_1114 = %broadcast_in_dim3A_514, %scan3A_1115 = %broadcast_in_dim3A_514, %scan3A_1116 = %broadcast_in_dim3A_514, %scan3A_1117 = %broadcast_in_dim3A_514, %scan3A_1118 = %broadcast_in_dim3A_514, %scan3A_1119 = %broadcast_in_dim3A_514, %scan3A_1120 = %broadcast_in_dim3A_514, %scan3A_1121 = %broadcast_in_dim3A_514, %scan3A_1122 = %broadcast_in_dim3A_514, %scan3A_1123 = %broadcast_in_dim3A_514, %scan3A_1124 = %broadcast_in_dim3A_514, %scan3A_1125 = %broadcast_in_dim3A_514, %scan3A_1126 = %broadcast_in_dim3A_514, %scan3A_1127 = %broadcast_in_dim3A_514, %scan3A_1128 = %broadcast_in_dim3A_514, %scan3A_1129 = %broadcast_in_dim3A_514) -> (vector<16xf32>, vector<16xf32>, vector<16xf32>, vector<16xf32>, vector<16xf32>, vector<16xf32>, vector<16xf32>, vector<16xf32>, vector<16xf32>, vector<16xf32>, vector<16xf32>, vector<16xf32>, vector<16xf32>, vector<16xf32>, vector<16xf32>, vector<16xf32>)  : i32 {
        %mul3A_1130 = arith.constant 8 : i32
        %mul3A_1131 = arith.muli %scan3A_1113, %mul3A_1130 : i32
        %add3A_1132 = arith.constant 800 : i32
        %add3A_1133 = arith.addi %add3A_1132, %mul3A_1131 : i32
        %add3A_1134 = arith.constant 0 : i32
        %add3A_1135 = arith.addi %add3A_1133, %add3A_1134 : i32
        %get3A = arith.constant 0 : i32
        %get3A_1136 = arith.index_cast %get3A : i32 to index
        %get3A_1137 = arith.index_cast %add3A_1135 : i32 to index
        %get3A_1138 = arith.constant 0 : index
        %get3A_1139 = tpu.vector_load %arg6[%get3A_1136, %get3A_1137, %get3A_1138] {strides = array<i32>} : memref<2x1600x32xf32, #tpu.memory_space<vmem>>, vector<1x1x16xf32>,
        %get3A_1140 = vector.shape_cast %get3A_1139 : vector<1x1x16xf32> to vector<16xf32>
        %add3A_1141 = arith.addf %scan3A_1114, %get3A_1140 : vector<16xf32>
        %add3A_1142 = arith.constant 0 : i32
        %add3A_1143 = arith.addi %add3A_1133, %add3A_1142 : i32
        %get3A_1144 = arith.constant 0 : i32
        %get3A_1145 = arith.index_cast %get3A_1144 : i32 to index
        %get3A_1146 = arith.index_cast %add3A_1143 : i32 to index
        %get3A_1147 = arith.constant 16 : index
        %get3A_1148 = tpu.vector_load %arg6[%get3A_1145, %get3A_1146, %get3A_1147] {strides = array<i32>} : memref<2x1600x32xf32, #tpu.memory_space<vmem>>, vector<1x1x16xf32>,
        %get3A_1149 = vector.shape_cast %get3A_1148 : vector<1x1x16xf32> to vector<16xf32>
        %add3A_1150 = arith.addf %scan3A_1115, %get3A_1149 : vector<16xf32>
        %add3A_1151 = arith.constant 1 : i32
        %add3A_1152 = arith.addi %add3A_1133, %add3A_1151 : i32
        %get3A_1153 = arith.constant 0 : i32
        %get3A_1154 = arith.index_cast %get3A_1153 : i32 to index
        %get3A_1155 = arith.index_cast %add3A_1152 : i32 to index
        %get3A_1156 = arith.constant 0 : index
        %get3A_1157 = tpu.vector_load %arg6[%get3A_1154, %get3A_1155, %get3A_1156] {strides = array<i32>} : memref<2x1600x32xf32, #tpu.memory_space<vmem>>, vector<1x1x16xf32>,
        %get3A_1158 = vector.shape_cast %get3A_1157 : vector<1x1x16xf32> to vector<16xf32>
        %add3A_1159 = arith.addf %scan3A_1116, %get3A_1158 : vector<16xf32>
        %add3A_1160 = arith.constant 1 : i32
        %add3A_1161 = arith.addi %add3A_1133, %add3A_1160 : i32
        %get3A_1162 = arith.constant 0 : i32
        %get3A_1163 = arith.index_cast %get3A_1162 : i32 to index
        %get3A_1164 = arith.index_cast %add3A_1161 : i32 to index
        %get3A_1165 = arith.constant 16 : index
        %get3A_1166 = tpu.vector_load %arg6[%get3A_1163, %get3A_1164, %get3A_1165] {strides = array<i32>} : memref<2x1600x32xf32, #tpu.memory_space<vmem>>, vector<1x1x16xf32>,
        %get3A_1167 = vector.shape_cast %get3A_1166 : vector<1x1x16xf32> to vector<16xf32>
        %add3A_1168 = arith.addf %scan3A_1117, %get3A_1167 : vector<16xf32>
        %add3A_1169 = arith.constant 2 : i32
        %add3A_1170 = arith.addi %add3A_1133, %add3A_1169 : i32
        %get3A_1171 = arith.constant 0 : i32
        %get3A_1172 = arith.index_cast %get3A_1171 : i32 to index
        %get3A_1173 = arith.index_cast %add3A_1170 : i32 to index
        %get3A_1174 = arith.constant 0 : index
        %get3A_1175 = tpu.vector_load %arg6[%get3A_1172, %get3A_1173, %get3A_1174] {strides = array<i32>} : memref<2x1600x32xf32, #tpu.memory_space<vmem>>, vector<1x1x16xf32>,
        %get3A_1176 = vector.shape_cast %get3A_1175 : vector<1x1x16xf32> to vector<16xf32>
        %add3A_1177 = arith.addf %scan3A_1118, %get3A_1176 : vector<16xf32>
        %add3A_1178 = arith.constant 2 : i32
        %add3A_1179 = arith.addi %add3A_1133, %add3A_1178 : i32
        %get3A_1180 = arith.constant 0 : i32
        %get3A_1181 = arith.index_cast %get3A_1180 : i32 to index
        %get3A_1182 = arith.index_cast %add3A_1179 : i32 to index
        %get3A_1183 = arith.constant 16 : index
        %get3A_1184 = tpu.vector_load %arg6[%get3A_1181, %get3A_1182, %get3A_1183] {strides = array<i32>} : memref<2x1600x32xf32, #tpu.memory_space<vmem>>, vector<1x1x16xf32>,
        %get3A_1185 = vector.shape_cast %get3A_1184 : vector<1x1x16xf32> to vector<16xf32>
        %add3A_1186 = arith.addf %scan3A_1119, %get3A_1185 : vector<16xf32>
        %add3A_1187 = arith.constant 3 : i32
        %add3A_1188 = arith.addi %add3A_1133, %add3A_1187 : i32
        %get3A_1189 = arith.constant 0 : i32
        %get3A_1190 = arith.index_cast %get3A_1189 : i32 to index
        %get3A_1191 = arith.index_cast %add3A_1188 : i32 to index
        %get3A_1192 = arith.constant 0 : index
        %get3A_1193 = tpu.vector_load %arg6[%get3A_1190, %get3A_1191, %get3A_1192] {strides = array<i32>} : memref<2x1600x32xf32, #tpu.memory_space<vmem>>, vector<1x1x16xf32>,
        %get3A_1194 = vector.shape_cast %get3A_1193 : vector<1x1x16xf32> to vector<16xf32>
        %add3A_1195 = arith.addf %scan3A_1120, %get3A_1194 : vector<16xf32>
        %add3A_1196 = arith.constant 3 : i32
        %add3A_1197 = arith.addi %add3A_1133, %add3A_1196 : i32
        %get3A_1198 = arith.constant 0 : i32
        %get3A_1199 = arith.index_cast %get3A_1198 : i32 to index
        %get3A_1200 = arith.index_cast %add3A_1197 : i32 to index
        %get3A_1201 = arith.constant 16 : index
        %get3A_1202 = tpu.vector_load %arg6[%get3A_1199, %get3A_1200, %get3A_1201] {strides = array<i32>} : memref<2x1600x32xf32, #tpu.memory_space<vmem>>, vector<1x1x16xf32>,
        %get3A_1203 = vector.shape_cast %get3A_1202 : vector<1x1x16xf32> to vector<16xf32>
        %add3A_1204 = arith.addf %scan3A_1121, %get3A_1203 : vector<16xf32>
        %add3A_1205 = arith.constant 4 : i32
        %add3A_1206 = arith.addi %add3A_1133, %add3A_1205 : i32
        %get3A_1207 = arith.constant 0 : i32
        %get3A_1208 = arith.index_cast %get3A_1207 : i32 to index
        %get3A_1209 = arith.index_cast %add3A_1206 : i32 to index
        %get3A_1210 = arith.constant 0 : index
        %get3A_1211 = tpu.vector_load %arg6[%get3A_1208, %get3A_1209, %get3A_1210] {strides = array<i32>} : memref<2x1600x32xf32, #tpu.memory_space<vmem>>, vector<1x1x16xf32>,
        %get3A_1212 = vector.shape_cast %get3A_1211 : vector<1x1x16xf32> to vector<16xf32>
        %add3A_1213 = arith.addf %scan3A_1122, %get3A_1212 : vector<16xf32>
        %add3A_1214 = arith.constant 4 : i32
        %add3A_1215 = arith.addi %add3A_1133, %add3A_1214 : i32
        %get3A_1216 = arith.constant 0 : i32
        %get3A_1217 = arith.index_cast %get3A_1216 : i32 to index
        %get3A_1218 = arith.index_cast %add3A_1215 : i32 to index
        %get3A_1219 = arith.constant 16 : index
        %get3A_1220 = tpu.vector_load %arg6[%get3A_1217, %get3A_1218, %get3A_1219] {strides = array<i32>} : memref<2x1600x32xf32, #tpu.memory_space<vmem>>, vector<1x1x16xf32>,
        %get3A_1221 = vector.shape_cast %get3A_1220 : vector<1x1x16xf32> to vector<16xf32>
        %add3A_1222 = arith.addf %scan3A_1123, %get3A_1221 : vector<16xf32>
        %add3A_1223 = arith.constant 5 : i32
        %add3A_1224 = arith.addi %add3A_1133, %add3A_1223 : i32
        %get3A_1225 = arith.constant 0 : i32
        %get3A_1226 = arith.index_cast %get3A_1225 : i32 to index
        %get3A_1227 = arith.index_cast %add3A_1224 : i32 to index
        %get3A_1228 = arith.constant 0 : index
        %get3A_1229 = tpu.vector_load %arg6[%get3A_1226, %get3A_1227, %get3A_1228] {strides = array<i32>} : memref<2x1600x32xf32, #tpu.memory_space<vmem>>, vector<1x1x16xf32>,
        %get3A_1230 = vector.shape_cast %get3A_1229 : vector<1x1x16xf32> to vector<16xf32>
        %add3A_1231 = arith.addf %scan3A_1124, %get3A_1230 : vector<16xf32>
        %add3A_1232 = arith.constant 5 : i32
        %add3A_1233 = arith.addi %add3A_1133, %add3A_1232 : i32
        %get3A_1234 = arith.constant 0 : i32
        %get3A_1235 = arith.index_cast %get3A_1234 : i32 to index
        %get3A_1236 = arith.index_cast %add3A_1233 : i32 to index
        %get3A_1237 = arith.constant 16 : index
        %get3A_1238 = tpu.vector_load %arg6[%get3A_1235, %get3A_1236, %get3A_1237] {strides = array<i32>} : memref<2x1600x32xf32, #tpu.memory_space<vmem>>, vector<1x1x16xf32>,
        %get3A_1239 = vector.shape_cast %get3A_1238 : vector<1x1x16xf32> to vector<16xf32>
        %add3A_1240 = arith.addf %scan3A_1125, %get3A_1239 : vector<16xf32>
        %add3A_1241 = arith.constant 6 : i32
        %add3A_1242 = arith.addi %add3A_1133, %add3A_1241 : i32
        %get3A_1243 = arith.constant 0 : i32
        %get3A_1244 = arith.index_cast %get3A_1243 : i32 to index
        %get3A_1245 = arith.index_cast %add3A_1242 : i32 to index
        %get3A_1246 = arith.constant 0 : index
        %get3A_1247 = tpu.vector_load %arg6[%get3A_1244, %get3A_1245, %get3A_1246] {strides = array<i32>} : memref<2x1600x32xf32, #tpu.memory_space<vmem>>, vector<1x1x16xf32>,
        %get3A_1248 = vector.shape_cast %get3A_1247 : vector<1x1x16xf32> to vector<16xf32>
        %add3A_1249 = arith.addf %scan3A_1126, %get3A_1248 : vector<16xf32>
        %add3A_1250 = arith.constant 6 : i32
        %add3A_1251 = arith.addi %add3A_1133, %add3A_1250 : i32
        %get3A_1252 = arith.constant 0 : i32
        %get3A_1253 = arith.index_cast %get3A_1252 : i32 to index
        %get3A_1254 = arith.index_cast %add3A_1251 : i32 to index
        %get3A_1255 = arith.constant 16 : index
        %get3A_1256 = tpu.vector_load %arg6[%get3A_1253, %get3A_1254, %get3A_1255] {strides = array<i32>} : memref<2x1600x32xf32, #tpu.memory_space<vmem>>, vector<1x1x16xf32>,
        %get3A_1257 = vector.shape_cast %get3A_1256 : vector<1x1x16xf32> to vector<16xf32>
        %add3A_1258 = arith.addf %scan3A_1127, %get3A_1257 : vector<16xf32>
        %add3A_1259 = arith.constant 7 : i32
        %add3A_1260 = arith.addi %add3A_1133, %add3A_1259 : i32
        %get3A_1261 = arith.constant 0 : i32
        %get3A_1262 = arith.index_cast %get3A_1261 : i32 to index
        %get3A_1263 = arith.index_cast %add3A_1260 : i32 to index
        %get3A_1264 = arith.constant 0 : index
        %get3A_1265 = tpu.vector_load %arg6[%get3A_1262, %get3A_1263, %get3A_1264] {strides = array<i32>} : memref<2x1600x32xf32, #tpu.memory_space<vmem>>, vector<1x1x16xf32>,
        %get3A_1266 = vector.shape_cast %get3A_1265 : vector<1x1x16xf32> to vector<16xf32>
        %add3A_1267 = arith.addf %scan3A_1128, %get3A_1266 : vector<16xf32>
        %add3A_1268 = arith.constant 7 : i32
        %add3A_1269 = arith.addi %add3A_1133, %add3A_1268 : i32
        %get3A_1270 = arith.constant 0 : i32
        %get3A_1271 = arith.index_cast %get3A_1270 : i32 to index
        %get3A_1272 = arith.index_cast %add3A_1269 : i32 to index
        %get3A_1273 = arith.constant 16 : index
        %get3A_1274 = tpu.vector_load %arg6[%get3A_1271, %get3A_1272, %get3A_1273] {strides = array<i32>} : memref<2x1600x32xf32, #tpu.memory_space<vmem>>, vector<1x1x16xf32>,
        %get3A_1275 = vector.shape_cast %get3A_1274 : vector<1x1x16xf32> to vector<16xf32>
        %add3A_1276 = arith.addf %scan3A_1129, %get3A_1275 : vector<16xf32>
        scf.yield %add3A_1141, %add3A_1150, %add3A_1159, %add3A_1168, %add3A_1177, %add3A_1186, %add3A_1195, %add3A_1204, %add3A_1213, %add3A_1222, %add3A_1231, %add3A_1240, %add3A_1249, %add3A_1258, %add3A_1267, %add3A_1276 : vector<16xf32>, vector<16xf32>, vector<16xf32>, vector<16xf32>, vector<16xf32>, vector<16xf32>, vector<16xf32>, vector<16xf32>, vector<16xf32>, vector<16xf32>, vector<16xf32>, vector<16xf32>, vector<16xf32>, vector<16xf32>, vector<16xf32>, vector<16xf32>
      }
      %scan3A_520 = arith.constant 25 : i32
      %add3A_521 = arith.addf %scan3A_519#0, %scan3A_519#2 : vector<16xf32>
      %add3A_522 = arith.addf %scan3A_519#1, %scan3A_519#3 : vector<16xf32>
      %add3A_523 = arith.addf %add3A_521, %scan3A_519#4 : vector<16xf32>
      %add3A_524 = arith.addf %add3A_522, %scan3A_519#5 : vector<16xf32>
      %add3A_525 = arith.addf %add3A_523, %scan3A_519#6 : vector<16xf32>
      %add3A_526 = arith.addf %add3A_524, %scan3A_519#7 : vector<16xf32>
      %add3A_527 = arith.addf %add3A_525, %scan3A_519#8 : vector<16xf32>
      %add3A_528 = arith.addf %add3A_526, %scan3A_519#9 : vector<16xf32>
      %add3A_529 = arith.addf %add3A_527, %scan3A_519#10 : vector<16xf32>
      %add3A_530 = arith.addf %add3A_528, %scan3A_519#11 : vector<16xf32>
      %add3A_531 = arith.addf %add3A_529, %scan3A_519#12 : vector<16xf32>
      %add3A_532 = arith.addf %add3A_530, %scan3A_519#13 : vector<16xf32>
      %add3A_533 = arith.addf %add3A_531, %scan3A_519#14 : vector<16xf32>
      %add3A_534 = arith.addf %add3A_532, %scan3A_519#15 : vector<16xf32>
      %mul3A_535 = arith.constant 5.000000e-03 : f32
      %mul3A_536 = vector.broadcast %mul3A_535 : f32 to vector<16xf32>
      %mul3A_537 = arith.mulf %add3A_533, %mul3A_536 : vector<16xf32>
      %swap3A_538 = arith.constant 0 : i32
      %swap3A_539 = arith.constant 4 : i32
      %swap3A_540 = arith.index_cast %swap3A_538 : i32 to index
      %swap3A_541 = arith.index_cast %swap3A_539 : i32 to index
      %swap3A_542 = arith.constant 0 : index
      %swap3A_543 = tpu.vector_load %arg7[%swap3A_540, %swap3A_541, %swap3A_542] {strides = array<i32>} : memref<2x8x32xf32, #tpu.memory_space<vmem>>, vector<1x1x16xf32>,
      %swap3A_544 = vector.shape_cast %swap3A_543 : vector<1x1x16xf32> to vector<16xf32>
      %swap3A_545 = vector.shape_cast %mul3A_537 : vector<16xf32> to vector<1x1x16xf32>
      tpu.vector_store %arg7[%swap3A_540, %swap3A_541, %swap3A_542], %swap3A_545 {strides = array<i32>} : memref<2x8x32xf32, #tpu.memory_space<vmem>>, vector<1x1x16xf32>,
      %mul3A_546 = arith.constant 5.000000e-03 : f32
      %mul3A_547 = vector.broadcast %mul3A_546 : f32 to vector<16xf32>
      %mul3A_548 = arith.mulf %add3A_534, %mul3A_547 : vector<16xf32>
      %swap3A_549 = arith.constant 0 : i32
      %swap3A_550 = arith.constant 4 : i32
      %swap3A_551 = arith.index_cast %swap3A_549 : i32 to index
      %swap3A_552 = arith.index_cast %swap3A_550 : i32 to index
      %swap3A_553 = arith.constant 16 : index
      %swap3A_554 = tpu.vector_load %arg7[%swap3A_551, %swap3A_552, %swap3A_553] {strides = array<i32>} : memref<2x8x32xf32, #tpu.memory_space<vmem>>, vector<1x1x16xf32>,
      %swap3A_555 = vector.shape_cast %swap3A_554 : vector<1x1x16xf32> to vector<16xf32>
      %swap3A_556 = vector.shape_cast %mul3A_548 : vector<16xf32> to vector<1x1x16xf32>
      tpu.vector_store %arg7[%swap3A_551, %swap3A_552, %swap3A_553], %swap3A_556 {strides = array<i32>} : memref<2x8x32xf32, #tpu.memory_space<vmem>>, vector<1x1x16xf32>,
      %broadcast_in_dim3A_557 = arith.constant 0.000000e+00 : f32
      %broadcast_in_dim3A_558 = vector.broadcast %broadcast_in_dim3A_557 : f32 to vector<16xf32>
      %scan3A_559 = arith.constant 0 : i32
      %scan3A_560 = arith.constant 25 : i32
      %scan3A_561 = arith.addi %scan3A_559, %scan3A_560 : i32
      %scan3A_562 = arith.constant 1 : i32
      %scan3A_563:16 = scf.for %scan3A_1113 = %scan3A_559 to %scan3A_561 step %scan3A_562 iter_args(%scan3A_1114 = %broadcast_in_dim3A_558, %scan3A_1115 = %broadcast_in_dim3A_558, %scan3A_1116 = %broadcast_in_dim3A_558, %scan3A_1117 = %broadcast_in_dim3A_558, %scan3A_1118 = %broadcast_in_dim3A_558, %scan3A_1119 = %broadcast_in_dim3A_558, %scan3A_1120 = %broadcast_in_dim3A_558, %scan3A_1121 = %broadcast_in_dim3A_558, %scan3A_1122 = %broadcast_in_dim3A_558, %scan3A_1123 = %broadcast_in_dim3A_558, %scan3A_1124 = %broadcast_in_dim3A_558, %scan3A_1125 = %broadcast_in_dim3A_558, %scan3A_1126 = %broadcast_in_dim3A_558, %scan3A_1127 = %broadcast_in_dim3A_558, %scan3A_1128 = %broadcast_in_dim3A_558, %scan3A_1129 = %broadcast_in_dim3A_558) -> (vector<16xf32>, vector<16xf32>, vector<16xf32>, vector<16xf32>, vector<16xf32>, vector<16xf32>, vector<16xf32>, vector<16xf32>, vector<16xf32>, vector<16xf32>, vector<16xf32>, vector<16xf32>, vector<16xf32>, vector<16xf32>, vector<16xf32>, vector<16xf32>)  : i32 {
        %mul3A_1130 = arith.constant 8 : i32
        %mul3A_1131 = arith.muli %scan3A_1113, %mul3A_1130 : i32
        %add3A_1132 = arith.constant 1000 : i32
        %add3A_1133 = arith.addi %add3A_1132, %mul3A_1131 : i32
        %add3A_1134 = arith.constant 0 : i32
        %add3A_1135 = arith.addi %add3A_1133, %add3A_1134 : i32
        %get3A = arith.constant 0 : i32
        %get3A_1136 = arith.index_cast %get3A : i32 to index
        %get3A_1137 = arith.index_cast %add3A_1135 : i32 to index
        %get3A_1138 = arith.constant 0 : index
        %get3A_1139 = tpu.vector_load %arg6[%get3A_1136, %get3A_1137, %get3A_1138] {strides = array<i32>} : memref<2x1600x32xf32, #tpu.memory_space<vmem>>, vector<1x1x16xf32>,
        %get3A_1140 = vector.shape_cast %get3A_1139 : vector<1x1x16xf32> to vector<16xf32>
        %add3A_1141 = arith.addf %scan3A_1114, %get3A_1140 : vector<16xf32>
        %add3A_1142 = arith.constant 0 : i32
        %add3A_1143 = arith.addi %add3A_1133, %add3A_1142 : i32
        %get3A_1144 = arith.constant 0 : i32
        %get3A_1145 = arith.index_cast %get3A_1144 : i32 to index
        %get3A_1146 = arith.index_cast %add3A_1143 : i32 to index
        %get3A_1147 = arith.constant 16 : index
        %get3A_1148 = tpu.vector_load %arg6[%get3A_1145, %get3A_1146, %get3A_1147] {strides = array<i32>} : memref<2x1600x32xf32, #tpu.memory_space<vmem>>, vector<1x1x16xf32>,
        %get3A_1149 = vector.shape_cast %get3A_1148 : vector<1x1x16xf32> to vector<16xf32>
        %add3A_1150 = arith.addf %scan3A_1115, %get3A_1149 : vector<16xf32>
        %add3A_1151 = arith.constant 1 : i32
        %add3A_1152 = arith.addi %add3A_1133, %add3A_1151 : i32
        %get3A_1153 = arith.constant 0 : i32
        %get3A_1154 = arith.index_cast %get3A_1153 : i32 to index
        %get3A_1155 = arith.index_cast %add3A_1152 : i32 to index
        %get3A_1156 = arith.constant 0 : index
        %get3A_1157 = tpu.vector_load %arg6[%get3A_1154, %get3A_1155, %get3A_1156] {strides = array<i32>} : memref<2x1600x32xf32, #tpu.memory_space<vmem>>, vector<1x1x16xf32>,
        %get3A_1158 = vector.shape_cast %get3A_1157 : vector<1x1x16xf32> to vector<16xf32>
        %add3A_1159 = arith.addf %scan3A_1116, %get3A_1158 : vector<16xf32>
        %add3A_1160 = arith.constant 1 : i32
        %add3A_1161 = arith.addi %add3A_1133, %add3A_1160 : i32
        %get3A_1162 = arith.constant 0 : i32
        %get3A_1163 = arith.index_cast %get3A_1162 : i32 to index
        %get3A_1164 = arith.index_cast %add3A_1161 : i32 to index
        %get3A_1165 = arith.constant 16 : index
        %get3A_1166 = tpu.vector_load %arg6[%get3A_1163, %get3A_1164, %get3A_1165] {strides = array<i32>} : memref<2x1600x32xf32, #tpu.memory_space<vmem>>, vector<1x1x16xf32>,
        %get3A_1167 = vector.shape_cast %get3A_1166 : vector<1x1x16xf32> to vector<16xf32>
        %add3A_1168 = arith.addf %scan3A_1117, %get3A_1167 : vector<16xf32>
        %add3A_1169 = arith.constant 2 : i32
        %add3A_1170 = arith.addi %add3A_1133, %add3A_1169 : i32
        %get3A_1171 = arith.constant 0 : i32
        %get3A_1172 = arith.index_cast %get3A_1171 : i32 to index
        %get3A_1173 = arith.index_cast %add3A_1170 : i32 to index
        %get3A_1174 = arith.constant 0 : index
        %get3A_1175 = tpu.vector_load %arg6[%get3A_1172, %get3A_1173, %get3A_1174] {strides = array<i32>} : memref<2x1600x32xf32, #tpu.memory_space<vmem>>, vector<1x1x16xf32>,
        %get3A_1176 = vector.shape_cast %get3A_1175 : vector<1x1x16xf32> to vector<16xf32>
        %add3A_1177 = arith.addf %scan3A_1118, %get3A_1176 : vector<16xf32>
        %add3A_1178 = arith.constant 2 : i32
        %add3A_1179 = arith.addi %add3A_1133, %add3A_1178 : i32
        %get3A_1180 = arith.constant 0 : i32
        %get3A_1181 = arith.index_cast %get3A_1180 : i32 to index
        %get3A_1182 = arith.index_cast %add3A_1179 : i32 to index
        %get3A_1183 = arith.constant 16 : index
        %get3A_1184 = tpu.vector_load %arg6[%get3A_1181, %get3A_1182, %get3A_1183] {strides = array<i32>} : memref<2x1600x32xf32, #tpu.memory_space<vmem>>, vector<1x1x16xf32>,
        %get3A_1185 = vector.shape_cast %get3A_1184 : vector<1x1x16xf32> to vector<16xf32>
        %add3A_1186 = arith.addf %scan3A_1119, %get3A_1185 : vector<16xf32>
        %add3A_1187 = arith.constant 3 : i32
        %add3A_1188 = arith.addi %add3A_1133, %add3A_1187 : i32
        %get3A_1189 = arith.constant 0 : i32
        %get3A_1190 = arith.index_cast %get3A_1189 : i32 to index
        %get3A_1191 = arith.index_cast %add3A_1188 : i32 to index
        %get3A_1192 = arith.constant 0 : index
        %get3A_1193 = tpu.vector_load %arg6[%get3A_1190, %get3A_1191, %get3A_1192] {strides = array<i32>} : memref<2x1600x32xf32, #tpu.memory_space<vmem>>, vector<1x1x16xf32>,
        %get3A_1194 = vector.shape_cast %get3A_1193 : vector<1x1x16xf32> to vector<16xf32>
        %add3A_1195 = arith.addf %scan3A_1120, %get3A_1194 : vector<16xf32>
        %add3A_1196 = arith.constant 3 : i32
        %add3A_1197 = arith.addi %add3A_1133, %add3A_1196 : i32
        %get3A_1198 = arith.constant 0 : i32
        %get3A_1199 = arith.index_cast %get3A_1198 : i32 to index
        %get3A_1200 = arith.index_cast %add3A_1197 : i32 to index
        %get3A_1201 = arith.constant 16 : index
        %get3A_1202 = tpu.vector_load %arg6[%get3A_1199, %get3A_1200, %get3A_1201] {strides = array<i32>} : memref<2x1600x32xf32, #tpu.memory_space<vmem>>, vector<1x1x16xf32>,
        %get3A_1203 = vector.shape_cast %get3A_1202 : vector<1x1x16xf32> to vector<16xf32>
        %add3A_1204 = arith.addf %scan3A_1121, %get3A_1203 : vector<16xf32>
        %add3A_1205 = arith.constant 4 : i32
        %add3A_1206 = arith.addi %add3A_1133, %add3A_1205 : i32
        %get3A_1207 = arith.constant 0 : i32
        %get3A_1208 = arith.index_cast %get3A_1207 : i32 to index
        %get3A_1209 = arith.index_cast %add3A_1206 : i32 to index
        %get3A_1210 = arith.constant 0 : index
        %get3A_1211 = tpu.vector_load %arg6[%get3A_1208, %get3A_1209, %get3A_1210] {strides = array<i32>} : memref<2x1600x32xf32, #tpu.memory_space<vmem>>, vector<1x1x16xf32>,
        %get3A_1212 = vector.shape_cast %get3A_1211 : vector<1x1x16xf32> to vector<16xf32>
        %add3A_1213 = arith.addf %scan3A_1122, %get3A_1212 : vector<16xf32>
        %add3A_1214 = arith.constant 4 : i32
        %add3A_1215 = arith.addi %add3A_1133, %add3A_1214 : i32
        %get3A_1216 = arith.constant 0 : i32
        %get3A_1217 = arith.index_cast %get3A_1216 : i32 to index
        %get3A_1218 = arith.index_cast %add3A_1215 : i32 to index
        %get3A_1219 = arith.constant 16 : index
        %get3A_1220 = tpu.vector_load %arg6[%get3A_1217, %get3A_1218, %get3A_1219] {strides = array<i32>} : memref<2x1600x32xf32, #tpu.memory_space<vmem>>, vector<1x1x16xf32>,
        %get3A_1221 = vector.shape_cast %get3A_1220 : vector<1x1x16xf32> to vector<16xf32>
        %add3A_1222 = arith.addf %scan3A_1123, %get3A_1221 : vector<16xf32>
        %add3A_1223 = arith.constant 5 : i32
        %add3A_1224 = arith.addi %add3A_1133, %add3A_1223 : i32
        %get3A_1225 = arith.constant 0 : i32
        %get3A_1226 = arith.index_cast %get3A_1225 : i32 to index
        %get3A_1227 = arith.index_cast %add3A_1224 : i32 to index
        %get3A_1228 = arith.constant 0 : index
        %get3A_1229 = tpu.vector_load %arg6[%get3A_1226, %get3A_1227, %get3A_1228] {strides = array<i32>} : memref<2x1600x32xf32, #tpu.memory_space<vmem>>, vector<1x1x16xf32>,
        %get3A_1230 = vector.shape_cast %get3A_1229 : vector<1x1x16xf32> to vector<16xf32>
        %add3A_1231 = arith.addf %scan3A_1124, %get3A_1230 : vector<16xf32>
        %add3A_1232 = arith.constant 5 : i32
        %add3A_1233 = arith.addi %add3A_1133, %add3A_1232 : i32
        %get3A_1234 = arith.constant 0 : i32
        %get3A_1235 = arith.index_cast %get3A_1234 : i32 to index
        %get3A_1236 = arith.index_cast %add3A_1233 : i32 to index
        %get3A_1237 = arith.constant 16 : index
        %get3A_1238 = tpu.vector_load %arg6[%get3A_1235, %get3A_1236, %get3A_1237] {strides = array<i32>} : memref<2x1600x32xf32, #tpu.memory_space<vmem>>, vector<1x1x16xf32>,
        %get3A_1239 = vector.shape_cast %get3A_1238 : vector<1x1x16xf32> to vector<16xf32>
        %add3A_1240 = arith.addf %scan3A_1125, %get3A_1239 : vector<16xf32>
        %add3A_1241 = arith.constant 6 : i32
        %add3A_1242 = arith.addi %add3A_1133, %add3A_1241 : i32
        %get3A_1243 = arith.constant 0 : i32
        %get3A_1244 = arith.index_cast %get3A_1243 : i32 to index
        %get3A_1245 = arith.index_cast %add3A_1242 : i32 to index
        %get3A_1246 = arith.constant 0 : index
        %get3A_1247 = tpu.vector_load %arg6[%get3A_1244, %get3A_1245, %get3A_1246] {strides = array<i32>} : memref<2x1600x32xf32, #tpu.memory_space<vmem>>, vector<1x1x16xf32>,
        %get3A_1248 = vector.shape_cast %get3A_1247 : vector<1x1x16xf32> to vector<16xf32>
        %add3A_1249 = arith.addf %scan3A_1126, %get3A_1248 : vector<16xf32>
        %add3A_1250 = arith.constant 6 : i32
        %add3A_1251 = arith.addi %add3A_1133, %add3A_1250 : i32
        %get3A_1252 = arith.constant 0 : i32
        %get3A_1253 = arith.index_cast %get3A_1252 : i32 to index
        %get3A_1254 = arith.index_cast %add3A_1251 : i32 to index
        %get3A_1255 = arith.constant 16 : index
        %get3A_1256 = tpu.vector_load %arg6[%get3A_1253, %get3A_1254, %get3A_1255] {strides = array<i32>} : memref<2x1600x32xf32, #tpu.memory_space<vmem>>, vector<1x1x16xf32>,
        %get3A_1257 = vector.shape_cast %get3A_1256 : vector<1x1x16xf32> to vector<16xf32>
        %add3A_1258 = arith.addf %scan3A_1127, %get3A_1257 : vector<16xf32>
        %add3A_1259 = arith.constant 7 : i32
        %add3A_1260 = arith.addi %add3A_1133, %add3A_1259 : i32
        %get3A_1261 = arith.constant 0 : i32
        %get3A_1262 = arith.index_cast %get3A_1261 : i32 to index
        %get3A_1263 = arith.index_cast %add3A_1260 : i32 to index
        %get3A_1264 = arith.constant 0 : index
        %get3A_1265 = tpu.vector_load %arg6[%get3A_1262, %get3A_1263, %get3A_1264] {strides = array<i32>} : memref<2x1600x32xf32, #tpu.memory_space<vmem>>, vector<1x1x16xf32>,
        %get3A_1266 = vector.shape_cast %get3A_1265 : vector<1x1x16xf32> to vector<16xf32>
        %add3A_1267 = arith.addf %scan3A_1128, %get3A_1266 : vector<16xf32>
        %add3A_1268 = arith.constant 7 : i32
        %add3A_1269 = arith.addi %add3A_1133, %add3A_1268 : i32
        %get3A_1270 = arith.constant 0 : i32
        %get3A_1271 = arith.index_cast %get3A_1270 : i32 to index
        %get3A_1272 = arith.index_cast %add3A_1269 : i32 to index
        %get3A_1273 = arith.constant 16 : index
        %get3A_1274 = tpu.vector_load %arg6[%get3A_1271, %get3A_1272, %get3A_1273] {strides = array<i32>} : memref<2x1600x32xf32, #tpu.memory_space<vmem>>, vector<1x1x16xf32>,
        %get3A_1275 = vector.shape_cast %get3A_1274 : vector<1x1x16xf32> to vector<16xf32>
        %add3A_1276 = arith.addf %scan3A_1129, %get3A_1275 : vector<16xf32>
        scf.yield %add3A_1141, %add3A_1150, %add3A_1159, %add3A_1168, %add3A_1177, %add3A_1186, %add3A_1195, %add3A_1204, %add3A_1213, %add3A_1222, %add3A_1231, %add3A_1240, %add3A_1249, %add3A_1258, %add3A_1267, %add3A_1276 : vector<16xf32>, vector<16xf32>, vector<16xf32>, vector<16xf32>, vector<16xf32>, vector<16xf32>, vector<16xf32>, vector<16xf32>, vector<16xf32>, vector<16xf32>, vector<16xf32>, vector<16xf32>, vector<16xf32>, vector<16xf32>, vector<16xf32>, vector<16xf32>
      }
      %scan3A_564 = arith.constant 25 : i32
      %add3A_565 = arith.addf %scan3A_563#0, %scan3A_563#2 : vector<16xf32>
      %add3A_566 = arith.addf %scan3A_563#1, %scan3A_563#3 : vector<16xf32>
      %add3A_567 = arith.addf %add3A_565, %scan3A_563#4 : vector<16xf32>
      %add3A_568 = arith.addf %add3A_566, %scan3A_563#5 : vector<16xf32>
      %add3A_569 = arith.addf %add3A_567, %scan3A_563#6 : vector<16xf32>
      %add3A_570 = arith.addf %add3A_568, %scan3A_563#7 : vector<16xf32>
      %add3A_571 = arith.addf %add3A_569, %scan3A_563#8 : vector<16xf32>
      %add3A_572 = arith.addf %add3A_570, %scan3A_563#9 : vector<16xf32>
      %add3A_573 = arith.addf %add3A_571, %scan3A_563#10 : vector<16xf32>
      %add3A_574 = arith.addf %add3A_572, %scan3A_563#11 : vector<16xf32>
      %add3A_575 = arith.addf %add3A_573, %scan3A_563#12 : vector<16xf32>
      %add3A_576 = arith.addf %add3A_574, %scan3A_563#13 : vector<16xf32>
      %add3A_577 = arith.addf %add3A_575, %scan3A_563#14 : vector<16xf32>
      %add3A_578 = arith.addf %add3A_576, %scan3A_563#15 : vector<16xf32>
      %mul3A_579 = arith.constant 5.000000e-03 : f32
      %mul3A_580 = vector.broadcast %mul3A_579 : f32 to vector<16xf32>
      %mul3A_581 = arith.mulf %add3A_577, %mul3A_580 : vector<16xf32>
      %swap3A_582 = arith.constant 0 : i32
      %swap3A_583 = arith.constant 5 : i32
      %swap3A_584 = arith.index_cast %swap3A_582 : i32 to index
      %swap3A_585 = arith.index_cast %swap3A_583 : i32 to index
      %swap3A_586 = arith.constant 0 : index
      %swap3A_587 = tpu.vector_load %arg7[%swap3A_584, %swap3A_585, %swap3A_586] {strides = array<i32>} : memref<2x8x32xf32, #tpu.memory_space<vmem>>, vector<1x1x16xf32>,
      %swap3A_588 = vector.shape_cast %swap3A_587 : vector<1x1x16xf32> to vector<16xf32>
      %swap3A_589 = vector.shape_cast %mul3A_581 : vector<16xf32> to vector<1x1x16xf32>
      tpu.vector_store %arg7[%swap3A_584, %swap3A_585, %swap3A_586], %swap3A_589 {strides = array<i32>} : memref<2x8x32xf32, #tpu.memory_space<vmem>>, vector<1x1x16xf32>,
      %mul3A_590 = arith.constant 5.000000e-03 : f32
      %mul3A_591 = vector.broadcast %mul3A_590 : f32 to vector<16xf32>
      %mul3A_592 = arith.mulf %add3A_578, %mul3A_591 : vector<16xf32>
      %swap3A_593 = arith.constant 0 : i32
      %swap3A_594 = arith.constant 5 : i32
      %swap3A_595 = arith.index_cast %swap3A_593 : i32 to index
      %swap3A_596 = arith.index_cast %swap3A_594 : i32 to index
      %swap3A_597 = arith.constant 16 : index
      %swap3A_598 = tpu.vector_load %arg7[%swap3A_595, %swap3A_596, %swap3A_597] {strides = array<i32>} : memref<2x8x32xf32, #tpu.memory_space<vmem>>, vector<1x1x16xf32>,
      %swap3A_599 = vector.shape_cast %swap3A_598 : vector<1x1x16xf32> to vector<16xf32>
      %swap3A_600 = vector.shape_cast %mul3A_592 : vector<16xf32> to vector<1x1x16xf32>
      tpu.vector_store %arg7[%swap3A_595, %swap3A_596, %swap3A_597], %swap3A_600 {strides = array<i32>} : memref<2x8x32xf32, #tpu.memory_space<vmem>>, vector<1x1x16xf32>,
      %broadcast_in_dim3A_601 = arith.constant 0.000000e+00 : f32
      %broadcast_in_dim3A_602 = vector.broadcast %broadcast_in_dim3A_601 : f32 to vector<16xf32>
      %scan3A_603 = arith.constant 0 : i32
      %scan3A_604 = arith.constant 25 : i32
      %scan3A_605 = arith.addi %scan3A_603, %scan3A_604 : i32
      %scan3A_606 = arith.constant 1 : i32
      %scan3A_607:16 = scf.for %scan3A_1113 = %scan3A_603 to %scan3A_605 step %scan3A_606 iter_args(%scan3A_1114 = %broadcast_in_dim3A_602, %scan3A_1115 = %broadcast_in_dim3A_602, %scan3A_1116 = %broadcast_in_dim3A_602, %scan3A_1117 = %broadcast_in_dim3A_602, %scan3A_1118 = %broadcast_in_dim3A_602, %scan3A_1119 = %broadcast_in_dim3A_602, %scan3A_1120 = %broadcast_in_dim3A_602, %scan3A_1121 = %broadcast_in_dim3A_602, %scan3A_1122 = %broadcast_in_dim3A_602, %scan3A_1123 = %broadcast_in_dim3A_602, %scan3A_1124 = %broadcast_in_dim3A_602, %scan3A_1125 = %broadcast_in_dim3A_602, %scan3A_1126 = %broadcast_in_dim3A_602, %scan3A_1127 = %broadcast_in_dim3A_602, %scan3A_1128 = %broadcast_in_dim3A_602, %scan3A_1129 = %broadcast_in_dim3A_602) -> (vector<16xf32>, vector<16xf32>, vector<16xf32>, vector<16xf32>, vector<16xf32>, vector<16xf32>, vector<16xf32>, vector<16xf32>, vector<16xf32>, vector<16xf32>, vector<16xf32>, vector<16xf32>, vector<16xf32>, vector<16xf32>, vector<16xf32>, vector<16xf32>)  : i32 {
        %mul3A_1130 = arith.constant 8 : i32
        %mul3A_1131 = arith.muli %scan3A_1113, %mul3A_1130 : i32
        %add3A_1132 = arith.constant 1200 : i32
        %add3A_1133 = arith.addi %add3A_1132, %mul3A_1131 : i32
        %add3A_1134 = arith.constant 0 : i32
        %add3A_1135 = arith.addi %add3A_1133, %add3A_1134 : i32
        %get3A = arith.constant 0 : i32
        %get3A_1136 = arith.index_cast %get3A : i32 to index
        %get3A_1137 = arith.index_cast %add3A_1135 : i32 to index
        %get3A_1138 = arith.constant 0 : index
        %get3A_1139 = tpu.vector_load %arg6[%get3A_1136, %get3A_1137, %get3A_1138] {strides = array<i32>} : memref<2x1600x32xf32, #tpu.memory_space<vmem>>, vector<1x1x16xf32>,
        %get3A_1140 = vector.shape_cast %get3A_1139 : vector<1x1x16xf32> to vector<16xf32>
        %add3A_1141 = arith.addf %scan3A_1114, %get3A_1140 : vector<16xf32>
        %add3A_1142 = arith.constant 0 : i32
        %add3A_1143 = arith.addi %add3A_1133, %add3A_1142 : i32
        %get3A_1144 = arith.constant 0 : i32
        %get3A_1145 = arith.index_cast %get3A_1144 : i32 to index
        %get3A_1146 = arith.index_cast %add3A_1143 : i32 to index
        %get3A_1147 = arith.constant 16 : index
        %get3A_1148 = tpu.vector_load %arg6[%get3A_1145, %get3A_1146, %get3A_1147] {strides = array<i32>} : memref<2x1600x32xf32, #tpu.memory_space<vmem>>, vector<1x1x16xf32>,
        %get3A_1149 = vector.shape_cast %get3A_1148 : vector<1x1x16xf32> to vector<16xf32>
        %add3A_1150 = arith.addf %scan3A_1115, %get3A_1149 : vector<16xf32>
        %add3A_1151 = arith.constant 1 : i32
        %add3A_1152 = arith.addi %add3A_1133, %add3A_1151 : i32
        %get3A_1153 = arith.constant 0 : i32
        %get3A_1154 = arith.index_cast %get3A_1153 : i32 to index
        %get3A_1155 = arith.index_cast %add3A_1152 : i32 to index
        %get3A_1156 = arith.constant 0 : index
        %get3A_1157 = tpu.vector_load %arg6[%get3A_1154, %get3A_1155, %get3A_1156] {strides = array<i32>} : memref<2x1600x32xf32, #tpu.memory_space<vmem>>, vector<1x1x16xf32>,
        %get3A_1158 = vector.shape_cast %get3A_1157 : vector<1x1x16xf32> to vector<16xf32>
        %add3A_1159 = arith.addf %scan3A_1116, %get3A_1158 : vector<16xf32>
        %add3A_1160 = arith.constant 1 : i32
        %add3A_1161 = arith.addi %add3A_1133, %add3A_1160 : i32
        %get3A_1162 = arith.constant 0 : i32
        %get3A_1163 = arith.index_cast %get3A_1162 : i32 to index
        %get3A_1164 = arith.index_cast %add3A_1161 : i32 to index
        %get3A_1165 = arith.constant 16 : index
        %get3A_1166 = tpu.vector_load %arg6[%get3A_1163, %get3A_1164, %get3A_1165] {strides = array<i32>} : memref<2x1600x32xf32, #tpu.memory_space<vmem>>, vector<1x1x16xf32>,
        %get3A_1167 = vector.shape_cast %get3A_1166 : vector<1x1x16xf32> to vector<16xf32>
        %add3A_1168 = arith.addf %scan3A_1117, %get3A_1167 : vector<16xf32>
        %add3A_1169 = arith.constant 2 : i32
        %add3A_1170 = arith.addi %add3A_1133, %add3A_1169 : i32
        %get3A_1171 = arith.constant 0 : i32
        %get3A_1172 = arith.index_cast %get3A_1171 : i32 to index
        %get3A_1173 = arith.index_cast %add3A_1170 : i32 to index
        %get3A_1174 = arith.constant 0 : index
        %get3A_1175 = tpu.vector_load %arg6[%get3A_1172, %get3A_1173, %get3A_1174] {strides = array<i32>} : memref<2x1600x32xf32, #tpu.memory_space<vmem>>, vector<1x1x16xf32>,
        %get3A_1176 = vector.shape_cast %get3A_1175 : vector<1x1x16xf32> to vector<16xf32>
        %add3A_1177 = arith.addf %scan3A_1118, %get3A_1176 : vector<16xf32>
        %add3A_1178 = arith.constant 2 : i32
        %add3A_1179 = arith.addi %add3A_1133, %add3A_1178 : i32
        %get3A_1180 = arith.constant 0 : i32
        %get3A_1181 = arith.index_cast %get3A_1180 : i32 to index
        %get3A_1182 = arith.index_cast %add3A_1179 : i32 to index
        %get3A_1183 = arith.constant 16 : index
        %get3A_1184 = tpu.vector_load %arg6[%get3A_1181, %get3A_1182, %get3A_1183] {strides = array<i32>} : memref<2x1600x32xf32, #tpu.memory_space<vmem>>, vector<1x1x16xf32>,
        %get3A_1185 = vector.shape_cast %get3A_1184 : vector<1x1x16xf32> to vector<16xf32>
        %add3A_1186 = arith.addf %scan3A_1119, %get3A_1185 : vector<16xf32>
        %add3A_1187 = arith.constant 3 : i32
        %add3A_1188 = arith.addi %add3A_1133, %add3A_1187 : i32
        %get3A_1189 = arith.constant 0 : i32
        %get3A_1190 = arith.index_cast %get3A_1189 : i32 to index
        %get3A_1191 = arith.index_cast %add3A_1188 : i32 to index
        %get3A_1192 = arith.constant 0 : index
        %get3A_1193 = tpu.vector_load %arg6[%get3A_1190, %get3A_1191, %get3A_1192] {strides = array<i32>} : memref<2x1600x32xf32, #tpu.memory_space<vmem>>, vector<1x1x16xf32>,
        %get3A_1194 = vector.shape_cast %get3A_1193 : vector<1x1x16xf32> to vector<16xf32>
        %add3A_1195 = arith.addf %scan3A_1120, %get3A_1194 : vector<16xf32>
        %add3A_1196 = arith.constant 3 : i32
        %add3A_1197 = arith.addi %add3A_1133, %add3A_1196 : i32
        %get3A_1198 = arith.constant 0 : i32
        %get3A_1199 = arith.index_cast %get3A_1198 : i32 to index
        %get3A_1200 = arith.index_cast %add3A_1197 : i32 to index
        %get3A_1201 = arith.constant 16 : index
        %get3A_1202 = tpu.vector_load %arg6[%get3A_1199, %get3A_1200, %get3A_1201] {strides = array<i32>} : memref<2x1600x32xf32, #tpu.memory_space<vmem>>, vector<1x1x16xf32>,
        %get3A_1203 = vector.shape_cast %get3A_1202 : vector<1x1x16xf32> to vector<16xf32>
        %add3A_1204 = arith.addf %scan3A_1121, %get3A_1203 : vector<16xf32>
        %add3A_1205 = arith.constant 4 : i32
        %add3A_1206 = arith.addi %add3A_1133, %add3A_1205 : i32
        %get3A_1207 = arith.constant 0 : i32
        %get3A_1208 = arith.index_cast %get3A_1207 : i32 to index
        %get3A_1209 = arith.index_cast %add3A_1206 : i32 to index
        %get3A_1210 = arith.constant 0 : index
        %get3A_1211 = tpu.vector_load %arg6[%get3A_1208, %get3A_1209, %get3A_1210] {strides = array<i32>} : memref<2x1600x32xf32, #tpu.memory_space<vmem>>, vector<1x1x16xf32>,
        %get3A_1212 = vector.shape_cast %get3A_1211 : vector<1x1x16xf32> to vector<16xf32>
        %add3A_1213 = arith.addf %scan3A_1122, %get3A_1212 : vector<16xf32>
        %add3A_1214 = arith.constant 4 : i32
        %add3A_1215 = arith.addi %add3A_1133, %add3A_1214 : i32
        %get3A_1216 = arith.constant 0 : i32
        %get3A_1217 = arith.index_cast %get3A_1216 : i32 to index
        %get3A_1218 = arith.index_cast %add3A_1215 : i32 to index
        %get3A_1219 = arith.constant 16 : index
        %get3A_1220 = tpu.vector_load %arg6[%get3A_1217, %get3A_1218, %get3A_1219] {strides = array<i32>} : memref<2x1600x32xf32, #tpu.memory_space<vmem>>, vector<1x1x16xf32>,
        %get3A_1221 = vector.shape_cast %get3A_1220 : vector<1x1x16xf32> to vector<16xf32>
        %add3A_1222 = arith.addf %scan3A_1123, %get3A_1221 : vector<16xf32>
        %add3A_1223 = arith.constant 5 : i32
        %add3A_1224 = arith.addi %add3A_1133, %add3A_1223 : i32
        %get3A_1225 = arith.constant 0 : i32
        %get3A_1226 = arith.index_cast %get3A_1225 : i32 to index
        %get3A_1227 = arith.index_cast %add3A_1224 : i32 to index
        %get3A_1228 = arith.constant 0 : index
        %get3A_1229 = tpu.vector_load %arg6[%get3A_1226, %get3A_1227, %get3A_1228] {strides = array<i32>} : memref<2x1600x32xf32, #tpu.memory_space<vmem>>, vector<1x1x16xf32>,
        %get3A_1230 = vector.shape_cast %get3A_1229 : vector<1x1x16xf32> to vector<16xf32>
        %add3A_1231 = arith.addf %scan3A_1124, %get3A_1230 : vector<16xf32>
        %add3A_1232 = arith.constant 5 : i32
        %add3A_1233 = arith.addi %add3A_1133, %add3A_1232 : i32
        %get3A_1234 = arith.constant 0 : i32
        %get3A_1235 = arith.index_cast %get3A_1234 : i32 to index
        %get3A_1236 = arith.index_cast %add3A_1233 : i32 to index
        %get3A_1237 = arith.constant 16 : index
        %get3A_1238 = tpu.vector_load %arg6[%get3A_1235, %get3A_1236, %get3A_1237] {strides = array<i32>} : memref<2x1600x32xf32, #tpu.memory_space<vmem>>, vector<1x1x16xf32>,
        %get3A_1239 = vector.shape_cast %get3A_1238 : vector<1x1x16xf32> to vector<16xf32>
        %add3A_1240 = arith.addf %scan3A_1125, %get3A_1239 : vector<16xf32>
        %add3A_1241 = arith.constant 6 : i32
        %add3A_1242 = arith.addi %add3A_1133, %add3A_1241 : i32
        %get3A_1243 = arith.constant 0 : i32
        %get3A_1244 = arith.index_cast %get3A_1243 : i32 to index
        %get3A_1245 = arith.index_cast %add3A_1242 : i32 to index
        %get3A_1246 = arith.constant 0 : index
        %get3A_1247 = tpu.vector_load %arg6[%get3A_1244, %get3A_1245, %get3A_1246] {strides = array<i32>} : memref<2x1600x32xf32, #tpu.memory_space<vmem>>, vector<1x1x16xf32>,
        %get3A_1248 = vector.shape_cast %get3A_1247 : vector<1x1x16xf32> to vector<16xf32>
        %add3A_1249 = arith.addf %scan3A_1126, %get3A_1248 : vector<16xf32>
        %add3A_1250 = arith.constant 6 : i32
        %add3A_1251 = arith.addi %add3A_1133, %add3A_1250 : i32
        %get3A_1252 = arith.constant 0 : i32
        %get3A_1253 = arith.index_cast %get3A_1252 : i32 to index
        %get3A_1254 = arith.index_cast %add3A_1251 : i32 to index
        %get3A_1255 = arith.constant 16 : index
        %get3A_1256 = tpu.vector_load %arg6[%get3A_1253, %get3A_1254, %get3A_1255] {strides = array<i32>} : memref<2x1600x32xf32, #tpu.memory_space<vmem>>, vector<1x1x16xf32>,
        %get3A_1257 = vector.shape_cast %get3A_1256 : vector<1x1x16xf32> to vector<16xf32>
        %add3A_1258 = arith.addf %scan3A_1127, %get3A_1257 : vector<16xf32>
        %add3A_1259 = arith.constant 7 : i32
        %add3A_1260 = arith.addi %add3A_1133, %add3A_1259 : i32
        %get3A_1261 = arith.constant 0 : i32
        %get3A_1262 = arith.index_cast %get3A_1261 : i32 to index
        %get3A_1263 = arith.index_cast %add3A_1260 : i32 to index
        %get3A_1264 = arith.constant 0 : index
        %get3A_1265 = tpu.vector_load %arg6[%get3A_1262, %get3A_1263, %get3A_1264] {strides = array<i32>} : memref<2x1600x32xf32, #tpu.memory_space<vmem>>, vector<1x1x16xf32>,
        %get3A_1266 = vector.shape_cast %get3A_1265 : vector<1x1x16xf32> to vector<16xf32>
        %add3A_1267 = arith.addf %scan3A_1128, %get3A_1266 : vector<16xf32>
        %add3A_1268 = arith.constant 7 : i32
        %add3A_1269 = arith.addi %add3A_1133, %add3A_1268 : i32
        %get3A_1270 = arith.constant 0 : i32
        %get3A_1271 = arith.index_cast %get3A_1270 : i32 to index
        %get3A_1272 = arith.index_cast %add3A_1269 : i32 to index
        %get3A_1273 = arith.constant 16 : index
        %get3A_1274 = tpu.vector_load %arg6[%get3A_1271, %get3A_1272, %get3A_1273] {strides = array<i32>} : memref<2x1600x32xf32, #tpu.memory_space<vmem>>, vector<1x1x16xf32>,
        %get3A_1275 = vector.shape_cast %get3A_1274 : vector<1x1x16xf32> to vector<16xf32>
        %add3A_1276 = arith.addf %scan3A_1129, %get3A_1275 : vector<16xf32>
        scf.yield %add3A_1141, %add3A_1150, %add3A_1159, %add3A_1168, %add3A_1177, %add3A_1186, %add3A_1195, %add3A_1204, %add3A_1213, %add3A_1222, %add3A_1231, %add3A_1240, %add3A_1249, %add3A_1258, %add3A_1267, %add3A_1276 : vector<16xf32>, vector<16xf32>, vector<16xf32>, vector<16xf32>, vector<16xf32>, vector<16xf32>, vector<16xf32>, vector<16xf32>, vector<16xf32>, vector<16xf32>, vector<16xf32>, vector<16xf32>, vector<16xf32>, vector<16xf32>, vector<16xf32>, vector<16xf32>
      }
      %scan3A_608 = arith.constant 25 : i32
      %add3A_609 = arith.addf %scan3A_607#0, %scan3A_607#2 : vector<16xf32>
      %add3A_610 = arith.addf %scan3A_607#1, %scan3A_607#3 : vector<16xf32>
      %add3A_611 = arith.addf %add3A_609, %scan3A_607#4 : vector<16xf32>
      %add3A_612 = arith.addf %add3A_610, %scan3A_607#5 : vector<16xf32>
      %add3A_613 = arith.addf %add3A_611, %scan3A_607#6 : vector<16xf32>
      %add3A_614 = arith.addf %add3A_612, %scan3A_607#7 : vector<16xf32>
      %add3A_615 = arith.addf %add3A_613, %scan3A_607#8 : vector<16xf32>
      %add3A_616 = arith.addf %add3A_614, %scan3A_607#9 : vector<16xf32>
      %add3A_617 = arith.addf %add3A_615, %scan3A_607#10 : vector<16xf32>
      %add3A_618 = arith.addf %add3A_616, %scan3A_607#11 : vector<16xf32>
      %add3A_619 = arith.addf %add3A_617, %scan3A_607#12 : vector<16xf32>
      %add3A_620 = arith.addf %add3A_618, %scan3A_607#13 : vector<16xf32>
      %add3A_621 = arith.addf %add3A_619, %scan3A_607#14 : vector<16xf32>
      %add3A_622 = arith.addf %add3A_620, %scan3A_607#15 : vector<16xf32>
      %mul3A_623 = arith.constant 5.000000e-03 : f32
      %mul3A_624 = vector.broadcast %mul3A_623 : f32 to vector<16xf32>
      %mul3A_625 = arith.mulf %add3A_621, %mul3A_624 : vector<16xf32>
      %swap3A_626 = arith.constant 0 : i32
      %swap3A_627 = arith.constant 6 : i32
      %swap3A_628 = arith.index_cast %swap3A_626 : i32 to index
      %swap3A_629 = arith.index_cast %swap3A_627 : i32 to index
      %swap3A_630 = arith.constant 0 : index
      %swap3A_631 = tpu.vector_load %arg7[%swap3A_628, %swap3A_629, %swap3A_630] {strides = array<i32>} : memref<2x8x32xf32, #tpu.memory_space<vmem>>, vector<1x1x16xf32>,
      %swap3A_632 = vector.shape_cast %swap3A_631 : vector<1x1x16xf32> to vector<16xf32>
      %swap3A_633 = vector.shape_cast %mul3A_625 : vector<16xf32> to vector<1x1x16xf32>
      tpu.vector_store %arg7[%swap3A_628, %swap3A_629, %swap3A_630], %swap3A_633 {strides = array<i32>} : memref<2x8x32xf32, #tpu.memory_space<vmem>>, vector<1x1x16xf32>,
      %mul3A_634 = arith.constant 5.000000e-03 : f32
      %mul3A_635 = vector.broadcast %mul3A_634 : f32 to vector<16xf32>
      %mul3A_636 = arith.mulf %add3A_622, %mul3A_635 : vector<16xf32>
      %swap3A_637 = arith.constant 0 : i32
      %swap3A_638 = arith.constant 6 : i32
      %swap3A_639 = arith.index_cast %swap3A_637 : i32 to index
      %swap3A_640 = arith.index_cast %swap3A_638 : i32 to index
      %swap3A_641 = arith.constant 16 : index
      %swap3A_642 = tpu.vector_load %arg7[%swap3A_639, %swap3A_640, %swap3A_641] {strides = array<i32>} : memref<2x8x32xf32, #tpu.memory_space<vmem>>, vector<1x1x16xf32>,
      %swap3A_643 = vector.shape_cast %swap3A_642 : vector<1x1x16xf32> to vector<16xf32>
      %swap3A_644 = vector.shape_cast %mul3A_636 : vector<16xf32> to vector<1x1x16xf32>
      tpu.vector_store %arg7[%swap3A_639, %swap3A_640, %swap3A_641], %swap3A_644 {strides = array<i32>} : memref<2x8x32xf32, #tpu.memory_space<vmem>>, vector<1x1x16xf32>,
      %broadcast_in_dim3A_645 = arith.constant 0.000000e+00 : f32
      %broadcast_in_dim3A_646 = vector.broadcast %broadcast_in_dim3A_645 : f32 to vector<16xf32>
      %scan3A_647 = arith.constant 0 : i32
      %scan3A_648 = arith.constant 25 : i32
      %scan3A_649 = arith.addi %scan3A_647, %scan3A_648 : i32
      %scan3A_650 = arith.constant 1 : i32
      %scan3A_651:16 = scf.for %scan3A_1113 = %scan3A_647 to %scan3A_649 step %scan3A_650 iter_args(%scan3A_1114 = %broadcast_in_dim3A_646, %scan3A_1115 = %broadcast_in_dim3A_646, %scan3A_1116 = %broadcast_in_dim3A_646, %scan3A_1117 = %broadcast_in_dim3A_646, %scan3A_1118 = %broadcast_in_dim3A_646, %scan3A_1119 = %broadcast_in_dim3A_646, %scan3A_1120 = %broadcast_in_dim3A_646, %scan3A_1121 = %broadcast_in_dim3A_646, %scan3A_1122 = %broadcast_in_dim3A_646, %scan3A_1123 = %broadcast_in_dim3A_646, %scan3A_1124 = %broadcast_in_dim3A_646, %scan3A_1125 = %broadcast_in_dim3A_646, %scan3A_1126 = %broadcast_in_dim3A_646, %scan3A_1127 = %broadcast_in_dim3A_646, %scan3A_1128 = %broadcast_in_dim3A_646, %scan3A_1129 = %broadcast_in_dim3A_646) -> (vector<16xf32>, vector<16xf32>, vector<16xf32>, vector<16xf32>, vector<16xf32>, vector<16xf32>, vector<16xf32>, vector<16xf32>, vector<16xf32>, vector<16xf32>, vector<16xf32>, vector<16xf32>, vector<16xf32>, vector<16xf32>, vector<16xf32>, vector<16xf32>)  : i32 {
        %mul3A_1130 = arith.constant 8 : i32
        %mul3A_1131 = arith.muli %scan3A_1113, %mul3A_1130 : i32
        %add3A_1132 = arith.constant 1400 : i32
        %add3A_1133 = arith.addi %add3A_1132, %mul3A_1131 : i32
        %add3A_1134 = arith.constant 0 : i32
        %add3A_1135 = arith.addi %add3A_1133, %add3A_1134 : i32
        %get3A = arith.constant 0 : i32
        %get3A_1136 = arith.index_cast %get3A : i32 to index
        %get3A_1137 = arith.index_cast %add3A_1135 : i32 to index
        %get3A_1138 = arith.constant 0 : index
        %get3A_1139 = tpu.vector_load %arg6[%get3A_1136, %get3A_1137, %get3A_1138] {strides = array<i32>} : memref<2x1600x32xf32, #tpu.memory_space<vmem>>, vector<1x1x16xf32>,
        %get3A_1140 = vector.shape_cast %get3A_1139 : vector<1x1x16xf32> to vector<16xf32>
        %add3A_1141 = arith.addf %scan3A_1114, %get3A_1140 : vector<16xf32>
        %add3A_1142 = arith.constant 0 : i32
        %add3A_1143 = arith.addi %add3A_1133, %add3A_1142 : i32
        %get3A_1144 = arith.constant 0 : i32
        %get3A_1145 = arith.index_cast %get3A_1144 : i32 to index
        %get3A_1146 = arith.index_cast %add3A_1143 : i32 to index
        %get3A_1147 = arith.constant 16 : index
        %get3A_1148 = tpu.vector_load %arg6[%get3A_1145, %get3A_1146, %get3A_1147] {strides = array<i32>} : memref<2x1600x32xf32, #tpu.memory_space<vmem>>, vector<1x1x16xf32>,
        %get3A_1149 = vector.shape_cast %get3A_1148 : vector<1x1x16xf32> to vector<16xf32>
        %add3A_1150 = arith.addf %scan3A_1115, %get3A_1149 : vector<16xf32>
        %add3A_1151 = arith.constant 1 : i32
        %add3A_1152 = arith.addi %add3A_1133, %add3A_1151 : i32
        %get3A_1153 = arith.constant 0 : i32
        %get3A_1154 = arith.index_cast %get3A_1153 : i32 to index
        %get3A_1155 = arith.index_cast %add3A_1152 : i32 to index
        %get3A_1156 = arith.constant 0 : index
        %get3A_1157 = tpu.vector_load %arg6[%get3A_1154, %get3A_1155, %get3A_1156] {strides = array<i32>} : memref<2x1600x32xf32, #tpu.memory_space<vmem>>, vector<1x1x16xf32>,
        %get3A_1158 = vector.shape_cast %get3A_1157 : vector<1x1x16xf32> to vector<16xf32>
        %add3A_1159 = arith.addf %scan3A_1116, %get3A_1158 : vector<16xf32>
        %add3A_1160 = arith.constant 1 : i32
        %add3A_1161 = arith.addi %add3A_1133, %add3A_1160 : i32
        %get3A_1162 = arith.constant 0 : i32
        %get3A_1163 = arith.index_cast %get3A_1162 : i32 to index
        %get3A_1164 = arith.index_cast %add3A_1161 : i32 to index
        %get3A_1165 = arith.constant 16 : index
        %get3A_1166 = tpu.vector_load %arg6[%get3A_1163, %get3A_1164, %get3A_1165] {strides = array<i32>} : memref<2x1600x32xf32, #tpu.memory_space<vmem>>, vector<1x1x16xf32>,
        %get3A_1167 = vector.shape_cast %get3A_1166 : vector<1x1x16xf32> to vector<16xf32>
        %add3A_1168 = arith.addf %scan3A_1117, %get3A_1167 : vector<16xf32>
        %add3A_1169 = arith.constant 2 : i32
        %add3A_1170 = arith.addi %add3A_1133, %add3A_1169 : i32
        %get3A_1171 = arith.constant 0 : i32
        %get3A_1172 = arith.index_cast %get3A_1171 : i32 to index
        %get3A_1173 = arith.index_cast %add3A_1170 : i32 to index
        %get3A_1174 = arith.constant 0 : index
        %get3A_1175 = tpu.vector_load %arg6[%get3A_1172, %get3A_1173, %get3A_1174] {strides = array<i32>} : memref<2x1600x32xf32, #tpu.memory_space<vmem>>, vector<1x1x16xf32>,
        %get3A_1176 = vector.shape_cast %get3A_1175 : vector<1x1x16xf32> to vector<16xf32>
        %add3A_1177 = arith.addf %scan3A_1118, %get3A_1176 : vector<16xf32>
        %add3A_1178 = arith.constant 2 : i32
        %add3A_1179 = arith.addi %add3A_1133, %add3A_1178 : i32
        %get3A_1180 = arith.constant 0 : i32
        %get3A_1181 = arith.index_cast %get3A_1180 : i32 to index
        %get3A_1182 = arith.index_cast %add3A_1179 : i32 to index
        %get3A_1183 = arith.constant 16 : index
        %get3A_1184 = tpu.vector_load %arg6[%get3A_1181, %get3A_1182, %get3A_1183] {strides = array<i32>} : memref<2x1600x32xf32, #tpu.memory_space<vmem>>, vector<1x1x16xf32>,
        %get3A_1185 = vector.shape_cast %get3A_1184 : vector<1x1x16xf32> to vector<16xf32>
        %add3A_1186 = arith.addf %scan3A_1119, %get3A_1185 : vector<16xf32>
        %add3A_1187 = arith.constant 3 : i32
        %add3A_1188 = arith.addi %add3A_1133, %add3A_1187 : i32
        %get3A_1189 = arith.constant 0 : i32
        %get3A_1190 = arith.index_cast %get3A_1189 : i32 to index
        %get3A_1191 = arith.index_cast %add3A_1188 : i32 to index
        %get3A_1192 = arith.constant 0 : index
        %get3A_1193 = tpu.vector_load %arg6[%get3A_1190, %get3A_1191, %get3A_1192] {strides = array<i32>} : memref<2x1600x32xf32, #tpu.memory_space<vmem>>, vector<1x1x16xf32>,
        %get3A_1194 = vector.shape_cast %get3A_1193 : vector<1x1x16xf32> to vector<16xf32>
        %add3A_1195 = arith.addf %scan3A_1120, %get3A_1194 : vector<16xf32>
        %add3A_1196 = arith.constant 3 : i32
        %add3A_1197 = arith.addi %add3A_1133, %add3A_1196 : i32
        %get3A_1198 = arith.constant 0 : i32
        %get3A_1199 = arith.index_cast %get3A_1198 : i32 to index
        %get3A_1200 = arith.index_cast %add3A_1197 : i32 to index
        %get3A_1201 = arith.constant 16 : index
        %get3A_1202 = tpu.vector_load %arg6[%get3A_1199, %get3A_1200, %get3A_1201] {strides = array<i32>} : memref<2x1600x32xf32, #tpu.memory_space<vmem>>, vector<1x1x16xf32>,
        %get3A_1203 = vector.shape_cast %get3A_1202 : vector<1x1x16xf32> to vector<16xf32>
        %add3A_1204 = arith.addf %scan3A_1121, %get3A_1203 : vector<16xf32>
        %add3A_1205 = arith.constant 4 : i32
        %add3A_1206 = arith.addi %add3A_1133, %add3A_1205 : i32
        %get3A_1207 = arith.constant 0 : i32
        %get3A_1208 = arith.index_cast %get3A_1207 : i32 to index
        %get3A_1209 = arith.index_cast %add3A_1206 : i32 to index
        %get3A_1210 = arith.constant 0 : index
        %get3A_1211 = tpu.vector_load %arg6[%get3A_1208, %get3A_1209, %get3A_1210] {strides = array<i32>} : memref<2x1600x32xf32, #tpu.memory_space<vmem>>, vector<1x1x16xf32>,
        %get3A_1212 = vector.shape_cast %get3A_1211 : vector<1x1x16xf32> to vector<16xf32>
        %add3A_1213 = arith.addf %scan3A_1122, %get3A_1212 : vector<16xf32>
        %add3A_1214 = arith.constant 4 : i32
        %add3A_1215 = arith.addi %add3A_1133, %add3A_1214 : i32
        %get3A_1216 = arith.constant 0 : i32
        %get3A_1217 = arith.index_cast %get3A_1216 : i32 to index
        %get3A_1218 = arith.index_cast %add3A_1215 : i32 to index
        %get3A_1219 = arith.constant 16 : index
        %get3A_1220 = tpu.vector_load %arg6[%get3A_1217, %get3A_1218, %get3A_1219] {strides = array<i32>} : memref<2x1600x32xf32, #tpu.memory_space<vmem>>, vector<1x1x16xf32>,
        %get3A_1221 = vector.shape_cast %get3A_1220 : vector<1x1x16xf32> to vector<16xf32>
        %add3A_1222 = arith.addf %scan3A_1123, %get3A_1221 : vector<16xf32>
        %add3A_1223 = arith.constant 5 : i32
        %add3A_1224 = arith.addi %add3A_1133, %add3A_1223 : i32
        %get3A_1225 = arith.constant 0 : i32
        %get3A_1226 = arith.index_cast %get3A_1225 : i32 to index
        %get3A_1227 = arith.index_cast %add3A_1224 : i32 to index
        %get3A_1228 = arith.constant 0 : index
        %get3A_1229 = tpu.vector_load %arg6[%get3A_1226, %get3A_1227, %get3A_1228] {strides = array<i32>} : memref<2x1600x32xf32, #tpu.memory_space<vmem>>, vector<1x1x16xf32>,
        %get3A_1230 = vector.shape_cast %get3A_1229 : vector<1x1x16xf32> to vector<16xf32>
        %add3A_1231 = arith.addf %scan3A_1124, %get3A_1230 : vector<16xf32>
        %add3A_1232 = arith.constant 5 : i32
        %add3A_1233 = arith.addi %add3A_1133, %add3A_1232 : i32
        %get3A_1234 = arith.constant 0 : i32
        %get3A_1235 = arith.index_cast %get3A_1234 : i32 to index
        %get3A_1236 = arith.index_cast %add3A_1233 : i32 to index
        %get3A_1237 = arith.constant 16 : index
        %get3A_1238 = tpu.vector_load %arg6[%get3A_1235, %get3A_1236, %get3A_1237] {strides = array<i32>} : memref<2x1600x32xf32, #tpu.memory_space<vmem>>, vector<1x1x16xf32>,
        %get3A_1239 = vector.shape_cast %get3A_1238 : vector<1x1x16xf32> to vector<16xf32>
        %add3A_1240 = arith.addf %scan3A_1125, %get3A_1239 : vector<16xf32>
        %add3A_1241 = arith.constant 6 : i32
        %add3A_1242 = arith.addi %add3A_1133, %add3A_1241 : i32
        %get3A_1243 = arith.constant 0 : i32
        %get3A_1244 = arith.index_cast %get3A_1243 : i32 to index
        %get3A_1245 = arith.index_cast %add3A_1242 : i32 to index
        %get3A_1246 = arith.constant 0 : index
        %get3A_1247 = tpu.vector_load %arg6[%get3A_1244, %get3A_1245, %get3A_1246] {strides = array<i32>} : memref<2x1600x32xf32, #tpu.memory_space<vmem>>, vector<1x1x16xf32>,
        %get3A_1248 = vector.shape_cast %get3A_1247 : vector<1x1x16xf32> to vector<16xf32>
        %add3A_1249 = arith.addf %scan3A_1126, %get3A_1248 : vector<16xf32>
        %add3A_1250 = arith.constant 6 : i32
        %add3A_1251 = arith.addi %add3A_1133, %add3A_1250 : i32
        %get3A_1252 = arith.constant 0 : i32
        %get3A_1253 = arith.index_cast %get3A_1252 : i32 to index
        %get3A_1254 = arith.index_cast %add3A_1251 : i32 to index
        %get3A_1255 = arith.constant 16 : index
        %get3A_1256 = tpu.vector_load %arg6[%get3A_1253, %get3A_1254, %get3A_1255] {strides = array<i32>} : memref<2x1600x32xf32, #tpu.memory_space<vmem>>, vector<1x1x16xf32>,
        %get3A_1257 = vector.shape_cast %get3A_1256 : vector<1x1x16xf32> to vector<16xf32>
        %add3A_1258 = arith.addf %scan3A_1127, %get3A_1257 : vector<16xf32>
        %add3A_1259 = arith.constant 7 : i32
        %add3A_1260 = arith.addi %add3A_1133, %add3A_1259 : i32
        %get3A_1261 = arith.constant 0 : i32
        %get3A_1262 = arith.index_cast %get3A_1261 : i32 to index
        %get3A_1263 = arith.index_cast %add3A_1260 : i32 to index
        %get3A_1264 = arith.constant 0 : index
        %get3A_1265 = tpu.vector_load %arg6[%get3A_1262, %get3A_1263, %get3A_1264] {strides = array<i32>} : memref<2x1600x32xf32, #tpu.memory_space<vmem>>, vector<1x1x16xf32>,
        %get3A_1266 = vector.shape_cast %get3A_1265 : vector<1x1x16xf32> to vector<16xf32>
        %add3A_1267 = arith.addf %scan3A_1128, %get3A_1266 : vector<16xf32>
        %add3A_1268 = arith.constant 7 : i32
        %add3A_1269 = arith.addi %add3A_1133, %add3A_1268 : i32
        %get3A_1270 = arith.constant 0 : i32
        %get3A_1271 = arith.index_cast %get3A_1270 : i32 to index
        %get3A_1272 = arith.index_cast %add3A_1269 : i32 to index
        %get3A_1273 = arith.constant 16 : index
        %get3A_1274 = tpu.vector_load %arg6[%get3A_1271, %get3A_1272, %get3A_1273] {strides = array<i32>} : memref<2x1600x32xf32, #tpu.memory_space<vmem>>, vector<1x1x16xf32>,
        %get3A_1275 = vector.shape_cast %get3A_1274 : vector<1x1x16xf32> to vector<16xf32>
        %add3A_1276 = arith.addf %scan3A_1129, %get3A_1275 : vector<16xf32>
        scf.yield %add3A_1141, %add3A_1150, %add3A_1159, %add3A_1168, %add3A_1177, %add3A_1186, %add3A_1195, %add3A_1204, %add3A_1213, %add3A_1222, %add3A_1231, %add3A_1240, %add3A_1249, %add3A_1258, %add3A_1267, %add3A_1276 : vector<16xf32>, vector<16xf32>, vector<16xf32>, vector<16xf32>, vector<16xf32>, vector<16xf32>, vector<16xf32>, vector<16xf32>, vector<16xf32>, vector<16xf32>, vector<16xf32>, vector<16xf32>, vector<16xf32>, vector<16xf32>, vector<16xf32>, vector<16xf32>
      }
      %scan3A_652 = arith.constant 25 : i32
      %add3A_653 = arith.addf %scan3A_651#0, %scan3A_651#2 : vector<16xf32>
      %add3A_654 = arith.addf %scan3A_651#1, %scan3A_651#3 : vector<16xf32>
      %add3A_655 = arith.addf %add3A_653, %scan3A_651#4 : vector<16xf32>
      %add3A_656 = arith.addf %add3A_654, %scan3A_651#5 : vector<16xf32>
      %add3A_657 = arith.addf %add3A_655, %scan3A_651#6 : vector<16xf32>
      %add3A_658 = arith.addf %add3A_656, %scan3A_651#7 : vector<16xf32>
      %add3A_659 = arith.addf %add3A_657, %scan3A_651#8 : vector<16xf32>
      %add3A_660 = arith.addf %add3A_658, %scan3A_651#9 : vector<16xf32>
      %add3A_661 = arith.addf %add3A_659, %scan3A_651#10 : vector<16xf32>
      %add3A_662 = arith.addf %add3A_660, %scan3A_651#11 : vector<16xf32>
      %add3A_663 = arith.addf %add3A_661, %scan3A_651#12 : vector<16xf32>
      %add3A_664 = arith.addf %add3A_662, %scan3A_651#13 : vector<16xf32>
      %add3A_665 = arith.addf %add3A_663, %scan3A_651#14 : vector<16xf32>
      %add3A_666 = arith.addf %add3A_664, %scan3A_651#15 : vector<16xf32>
      %mul3A_667 = arith.constant 5.000000e-03 : f32
      %mul3A_668 = vector.broadcast %mul3A_667 : f32 to vector<16xf32>
      %mul3A_669 = arith.mulf %add3A_665, %mul3A_668 : vector<16xf32>
      %swap3A_670 = arith.constant 0 : i32
      %swap3A_671 = arith.constant 7 : i32
      %swap3A_672 = arith.index_cast %swap3A_670 : i32 to index
      %swap3A_673 = arith.index_cast %swap3A_671 : i32 to index
      %swap3A_674 = arith.constant 0 : index
      %swap3A_675 = tpu.vector_load %arg7[%swap3A_672, %swap3A_673, %swap3A_674] {strides = array<i32>} : memref<2x8x32xf32, #tpu.memory_space<vmem>>, vector<1x1x16xf32>,
      %swap3A_676 = vector.shape_cast %swap3A_675 : vector<1x1x16xf32> to vector<16xf32>
      %swap3A_677 = vector.shape_cast %mul3A_669 : vector<16xf32> to vector<1x1x16xf32>
      tpu.vector_store %arg7[%swap3A_672, %swap3A_673, %swap3A_674], %swap3A_677 {strides = array<i32>} : memref<2x8x32xf32, #tpu.memory_space<vmem>>, vector<1x1x16xf32>,
      %mul3A_678 = arith.constant 5.000000e-03 : f32
      %mul3A_679 = vector.broadcast %mul3A_678 : f32 to vector<16xf32>
      %mul3A_680 = arith.mulf %add3A_666, %mul3A_679 : vector<16xf32>
      %swap3A_681 = arith.constant 0 : i32
      %swap3A_682 = arith.constant 7 : i32
      %swap3A_683 = arith.index_cast %swap3A_681 : i32 to index
      %swap3A_684 = arith.index_cast %swap3A_682 : i32 to index
      %swap3A_685 = arith.constant 16 : index
      %swap3A_686 = tpu.vector_load %arg7[%swap3A_683, %swap3A_684, %swap3A_685] {strides = array<i32>} : memref<2x8x32xf32, #tpu.memory_space<vmem>>, vector<1x1x16xf32>,
      %swap3A_687 = vector.shape_cast %swap3A_686 : vector<1x1x16xf32> to vector<16xf32>
      %swap3A_688 = vector.shape_cast %mul3A_680 : vector<16xf32> to vector<1x1x16xf32>
      tpu.vector_store %arg7[%swap3A_683, %swap3A_684, %swap3A_685], %swap3A_688 {strides = array<i32>} : memref<2x8x32xf32, #tpu.memory_space<vmem>>, vector<1x1x16xf32>,
      %dma_start3A_689 = arith.constant 0 : i32
      %dma_start3A_690 = arith.constant 0 : i32
      %dma_start3A_691 = arith.constant 0 : i32
      %dma_start3A_692 = tpu.memref_slice %arg7[%dma_start3A_689, %dma_start3A_690, %dma_start3A_691] : memref<2x8x32xf32, #tpu.memory_space<vmem>> -> memref<1x8x32xf32, #tpu.memory_space<vmem>>
      %dma_start3A_693 = tpu.memref_squeeze %dma_start3A_692 : memref<1x8x32xf32, #tpu.memory_space<vmem>> -> memref<8x32xf32, #tpu.memory_space<vmem>>
      %dma_start3A_694 = arith.constant 0 : i32
      %dma_start3A_695 = tpu.memref_slice %arg4[%add3A_338, %dma_start3A_694] : memref<16384x32xf32, #tpu.memory_space<hbm>> -> memref<8x32xf32, #tpu.memory_space<hbm>>
      %dma_start3A_696 = arith.constant 0 : i32
      %dma_start3A_697 = tpu.memref_slice %arg4[%add3A_338, %dma_start3A_696] : memref<16384x32xf32, #tpu.memory_space<hbm>> -> memref<8x32xf32, #tpu.memory_space<hbm>>
      %dma_start3A_698 = arith.constant 0 : i32
      %dma_start3A_699 = arith.constant 0 : i32
      %dma_start3A_700 = tpu.memref_slice %arg7[%dma_start3A_689, %dma_start3A_698, %dma_start3A_699] : memref<2x8x32xf32, #tpu.memory_space<vmem>> -> memref<1x8x32xf32, #tpu.memory_space<vmem>>
      %dma_start3A_701 = tpu.memref_squeeze %dma_start3A_700 : memref<1x8x32xf32, #tpu.memory_space<vmem>> -> memref<8x32xf32, #tpu.memory_space<vmem>>
      tpu.enqueue_dma source(%dma_start3A_701 : memref<8x32xf32, #tpu.memory_space<vmem>>) target(%dma_start3A_697 : memref<8x32xf32, #tpu.memory_space<hbm>>) target_semaphore(%arg12 : memref<!tpu.dma_semaphore, #tpu.memory_space<semaphore_mem>>)
      %add3A_702 = arith.constant 1 : i32
      %add3A_703 = arith.addi %add3A_296, %add3A_702 : i32
      %add3A_704 = arith.constant 1 : i32
      %add3A_705 = arith.addi %add3A_703, %add3A_704 : i32
      %lt3A_706 = arith.constant 64 : i32
      %lt3A_707 = arith.cmpi slt, %add3A_705, %lt3A_706 : i32
      %convert_element_type3A_708 = arith.extui %lt3A_707 : i1 to i32
      %cond3A_709 = arith.constant 0 : i32
      %cond3A_710 = arith.cmpi ne, %convert_element_type3A_708, %cond3A_709 : i32
      scf.if %cond3A_710 {
        %dma_wait3A_1113 = arith.constant 0 : i32
        %dma_wait3A_1114 = arith.constant 0 : i32
        %dma_wait3A_1115 = arith.constant 0 : i32
        %dma_wait3A_1116 = tpu.memref_slice %arg5[%dma_wait3A_1113, %dma_wait3A_1114, %dma_wait3A_1115] : memref<2x16x100xi32, #tpu.memory_space<vmem>> -> memref<1x16x100xi32, #tpu.memory_space<vmem>>
        %dma_wait3A_1117 = tpu.memref_squeeze %dma_wait3A_1116 : memref<1x16x100xi32, #tpu.memory_space<vmem>> -> memref<16x100xi32, #tpu.memory_space<vmem>>
        %dma_wait3A_1118 = arith.constant 0 : i32
        %dma_wait3A_1119 = arith.constant 0 : i32
        %dma_wait3A_1120 = tpu.memref_slice %arg2[%dma_wait3A_1118, %dma_wait3A_1119] : memref<32768x100xi32, #tpu.memory_space<hbm>> -> memref<16x100xi32, #tpu.memory_space<hbm>>
        %dma_wait3A_1121 = arith.constant 0 : i32
        %dma_wait3A_1122 = arith.constant 0 : i32
        %dma_wait3A_1123 = tpu.memref_slice %arg5[%dma_wait3A_1113, %dma_wait3A_1121, %dma_wait3A_1122] : memref<2x16x100xi32, #tpu.memory_space<vmem>> -> memref<1x16x100xi32, #tpu.memory_space<vmem>>
        %dma_wait3A_1124 = tpu.memref_squeeze %dma_wait3A_1123 : memref<1x16x100xi32, #tpu.memory_space<vmem>> -> memref<16x100xi32, #tpu.memory_space<vmem>>
        %dma_wait3A_1125 = arith.constant 0 : i32
        %dma_wait3A_1126 = arith.constant 0 : i32
        %dma_wait3A_1127 = tpu.memref_slice %arg2[%dma_wait3A_1125, %dma_wait3A_1126] : memref<32768x100xi32, #tpu.memory_space<hbm>> -> memref<16x100xi32, #tpu.memory_space<hbm>>
        tpu.wait_dma2 semaphore(%arg10 : memref<!tpu.dma_semaphore, #tpu.memory_space<semaphore_mem>>) src(%dma_wait3A_1127 : memref<16x100xi32, #tpu.memory_space<hbm>>) dst(%dma_wait3A_1124 : memref<16x100xi32, #tpu.memory_space<vmem>>)
      } else {
      }
      %dma_wait3A_711 = arith.constant 1 : i32
      %dma_wait3A_712 = arith.constant 0 : i32
      %dma_wait3A_713 = arith.constant 0 : i32
      %dma_wait3A_714 = tpu.memref_slice %arg6[%dma_wait3A_711, %dma_wait3A_712, %dma_wait3A_713] : memref<2x1600x32xf32, #tpu.memory_space<vmem>> -> memref<1x1600x32xf32, #tpu.memory_space<vmem>>
      %dma_wait3A_715 = tpu.memref_squeeze %dma_wait3A_714 : memref<1x1600x32xf32, #tpu.memory_space<vmem>> -> memref<1600x32xf32, #tpu.memory_space<vmem>>
      %dma_wait3A_716 = arith.constant 0 : i32
      %dma_wait3A_717 = arith.constant 0 : i32
      %dma_wait3A_718 = tpu.memref_slice %arg3[%dma_wait3A_716, %dma_wait3A_717] : memref<1000000x32xf32, #tpu.memory_space<hbm>> -> memref<1600x32xf32, #tpu.memory_space<hbm>>
      %dma_wait3A_719 = arith.constant 0 : i32
      %dma_wait3A_720 = arith.constant 0 : i32
      %dma_wait3A_721 = tpu.memref_slice %arg6[%dma_wait3A_711, %dma_wait3A_719, %dma_wait3A_720] : memref<2x1600x32xf32, #tpu.memory_space<vmem>> -> memref<1x1600x32xf32, #tpu.memory_space<vmem>>
      %dma_wait3A_722 = tpu.memref_squeeze %dma_wait3A_721 : memref<1x1600x32xf32, #tpu.memory_space<vmem>> -> memref<1600x32xf32, #tpu.memory_space<vmem>>
      %dma_wait3A_723 = arith.constant 0 : i32
      %dma_wait3A_724 = arith.constant 0 : i32
      %dma_wait3A_725 = tpu.memref_slice %arg3[%dma_wait3A_723, %dma_wait3A_724] : memref<1000000x32xf32, #tpu.memory_space<hbm>> -> memref<1600x32xf32, #tpu.memory_space<hbm>>
      tpu.wait_dma2 semaphore(%arg9 : memref<!tpu.dma_semaphore, #tpu.memory_space<semaphore_mem>>) src(%dma_wait3A_725 : memref<1600x32xf32, #tpu.memory_space<hbm>>) dst(%dma_wait3A_722 : memref<1600x32xf32, #tpu.memory_space<vmem>>)
      %add3A_726 = arith.constant 1 : i32
      %add3A_727 = arith.addi %add3A_703, %add3A_726 : i32
      %lt3A_728 = arith.constant 64 : i32
      %lt3A_729 = arith.cmpi slt, %add3A_727, %lt3A_728 : i32
      %convert_element_type3A_730 = arith.extui %lt3A_729 : i1 to i32
      %cond3A_731 = arith.constant 0 : i32
      %cond3A_732 = arith.cmpi ne, %convert_element_type3A_730, %cond3A_731 : i32
      scf.if %cond3A_732 {
        %dma_start3A_1113 = arith.constant 0 : i32
        %dma_start3A_1114 = arith.constant 0 : i32
        %dma_start3A_1115 = arith.constant 0 : i32
        %dma_start3A_1116 = arith.constant 0 : i32
        %dma_start3A_1117 = arith.constant 0 : i32
        %dma_start3A_1118 = tpu.memref_slice %arg6[%dma_start3A_1115, %dma_start3A_1116, %dma_start3A_1117] : memref<2x1600x32xf32, #tpu.memory_space<vmem>> -> memref<1x100x32xf32, #tpu.memory_space<vmem>>
        %dma_start3A_1119 = tpu.memref_squeeze %dma_start3A_1118 : memref<1x100x32xf32, #tpu.memory_space<vmem>> -> memref<100x32xf32, #tpu.memory_space<vmem>>
        %dma_start3A_1120 = arith.constant 0 : i32
        %dma_start3A_1121 = tpu.memref_slice %arg5[%dma_start3A_1113, %dma_start3A_1114, %dma_start3A_1120] : memref<2x16x100xi32, #tpu.memory_space<vmem>> -> memref<1x1x100xi32, #tpu.memory_space<vmem>>
        %dma_start3A_1122 = tpu.memref_squeeze %dma_start3A_1121 : memref<1x1x100xi32, #tpu.memory_space<vmem>> -> memref<100xi32, #tpu.memory_space<vmem>>
        %dma_start3A_1123 = arith.constant 0 : i32
        %dma_start3A_1124 = arith.constant 0 : i32
        %dma_start3A_1125 = tpu.memref_slice %arg3[%dma_start3A_1123, %dma_start3A_1124] : memref<1000000x32xf32, #tpu.memory_space<hbm>> -> memref<1000000x32xf32, #tpu.memory_space<hbm>>
        tpu.enqueue_indirect_dma source(%dma_start3A_1125 : memref<1000000x32xf32, #tpu.memory_space<hbm>>) target(%dma_start3A_1119 : memref<100x32xf32, #tpu.memory_space<vmem>>) offsets(%dma_start3A_1122 : memref<100xi32, #tpu.memory_space<vmem>>) semaphore(%arg8 : memref<!tpu.dma_semaphore, #tpu.memory_space<semaphore_mem>>)
        %dma_start3A_1126 = arith.constant 0 : i32
        %dma_start3A_1127 = arith.constant 1 : i32
        %dma_start3A_1128 = arith.constant 0 : i32
        %dma_start3A_1129 = arith.constant 100 : i32
        %dma_start3A_1130 = arith.constant 0 : i32
        %dma_start3A_1131 = tpu.memref_slice %arg6[%dma_start3A_1128, %dma_start3A_1129, %dma_start3A_1130] : memref<2x1600x32xf32, #tpu.memory_space<vmem>> -> memref<1x100x32xf32, #tpu.memory_space<vmem>>
        %dma_start3A_1132 = tpu.memref_squeeze %dma_start3A_1131 : memref<1x100x32xf32, #tpu.memory_space<vmem>> -> memref<100x32xf32, #tpu.memory_space<vmem>>
        %dma_start3A_1133 = arith.constant 0 : i32
        %dma_start3A_1134 = tpu.memref_slice %arg5[%dma_start3A_1126, %dma_start3A_1127, %dma_start3A_1133] : memref<2x16x100xi32, #tpu.memory_space<vmem>> -> memref<1x1x100xi32, #tpu.memory_space<vmem>>
        %dma_start3A_1135 = tpu.memref_squeeze %dma_start3A_1134 : memref<1x1x100xi32, #tpu.memory_space<vmem>> -> memref<100xi32, #tpu.memory_space<vmem>>
        %dma_start3A_1136 = arith.constant 0 : i32
        %dma_start3A_1137 = arith.constant 0 : i32
        %dma_start3A_1138 = tpu.memref_slice %arg3[%dma_start3A_1136, %dma_start3A_1137] : memref<1000000x32xf32, #tpu.memory_space<hbm>> -> memref<1000000x32xf32, #tpu.memory_space<hbm>>
        tpu.enqueue_indirect_dma source(%dma_start3A_1138 : memref<1000000x32xf32, #tpu.memory_space<hbm>>) target(%dma_start3A_1132 : memref<100x32xf32, #tpu.memory_space<vmem>>) offsets(%dma_start3A_1135 : memref<100xi32, #tpu.memory_space<vmem>>) semaphore(%arg8 : memref<!tpu.dma_semaphore, #tpu.memory_space<semaphore_mem>>)
        %dma_start3A_1139 = arith.constant 0 : i32
        %dma_start3A_1140 = arith.constant 2 : i32
        %dma_start3A_1141 = arith.constant 0 : i32
        %dma_start3A_1142 = arith.constant 200 : i32
        %dma_start3A_1143 = arith.constant 0 : i32
        %dma_start3A_1144 = tpu.memref_slice %arg6[%dma_start3A_1141, %dma_start3A_1142, %dma_start3A_1143] : memref<2x1600x32xf32, #tpu.memory_space<vmem>> -> memref<1x100x32xf32, #tpu.memory_space<vmem>>
        %dma_start3A_1145 = tpu.memref_squeeze %dma_start3A_1144 : memref<1x100x32xf32, #tpu.memory_space<vmem>> -> memref<100x32xf32, #tpu.memory_space<vmem>>
        %dma_start3A_1146 = arith.constant 0 : i32
        %dma_start3A_1147 = tpu.memref_slice %arg5[%dma_start3A_1139, %dma_start3A_1140, %dma_start3A_1146] : memref<2x16x100xi32, #tpu.memory_space<vmem>> -> memref<1x1x100xi32, #tpu.memory_space<vmem>>
        %dma_start3A_1148 = tpu.memref_squeeze %dma_start3A_1147 : memref<1x1x100xi32, #tpu.memory_space<vmem>> -> memref<100xi32, #tpu.memory_space<vmem>>
        %dma_start3A_1149 = arith.constant 0 : i32
        %dma_start3A_1150 = arith.constant 0 : i32
        %dma_start3A_1151 = tpu.memref_slice %arg3[%dma_start3A_1149, %dma_start3A_1150] : memref<1000000x32xf32, #tpu.memory_space<hbm>> -> memref<1000000x32xf32, #tpu.memory_space<hbm>>
        tpu.enqueue_indirect_dma source(%dma_start3A_1151 : memref<1000000x32xf32, #tpu.memory_space<hbm>>) target(%dma_start3A_1145 : memref<100x32xf32, #tpu.memory_space<vmem>>) offsets(%dma_start3A_1148 : memref<100xi32, #tpu.memory_space<vmem>>) semaphore(%arg8 : memref<!tpu.dma_semaphore, #tpu.memory_space<semaphore_mem>>)
        %dma_start3A_1152 = arith.constant 0 : i32
        %dma_start3A_1153 = arith.constant 3 : i32
        %dma_start3A_1154 = arith.constant 0 : i32
        %dma_start3A_1155 = arith.constant 300 : i32
        %dma_start3A_1156 = arith.constant 0 : i32
        %dma_start3A_1157 = tpu.memref_slice %arg6[%dma_start3A_1154, %dma_start3A_1155, %dma_start3A_1156] : memref<2x1600x32xf32, #tpu.memory_space<vmem>> -> memref<1x100x32xf32, #tpu.memory_space<vmem>>
        %dma_start3A_1158 = tpu.memref_squeeze %dma_start3A_1157 : memref<1x100x32xf32, #tpu.memory_space<vmem>> -> memref<100x32xf32, #tpu.memory_space<vmem>>
        %dma_start3A_1159 = arith.constant 0 : i32
        %dma_start3A_1160 = tpu.memref_slice %arg5[%dma_start3A_1152, %dma_start3A_1153, %dma_start3A_1159] : memref<2x16x100xi32, #tpu.memory_space<vmem>> -> memref<1x1x100xi32, #tpu.memory_space<vmem>>
        %dma_start3A_1161 = tpu.memref_squeeze %dma_start3A_1160 : memref<1x1x100xi32, #tpu.memory_space<vmem>> -> memref<100xi32, #tpu.memory_space<vmem>>
        %dma_start3A_1162 = arith.constant 0 : i32
        %dma_start3A_1163 = arith.constant 0 : i32
        %dma_start3A_1164 = tpu.memref_slice %arg3[%dma_start3A_1162, %dma_start3A_1163] : memref<1000000x32xf32, #tpu.memory_space<hbm>> -> memref<1000000x32xf32, #tpu.memory_space<hbm>>
        tpu.enqueue_indirect_dma source(%dma_start3A_1164 : memref<1000000x32xf32, #tpu.memory_space<hbm>>) target(%dma_start3A_1158 : memref<100x32xf32, #tpu.memory_space<vmem>>) offsets(%dma_start3A_1161 : memref<100xi32, #tpu.memory_space<vmem>>) semaphore(%arg8 : memref<!tpu.dma_semaphore, #tpu.memory_space<semaphore_mem>>)
        %dma_start3A_1165 = arith.constant 0 : i32
        %dma_start3A_1166 = arith.constant 4 : i32
        %dma_start3A_1167 = arith.constant 0 : i32
        %dma_start3A_1168 = arith.constant 400 : i32
        %dma_start3A_1169 = arith.constant 0 : i32
        %dma_start3A_1170 = tpu.memref_slice %arg6[%dma_start3A_1167, %dma_start3A_1168, %dma_start3A_1169] : memref<2x1600x32xf32, #tpu.memory_space<vmem>> -> memref<1x100x32xf32, #tpu.memory_space<vmem>>
        %dma_start3A_1171 = tpu.memref_squeeze %dma_start3A_1170 : memref<1x100x32xf32, #tpu.memory_space<vmem>> -> memref<100x32xf32, #tpu.memory_space<vmem>>
        %dma_start3A_1172 = arith.constant 0 : i32
        %dma_start3A_1173 = tpu.memref_slice %arg5[%dma_start3A_1165, %dma_start3A_1166, %dma_start3A_1172] : memref<2x16x100xi32, #tpu.memory_space<vmem>> -> memref<1x1x100xi32, #tpu.memory_space<vmem>>
        %dma_start3A_1174 = tpu.memref_squeeze %dma_start3A_1173 : memref<1x1x100xi32, #tpu.memory_space<vmem>> -> memref<100xi32, #tpu.memory_space<vmem>>
        %dma_start3A_1175 = arith.constant 0 : i32
        %dma_start3A_1176 = arith.constant 0 : i32
        %dma_start3A_1177 = tpu.memref_slice %arg3[%dma_start3A_1175, %dma_start3A_1176] : memref<1000000x32xf32, #tpu.memory_space<hbm>> -> memref<1000000x32xf32, #tpu.memory_space<hbm>>
        tpu.enqueue_indirect_dma source(%dma_start3A_1177 : memref<1000000x32xf32, #tpu.memory_space<hbm>>) target(%dma_start3A_1171 : memref<100x32xf32, #tpu.memory_space<vmem>>) offsets(%dma_start3A_1174 : memref<100xi32, #tpu.memory_space<vmem>>) semaphore(%arg8 : memref<!tpu.dma_semaphore, #tpu.memory_space<semaphore_mem>>)
        %dma_start3A_1178 = arith.constant 0 : i32
        %dma_start3A_1179 = arith.constant 5 : i32
        %dma_start3A_1180 = arith.constant 0 : i32
        %dma_start3A_1181 = arith.constant 500 : i32
        %dma_start3A_1182 = arith.constant 0 : i32
        %dma_start3A_1183 = tpu.memref_slice %arg6[%dma_start3A_1180, %dma_start3A_1181, %dma_start3A_1182] : memref<2x1600x32xf32, #tpu.memory_space<vmem>> -> memref<1x100x32xf32, #tpu.memory_space<vmem>>
        %dma_start3A_1184 = tpu.memref_squeeze %dma_start3A_1183 : memref<1x100x32xf32, #tpu.memory_space<vmem>> -> memref<100x32xf32, #tpu.memory_space<vmem>>
        %dma_start3A_1185 = arith.constant 0 : i32
        %dma_start3A_1186 = tpu.memref_slice %arg5[%dma_start3A_1178, %dma_start3A_1179, %dma_start3A_1185] : memref<2x16x100xi32, #tpu.memory_space<vmem>> -> memref<1x1x100xi32, #tpu.memory_space<vmem>>
        %dma_start3A_1187 = tpu.memref_squeeze %dma_start3A_1186 : memref<1x1x100xi32, #tpu.memory_space<vmem>> -> memref<100xi32, #tpu.memory_space<vmem>>
        %dma_start3A_1188 = arith.constant 0 : i32
        %dma_start3A_1189 = arith.constant 0 : i32
        %dma_start3A_1190 = tpu.memref_slice %arg3[%dma_start3A_1188, %dma_start3A_1189] : memref<1000000x32xf32, #tpu.memory_space<hbm>> -> memref<1000000x32xf32, #tpu.memory_space<hbm>>
        tpu.enqueue_indirect_dma source(%dma_start3A_1190 : memref<1000000x32xf32, #tpu.memory_space<hbm>>) target(%dma_start3A_1184 : memref<100x32xf32, #tpu.memory_space<vmem>>) offsets(%dma_start3A_1187 : memref<100xi32, #tpu.memory_space<vmem>>) semaphore(%arg8 : memref<!tpu.dma_semaphore, #tpu.memory_space<semaphore_mem>>)
        %dma_start3A_1191 = arith.constant 0 : i32
        %dma_start3A_1192 = arith.constant 6 : i32
        %dma_start3A_1193 = arith.constant 0 : i32
        %dma_start3A_1194 = arith.constant 600 : i32
        %dma_start3A_1195 = arith.constant 0 : i32
        %dma_start3A_1196 = tpu.memref_slice %arg6[%dma_start3A_1193, %dma_start3A_1194, %dma_start3A_1195] : memref<2x1600x32xf32, #tpu.memory_space<vmem>> -> memref<1x100x32xf32, #tpu.memory_space<vmem>>
        %dma_start3A_1197 = tpu.memref_squeeze %dma_start3A_1196 : memref<1x100x32xf32, #tpu.memory_space<vmem>> -> memref<100x32xf32, #tpu.memory_space<vmem>>
        %dma_start3A_1198 = arith.constant 0 : i32
        %dma_start3A_1199 = tpu.memref_slice %arg5[%dma_start3A_1191, %dma_start3A_1192, %dma_start3A_1198] : memref<2x16x100xi32, #tpu.memory_space<vmem>> -> memref<1x1x100xi32, #tpu.memory_space<vmem>>
        %dma_start3A_1200 = tpu.memref_squeeze %dma_start3A_1199 : memref<1x1x100xi32, #tpu.memory_space<vmem>> -> memref<100xi32, #tpu.memory_space<vmem>>
        %dma_start3A_1201 = arith.constant 0 : i32
        %dma_start3A_1202 = arith.constant 0 : i32
        %dma_start3A_1203 = tpu.memref_slice %arg3[%dma_start3A_1201, %dma_start3A_1202] : memref<1000000x32xf32, #tpu.memory_space<hbm>> -> memref<1000000x32xf32, #tpu.memory_space<hbm>>
        tpu.enqueue_indirect_dma source(%dma_start3A_1203 : memref<1000000x32xf32, #tpu.memory_space<hbm>>) target(%dma_start3A_1197 : memref<100x32xf32, #tpu.memory_space<vmem>>) offsets(%dma_start3A_1200 : memref<100xi32, #tpu.memory_space<vmem>>) semaphore(%arg8 : memref<!tpu.dma_semaphore, #tpu.memory_space<semaphore_mem>>)
        %dma_start3A_1204 = arith.constant 0 : i32
        %dma_start3A_1205 = arith.constant 7 : i32
        %dma_start3A_1206 = arith.constant 0 : i32
        %dma_start3A_1207 = arith.constant 700 : i32
        %dma_start3A_1208 = arith.constant 0 : i32
        %dma_start3A_1209 = tpu.memref_slice %arg6[%dma_start3A_1206, %dma_start3A_1207, %dma_start3A_1208] : memref<2x1600x32xf32, #tpu.memory_space<vmem>> -> memref<1x100x32xf32, #tpu.memory_space<vmem>>
        %dma_start3A_1210 = tpu.memref_squeeze %dma_start3A_1209 : memref<1x100x32xf32, #tpu.memory_space<vmem>> -> memref<100x32xf32, #tpu.memory_space<vmem>>
        %dma_start3A_1211 = arith.constant 0 : i32
        %dma_start3A_1212 = tpu.memref_slice %arg5[%dma_start3A_1204, %dma_start3A_1205, %dma_start3A_1211] : memref<2x16x100xi32, #tpu.memory_space<vmem>> -> memref<1x1x100xi32, #tpu.memory_space<vmem>>
        %dma_start3A_1213 = tpu.memref_squeeze %dma_start3A_1212 : memref<1x1x100xi32, #tpu.memory_space<vmem>> -> memref<100xi32, #tpu.memory_space<vmem>>
        %dma_start3A_1214 = arith.constant 0 : i32
        %dma_start3A_1215 = arith.constant 0 : i32
        %dma_start3A_1216 = tpu.memref_slice %arg3[%dma_start3A_1214, %dma_start3A_1215] : memref<1000000x32xf32, #tpu.memory_space<hbm>> -> memref<1000000x32xf32, #tpu.memory_space<hbm>>
        tpu.enqueue_indirect_dma source(%dma_start3A_1216 : memref<1000000x32xf32, #tpu.memory_space<hbm>>) target(%dma_start3A_1210 : memref<100x32xf32, #tpu.memory_space<vmem>>) offsets(%dma_start3A_1213 : memref<100xi32, #tpu.memory_space<vmem>>) semaphore(%arg8 : memref<!tpu.dma_semaphore, #tpu.memory_space<semaphore_mem>>)
        %dma_start3A_1217 = arith.constant 0 : i32
        %dma_start3A_1218 = arith.constant 8 : i32
        %dma_start3A_1219 = arith.constant 0 : i32
        %dma_start3A_1220 = arith.constant 800 : i32
        %dma_start3A_1221 = arith.constant 0 : i32
        %dma_start3A_1222 = tpu.memref_slice %arg6[%dma_start3A_1219, %dma_start3A_1220, %dma_start3A_1221] : memref<2x1600x32xf32, #tpu.memory_space<vmem>> -> memref<1x100x32xf32, #tpu.memory_space<vmem>>
        %dma_start3A_1223 = tpu.memref_squeeze %dma_start3A_1222 : memref<1x100x32xf32, #tpu.memory_space<vmem>> -> memref<100x32xf32, #tpu.memory_space<vmem>>
        %dma_start3A_1224 = arith.constant 0 : i32
        %dma_start3A_1225 = tpu.memref_slice %arg5[%dma_start3A_1217, %dma_start3A_1218, %dma_start3A_1224] : memref<2x16x100xi32, #tpu.memory_space<vmem>> -> memref<1x1x100xi32, #tpu.memory_space<vmem>>
        %dma_start3A_1226 = tpu.memref_squeeze %dma_start3A_1225 : memref<1x1x100xi32, #tpu.memory_space<vmem>> -> memref<100xi32, #tpu.memory_space<vmem>>
        %dma_start3A_1227 = arith.constant 0 : i32
        %dma_start3A_1228 = arith.constant 0 : i32
        %dma_start3A_1229 = tpu.memref_slice %arg3[%dma_start3A_1227, %dma_start3A_1228] : memref<1000000x32xf32, #tpu.memory_space<hbm>> -> memref<1000000x32xf32, #tpu.memory_space<hbm>>
        tpu.enqueue_indirect_dma source(%dma_start3A_1229 : memref<1000000x32xf32, #tpu.memory_space<hbm>>) target(%dma_start3A_1223 : memref<100x32xf32, #tpu.memory_space<vmem>>) offsets(%dma_start3A_1226 : memref<100xi32, #tpu.memory_space<vmem>>) semaphore(%arg8 : memref<!tpu.dma_semaphore, #tpu.memory_space<semaphore_mem>>)
        %dma_start3A_1230 = arith.constant 0 : i32
        %dma_start3A_1231 = arith.constant 9 : i32
        %dma_start3A_1232 = arith.constant 0 : i32
        %dma_start3A_1233 = arith.constant 900 : i32
        %dma_start3A_1234 = arith.constant 0 : i32
        %dma_start3A_1235 = tpu.memref_slice %arg6[%dma_start3A_1232, %dma_start3A_1233, %dma_start3A_1234] : memref<2x1600x32xf32, #tpu.memory_space<vmem>> -> memref<1x100x32xf32, #tpu.memory_space<vmem>>
        %dma_start3A_1236 = tpu.memref_squeeze %dma_start3A_1235 : memref<1x100x32xf32, #tpu.memory_space<vmem>> -> memref<100x32xf32, #tpu.memory_space<vmem>>
        %dma_start3A_1237 = arith.constant 0 : i32
        %dma_start3A_1238 = tpu.memref_slice %arg5[%dma_start3A_1230, %dma_start3A_1231, %dma_start3A_1237] : memref<2x16x100xi32, #tpu.memory_space<vmem>> -> memref<1x1x100xi32, #tpu.memory_space<vmem>>
        %dma_start3A_1239 = tpu.memref_squeeze %dma_start3A_1238 : memref<1x1x100xi32, #tpu.memory_space<vmem>> -> memref<100xi32, #tpu.memory_space<vmem>>
        %dma_start3A_1240 = arith.constant 0 : i32
        %dma_start3A_1241 = arith.constant 0 : i32
        %dma_start3A_1242 = tpu.memref_slice %arg3[%dma_start3A_1240, %dma_start3A_1241] : memref<1000000x32xf32, #tpu.memory_space<hbm>> -> memref<1000000x32xf32, #tpu.memory_space<hbm>>
        tpu.enqueue_indirect_dma source(%dma_start3A_1242 : memref<1000000x32xf32, #tpu.memory_space<hbm>>) target(%dma_start3A_1236 : memref<100x32xf32, #tpu.memory_space<vmem>>) offsets(%dma_start3A_1239 : memref<100xi32, #tpu.memory_space<vmem>>) semaphore(%arg8 : memref<!tpu.dma_semaphore, #tpu.memory_space<semaphore_mem>>)
        %dma_start3A_1243 = arith.constant 0 : i32
        %dma_start3A_1244 = arith.constant 10 : i32
        %dma_start3A_1245 = arith.constant 0 : i32
        %dma_start3A_1246 = arith.constant 1000 : i32
        %dma_start3A_1247 = arith.constant 0 : i32
        %dma_start3A_1248 = tpu.memref_slice %arg6[%dma_start3A_1245, %dma_start3A_1246, %dma_start3A_1247] : memref<2x1600x32xf32, #tpu.memory_space<vmem>> -> memref<1x100x32xf32, #tpu.memory_space<vmem>>
        %dma_start3A_1249 = tpu.memref_squeeze %dma_start3A_1248 : memref<1x100x32xf32, #tpu.memory_space<vmem>> -> memref<100x32xf32, #tpu.memory_space<vmem>>
        %dma_start3A_1250 = arith.constant 0 : i32
        %dma_start3A_1251 = tpu.memref_slice %arg5[%dma_start3A_1243, %dma_start3A_1244, %dma_start3A_1250] : memref<2x16x100xi32, #tpu.memory_space<vmem>> -> memref<1x1x100xi32, #tpu.memory_space<vmem>>
        %dma_start3A_1252 = tpu.memref_squeeze %dma_start3A_1251 : memref<1x1x100xi32, #tpu.memory_space<vmem>> -> memref<100xi32, #tpu.memory_space<vmem>>
        %dma_start3A_1253 = arith.constant 0 : i32
        %dma_start3A_1254 = arith.constant 0 : i32
        %dma_start3A_1255 = tpu.memref_slice %arg3[%dma_start3A_1253, %dma_start3A_1254] : memref<1000000x32xf32, #tpu.memory_space<hbm>> -> memref<1000000x32xf32, #tpu.memory_space<hbm>>
        tpu.enqueue_indirect_dma source(%dma_start3A_1255 : memref<1000000x32xf32, #tpu.memory_space<hbm>>) target(%dma_start3A_1249 : memref<100x32xf32, #tpu.memory_space<vmem>>) offsets(%dma_start3A_1252 : memref<100xi32, #tpu.memory_space<vmem>>) semaphore(%arg8 : memref<!tpu.dma_semaphore, #tpu.memory_space<semaphore_mem>>)
        %dma_start3A_1256 = arith.constant 0 : i32
        %dma_start3A_1257 = arith.constant 11 : i32
        %dma_start3A_1258 = arith.constant 0 : i32
        %dma_start3A_1259 = arith.constant 1100 : i32
        %dma_start3A_1260 = arith.constant 0 : i32
        %dma_start3A_1261 = tpu.memref_slice %arg6[%dma_start3A_1258, %dma_start3A_1259, %dma_start3A_1260] : memref<2x1600x32xf32, #tpu.memory_space<vmem>> -> memref<1x100x32xf32, #tpu.memory_space<vmem>>
        %dma_start3A_1262 = tpu.memref_squeeze %dma_start3A_1261 : memref<1x100x32xf32, #tpu.memory_space<vmem>> -> memref<100x32xf32, #tpu.memory_space<vmem>>
        %dma_start3A_1263 = arith.constant 0 : i32
        %dma_start3A_1264 = tpu.memref_slice %arg5[%dma_start3A_1256, %dma_start3A_1257, %dma_start3A_1263] : memref<2x16x100xi32, #tpu.memory_space<vmem>> -> memref<1x1x100xi32, #tpu.memory_space<vmem>>
        %dma_start3A_1265 = tpu.memref_squeeze %dma_start3A_1264 : memref<1x1x100xi32, #tpu.memory_space<vmem>> -> memref<100xi32, #tpu.memory_space<vmem>>
        %dma_start3A_1266 = arith.constant 0 : i32
        %dma_start3A_1267 = arith.constant 0 : i32
        %dma_start3A_1268 = tpu.memref_slice %arg3[%dma_start3A_1266, %dma_start3A_1267] : memref<1000000x32xf32, #tpu.memory_space<hbm>> -> memref<1000000x32xf32, #tpu.memory_space<hbm>>
        tpu.enqueue_indirect_dma source(%dma_start3A_1268 : memref<1000000x32xf32, #tpu.memory_space<hbm>>) target(%dma_start3A_1262 : memref<100x32xf32, #tpu.memory_space<vmem>>) offsets(%dma_start3A_1265 : memref<100xi32, #tpu.memory_space<vmem>>) semaphore(%arg8 : memref<!tpu.dma_semaphore, #tpu.memory_space<semaphore_mem>>)
        %dma_start3A_1269 = arith.constant 0 : i32
        %dma_start3A_1270 = arith.constant 12 : i32
        %dma_start3A_1271 = arith.constant 0 : i32
        %dma_start3A_1272 = arith.constant 1200 : i32
        %dma_start3A_1273 = arith.constant 0 : i32
        %dma_start3A_1274 = tpu.memref_slice %arg6[%dma_start3A_1271, %dma_start3A_1272, %dma_start3A_1273] : memref<2x1600x32xf32, #tpu.memory_space<vmem>> -> memref<1x100x32xf32, #tpu.memory_space<vmem>>
        %dma_start3A_1275 = tpu.memref_squeeze %dma_start3A_1274 : memref<1x100x32xf32, #tpu.memory_space<vmem>> -> memref<100x32xf32, #tpu.memory_space<vmem>>
        %dma_start3A_1276 = arith.constant 0 : i32
        %dma_start3A_1277 = tpu.memref_slice %arg5[%dma_start3A_1269, %dma_start3A_1270, %dma_start3A_1276] : memref<2x16x100xi32, #tpu.memory_space<vmem>> -> memref<1x1x100xi32, #tpu.memory_space<vmem>>
        %dma_start3A_1278 = tpu.memref_squeeze %dma_start3A_1277 : memref<1x1x100xi32, #tpu.memory_space<vmem>> -> memref<100xi32, #tpu.memory_space<vmem>>
        %dma_start3A_1279 = arith.constant 0 : i32
        %dma_start3A_1280 = arith.constant 0 : i32
        %dma_start3A_1281 = tpu.memref_slice %arg3[%dma_start3A_1279, %dma_start3A_1280] : memref<1000000x32xf32, #tpu.memory_space<hbm>> -> memref<1000000x32xf32, #tpu.memory_space<hbm>>
        tpu.enqueue_indirect_dma source(%dma_start3A_1281 : memref<1000000x32xf32, #tpu.memory_space<hbm>>) target(%dma_start3A_1275 : memref<100x32xf32, #tpu.memory_space<vmem>>) offsets(%dma_start3A_1278 : memref<100xi32, #tpu.memory_space<vmem>>) semaphore(%arg8 : memref<!tpu.dma_semaphore, #tpu.memory_space<semaphore_mem>>)
        %dma_start3A_1282 = arith.constant 0 : i32
        %dma_start3A_1283 = arith.constant 13 : i32
        %dma_start3A_1284 = arith.constant 0 : i32
        %dma_start3A_1285 = arith.constant 1300 : i32
        %dma_start3A_1286 = arith.constant 0 : i32
        %dma_start3A_1287 = tpu.memref_slice %arg6[%dma_start3A_1284, %dma_start3A_1285, %dma_start3A_1286] : memref<2x1600x32xf32, #tpu.memory_space<vmem>> -> memref<1x100x32xf32, #tpu.memory_space<vmem>>
        %dma_start3A_1288 = tpu.memref_squeeze %dma_start3A_1287 : memref<1x100x32xf32, #tpu.memory_space<vmem>> -> memref<100x32xf32, #tpu.memory_space<vmem>>
        %dma_start3A_1289 = arith.constant 0 : i32
        %dma_start3A_1290 = tpu.memref_slice %arg5[%dma_start3A_1282, %dma_start3A_1283, %dma_start3A_1289] : memref<2x16x100xi32, #tpu.memory_space<vmem>> -> memref<1x1x100xi32, #tpu.memory_space<vmem>>
        %dma_start3A_1291 = tpu.memref_squeeze %dma_start3A_1290 : memref<1x1x100xi32, #tpu.memory_space<vmem>> -> memref<100xi32, #tpu.memory_space<vmem>>
        %dma_start3A_1292 = arith.constant 0 : i32
        %dma_start3A_1293 = arith.constant 0 : i32
        %dma_start3A_1294 = tpu.memref_slice %arg3[%dma_start3A_1292, %dma_start3A_1293] : memref<1000000x32xf32, #tpu.memory_space<hbm>> -> memref<1000000x32xf32, #tpu.memory_space<hbm>>
        tpu.enqueue_indirect_dma source(%dma_start3A_1294 : memref<1000000x32xf32, #tpu.memory_space<hbm>>) target(%dma_start3A_1288 : memref<100x32xf32, #tpu.memory_space<vmem>>) offsets(%dma_start3A_1291 : memref<100xi32, #tpu.memory_space<vmem>>) semaphore(%arg8 : memref<!tpu.dma_semaphore, #tpu.memory_space<semaphore_mem>>)
        %dma_start3A_1295 = arith.constant 0 : i32
        %dma_start3A_1296 = arith.constant 14 : i32
        %dma_start3A_1297 = arith.constant 0 : i32
        %dma_start3A_1298 = arith.constant 1400 : i32
        %dma_start3A_1299 = arith.constant 0 : i32
        %dma_start3A_1300 = tpu.memref_slice %arg6[%dma_start3A_1297, %dma_start3A_1298, %dma_start3A_1299] : memref<2x1600x32xf32, #tpu.memory_space<vmem>> -> memref<1x100x32xf32, #tpu.memory_space<vmem>>
        %dma_start3A_1301 = tpu.memref_squeeze %dma_start3A_1300 : memref<1x100x32xf32, #tpu.memory_space<vmem>> -> memref<100x32xf32, #tpu.memory_space<vmem>>
        %dma_start3A_1302 = arith.constant 0 : i32
        %dma_start3A_1303 = tpu.memref_slice %arg5[%dma_start3A_1295, %dma_start3A_1296, %dma_start3A_1302] : memref<2x16x100xi32, #tpu.memory_space<vmem>> -> memref<1x1x100xi32, #tpu.memory_space<vmem>>
        %dma_start3A_1304 = tpu.memref_squeeze %dma_start3A_1303 : memref<1x1x100xi32, #tpu.memory_space<vmem>> -> memref<100xi32, #tpu.memory_space<vmem>>
        %dma_start3A_1305 = arith.constant 0 : i32
        %dma_start3A_1306 = arith.constant 0 : i32
        %dma_start3A_1307 = tpu.memref_slice %arg3[%dma_start3A_1305, %dma_start3A_1306] : memref<1000000x32xf32, #tpu.memory_space<hbm>> -> memref<1000000x32xf32, #tpu.memory_space<hbm>>
        tpu.enqueue_indirect_dma source(%dma_start3A_1307 : memref<1000000x32xf32, #tpu.memory_space<hbm>>) target(%dma_start3A_1301 : memref<100x32xf32, #tpu.memory_space<vmem>>) offsets(%dma_start3A_1304 : memref<100xi32, #tpu.memory_space<vmem>>) semaphore(%arg8 : memref<!tpu.dma_semaphore, #tpu.memory_space<semaphore_mem>>)
        %dma_start3A_1308 = arith.constant 0 : i32
        %dma_start3A_1309 = arith.constant 15 : i32
        %dma_start3A_1310 = arith.constant 0 : i32
        %dma_start3A_1311 = arith.constant 1500 : i32
        %dma_start3A_1312 = arith.constant 0 : i32
        %dma_start3A_1313 = tpu.memref_slice %arg6[%dma_start3A_1310, %dma_start3A_1311, %dma_start3A_1312] : memref<2x1600x32xf32, #tpu.memory_space<vmem>> -> memref<1x100x32xf32, #tpu.memory_space<vmem>>
        %dma_start3A_1314 = tpu.memref_squeeze %dma_start3A_1313 : memref<1x100x32xf32, #tpu.memory_space<vmem>> -> memref<100x32xf32, #tpu.memory_space<vmem>>
        %dma_start3A_1315 = arith.constant 0 : i32
        %dma_start3A_1316 = tpu.memref_slice %arg5[%dma_start3A_1308, %dma_start3A_1309, %dma_start3A_1315] : memref<2x16x100xi32, #tpu.memory_space<vmem>> -> memref<1x1x100xi32, #tpu.memory_space<vmem>>
        %dma_start3A_1317 = tpu.memref_squeeze %dma_start3A_1316 : memref<1x1x100xi32, #tpu.memory_space<vmem>> -> memref<100xi32, #tpu.memory_space<vmem>>
        %dma_start3A_1318 = arith.constant 0 : i32
        %dma_start3A_1319 = arith.constant 0 : i32
        %dma_start3A_1320 = tpu.memref_slice %arg3[%dma_start3A_1318, %dma_start3A_1319] : memref<1000000x32xf32, #tpu.memory_space<hbm>> -> memref<1000000x32xf32, #tpu.memory_space<hbm>>
        tpu.enqueue_indirect_dma source(%dma_start3A_1320 : memref<1000000x32xf32, #tpu.memory_space<hbm>>) target(%dma_start3A_1314 : memref<100x32xf32, #tpu.memory_space<vmem>>) offsets(%dma_start3A_1317 : memref<100xi32, #tpu.memory_space<vmem>>) semaphore(%arg8 : memref<!tpu.dma_semaphore, #tpu.memory_space<semaphore_mem>>)
      } else {
      }
      %add3A_733 = arith.constant 2 : i32
      %add3A_734 = arith.addi %add3A_703, %add3A_733 : i32
      %lt3A_735 = arith.constant 64 : i32
      %lt3A_736 = arith.cmpi slt, %add3A_734, %lt3A_735 : i32
      %convert_element_type3A_737 = arith.extui %lt3A_736 : i1 to i32
      %cond3A_738 = arith.constant 0 : i32
      %cond3A_739 = arith.cmpi ne, %convert_element_type3A_737, %cond3A_738 : i32
      scf.if %cond3A_739 {
        %add3A_1113 = arith.constant 2 : i32
        %add3A_1114 = arith.addi %add3A_703, %add3A_1113 : i32
        %mul3A_1115 = arith.constant 8 : i32
        %mul3A_1116 = arith.muli %add3A_1114, %mul3A_1115 : i32
        %add3A_1117 = arith.addi %mul3A_2, %mul3A_1116 : i32
        %mul3A_1118 = arith.constant 2 : i32
        %mul3A_1119 = arith.muli %add3A_1117, %mul3A_1118 : i32
        %dma_start3A_1120 = arith.constant 1 : i32
        %dma_start3A_1121 = arith.constant 0 : i32
        %dma_start3A_1122 = arith.constant 0 : i32
        %dma_start3A_1123 = tpu.memref_slice %arg5[%dma_start3A_1120, %dma_start3A_1121, %dma_start3A_1122] : memref<2x16x100xi32, #tpu.memory_space<vmem>> -> memref<1x16x100xi32, #tpu.memory_space<vmem>>
        %dma_start3A_1124 = tpu.memref_squeeze %dma_start3A_1123 : memref<1x16x100xi32, #tpu.memory_space<vmem>> -> memref<16x100xi32, #tpu.memory_space<vmem>>
        %dma_start3A_1125 = arith.constant 0 : i32
        %dma_start3A_1126 = tpu.memref_slice %arg2[%mul3A_1119, %dma_start3A_1125] : memref<32768x100xi32, #tpu.memory_space<hbm>> -> memref<16x100xi32, #tpu.memory_space<hbm>>
        %dma_start3A_1127 = arith.constant 0 : i32
        %dma_start3A_1128 = arith.constant 0 : i32
        %dma_start3A_1129 = tpu.memref_slice %arg5[%dma_start3A_1120, %dma_start3A_1127, %dma_start3A_1128] : memref<2x16x100xi32, #tpu.memory_space<vmem>> -> memref<1x16x100xi32, #tpu.memory_space<vmem>>
        %dma_start3A_1130 = tpu.memref_squeeze %dma_start3A_1129 : memref<1x16x100xi32, #tpu.memory_space<vmem>> -> memref<16x100xi32, #tpu.memory_space<vmem>>
        %dma_start3A_1131 = arith.constant 0 : i32
        %dma_start3A_1132 = tpu.memref_slice %arg2[%mul3A_1119, %dma_start3A_1131] : memref<32768x100xi32, #tpu.memory_space<hbm>> -> memref<16x100xi32, #tpu.memory_space<hbm>>
        tpu.enqueue_dma source(%dma_start3A_1132 : memref<16x100xi32, #tpu.memory_space<hbm>>) target(%dma_start3A_1130 : memref<16x100xi32, #tpu.memory_space<vmem>>) target_semaphore(%arg11 : memref<!tpu.dma_semaphore, #tpu.memory_space<semaphore_mem>>)
      } else {
      }
      %ge3A_740 = arith.constant 2 : i32
      %ge3A_741 = arith.cmpi sge, %add3A_703, %ge3A_740 : i32
      %convert_element_type3A_742 = arith.extui %ge3A_741 : i1 to i32
      %cond3A_743 = arith.constant 0 : i32
      %cond3A_744 = arith.cmpi ne, %convert_element_type3A_742, %cond3A_743 : i32
      scf.if %cond3A_744 {
        %dma_wait3A_1113 = arith.constant 1 : i32
        %dma_wait3A_1114 = arith.constant 0 : i32
        %dma_wait3A_1115 = arith.constant 0 : i32
        %dma_wait3A_1116 = tpu.memref_slice %arg7[%dma_wait3A_1113, %dma_wait3A_1114, %dma_wait3A_1115] : memref<2x8x32xf32, #tpu.memory_space<vmem>> -> memref<1x8x32xf32, #tpu.memory_space<vmem>>
        %dma_wait3A_1117 = tpu.memref_squeeze %dma_wait3A_1116 : memref<1x8x32xf32, #tpu.memory_space<vmem>> -> memref<8x32xf32, #tpu.memory_space<vmem>>
        %dma_wait3A_1118 = arith.constant 0 : i32
        %dma_wait3A_1119 = arith.constant 0 : i32
        %dma_wait3A_1120 = tpu.memref_slice %arg4[%dma_wait3A_1118, %dma_wait3A_1119] : memref<16384x32xf32, #tpu.memory_space<hbm>> -> memref<8x32xf32, #tpu.memory_space<hbm>>
        %dma_wait3A_1121 = arith.constant 0 : i32
        %dma_wait3A_1122 = arith.constant 0 : i32
        %dma_wait3A_1123 = tpu.memref_slice %arg4[%dma_wait3A_1121, %dma_wait3A_1122] : memref<16384x32xf32, #tpu.memory_space<hbm>> -> memref<8x32xf32, #tpu.memory_space<hbm>>
        %dma_wait3A_1124 = arith.constant 0 : i32
        %dma_wait3A_1125 = arith.constant 0 : i32
        %dma_wait3A_1126 = tpu.memref_slice %arg7[%dma_wait3A_1113, %dma_wait3A_1124, %dma_wait3A_1125] : memref<2x8x32xf32, #tpu.memory_space<vmem>> -> memref<1x8x32xf32, #tpu.memory_space<vmem>>
        %dma_wait3A_1127 = tpu.memref_squeeze %dma_wait3A_1126 : memref<1x8x32xf32, #tpu.memory_space<vmem>> -> memref<8x32xf32, #tpu.memory_space<vmem>>
        tpu.wait_dma2 semaphore(%arg13 : memref<!tpu.dma_semaphore, #tpu.memory_space<semaphore_mem>>) src(%dma_wait3A_1127 : memref<8x32xf32, #tpu.memory_space<vmem>>) dst(%dma_wait3A_1123 : memref<8x32xf32, #tpu.memory_space<hbm>>)
      } else {
      }
      %mul3A_745 = arith.constant 8 : i32
      %mul3A_746 = arith.muli %add3A_703, %mul3A_745 : i32
      %add3A_747 = arith.addi %mul3A_2, %mul3A_746 : i32
      %broadcast_in_dim3A_748 = arith.constant 0.000000e+00 : f32
      %broadcast_in_dim3A_749 = vector.broadcast %broadcast_in_dim3A_748 : f32 to vector<16xf32>
      %scan3A_750 = arith.constant 0 : i32
      %scan3A_751 = arith.constant 25 : i32
      %scan3A_752 = arith.addi %scan3A_750, %scan3A_751 : i32
      %scan3A_753 = arith.constant 1 : i32
      %scan3A_754:16 = scf.for %scan3A_1113 = %scan3A_750 to %scan3A_752 step %scan3A_753 iter_args(%scan3A_1114 = %broadcast_in_dim3A_749, %scan3A_1115 = %broadcast_in_dim3A_749, %scan3A_1116 = %broadcast_in_dim3A_749, %scan3A_1117 = %broadcast_in_dim3A_749, %scan3A_1118 = %broadcast_in_dim3A_749, %scan3A_1119 = %broadcast_in_dim3A_749, %scan3A_1120 = %broadcast_in_dim3A_749, %scan3A_1121 = %broadcast_in_dim3A_749, %scan3A_1122 = %broadcast_in_dim3A_749, %scan3A_1123 = %broadcast_in_dim3A_749, %scan3A_1124 = %broadcast_in_dim3A_749, %scan3A_1125 = %broadcast_in_dim3A_749, %scan3A_1126 = %broadcast_in_dim3A_749, %scan3A_1127 = %broadcast_in_dim3A_749, %scan3A_1128 = %broadcast_in_dim3A_749, %scan3A_1129 = %broadcast_in_dim3A_749) -> (vector<16xf32>, vector<16xf32>, vector<16xf32>, vector<16xf32>, vector<16xf32>, vector<16xf32>, vector<16xf32>, vector<16xf32>, vector<16xf32>, vector<16xf32>, vector<16xf32>, vector<16xf32>, vector<16xf32>, vector<16xf32>, vector<16xf32>, vector<16xf32>)  : i32 {
        %mul3A_1130 = arith.constant 8 : i32
        %mul3A_1131 = arith.muli %scan3A_1113, %mul3A_1130 : i32
        %add3A_1132 = arith.constant 0 : i32
        %add3A_1133 = arith.addi %add3A_1132, %mul3A_1131 : i32
        %add3A_1134 = arith.constant 0 : i32
        %add3A_1135 = arith.addi %add3A_1133, %add3A_1134 : i32
        %get3A = arith.constant 1 : i32
        %get3A_1136 = arith.index_cast %get3A : i32 to index
        %get3A_1137 = arith.index_cast %add3A_1135 : i32 to index
        %get3A_1138 = arith.constant 0 : index
        %get3A_1139 = tpu.vector_load %arg6[%get3A_1136, %get3A_1137, %get3A_1138] {strides = array<i32>} : memref<2x1600x32xf32, #tpu.memory_space<vmem>>, vector<1x1x16xf32>,
        %get3A_1140 = vector.shape_cast %get3A_1139 : vector<1x1x16xf32> to vector<16xf32>
        %add3A_1141 = arith.addf %scan3A_1114, %get3A_1140 : vector<16xf32>
        %add3A_1142 = arith.constant 0 : i32
        %add3A_1143 = arith.addi %add3A_1133, %add3A_1142 : i32
        %get3A_1144 = arith.constant 1 : i32
        %get3A_1145 = arith.index_cast %get3A_1144 : i32 to index
        %get3A_1146 = arith.index_cast %add3A_1143 : i32 to index
        %get3A_1147 = arith.constant 16 : index
        %get3A_1148 = tpu.vector_load %arg6[%get3A_1145, %get3A_1146, %get3A_1147] {strides = array<i32>} : memref<2x1600x32xf32, #tpu.memory_space<vmem>>, vector<1x1x16xf32>,
        %get3A_1149 = vector.shape_cast %get3A_1148 : vector<1x1x16xf32> to vector<16xf32>
        %add3A_1150 = arith.addf %scan3A_1115, %get3A_1149 : vector<16xf32>
        %add3A_1151 = arith.constant 1 : i32
        %add3A_1152 = arith.addi %add3A_1133, %add3A_1151 : i32
        %get3A_1153 = arith.constant 1 : i32
        %get3A_1154 = arith.index_cast %get3A_1153 : i32 to index
        %get3A_1155 = arith.index_cast %add3A_1152 : i32 to index
        %get3A_1156 = arith.constant 0 : index
        %get3A_1157 = tpu.vector_load %arg6[%get3A_1154, %get3A_1155, %get3A_1156] {strides = array<i32>} : memref<2x1600x32xf32, #tpu.memory_space<vmem>>, vector<1x1x16xf32>,
        %get3A_1158 = vector.shape_cast %get3A_1157 : vector<1x1x16xf32> to vector<16xf32>
        %add3A_1159 = arith.addf %scan3A_1116, %get3A_1158 : vector<16xf32>
        %add3A_1160 = arith.constant 1 : i32
        %add3A_1161 = arith.addi %add3A_1133, %add3A_1160 : i32
        %get3A_1162 = arith.constant 1 : i32
        %get3A_1163 = arith.index_cast %get3A_1162 : i32 to index
        %get3A_1164 = arith.index_cast %add3A_1161 : i32 to index
        %get3A_1165 = arith.constant 16 : index
        %get3A_1166 = tpu.vector_load %arg6[%get3A_1163, %get3A_1164, %get3A_1165] {strides = array<i32>} : memref<2x1600x32xf32, #tpu.memory_space<vmem>>, vector<1x1x16xf32>,
        %get3A_1167 = vector.shape_cast %get3A_1166 : vector<1x1x16xf32> to vector<16xf32>
        %add3A_1168 = arith.addf %scan3A_1117, %get3A_1167 : vector<16xf32>
        %add3A_1169 = arith.constant 2 : i32
        %add3A_1170 = arith.addi %add3A_1133, %add3A_1169 : i32
        %get3A_1171 = arith.constant 1 : i32
        %get3A_1172 = arith.index_cast %get3A_1171 : i32 to index
        %get3A_1173 = arith.index_cast %add3A_1170 : i32 to index
        %get3A_1174 = arith.constant 0 : index
        %get3A_1175 = tpu.vector_load %arg6[%get3A_1172, %get3A_1173, %get3A_1174] {strides = array<i32>} : memref<2x1600x32xf32, #tpu.memory_space<vmem>>, vector<1x1x16xf32>,
        %get3A_1176 = vector.shape_cast %get3A_1175 : vector<1x1x16xf32> to vector<16xf32>
        %add3A_1177 = arith.addf %scan3A_1118, %get3A_1176 : vector<16xf32>
        %add3A_1178 = arith.constant 2 : i32
        %add3A_1179 = arith.addi %add3A_1133, %add3A_1178 : i32
        %get3A_1180 = arith.constant 1 : i32
        %get3A_1181 = arith.index_cast %get3A_1180 : i32 to index
        %get3A_1182 = arith.index_cast %add3A_1179 : i32 to index
        %get3A_1183 = arith.constant 16 : index
        %get3A_1184 = tpu.vector_load %arg6[%get3A_1181, %get3A_1182, %get3A_1183] {strides = array<i32>} : memref<2x1600x32xf32, #tpu.memory_space<vmem>>, vector<1x1x16xf32>,
        %get3A_1185 = vector.shape_cast %get3A_1184 : vector<1x1x16xf32> to vector<16xf32>
        %add3A_1186 = arith.addf %scan3A_1119, %get3A_1185 : vector<16xf32>
        %add3A_1187 = arith.constant 3 : i32
        %add3A_1188 = arith.addi %add3A_1133, %add3A_1187 : i32
        %get3A_1189 = arith.constant 1 : i32
        %get3A_1190 = arith.index_cast %get3A_1189 : i32 to index
        %get3A_1191 = arith.index_cast %add3A_1188 : i32 to index
        %get3A_1192 = arith.constant 0 : index
        %get3A_1193 = tpu.vector_load %arg6[%get3A_1190, %get3A_1191, %get3A_1192] {strides = array<i32>} : memref<2x1600x32xf32, #tpu.memory_space<vmem>>, vector<1x1x16xf32>,
        %get3A_1194 = vector.shape_cast %get3A_1193 : vector<1x1x16xf32> to vector<16xf32>
        %add3A_1195 = arith.addf %scan3A_1120, %get3A_1194 : vector<16xf32>
        %add3A_1196 = arith.constant 3 : i32
        %add3A_1197 = arith.addi %add3A_1133, %add3A_1196 : i32
        %get3A_1198 = arith.constant 1 : i32
        %get3A_1199 = arith.index_cast %get3A_1198 : i32 to index
        %get3A_1200 = arith.index_cast %add3A_1197 : i32 to index
        %get3A_1201 = arith.constant 16 : index
        %get3A_1202 = tpu.vector_load %arg6[%get3A_1199, %get3A_1200, %get3A_1201] {strides = array<i32>} : memref<2x1600x32xf32, #tpu.memory_space<vmem>>, vector<1x1x16xf32>,
        %get3A_1203 = vector.shape_cast %get3A_1202 : vector<1x1x16xf32> to vector<16xf32>
        %add3A_1204 = arith.addf %scan3A_1121, %get3A_1203 : vector<16xf32>
        %add3A_1205 = arith.constant 4 : i32
        %add3A_1206 = arith.addi %add3A_1133, %add3A_1205 : i32
        %get3A_1207 = arith.constant 1 : i32
        %get3A_1208 = arith.index_cast %get3A_1207 : i32 to index
        %get3A_1209 = arith.index_cast %add3A_1206 : i32 to index
        %get3A_1210 = arith.constant 0 : index
        %get3A_1211 = tpu.vector_load %arg6[%get3A_1208, %get3A_1209, %get3A_1210] {strides = array<i32>} : memref<2x1600x32xf32, #tpu.memory_space<vmem>>, vector<1x1x16xf32>,
        %get3A_1212 = vector.shape_cast %get3A_1211 : vector<1x1x16xf32> to vector<16xf32>
        %add3A_1213 = arith.addf %scan3A_1122, %get3A_1212 : vector<16xf32>
        %add3A_1214 = arith.constant 4 : i32
        %add3A_1215 = arith.addi %add3A_1133, %add3A_1214 : i32
        %get3A_1216 = arith.constant 1 : i32
        %get3A_1217 = arith.index_cast %get3A_1216 : i32 to index
        %get3A_1218 = arith.index_cast %add3A_1215 : i32 to index
        %get3A_1219 = arith.constant 16 : index
        %get3A_1220 = tpu.vector_load %arg6[%get3A_1217, %get3A_1218, %get3A_1219] {strides = array<i32>} : memref<2x1600x32xf32, #tpu.memory_space<vmem>>, vector<1x1x16xf32>,
        %get3A_1221 = vector.shape_cast %get3A_1220 : vector<1x1x16xf32> to vector<16xf32>
        %add3A_1222 = arith.addf %scan3A_1123, %get3A_1221 : vector<16xf32>
        %add3A_1223 = arith.constant 5 : i32
        %add3A_1224 = arith.addi %add3A_1133, %add3A_1223 : i32
        %get3A_1225 = arith.constant 1 : i32
        %get3A_1226 = arith.index_cast %get3A_1225 : i32 to index
        %get3A_1227 = arith.index_cast %add3A_1224 : i32 to index
        %get3A_1228 = arith.constant 0 : index
        %get3A_1229 = tpu.vector_load %arg6[%get3A_1226, %get3A_1227, %get3A_1228] {strides = array<i32>} : memref<2x1600x32xf32, #tpu.memory_space<vmem>>, vector<1x1x16xf32>,
        %get3A_1230 = vector.shape_cast %get3A_1229 : vector<1x1x16xf32> to vector<16xf32>
        %add3A_1231 = arith.addf %scan3A_1124, %get3A_1230 : vector<16xf32>
        %add3A_1232 = arith.constant 5 : i32
        %add3A_1233 = arith.addi %add3A_1133, %add3A_1232 : i32
        %get3A_1234 = arith.constant 1 : i32
        %get3A_1235 = arith.index_cast %get3A_1234 : i32 to index
        %get3A_1236 = arith.index_cast %add3A_1233 : i32 to index
        %get3A_1237 = arith.constant 16 : index
        %get3A_1238 = tpu.vector_load %arg6[%get3A_1235, %get3A_1236, %get3A_1237] {strides = array<i32>} : memref<2x1600x32xf32, #tpu.memory_space<vmem>>, vector<1x1x16xf32>,
        %get3A_1239 = vector.shape_cast %get3A_1238 : vector<1x1x16xf32> to vector<16xf32>
        %add3A_1240 = arith.addf %scan3A_1125, %get3A_1239 : vector<16xf32>
        %add3A_1241 = arith.constant 6 : i32
        %add3A_1242 = arith.addi %add3A_1133, %add3A_1241 : i32
        %get3A_1243 = arith.constant 1 : i32
        %get3A_1244 = arith.index_cast %get3A_1243 : i32 to index
        %get3A_1245 = arith.index_cast %add3A_1242 : i32 to index
        %get3A_1246 = arith.constant 0 : index
        %get3A_1247 = tpu.vector_load %arg6[%get3A_1244, %get3A_1245, %get3A_1246] {strides = array<i32>} : memref<2x1600x32xf32, #tpu.memory_space<vmem>>, vector<1x1x16xf32>,
        %get3A_1248 = vector.shape_cast %get3A_1247 : vector<1x1x16xf32> to vector<16xf32>
        %add3A_1249 = arith.addf %scan3A_1126, %get3A_1248 : vector<16xf32>
        %add3A_1250 = arith.constant 6 : i32
        %add3A_1251 = arith.addi %add3A_1133, %add3A_1250 : i32
        %get3A_1252 = arith.constant 1 : i32
        %get3A_1253 = arith.index_cast %get3A_1252 : i32 to index
        %get3A_1254 = arith.index_cast %add3A_1251 : i32 to index
        %get3A_1255 = arith.constant 16 : index
        %get3A_1256 = tpu.vector_load %arg6[%get3A_1253, %get3A_1254, %get3A_1255] {strides = array<i32>} : memref<2x1600x32xf32, #tpu.memory_space<vmem>>, vector<1x1x16xf32>,
        %get3A_1257 = vector.shape_cast %get3A_1256 : vector<1x1x16xf32> to vector<16xf32>
        %add3A_1258 = arith.addf %scan3A_1127, %get3A_1257 : vector<16xf32>
        %add3A_1259 = arith.constant 7 : i32
        %add3A_1260 = arith.addi %add3A_1133, %add3A_1259 : i32
        %get3A_1261 = arith.constant 1 : i32
        %get3A_1262 = arith.index_cast %get3A_1261 : i32 to index
        %get3A_1263 = arith.index_cast %add3A_1260 : i32 to index
        %get3A_1264 = arith.constant 0 : index
        %get3A_1265 = tpu.vector_load %arg6[%get3A_1262, %get3A_1263, %get3A_1264] {strides = array<i32>} : memref<2x1600x32xf32, #tpu.memory_space<vmem>>, vector<1x1x16xf32>,
        %get3A_1266 = vector.shape_cast %get3A_1265 : vector<1x1x16xf32> to vector<16xf32>
        %add3A_1267 = arith.addf %scan3A_1128, %get3A_1266 : vector<16xf32>
        %add3A_1268 = arith.constant 7 : i32
        %add3A_1269 = arith.addi %add3A_1133, %add3A_1268 : i32
        %get3A_1270 = arith.constant 1 : i32
        %get3A_1271 = arith.index_cast %get3A_1270 : i32 to index
        %get3A_1272 = arith.index_cast %add3A_1269 : i32 to index
        %get3A_1273 = arith.constant 16 : index
        %get3A_1274 = tpu.vector_load %arg6[%get3A_1271, %get3A_1272, %get3A_1273] {strides = array<i32>} : memref<2x1600x32xf32, #tpu.memory_space<vmem>>, vector<1x1x16xf32>,
        %get3A_1275 = vector.shape_cast %get3A_1274 : vector<1x1x16xf32> to vector<16xf32>
        %add3A_1276 = arith.addf %scan3A_1129, %get3A_1275 : vector<16xf32>
        scf.yield %add3A_1141, %add3A_1150, %add3A_1159, %add3A_1168, %add3A_1177, %add3A_1186, %add3A_1195, %add3A_1204, %add3A_1213, %add3A_1222, %add3A_1231, %add3A_1240, %add3A_1249, %add3A_1258, %add3A_1267, %add3A_1276 : vector<16xf32>, vector<16xf32>, vector<16xf32>, vector<16xf32>, vector<16xf32>, vector<16xf32>, vector<16xf32>, vector<16xf32>, vector<16xf32>, vector<16xf32>, vector<16xf32>, vector<16xf32>, vector<16xf32>, vector<16xf32>, vector<16xf32>, vector<16xf32>
      }
      %scan3A_755 = arith.constant 25 : i32
      %add3A_756 = arith.addf %scan3A_754#0, %scan3A_754#2 : vector<16xf32>
      %add3A_757 = arith.addf %scan3A_754#1, %scan3A_754#3 : vector<16xf32>
      %add3A_758 = arith.addf %add3A_756, %scan3A_754#4 : vector<16xf32>
      %add3A_759 = arith.addf %add3A_757, %scan3A_754#5 : vector<16xf32>
      %add3A_760 = arith.addf %add3A_758, %scan3A_754#6 : vector<16xf32>
      %add3A_761 = arith.addf %add3A_759, %scan3A_754#7 : vector<16xf32>
      %add3A_762 = arith.addf %add3A_760, %scan3A_754#8 : vector<16xf32>
      %add3A_763 = arith.addf %add3A_761, %scan3A_754#9 : vector<16xf32>
      %add3A_764 = arith.addf %add3A_762, %scan3A_754#10 : vector<16xf32>
      %add3A_765 = arith.addf %add3A_763, %scan3A_754#11 : vector<16xf32>
      %add3A_766 = arith.addf %add3A_764, %scan3A_754#12 : vector<16xf32>
      %add3A_767 = arith.addf %add3A_765, %scan3A_754#13 : vector<16xf32>
      %add3A_768 = arith.addf %add3A_766, %scan3A_754#14 : vector<16xf32>
      %add3A_769 = arith.addf %add3A_767, %scan3A_754#15 : vector<16xf32>
      %mul3A_770 = arith.constant 5.000000e-03 : f32
      %mul3A_771 = vector.broadcast %mul3A_770 : f32 to vector<16xf32>
      %mul3A_772 = arith.mulf %add3A_768, %mul3A_771 : vector<16xf32>
      %swap3A_773 = arith.constant 1 : i32
      %swap3A_774 = arith.constant 0 : i32
      %swap3A_775 = arith.index_cast %swap3A_773 : i32 to index
      %swap3A_776 = arith.index_cast %swap3A_774 : i32 to index
      %swap3A_777 = arith.constant 0 : index
      %swap3A_778 = tpu.vector_load %arg7[%swap3A_775, %swap3A_776, %swap3A_777] {strides = array<i32>} : memref<2x8x32xf32, #tpu.memory_space<vmem>>, vector<1x1x16xf32>,
      %swap3A_779 = vector.shape_cast %swap3A_778 : vector<1x1x16xf32> to vector<16xf32>
      %swap3A_780 = vector.shape_cast %mul3A_772 : vector<16xf32> to vector<1x1x16xf32>
      tpu.vector_store %arg7[%swap3A_775, %swap3A_776, %swap3A_777], %swap3A_780 {strides = array<i32>} : memref<2x8x32xf32, #tpu.memory_space<vmem>>, vector<1x1x16xf32>,
      %mul3A_781 = arith.constant 5.000000e-03 : f32
      %mul3A_782 = vector.broadcast %mul3A_781 : f32 to vector<16xf32>
      %mul3A_783 = arith.mulf %add3A_769, %mul3A_782 : vector<16xf32>
      %swap3A_784 = arith.constant 1 : i32
      %swap3A_785 = arith.constant 0 : i32
      %swap3A_786 = arith.index_cast %swap3A_784 : i32 to index
      %swap3A_787 = arith.index_cast %swap3A_785 : i32 to index
      %swap3A_788 = arith.constant 16 : index
      %swap3A_789 = tpu.vector_load %arg7[%swap3A_786, %swap3A_787, %swap3A_788] {strides = array<i32>} : memref<2x8x32xf32, #tpu.memory_space<vmem>>, vector<1x1x16xf32>,
      %swap3A_790 = vector.shape_cast %swap3A_789 : vector<1x1x16xf32> to vector<16xf32>
      %swap3A_791 = vector.shape_cast %mul3A_783 : vector<16xf32> to vector<1x1x16xf32>
      tpu.vector_store %arg7[%swap3A_786, %swap3A_787, %swap3A_788], %swap3A_791 {strides = array<i32>} : memref<2x8x32xf32, #tpu.memory_space<vmem>>, vector<1x1x16xf32>,
      %broadcast_in_dim3A_792 = arith.constant 0.000000e+00 : f32
      %broadcast_in_dim3A_793 = vector.broadcast %broadcast_in_dim3A_792 : f32 to vector<16xf32>
      %scan3A_794 = arith.constant 0 : i32
      %scan3A_795 = arith.constant 25 : i32
      %scan3A_796 = arith.addi %scan3A_794, %scan3A_795 : i32
      %scan3A_797 = arith.constant 1 : i32
      %scan3A_798:16 = scf.for %scan3A_1113 = %scan3A_794 to %scan3A_796 step %scan3A_797 iter_args(%scan3A_1114 = %broadcast_in_dim3A_793, %scan3A_1115 = %broadcast_in_dim3A_793, %scan3A_1116 = %broadcast_in_dim3A_793, %scan3A_1117 = %broadcast_in_dim3A_793, %scan3A_1118 = %broadcast_in_dim3A_793, %scan3A_1119 = %broadcast_in_dim3A_793, %scan3A_1120 = %broadcast_in_dim3A_793, %scan3A_1121 = %broadcast_in_dim3A_793, %scan3A_1122 = %broadcast_in_dim3A_793, %scan3A_1123 = %broadcast_in_dim3A_793, %scan3A_1124 = %broadcast_in_dim3A_793, %scan3A_1125 = %broadcast_in_dim3A_793, %scan3A_1126 = %broadcast_in_dim3A_793, %scan3A_1127 = %broadcast_in_dim3A_793, %scan3A_1128 = %broadcast_in_dim3A_793, %scan3A_1129 = %broadcast_in_dim3A_793) -> (vector<16xf32>, vector<16xf32>, vector<16xf32>, vector<16xf32>, vector<16xf32>, vector<16xf32>, vector<16xf32>, vector<16xf32>, vector<16xf32>, vector<16xf32>, vector<16xf32>, vector<16xf32>, vector<16xf32>, vector<16xf32>, vector<16xf32>, vector<16xf32>)  : i32 {
        %mul3A_1130 = arith.constant 8 : i32
        %mul3A_1131 = arith.muli %scan3A_1113, %mul3A_1130 : i32
        %add3A_1132 = arith.constant 200 : i32
        %add3A_1133 = arith.addi %add3A_1132, %mul3A_1131 : i32
        %add3A_1134 = arith.constant 0 : i32
        %add3A_1135 = arith.addi %add3A_1133, %add3A_1134 : i32
        %get3A = arith.constant 1 : i32
        %get3A_1136 = arith.index_cast %get3A : i32 to index
        %get3A_1137 = arith.index_cast %add3A_1135 : i32 to index
        %get3A_1138 = arith.constant 0 : index
        %get3A_1139 = tpu.vector_load %arg6[%get3A_1136, %get3A_1137, %get3A_1138] {strides = array<i32>} : memref<2x1600x32xf32, #tpu.memory_space<vmem>>, vector<1x1x16xf32>,
        %get3A_1140 = vector.shape_cast %get3A_1139 : vector<1x1x16xf32> to vector<16xf32>
        %add3A_1141 = arith.addf %scan3A_1114, %get3A_1140 : vector<16xf32>
        %add3A_1142 = arith.constant 0 : i32
        %add3A_1143 = arith.addi %add3A_1133, %add3A_1142 : i32
        %get3A_1144 = arith.constant 1 : i32
        %get3A_1145 = arith.index_cast %get3A_1144 : i32 to index
        %get3A_1146 = arith.index_cast %add3A_1143 : i32 to index
        %get3A_1147 = arith.constant 16 : index
        %get3A_1148 = tpu.vector_load %arg6[%get3A_1145, %get3A_1146, %get3A_1147] {strides = array<i32>} : memref<2x1600x32xf32, #tpu.memory_space<vmem>>, vector<1x1x16xf32>,
        %get3A_1149 = vector.shape_cast %get3A_1148 : vector<1x1x16xf32> to vector<16xf32>
        %add3A_1150 = arith.addf %scan3A_1115, %get3A_1149 : vector<16xf32>
        %add3A_1151 = arith.constant 1 : i32
        %add3A_1152 = arith.addi %add3A_1133, %add3A_1151 : i32
        %get3A_1153 = arith.constant 1 : i32
        %get3A_1154 = arith.index_cast %get3A_1153 : i32 to index
        %get3A_1155 = arith.index_cast %add3A_1152 : i32 to index
        %get3A_1156 = arith.constant 0 : index
        %get3A_1157 = tpu.vector_load %arg6[%get3A_1154, %get3A_1155, %get3A_1156] {strides = array<i32>} : memref<2x1600x32xf32, #tpu.memory_space<vmem>>, vector<1x1x16xf32>,
        %get3A_1158 = vector.shape_cast %get3A_1157 : vector<1x1x16xf32> to vector<16xf32>
        %add3A_1159 = arith.addf %scan3A_1116, %get3A_1158 : vector<16xf32>
        %add3A_1160 = arith.constant 1 : i32
        %add3A_1161 = arith.addi %add3A_1133, %add3A_1160 : i32
        %get3A_1162 = arith.constant 1 : i32
        %get3A_1163 = arith.index_cast %get3A_1162 : i32 to index
        %get3A_1164 = arith.index_cast %add3A_1161 : i32 to index
        %get3A_1165 = arith.constant 16 : index
        %get3A_1166 = tpu.vector_load %arg6[%get3A_1163, %get3A_1164, %get3A_1165] {strides = array<i32>} : memref<2x1600x32xf32, #tpu.memory_space<vmem>>, vector<1x1x16xf32>,
        %get3A_1167 = vector.shape_cast %get3A_1166 : vector<1x1x16xf32> to vector<16xf32>
        %add3A_1168 = arith.addf %scan3A_1117, %get3A_1167 : vector<16xf32>
        %add3A_1169 = arith.constant 2 : i32
        %add3A_1170 = arith.addi %add3A_1133, %add3A_1169 : i32
        %get3A_1171 = arith.constant 1 : i32
        %get3A_1172 = arith.index_cast %get3A_1171 : i32 to index
        %get3A_1173 = arith.index_cast %add3A_1170 : i32 to index
        %get3A_1174 = arith.constant 0 : index
        %get3A_1175 = tpu.vector_load %arg6[%get3A_1172, %get3A_1173, %get3A_1174] {strides = array<i32>} : memref<2x1600x32xf32, #tpu.memory_space<vmem>>, vector<1x1x16xf32>,
        %get3A_1176 = vector.shape_cast %get3A_1175 : vector<1x1x16xf32> to vector<16xf32>
        %add3A_1177 = arith.addf %scan3A_1118, %get3A_1176 : vector<16xf32>
        %add3A_1178 = arith.constant 2 : i32
        %add3A_1179 = arith.addi %add3A_1133, %add3A_1178 : i32
        %get3A_1180 = arith.constant 1 : i32
        %get3A_1181 = arith.index_cast %get3A_1180 : i32 to index
        %get3A_1182 = arith.index_cast %add3A_1179 : i32 to index
        %get3A_1183 = arith.constant 16 : index
        %get3A_1184 = tpu.vector_load %arg6[%get3A_1181, %get3A_1182, %get3A_1183] {strides = array<i32>} : memref<2x1600x32xf32, #tpu.memory_space<vmem>>, vector<1x1x16xf32>,
        %get3A_1185 = vector.shape_cast %get3A_1184 : vector<1x1x16xf32> to vector<16xf32>
        %add3A_1186 = arith.addf %scan3A_1119, %get3A_1185 : vector<16xf32>
        %add3A_1187 = arith.constant 3 : i32
        %add3A_1188 = arith.addi %add3A_1133, %add3A_1187 : i32
        %get3A_1189 = arith.constant 1 : i32
        %get3A_1190 = arith.index_cast %get3A_1189 : i32 to index
        %get3A_1191 = arith.index_cast %add3A_1188 : i32 to index
        %get3A_1192 = arith.constant 0 : index
        %get3A_1193 = tpu.vector_load %arg6[%get3A_1190, %get3A_1191, %get3A_1192] {strides = array<i32>} : memref<2x1600x32xf32, #tpu.memory_space<vmem>>, vector<1x1x16xf32>,
        %get3A_1194 = vector.shape_cast %get3A_1193 : vector<1x1x16xf32> to vector<16xf32>
        %add3A_1195 = arith.addf %scan3A_1120, %get3A_1194 : vector<16xf32>
        %add3A_1196 = arith.constant 3 : i32
        %add3A_1197 = arith.addi %add3A_1133, %add3A_1196 : i32
        %get3A_1198 = arith.constant 1 : i32
        %get3A_1199 = arith.index_cast %get3A_1198 : i32 to index
        %get3A_1200 = arith.index_cast %add3A_1197 : i32 to index
        %get3A_1201 = arith.constant 16 : index
        %get3A_1202 = tpu.vector_load %arg6[%get3A_1199, %get3A_1200, %get3A_1201] {strides = array<i32>} : memref<2x1600x32xf32, #tpu.memory_space<vmem>>, vector<1x1x16xf32>,
        %get3A_1203 = vector.shape_cast %get3A_1202 : vector<1x1x16xf32> to vector<16xf32>
        %add3A_1204 = arith.addf %scan3A_1121, %get3A_1203 : vector<16xf32>
        %add3A_1205 = arith.constant 4 : i32
        %add3A_1206 = arith.addi %add3A_1133, %add3A_1205 : i32
        %get3A_1207 = arith.constant 1 : i32
        %get3A_1208 = arith.index_cast %get3A_1207 : i32 to index
        %get3A_1209 = arith.index_cast %add3A_1206 : i32 to index
        %get3A_1210 = arith.constant 0 : index
        %get3A_1211 = tpu.vector_load %arg6[%get3A_1208, %get3A_1209, %get3A_1210] {strides = array<i32>} : memref<2x1600x32xf32, #tpu.memory_space<vmem>>, vector<1x1x16xf32>,
        %get3A_1212 = vector.shape_cast %get3A_1211 : vector<1x1x16xf32> to vector<16xf32>
        %add3A_1213 = arith.addf %scan3A_1122, %get3A_1212 : vector<16xf32>
        %add3A_1214 = arith.constant 4 : i32
        %add3A_1215 = arith.addi %add3A_1133, %add3A_1214 : i32
        %get3A_1216 = arith.constant 1 : i32
        %get3A_1217 = arith.index_cast %get3A_1216 : i32 to index
        %get3A_1218 = arith.index_cast %add3A_1215 : i32 to index
        %get3A_1219 = arith.constant 16 : index
        %get3A_1220 = tpu.vector_load %arg6[%get3A_1217, %get3A_1218, %get3A_1219] {strides = array<i32>} : memref<2x1600x32xf32, #tpu.memory_space<vmem>>, vector<1x1x16xf32>,
        %get3A_1221 = vector.shape_cast %get3A_1220 : vector<1x1x16xf32> to vector<16xf32>
        %add3A_1222 = arith.addf %scan3A_1123, %get3A_1221 : vector<16xf32>
        %add3A_1223 = arith.constant 5 : i32
        %add3A_1224 = arith.addi %add3A_1133, %add3A_1223 : i32
        %get3A_1225 = arith.constant 1 : i32
        %get3A_1226 = arith.index_cast %get3A_1225 : i32 to index
        %get3A_1227 = arith.index_cast %add3A_1224 : i32 to index
        %get3A_1228 = arith.constant 0 : index
        %get3A_1229 = tpu.vector_load %arg6[%get3A_1226, %get3A_1227, %get3A_1228] {strides = array<i32>} : memref<2x1600x32xf32, #tpu.memory_space<vmem>>, vector<1x1x16xf32>,
        %get3A_1230 = vector.shape_cast %get3A_1229 : vector<1x1x16xf32> to vector<16xf32>
        %add3A_1231 = arith.addf %scan3A_1124, %get3A_1230 : vector<16xf32>
        %add3A_1232 = arith.constant 5 : i32
        %add3A_1233 = arith.addi %add3A_1133, %add3A_1232 : i32
        %get3A_1234 = arith.constant 1 : i32
        %get3A_1235 = arith.index_cast %get3A_1234 : i32 to index
        %get3A_1236 = arith.index_cast %add3A_1233 : i32 to index
        %get3A_1237 = arith.constant 16 : index
        %get3A_1238 = tpu.vector_load %arg6[%get3A_1235, %get3A_1236, %get3A_1237] {strides = array<i32>} : memref<2x1600x32xf32, #tpu.memory_space<vmem>>, vector<1x1x16xf32>,
        %get3A_1239 = vector.shape_cast %get3A_1238 : vector<1x1x16xf32> to vector<16xf32>
        %add3A_1240 = arith.addf %scan3A_1125, %get3A_1239 : vector<16xf32>
        %add3A_1241 = arith.constant 6 : i32
        %add3A_1242 = arith.addi %add3A_1133, %add3A_1241 : i32
        %get3A_1243 = arith.constant 1 : i32
        %get3A_1244 = arith.index_cast %get3A_1243 : i32 to index
        %get3A_1245 = arith.index_cast %add3A_1242 : i32 to index
        %get3A_1246 = arith.constant 0 : index
        %get3A_1247 = tpu.vector_load %arg6[%get3A_1244, %get3A_1245, %get3A_1246] {strides = array<i32>} : memref<2x1600x32xf32, #tpu.memory_space<vmem>>, vector<1x1x16xf32>,
        %get3A_1248 = vector.shape_cast %get3A_1247 : vector<1x1x16xf32> to vector<16xf32>
        %add3A_1249 = arith.addf %scan3A_1126, %get3A_1248 : vector<16xf32>
        %add3A_1250 = arith.constant 6 : i32
        %add3A_1251 = arith.addi %add3A_1133, %add3A_1250 : i32
        %get3A_1252 = arith.constant 1 : i32
        %get3A_1253 = arith.index_cast %get3A_1252 : i32 to index
        %get3A_1254 = arith.index_cast %add3A_1251 : i32 to index
        %get3A_1255 = arith.constant 16 : index
        %get3A_1256 = tpu.vector_load %arg6[%get3A_1253, %get3A_1254, %get3A_1255] {strides = array<i32>} : memref<2x1600x32xf32, #tpu.memory_space<vmem>>, vector<1x1x16xf32>,
        %get3A_1257 = vector.shape_cast %get3A_1256 : vector<1x1x16xf32> to vector<16xf32>
        %add3A_1258 = arith.addf %scan3A_1127, %get3A_1257 : vector<16xf32>
        %add3A_1259 = arith.constant 7 : i32
        %add3A_1260 = arith.addi %add3A_1133, %add3A_1259 : i32
        %get3A_1261 = arith.constant 1 : i32
        %get3A_1262 = arith.index_cast %get3A_1261 : i32 to index
        %get3A_1263 = arith.index_cast %add3A_1260 : i32 to index
        %get3A_1264 = arith.constant 0 : index
        %get3A_1265 = tpu.vector_load %arg6[%get3A_1262, %get3A_1263, %get3A_1264] {strides = array<i32>} : memref<2x1600x32xf32, #tpu.memory_space<vmem>>, vector<1x1x16xf32>,
        %get3A_1266 = vector.shape_cast %get3A_1265 : vector<1x1x16xf32> to vector<16xf32>
        %add3A_1267 = arith.addf %scan3A_1128, %get3A_1266 : vector<16xf32>
        %add3A_1268 = arith.constant 7 : i32
        %add3A_1269 = arith.addi %add3A_1133, %add3A_1268 : i32
        %get3A_1270 = arith.constant 1 : i32
        %get3A_1271 = arith.index_cast %get3A_1270 : i32 to index
        %get3A_1272 = arith.index_cast %add3A_1269 : i32 to index
        %get3A_1273 = arith.constant 16 : index
        %get3A_1274 = tpu.vector_load %arg6[%get3A_1271, %get3A_1272, %get3A_1273] {strides = array<i32>} : memref<2x1600x32xf32, #tpu.memory_space<vmem>>, vector<1x1x16xf32>,
        %get3A_1275 = vector.shape_cast %get3A_1274 : vector<1x1x16xf32> to vector<16xf32>
        %add3A_1276 = arith.addf %scan3A_1129, %get3A_1275 : vector<16xf32>
        scf.yield %add3A_1141, %add3A_1150, %add3A_1159, %add3A_1168, %add3A_1177, %add3A_1186, %add3A_1195, %add3A_1204, %add3A_1213, %add3A_1222, %add3A_1231, %add3A_1240, %add3A_1249, %add3A_1258, %add3A_1267, %add3A_1276 : vector<16xf32>, vector<16xf32>, vector<16xf32>, vector<16xf32>, vector<16xf32>, vector<16xf32>, vector<16xf32>, vector<16xf32>, vector<16xf32>, vector<16xf32>, vector<16xf32>, vector<16xf32>, vector<16xf32>, vector<16xf32>, vector<16xf32>, vector<16xf32>
      }
      %scan3A_799 = arith.constant 25 : i32
      %add3A_800 = arith.addf %scan3A_798#0, %scan3A_798#2 : vector<16xf32>
      %add3A_801 = arith.addf %scan3A_798#1, %scan3A_798#3 : vector<16xf32>
      %add3A_802 = arith.addf %add3A_800, %scan3A_798#4 : vector<16xf32>
      %add3A_803 = arith.addf %add3A_801, %scan3A_798#5 : vector<16xf32>
      %add3A_804 = arith.addf %add3A_802, %scan3A_798#6 : vector<16xf32>
      %add3A_805 = arith.addf %add3A_803, %scan3A_798#7 : vector<16xf32>
      %add3A_806 = arith.addf %add3A_804, %scan3A_798#8 : vector<16xf32>
      %add3A_807 = arith.addf %add3A_805, %scan3A_798#9 : vector<16xf32>
      %add3A_808 = arith.addf %add3A_806, %scan3A_798#10 : vector<16xf32>
      %add3A_809 = arith.addf %add3A_807, %scan3A_798#11 : vector<16xf32>
      %add3A_810 = arith.addf %add3A_808, %scan3A_798#12 : vector<16xf32>
      %add3A_811 = arith.addf %add3A_809, %scan3A_798#13 : vector<16xf32>
      %add3A_812 = arith.addf %add3A_810, %scan3A_798#14 : vector<16xf32>
      %add3A_813 = arith.addf %add3A_811, %scan3A_798#15 : vector<16xf32>
      %mul3A_814 = arith.constant 5.000000e-03 : f32
      %mul3A_815 = vector.broadcast %mul3A_814 : f32 to vector<16xf32>
      %mul3A_816 = arith.mulf %add3A_812, %mul3A_815 : vector<16xf32>
      %swap3A_817 = arith.constant 1 : i32
      %swap3A_818 = arith.constant 1 : i32
      %swap3A_819 = arith.index_cast %swap3A_817 : i32 to index
      %swap3A_820 = arith.index_cast %swap3A_818 : i32 to index
      %swap3A_821 = arith.constant 0 : index
      %swap3A_822 = tpu.vector_load %arg7[%swap3A_819, %swap3A_820, %swap3A_821] {strides = array<i32>} : memref<2x8x32xf32, #tpu.memory_space<vmem>>, vector<1x1x16xf32>,
      %swap3A_823 = vector.shape_cast %swap3A_822 : vector<1x1x16xf32> to vector<16xf32>
      %swap3A_824 = vector.shape_cast %mul3A_816 : vector<16xf32> to vector<1x1x16xf32>
      tpu.vector_store %arg7[%swap3A_819, %swap3A_820, %swap3A_821], %swap3A_824 {strides = array<i32>} : memref<2x8x32xf32, #tpu.memory_space<vmem>>, vector<1x1x16xf32>,
      %mul3A_825 = arith.constant 5.000000e-03 : f32
      %mul3A_826 = vector.broadcast %mul3A_825 : f32 to vector<16xf32>
      %mul3A_827 = arith.mulf %add3A_813, %mul3A_826 : vector<16xf32>
      %swap3A_828 = arith.constant 1 : i32
      %swap3A_829 = arith.constant 1 : i32
      %swap3A_830 = arith.index_cast %swap3A_828 : i32 to index
      %swap3A_831 = arith.index_cast %swap3A_829 : i32 to index
      %swap3A_832 = arith.constant 16 : index
      %swap3A_833 = tpu.vector_load %arg7[%swap3A_830, %swap3A_831, %swap3A_832] {strides = array<i32>} : memref<2x8x32xf32, #tpu.memory_space<vmem>>, vector<1x1x16xf32>,
      %swap3A_834 = vector.shape_cast %swap3A_833 : vector<1x1x16xf32> to vector<16xf32>
      %swap3A_835 = vector.shape_cast %mul3A_827 : vector<16xf32> to vector<1x1x16xf32>
      tpu.vector_store %arg7[%swap3A_830, %swap3A_831, %swap3A_832], %swap3A_835 {strides = array<i32>} : memref<2x8x32xf32, #tpu.memory_space<vmem>>, vector<1x1x16xf32>,
      %broadcast_in_dim3A_836 = arith.constant 0.000000e+00 : f32
      %broadcast_in_dim3A_837 = vector.broadcast %broadcast_in_dim3A_836 : f32 to vector<16xf32>
      %scan3A_838 = arith.constant 0 : i32
      %scan3A_839 = arith.constant 25 : i32
      %scan3A_840 = arith.addi %scan3A_838, %scan3A_839 : i32
      %scan3A_841 = arith.constant 1 : i32
      %scan3A_842:16 = scf.for %scan3A_1113 = %scan3A_838 to %scan3A_840 step %scan3A_841 iter_args(%scan3A_1114 = %broadcast_in_dim3A_837, %scan3A_1115 = %broadcast_in_dim3A_837, %scan3A_1116 = %broadcast_in_dim3A_837, %scan3A_1117 = %broadcast_in_dim3A_837, %scan3A_1118 = %broadcast_in_dim3A_837, %scan3A_1119 = %broadcast_in_dim3A_837, %scan3A_1120 = %broadcast_in_dim3A_837, %scan3A_1121 = %broadcast_in_dim3A_837, %scan3A_1122 = %broadcast_in_dim3A_837, %scan3A_1123 = %broadcast_in_dim3A_837, %scan3A_1124 = %broadcast_in_dim3A_837, %scan3A_1125 = %broadcast_in_dim3A_837, %scan3A_1126 = %broadcast_in_dim3A_837, %scan3A_1127 = %broadcast_in_dim3A_837, %scan3A_1128 = %broadcast_in_dim3A_837, %scan3A_1129 = %broadcast_in_dim3A_837) -> (vector<16xf32>, vector<16xf32>, vector<16xf32>, vector<16xf32>, vector<16xf32>, vector<16xf32>, vector<16xf32>, vector<16xf32>, vector<16xf32>, vector<16xf32>, vector<16xf32>, vector<16xf32>, vector<16xf32>, vector<16xf32>, vector<16xf32>, vector<16xf32>)  : i32 {
        %mul3A_1130 = arith.constant 8 : i32
        %mul3A_1131 = arith.muli %scan3A_1113, %mul3A_1130 : i32
        %add3A_1132 = arith.constant 400 : i32
        %add3A_1133 = arith.addi %add3A_1132, %mul3A_1131 : i32
        %add3A_1134 = arith.constant 0 : i32
        %add3A_1135 = arith.addi %add3A_1133, %add3A_1134 : i32
        %get3A = arith.constant 1 : i32
        %get3A_1136 = arith.index_cast %get3A : i32 to index
        %get3A_1137 = arith.index_cast %add3A_1135 : i32 to index
        %get3A_1138 = arith.constant 0 : index
        %get3A_1139 = tpu.vector_load %arg6[%get3A_1136, %get3A_1137, %get3A_1138] {strides = array<i32>} : memref<2x1600x32xf32, #tpu.memory_space<vmem>>, vector<1x1x16xf32>,
        %get3A_1140 = vector.shape_cast %get3A_1139 : vector<1x1x16xf32> to vector<16xf32>
        %add3A_1141 = arith.addf %scan3A_1114, %get3A_1140 : vector<16xf32>
        %add3A_1142 = arith.constant 0 : i32
        %add3A_1143 = arith.addi %add3A_1133, %add3A_1142 : i32
        %get3A_1144 = arith.constant 1 : i32
        %get3A_1145 = arith.index_cast %get3A_1144 : i32 to index
        %get3A_1146 = arith.index_cast %add3A_1143 : i32 to index
        %get3A_1147 = arith.constant 16 : index
        %get3A_1148 = tpu.vector_load %arg6[%get3A_1145, %get3A_1146, %get3A_1147] {strides = array<i32>} : memref<2x1600x32xf32, #tpu.memory_space<vmem>>, vector<1x1x16xf32>,
        %get3A_1149 = vector.shape_cast %get3A_1148 : vector<1x1x16xf32> to vector<16xf32>
        %add3A_1150 = arith.addf %scan3A_1115, %get3A_1149 : vector<16xf32>
        %add3A_1151 = arith.constant 1 : i32
        %add3A_1152 = arith.addi %add3A_1133, %add3A_1151 : i32
        %get3A_1153 = arith.constant 1 : i32
        %get3A_1154 = arith.index_cast %get3A_1153 : i32 to index
        %get3A_1155 = arith.index_cast %add3A_1152 : i32 to index
        %get3A_1156 = arith.constant 0 : index
        %get3A_1157 = tpu.vector_load %arg6[%get3A_1154, %get3A_1155, %get3A_1156] {strides = array<i32>} : memref<2x1600x32xf32, #tpu.memory_space<vmem>>, vector<1x1x16xf32>,
        %get3A_1158 = vector.shape_cast %get3A_1157 : vector<1x1x16xf32> to vector<16xf32>
        %add3A_1159 = arith.addf %scan3A_1116, %get3A_1158 : vector<16xf32>
        %add3A_1160 = arith.constant 1 : i32
        %add3A_1161 = arith.addi %add3A_1133, %add3A_1160 : i32
        %get3A_1162 = arith.constant 1 : i32
        %get3A_1163 = arith.index_cast %get3A_1162 : i32 to index
        %get3A_1164 = arith.index_cast %add3A_1161 : i32 to index
        %get3A_1165 = arith.constant 16 : index
        %get3A_1166 = tpu.vector_load %arg6[%get3A_1163, %get3A_1164, %get3A_1165] {strides = array<i32>} : memref<2x1600x32xf32, #tpu.memory_space<vmem>>, vector<1x1x16xf32>,
        %get3A_1167 = vector.shape_cast %get3A_1166 : vector<1x1x16xf32> to vector<16xf32>
        %add3A_1168 = arith.addf %scan3A_1117, %get3A_1167 : vector<16xf32>
        %add3A_1169 = arith.constant 2 : i32
        %add3A_1170 = arith.addi %add3A_1133, %add3A_1169 : i32
        %get3A_1171 = arith.constant 1 : i32
        %get3A_1172 = arith.index_cast %get3A_1171 : i32 to index
        %get3A_1173 = arith.index_cast %add3A_1170 : i32 to index
        %get3A_1174 = arith.constant 0 : index
        %get3A_1175 = tpu.vector_load %arg6[%get3A_1172, %get3A_1173, %get3A_1174] {strides = array<i32>} : memref<2x1600x32xf32, #tpu.memory_space<vmem>>, vector<1x1x16xf32>,
        %get3A_1176 = vector.shape_cast %get3A_1175 : vector<1x1x16xf32> to vector<16xf32>
        %add3A_1177 = arith.addf %scan3A_1118, %get3A_1176 : vector<16xf32>
        %add3A_1178 = arith.constant 2 : i32
        %add3A_1179 = arith.addi %add3A_1133, %add3A_1178 : i32
        %get3A_1180 = arith.constant 1 : i32
        %get3A_1181 = arith.index_cast %get3A_1180 : i32 to index
        %get3A_1182 = arith.index_cast %add3A_1179 : i32 to index
        %get3A_1183 = arith.constant 16 : index
        %get3A_1184 = tpu.vector_load %arg6[%get3A_1181, %get3A_1182, %get3A_1183] {strides = array<i32>} : memref<2x1600x32xf32, #tpu.memory_space<vmem>>, vector<1x1x16xf32>,
        %get3A_1185 = vector.shape_cast %get3A_1184 : vector<1x1x16xf32> to vector<16xf32>
        %add3A_1186 = arith.addf %scan3A_1119, %get3A_1185 : vector<16xf32>
        %add3A_1187 = arith.constant 3 : i32
        %add3A_1188 = arith.addi %add3A_1133, %add3A_1187 : i32
        %get3A_1189 = arith.constant 1 : i32
        %get3A_1190 = arith.index_cast %get3A_1189 : i32 to index
        %get3A_1191 = arith.index_cast %add3A_1188 : i32 to index
        %get3A_1192 = arith.constant 0 : index
        %get3A_1193 = tpu.vector_load %arg6[%get3A_1190, %get3A_1191, %get3A_1192] {strides = array<i32>} : memref<2x1600x32xf32, #tpu.memory_space<vmem>>, vector<1x1x16xf32>,
        %get3A_1194 = vector.shape_cast %get3A_1193 : vector<1x1x16xf32> to vector<16xf32>
        %add3A_1195 = arith.addf %scan3A_1120, %get3A_1194 : vector<16xf32>
        %add3A_1196 = arith.constant 3 : i32
        %add3A_1197 = arith.addi %add3A_1133, %add3A_1196 : i32
        %get3A_1198 = arith.constant 1 : i32
        %get3A_1199 = arith.index_cast %get3A_1198 : i32 to index
        %get3A_1200 = arith.index_cast %add3A_1197 : i32 to index
        %get3A_1201 = arith.constant 16 : index
        %get3A_1202 = tpu.vector_load %arg6[%get3A_1199, %get3A_1200, %get3A_1201] {strides = array<i32>} : memref<2x1600x32xf32, #tpu.memory_space<vmem>>, vector<1x1x16xf32>,
        %get3A_1203 = vector.shape_cast %get3A_1202 : vector<1x1x16xf32> to vector<16xf32>
        %add3A_1204 = arith.addf %scan3A_1121, %get3A_1203 : vector<16xf32>
        %add3A_1205 = arith.constant 4 : i32
        %add3A_1206 = arith.addi %add3A_1133, %add3A_1205 : i32
        %get3A_1207 = arith.constant 1 : i32
        %get3A_1208 = arith.index_cast %get3A_1207 : i32 to index
        %get3A_1209 = arith.index_cast %add3A_1206 : i32 to index
        %get3A_1210 = arith.constant 0 : index
        %get3A_1211 = tpu.vector_load %arg6[%get3A_1208, %get3A_1209, %get3A_1210] {strides = array<i32>} : memref<2x1600x32xf32, #tpu.memory_space<vmem>>, vector<1x1x16xf32>,
        %get3A_1212 = vector.shape_cast %get3A_1211 : vector<1x1x16xf32> to vector<16xf32>
        %add3A_1213 = arith.addf %scan3A_1122, %get3A_1212 : vector<16xf32>
        %add3A_1214 = arith.constant 4 : i32
        %add3A_1215 = arith.addi %add3A_1133, %add3A_1214 : i32
        %get3A_1216 = arith.constant 1 : i32
        %get3A_1217 = arith.index_cast %get3A_1216 : i32 to index
        %get3A_1218 = arith.index_cast %add3A_1215 : i32 to index
        %get3A_1219 = arith.constant 16 : index
        %get3A_1220 = tpu.vector_load %arg6[%get3A_1217, %get3A_1218, %get3A_1219] {strides = array<i32>} : memref<2x1600x32xf32, #tpu.memory_space<vmem>>, vector<1x1x16xf32>,
        %get3A_1221 = vector.shape_cast %get3A_1220 : vector<1x1x16xf32> to vector<16xf32>
        %add3A_1222 = arith.addf %scan3A_1123, %get3A_1221 : vector<16xf32>
        %add3A_1223 = arith.constant 5 : i32
        %add3A_1224 = arith.addi %add3A_1133, %add3A_1223 : i32
        %get3A_1225 = arith.constant 1 : i32
        %get3A_1226 = arith.index_cast %get3A_1225 : i32 to index
        %get3A_1227 = arith.index_cast %add3A_1224 : i32 to index
        %get3A_1228 = arith.constant 0 : index
        %get3A_1229 = tpu.vector_load %arg6[%get3A_1226, %get3A_1227, %get3A_1228] {strides = array<i32>} : memref<2x1600x32xf32, #tpu.memory_space<vmem>>, vector<1x1x16xf32>,
        %get3A_1230 = vector.shape_cast %get3A_1229 : vector<1x1x16xf32> to vector<16xf32>
        %add3A_1231 = arith.addf %scan3A_1124, %get3A_1230 : vector<16xf32>
        %add3A_1232 = arith.constant 5 : i32
        %add3A_1233 = arith.addi %add3A_1133, %add3A_1232 : i32
        %get3A_1234 = arith.constant 1 : i32
        %get3A_1235 = arith.index_cast %get3A_1234 : i32 to index
        %get3A_1236 = arith.index_cast %add3A_1233 : i32 to index
        %get3A_1237 = arith.constant 16 : index
        %get3A_1238 = tpu.vector_load %arg6[%get3A_1235, %get3A_1236, %get3A_1237] {strides = array<i32>} : memref<2x1600x32xf32, #tpu.memory_space<vmem>>, vector<1x1x16xf32>,
        %get3A_1239 = vector.shape_cast %get3A_1238 : vector<1x1x16xf32> to vector<16xf32>
        %add3A_1240 = arith.addf %scan3A_1125, %get3A_1239 : vector<16xf32>
        %add3A_1241 = arith.constant 6 : i32
        %add3A_1242 = arith.addi %add3A_1133, %add3A_1241 : i32
        %get3A_1243 = arith.constant 1 : i32
        %get3A_1244 = arith.index_cast %get3A_1243 : i32 to index
        %get3A_1245 = arith.index_cast %add3A_1242 : i32 to index
        %get3A_1246 = arith.constant 0 : index
        %get3A_1247 = tpu.vector_load %arg6[%get3A_1244, %get3A_1245, %get3A_1246] {strides = array<i32>} : memref<2x1600x32xf32, #tpu.memory_space<vmem>>, vector<1x1x16xf32>,
        %get3A_1248 = vector.shape_cast %get3A_1247 : vector<1x1x16xf32> to vector<16xf32>
        %add3A_1249 = arith.addf %scan3A_1126, %get3A_1248 : vector<16xf32>
        %add3A_1250 = arith.constant 6 : i32
        %add3A_1251 = arith.addi %add3A_1133, %add3A_1250 : i32
        %get3A_1252 = arith.constant 1 : i32
        %get3A_1253 = arith.index_cast %get3A_1252 : i32 to index
        %get3A_1254 = arith.index_cast %add3A_1251 : i32 to index
        %get3A_1255 = arith.constant 16 : index
        %get3A_1256 = tpu.vector_load %arg6[%get3A_1253, %get3A_1254, %get3A_1255] {strides = array<i32>} : memref<2x1600x32xf32, #tpu.memory_space<vmem>>, vector<1x1x16xf32>,
        %get3A_1257 = vector.shape_cast %get3A_1256 : vector<1x1x16xf32> to vector<16xf32>
        %add3A_1258 = arith.addf %scan3A_1127, %get3A_1257 : vector<16xf32>
        %add3A_1259 = arith.constant 7 : i32
        %add3A_1260 = arith.addi %add3A_1133, %add3A_1259 : i32
        %get3A_1261 = arith.constant 1 : i32
        %get3A_1262 = arith.index_cast %get3A_1261 : i32 to index
        %get3A_1263 = arith.index_cast %add3A_1260 : i32 to index
        %get3A_1264 = arith.constant 0 : index
        %get3A_1265 = tpu.vector_load %arg6[%get3A_1262, %get3A_1263, %get3A_1264] {strides = array<i32>} : memref<2x1600x32xf32, #tpu.memory_space<vmem>>, vector<1x1x16xf32>,
        %get3A_1266 = vector.shape_cast %get3A_1265 : vector<1x1x16xf32> to vector<16xf32>
        %add3A_1267 = arith.addf %scan3A_1128, %get3A_1266 : vector<16xf32>
        %add3A_1268 = arith.constant 7 : i32
        %add3A_1269 = arith.addi %add3A_1133, %add3A_1268 : i32
        %get3A_1270 = arith.constant 1 : i32
        %get3A_1271 = arith.index_cast %get3A_1270 : i32 to index
        %get3A_1272 = arith.index_cast %add3A_1269 : i32 to index
        %get3A_1273 = arith.constant 16 : index
        %get3A_1274 = tpu.vector_load %arg6[%get3A_1271, %get3A_1272, %get3A_1273] {strides = array<i32>} : memref<2x1600x32xf32, #tpu.memory_space<vmem>>, vector<1x1x16xf32>,
        %get3A_1275 = vector.shape_cast %get3A_1274 : vector<1x1x16xf32> to vector<16xf32>
        %add3A_1276 = arith.addf %scan3A_1129, %get3A_1275 : vector<16xf32>
        scf.yield %add3A_1141, %add3A_1150, %add3A_1159, %add3A_1168, %add3A_1177, %add3A_1186, %add3A_1195, %add3A_1204, %add3A_1213, %add3A_1222, %add3A_1231, %add3A_1240, %add3A_1249, %add3A_1258, %add3A_1267, %add3A_1276 : vector<16xf32>, vector<16xf32>, vector<16xf32>, vector<16xf32>, vector<16xf32>, vector<16xf32>, vector<16xf32>, vector<16xf32>, vector<16xf32>, vector<16xf32>, vector<16xf32>, vector<16xf32>, vector<16xf32>, vector<16xf32>, vector<16xf32>, vector<16xf32>
      }
      %scan3A_843 = arith.constant 25 : i32
      %add3A_844 = arith.addf %scan3A_842#0, %scan3A_842#2 : vector<16xf32>
      %add3A_845 = arith.addf %scan3A_842#1, %scan3A_842#3 : vector<16xf32>
      %add3A_846 = arith.addf %add3A_844, %scan3A_842#4 : vector<16xf32>
      %add3A_847 = arith.addf %add3A_845, %scan3A_842#5 : vector<16xf32>
      %add3A_848 = arith.addf %add3A_846, %scan3A_842#6 : vector<16xf32>
      %add3A_849 = arith.addf %add3A_847, %scan3A_842#7 : vector<16xf32>
      %add3A_850 = arith.addf %add3A_848, %scan3A_842#8 : vector<16xf32>
      %add3A_851 = arith.addf %add3A_849, %scan3A_842#9 : vector<16xf32>
      %add3A_852 = arith.addf %add3A_850, %scan3A_842#10 : vector<16xf32>
      %add3A_853 = arith.addf %add3A_851, %scan3A_842#11 : vector<16xf32>
      %add3A_854 = arith.addf %add3A_852, %scan3A_842#12 : vector<16xf32>
      %add3A_855 = arith.addf %add3A_853, %scan3A_842#13 : vector<16xf32>
      %add3A_856 = arith.addf %add3A_854, %scan3A_842#14 : vector<16xf32>
      %add3A_857 = arith.addf %add3A_855, %scan3A_842#15 : vector<16xf32>
      %mul3A_858 = arith.constant 5.000000e-03 : f32
      %mul3A_859 = vector.broadcast %mul3A_858 : f32 to vector<16xf32>
      %mul3A_860 = arith.mulf %add3A_856, %mul3A_859 : vector<16xf32>
      %swap3A_861 = arith.constant 1 : i32
      %swap3A_862 = arith.constant 2 : i32
      %swap3A_863 = arith.index_cast %swap3A_861 : i32 to index
      %swap3A_864 = arith.index_cast %swap3A_862 : i32 to index
      %swap3A_865 = arith.constant 0 : index
      %swap3A_866 = tpu.vector_load %arg7[%swap3A_863, %swap3A_864, %swap3A_865] {strides = array<i32>} : memref<2x8x32xf32, #tpu.memory_space<vmem>>, vector<1x1x16xf32>,
      %swap3A_867 = vector.shape_cast %swap3A_866 : vector<1x1x16xf32> to vector<16xf32>
      %swap3A_868 = vector.shape_cast %mul3A_860 : vector<16xf32> to vector<1x1x16xf32>
      tpu.vector_store %arg7[%swap3A_863, %swap3A_864, %swap3A_865], %swap3A_868 {strides = array<i32>} : memref<2x8x32xf32, #tpu.memory_space<vmem>>, vector<1x1x16xf32>,
      %mul3A_869 = arith.constant 5.000000e-03 : f32
      %mul3A_870 = vector.broadcast %mul3A_869 : f32 to vector<16xf32>
      %mul3A_871 = arith.mulf %add3A_857, %mul3A_870 : vector<16xf32>
      %swap3A_872 = arith.constant 1 : i32
      %swap3A_873 = arith.constant 2 : i32
      %swap3A_874 = arith.index_cast %swap3A_872 : i32 to index
      %swap3A_875 = arith.index_cast %swap3A_873 : i32 to index
      %swap3A_876 = arith.constant 16 : index
      %swap3A_877 = tpu.vector_load %arg7[%swap3A_874, %swap3A_875, %swap3A_876] {strides = array<i32>} : memref<2x8x32xf32, #tpu.memory_space<vmem>>, vector<1x1x16xf32>,
      %swap3A_878 = vector.shape_cast %swap3A_877 : vector<1x1x16xf32> to vector<16xf32>
      %swap3A_879 = vector.shape_cast %mul3A_871 : vector<16xf32> to vector<1x1x16xf32>
      tpu.vector_store %arg7[%swap3A_874, %swap3A_875, %swap3A_876], %swap3A_879 {strides = array<i32>} : memref<2x8x32xf32, #tpu.memory_space<vmem>>, vector<1x1x16xf32>,
      %broadcast_in_dim3A_880 = arith.constant 0.000000e+00 : f32
      %broadcast_in_dim3A_881 = vector.broadcast %broadcast_in_dim3A_880 : f32 to vector<16xf32>
      %scan3A_882 = arith.constant 0 : i32
      %scan3A_883 = arith.constant 25 : i32
      %scan3A_884 = arith.addi %scan3A_882, %scan3A_883 : i32
      %scan3A_885 = arith.constant 1 : i32
      %scan3A_886:16 = scf.for %scan3A_1113 = %scan3A_882 to %scan3A_884 step %scan3A_885 iter_args(%scan3A_1114 = %broadcast_in_dim3A_881, %scan3A_1115 = %broadcast_in_dim3A_881, %scan3A_1116 = %broadcast_in_dim3A_881, %scan3A_1117 = %broadcast_in_dim3A_881, %scan3A_1118 = %broadcast_in_dim3A_881, %scan3A_1119 = %broadcast_in_dim3A_881, %scan3A_1120 = %broadcast_in_dim3A_881, %scan3A_1121 = %broadcast_in_dim3A_881, %scan3A_1122 = %broadcast_in_dim3A_881, %scan3A_1123 = %broadcast_in_dim3A_881, %scan3A_1124 = %broadcast_in_dim3A_881, %scan3A_1125 = %broadcast_in_dim3A_881, %scan3A_1126 = %broadcast_in_dim3A_881, %scan3A_1127 = %broadcast_in_dim3A_881, %scan3A_1128 = %broadcast_in_dim3A_881, %scan3A_1129 = %broadcast_in_dim3A_881) -> (vector<16xf32>, vector<16xf32>, vector<16xf32>, vector<16xf32>, vector<16xf32>, vector<16xf32>, vector<16xf32>, vector<16xf32>, vector<16xf32>, vector<16xf32>, vector<16xf32>, vector<16xf32>, vector<16xf32>, vector<16xf32>, vector<16xf32>, vector<16xf32>)  : i32 {
        %mul3A_1130 = arith.constant 8 : i32
        %mul3A_1131 = arith.muli %scan3A_1113, %mul3A_1130 : i32
        %add3A_1132 = arith.constant 600 : i32
        %add3A_1133 = arith.addi %add3A_1132, %mul3A_1131 : i32
        %add3A_1134 = arith.constant 0 : i32
        %add3A_1135 = arith.addi %add3A_1133, %add3A_1134 : i32
        %get3A = arith.constant 1 : i32
        %get3A_1136 = arith.index_cast %get3A : i32 to index
        %get3A_1137 = arith.index_cast %add3A_1135 : i32 to index
        %get3A_1138 = arith.constant 0 : index
        %get3A_1139 = tpu.vector_load %arg6[%get3A_1136, %get3A_1137, %get3A_1138] {strides = array<i32>} : memref<2x1600x32xf32, #tpu.memory_space<vmem>>, vector<1x1x16xf32>,
        %get3A_1140 = vector.shape_cast %get3A_1139 : vector<1x1x16xf32> to vector<16xf32>
        %add3A_1141 = arith.addf %scan3A_1114, %get3A_1140 : vector<16xf32>
        %add3A_1142 = arith.constant 0 : i32
        %add3A_1143 = arith.addi %add3A_1133, %add3A_1142 : i32
        %get3A_1144 = arith.constant 1 : i32
        %get3A_1145 = arith.index_cast %get3A_1144 : i32 to index
        %get3A_1146 = arith.index_cast %add3A_1143 : i32 to index
        %get3A_1147 = arith.constant 16 : index
        %get3A_1148 = tpu.vector_load %arg6[%get3A_1145, %get3A_1146, %get3A_1147] {strides = array<i32>} : memref<2x1600x32xf32, #tpu.memory_space<vmem>>, vector<1x1x16xf32>,
        %get3A_1149 = vector.shape_cast %get3A_1148 : vector<1x1x16xf32> to vector<16xf32>
        %add3A_1150 = arith.addf %scan3A_1115, %get3A_1149 : vector<16xf32>
        %add3A_1151 = arith.constant 1 : i32
        %add3A_1152 = arith.addi %add3A_1133, %add3A_1151 : i32
        %get3A_1153 = arith.constant 1 : i32
        %get3A_1154 = arith.index_cast %get3A_1153 : i32 to index
        %get3A_1155 = arith.index_cast %add3A_1152 : i32 to index
        %get3A_1156 = arith.constant 0 : index
        %get3A_1157 = tpu.vector_load %arg6[%get3A_1154, %get3A_1155, %get3A_1156] {strides = array<i32>} : memref<2x1600x32xf32, #tpu.memory_space<vmem>>, vector<1x1x16xf32>,
        %get3A_1158 = vector.shape_cast %get3A_1157 : vector<1x1x16xf32> to vector<16xf32>
        %add3A_1159 = arith.addf %scan3A_1116, %get3A_1158 : vector<16xf32>
        %add3A_1160 = arith.constant 1 : i32
        %add3A_1161 = arith.addi %add3A_1133, %add3A_1160 : i32
        %get3A_1162 = arith.constant 1 : i32
        %get3A_1163 = arith.index_cast %get3A_1162 : i32 to index
        %get3A_1164 = arith.index_cast %add3A_1161 : i32 to index
        %get3A_1165 = arith.constant 16 : index
        %get3A_1166 = tpu.vector_load %arg6[%get3A_1163, %get3A_1164, %get3A_1165] {strides = array<i32>} : memref<2x1600x32xf32, #tpu.memory_space<vmem>>, vector<1x1x16xf32>,
        %get3A_1167 = vector.shape_cast %get3A_1166 : vector<1x1x16xf32> to vector<16xf32>
        %add3A_1168 = arith.addf %scan3A_1117, %get3A_1167 : vector<16xf32>
        %add3A_1169 = arith.constant 2 : i32
        %add3A_1170 = arith.addi %add3A_1133, %add3A_1169 : i32
        %get3A_1171 = arith.constant 1 : i32
        %get3A_1172 = arith.index_cast %get3A_1171 : i32 to index
        %get3A_1173 = arith.index_cast %add3A_1170 : i32 to index
        %get3A_1174 = arith.constant 0 : index
        %get3A_1175 = tpu.vector_load %arg6[%get3A_1172, %get3A_1173, %get3A_1174] {strides = array<i32>} : memref<2x1600x32xf32, #tpu.memory_space<vmem>>, vector<1x1x16xf32>,
        %get3A_1176 = vector.shape_cast %get3A_1175 : vector<1x1x16xf32> to vector<16xf32>
        %add3A_1177 = arith.addf %scan3A_1118, %get3A_1176 : vector<16xf32>
        %add3A_1178 = arith.constant 2 : i32
        %add3A_1179 = arith.addi %add3A_1133, %add3A_1178 : i32
        %get3A_1180 = arith.constant 1 : i32
        %get3A_1181 = arith.index_cast %get3A_1180 : i32 to index
        %get3A_1182 = arith.index_cast %add3A_1179 : i32 to index
        %get3A_1183 = arith.constant 16 : index
        %get3A_1184 = tpu.vector_load %arg6[%get3A_1181, %get3A_1182, %get3A_1183] {strides = array<i32>} : memref<2x1600x32xf32, #tpu.memory_space<vmem>>, vector<1x1x16xf32>,
        %get3A_1185 = vector.shape_cast %get3A_1184 : vector<1x1x16xf32> to vector<16xf32>
        %add3A_1186 = arith.addf %scan3A_1119, %get3A_1185 : vector<16xf32>
        %add3A_1187 = arith.constant 3 : i32
        %add3A_1188 = arith.addi %add3A_1133, %add3A_1187 : i32
        %get3A_1189 = arith.constant 1 : i32
        %get3A_1190 = arith.index_cast %get3A_1189 : i32 to index
        %get3A_1191 = arith.index_cast %add3A_1188 : i32 to index
        %get3A_1192 = arith.constant 0 : index
        %get3A_1193 = tpu.vector_load %arg6[%get3A_1190, %get3A_1191, %get3A_1192] {strides = array<i32>} : memref<2x1600x32xf32, #tpu.memory_space<vmem>>, vector<1x1x16xf32>,
        %get3A_1194 = vector.shape_cast %get3A_1193 : vector<1x1x16xf32> to vector<16xf32>
        %add3A_1195 = arith.addf %scan3A_1120, %get3A_1194 : vector<16xf32>
        %add3A_1196 = arith.constant 3 : i32
        %add3A_1197 = arith.addi %add3A_1133, %add3A_1196 : i32
        %get3A_1198 = arith.constant 1 : i32
        %get3A_1199 = arith.index_cast %get3A_1198 : i32 to index
        %get3A_1200 = arith.index_cast %add3A_1197 : i32 to index
        %get3A_1201 = arith.constant 16 : index
        %get3A_1202 = tpu.vector_load %arg6[%get3A_1199, %get3A_1200, %get3A_1201] {strides = array<i32>} : memref<2x1600x32xf32, #tpu.memory_space<vmem>>, vector<1x1x16xf32>,
        %get3A_1203 = vector.shape_cast %get3A_1202 : vector<1x1x16xf32> to vector<16xf32>
        %add3A_1204 = arith.addf %scan3A_1121, %get3A_1203 : vector<16xf32>
        %add3A_1205 = arith.constant 4 : i32
        %add3A_1206 = arith.addi %add3A_1133, %add3A_1205 : i32
        %get3A_1207 = arith.constant 1 : i32
        %get3A_1208 = arith.index_cast %get3A_1207 : i32 to index
        %get3A_1209 = arith.index_cast %add3A_1206 : i32 to index
        %get3A_1210 = arith.constant 0 : index
        %get3A_1211 = tpu.vector_load %arg6[%get3A_1208, %get3A_1209, %get3A_1210] {strides = array<i32>} : memref<2x1600x32xf32, #tpu.memory_space<vmem>>, vector<1x1x16xf32>,
        %get3A_1212 = vector.shape_cast %get3A_1211 : vector<1x1x16xf32> to vector<16xf32>
        %add3A_1213 = arith.addf %scan3A_1122, %get3A_1212 : vector<16xf32>
        %add3A_1214 = arith.constant 4 : i32
        %add3A_1215 = arith.addi %add3A_1133, %add3A_1214 : i32
        %get3A_1216 = arith.constant 1 : i32
        %get3A_1217 = arith.index_cast %get3A_1216 : i32 to index
        %get3A_1218 = arith.index_cast %add3A_1215 : i32 to index
        %get3A_1219 = arith.constant 16 : index
        %get3A_1220 = tpu.vector_load %arg6[%get3A_1217, %get3A_1218, %get3A_1219] {strides = array<i32>} : memref<2x1600x32xf32, #tpu.memory_space<vmem>>, vector<1x1x16xf32>,
        %get3A_1221 = vector.shape_cast %get3A_1220 : vector<1x1x16xf32> to vector<16xf32>
        %add3A_1222 = arith.addf %scan3A_1123, %get3A_1221 : vector<16xf32>
        %add3A_1223 = arith.constant 5 : i32
        %add3A_1224 = arith.addi %add3A_1133, %add3A_1223 : i32
        %get3A_1225 = arith.constant 1 : i32
        %get3A_1226 = arith.index_cast %get3A_1225 : i32 to index
        %get3A_1227 = arith.index_cast %add3A_1224 : i32 to index
        %get3A_1228 = arith.constant 0 : index
        %get3A_1229 = tpu.vector_load %arg6[%get3A_1226, %get3A_1227, %get3A_1228] {strides = array<i32>} : memref<2x1600x32xf32, #tpu.memory_space<vmem>>, vector<1x1x16xf32>,
        %get3A_1230 = vector.shape_cast %get3A_1229 : vector<1x1x16xf32> to vector<16xf32>
        %add3A_1231 = arith.addf %scan3A_1124, %get3A_1230 : vector<16xf32>
        %add3A_1232 = arith.constant 5 : i32
        %add3A_1233 = arith.addi %add3A_1133, %add3A_1232 : i32
        %get3A_1234 = arith.constant 1 : i32
        %get3A_1235 = arith.index_cast %get3A_1234 : i32 to index
        %get3A_1236 = arith.index_cast %add3A_1233 : i32 to index
        %get3A_1237 = arith.constant 16 : index
        %get3A_1238 = tpu.vector_load %arg6[%get3A_1235, %get3A_1236, %get3A_1237] {strides = array<i32>} : memref<2x1600x32xf32, #tpu.memory_space<vmem>>, vector<1x1x16xf32>,
        %get3A_1239 = vector.shape_cast %get3A_1238 : vector<1x1x16xf32> to vector<16xf32>
        %add3A_1240 = arith.addf %scan3A_1125, %get3A_1239 : vector<16xf32>
        %add3A_1241 = arith.constant 6 : i32
        %add3A_1242 = arith.addi %add3A_1133, %add3A_1241 : i32
        %get3A_1243 = arith.constant 1 : i32
        %get3A_1244 = arith.index_cast %get3A_1243 : i32 to index
        %get3A_1245 = arith.index_cast %add3A_1242 : i32 to index
        %get3A_1246 = arith.constant 0 : index
        %get3A_1247 = tpu.vector_load %arg6[%get3A_1244, %get3A_1245, %get3A_1246] {strides = array<i32>} : memref<2x1600x32xf32, #tpu.memory_space<vmem>>, vector<1x1x16xf32>,
        %get3A_1248 = vector.shape_cast %get3A_1247 : vector<1x1x16xf32> to vector<16xf32>
        %add3A_1249 = arith.addf %scan3A_1126, %get3A_1248 : vector<16xf32>
        %add3A_1250 = arith.constant 6 : i32
        %add3A_1251 = arith.addi %add3A_1133, %add3A_1250 : i32
        %get3A_1252 = arith.constant 1 : i32
        %get3A_1253 = arith.index_cast %get3A_1252 : i32 to index
        %get3A_1254 = arith.index_cast %add3A_1251 : i32 to index
        %get3A_1255 = arith.constant 16 : index
        %get3A_1256 = tpu.vector_load %arg6[%get3A_1253, %get3A_1254, %get3A_1255] {strides = array<i32>} : memref<2x1600x32xf32, #tpu.memory_space<vmem>>, vector<1x1x16xf32>,
        %get3A_1257 = vector.shape_cast %get3A_1256 : vector<1x1x16xf32> to vector<16xf32>
        %add3A_1258 = arith.addf %scan3A_1127, %get3A_1257 : vector<16xf32>
        %add3A_1259 = arith.constant 7 : i32
        %add3A_1260 = arith.addi %add3A_1133, %add3A_1259 : i32
        %get3A_1261 = arith.constant 1 : i32
        %get3A_1262 = arith.index_cast %get3A_1261 : i32 to index
        %get3A_1263 = arith.index_cast %add3A_1260 : i32 to index
        %get3A_1264 = arith.constant 0 : index
        %get3A_1265 = tpu.vector_load %arg6[%get3A_1262, %get3A_1263, %get3A_1264] {strides = array<i32>} : memref<2x1600x32xf32, #tpu.memory_space<vmem>>, vector<1x1x16xf32>,
        %get3A_1266 = vector.shape_cast %get3A_1265 : vector<1x1x16xf32> to vector<16xf32>
        %add3A_1267 = arith.addf %scan3A_1128, %get3A_1266 : vector<16xf32>
        %add3A_1268 = arith.constant 7 : i32
        %add3A_1269 = arith.addi %add3A_1133, %add3A_1268 : i32
        %get3A_1270 = arith.constant 1 : i32
        %get3A_1271 = arith.index_cast %get3A_1270 : i32 to index
        %get3A_1272 = arith.index_cast %add3A_1269 : i32 to index
        %get3A_1273 = arith.constant 16 : index
        %get3A_1274 = tpu.vector_load %arg6[%get3A_1271, %get3A_1272, %get3A_1273] {strides = array<i32>} : memref<2x1600x32xf32, #tpu.memory_space<vmem>>, vector<1x1x16xf32>,
        %get3A_1275 = vector.shape_cast %get3A_1274 : vector<1x1x16xf32> to vector<16xf32>
        %add3A_1276 = arith.addf %scan3A_1129, %get3A_1275 : vector<16xf32>
        scf.yield %add3A_1141, %add3A_1150, %add3A_1159, %add3A_1168, %add3A_1177, %add3A_1186, %add3A_1195, %add3A_1204, %add3A_1213, %add3A_1222, %add3A_1231, %add3A_1240, %add3A_1249, %add3A_1258, %add3A_1267, %add3A_1276 : vector<16xf32>, vector<16xf32>, vector<16xf32>, vector<16xf32>, vector<16xf32>, vector<16xf32>, vector<16xf32>, vector<16xf32>, vector<16xf32>, vector<16xf32>, vector<16xf32>, vector<16xf32>, vector<16xf32>, vector<16xf32>, vector<16xf32>, vector<16xf32>
      }
      %scan3A_887 = arith.constant 25 : i32
      %add3A_888 = arith.addf %scan3A_886#0, %scan3A_886#2 : vector<16xf32>
      %add3A_889 = arith.addf %scan3A_886#1, %scan3A_886#3 : vector<16xf32>
      %add3A_890 = arith.addf %add3A_888, %scan3A_886#4 : vector<16xf32>
      %add3A_891 = arith.addf %add3A_889, %scan3A_886#5 : vector<16xf32>
      %add3A_892 = arith.addf %add3A_890, %scan3A_886#6 : vector<16xf32>
      %add3A_893 = arith.addf %add3A_891, %scan3A_886#7 : vector<16xf32>
      %add3A_894 = arith.addf %add3A_892, %scan3A_886#8 : vector<16xf32>
      %add3A_895 = arith.addf %add3A_893, %scan3A_886#9 : vector<16xf32>
      %add3A_896 = arith.addf %add3A_894, %scan3A_886#10 : vector<16xf32>
      %add3A_897 = arith.addf %add3A_895, %scan3A_886#11 : vector<16xf32>
      %add3A_898 = arith.addf %add3A_896, %scan3A_886#12 : vector<16xf32>
      %add3A_899 = arith.addf %add3A_897, %scan3A_886#13 : vector<16xf32>
      %add3A_900 = arith.addf %add3A_898, %scan3A_886#14 : vector<16xf32>
      %add3A_901 = arith.addf %add3A_899, %scan3A_886#15 : vector<16xf32>
      %mul3A_902 = arith.constant 5.000000e-03 : f32
      %mul3A_903 = vector.broadcast %mul3A_902 : f32 to vector<16xf32>
      %mul3A_904 = arith.mulf %add3A_900, %mul3A_903 : vector<16xf32>
      %swap3A_905 = arith.constant 1 : i32
      %swap3A_906 = arith.constant 3 : i32
      %swap3A_907 = arith.index_cast %swap3A_905 : i32 to index
      %swap3A_908 = arith.index_cast %swap3A_906 : i32 to index
      %swap3A_909 = arith.constant 0 : index
      %swap3A_910 = tpu.vector_load %arg7[%swap3A_907, %swap3A_908, %swap3A_909] {strides = array<i32>} : memref<2x8x32xf32, #tpu.memory_space<vmem>>, vector<1x1x16xf32>,
      %swap3A_911 = vector.shape_cast %swap3A_910 : vector<1x1x16xf32> to vector<16xf32>
      %swap3A_912 = vector.shape_cast %mul3A_904 : vector<16xf32> to vector<1x1x16xf32>
      tpu.vector_store %arg7[%swap3A_907, %swap3A_908, %swap3A_909], %swap3A_912 {strides = array<i32>} : memref<2x8x32xf32, #tpu.memory_space<vmem>>, vector<1x1x16xf32>,
      %mul3A_913 = arith.constant 5.000000e-03 : f32
      %mul3A_914 = vector.broadcast %mul3A_913 : f32 to vector<16xf32>
      %mul3A_915 = arith.mulf %add3A_901, %mul3A_914 : vector<16xf32>
      %swap3A_916 = arith.constant 1 : i32
      %swap3A_917 = arith.constant 3 : i32
      %swap3A_918 = arith.index_cast %swap3A_916 : i32 to index
      %swap3A_919 = arith.index_cast %swap3A_917 : i32 to index
      %swap3A_920 = arith.constant 16 : index
      %swap3A_921 = tpu.vector_load %arg7[%swap3A_918, %swap3A_919, %swap3A_920] {strides = array<i32>} : memref<2x8x32xf32, #tpu.memory_space<vmem>>, vector<1x1x16xf32>,
      %swap3A_922 = vector.shape_cast %swap3A_921 : vector<1x1x16xf32> to vector<16xf32>
      %swap3A_923 = vector.shape_cast %mul3A_915 : vector<16xf32> to vector<1x1x16xf32>
      tpu.vector_store %arg7[%swap3A_918, %swap3A_919, %swap3A_920], %swap3A_923 {strides = array<i32>} : memref<2x8x32xf32, #tpu.memory_space<vmem>>, vector<1x1x16xf32>,
      %broadcast_in_dim3A_924 = arith.constant 0.000000e+00 : f32
      %broadcast_in_dim3A_925 = vector.broadcast %broadcast_in_dim3A_924 : f32 to vector<16xf32>
      %scan3A_926 = arith.constant 0 : i32
      %scan3A_927 = arith.constant 25 : i32
      %scan3A_928 = arith.addi %scan3A_926, %scan3A_927 : i32
      %scan3A_929 = arith.constant 1 : i32
      %scan3A_930:16 = scf.for %scan3A_1113 = %scan3A_926 to %scan3A_928 step %scan3A_929 iter_args(%scan3A_1114 = %broadcast_in_dim3A_925, %scan3A_1115 = %broadcast_in_dim3A_925, %scan3A_1116 = %broadcast_in_dim3A_925, %scan3A_1117 = %broadcast_in_dim3A_925, %scan3A_1118 = %broadcast_in_dim3A_925, %scan3A_1119 = %broadcast_in_dim3A_925, %scan3A_1120 = %broadcast_in_dim3A_925, %scan3A_1121 = %broadcast_in_dim3A_925, %scan3A_1122 = %broadcast_in_dim3A_925, %scan3A_1123 = %broadcast_in_dim3A_925, %scan3A_1124 = %broadcast_in_dim3A_925, %scan3A_1125 = %broadcast_in_dim3A_925, %scan3A_1126 = %broadcast_in_dim3A_925, %scan3A_1127 = %broadcast_in_dim3A_925, %scan3A_1128 = %broadcast_in_dim3A_925, %scan3A_1129 = %broadcast_in_dim3A_925) -> (vector<16xf32>, vector<16xf32>, vector<16xf32>, vector<16xf32>, vector<16xf32>, vector<16xf32>, vector<16xf32>, vector<16xf32>, vector<16xf32>, vector<16xf32>, vector<16xf32>, vector<16xf32>, vector<16xf32>, vector<16xf32>, vector<16xf32>, vector<16xf32>)  : i32 {
        %mul3A_1130 = arith.constant 8 : i32
        %mul3A_1131 = arith.muli %scan3A_1113, %mul3A_1130 : i32
        %add3A_1132 = arith.constant 800 : i32
        %add3A_1133 = arith.addi %add3A_1132, %mul3A_1131 : i32
        %add3A_1134 = arith.constant 0 : i32
        %add3A_1135 = arith.addi %add3A_1133, %add3A_1134 : i32
        %get3A = arith.constant 1 : i32
        %get3A_1136 = arith.index_cast %get3A : i32 to index
        %get3A_1137 = arith.index_cast %add3A_1135 : i32 to index
        %get3A_1138 = arith.constant 0 : index
        %get3A_1139 = tpu.vector_load %arg6[%get3A_1136, %get3A_1137, %get3A_1138] {strides = array<i32>} : memref<2x1600x32xf32, #tpu.memory_space<vmem>>, vector<1x1x16xf32>,
        %get3A_1140 = vector.shape_cast %get3A_1139 : vector<1x1x16xf32> to vector<16xf32>
        %add3A_1141 = arith.addf %scan3A_1114, %get3A_1140 : vector<16xf32>
        %add3A_1142 = arith.constant 0 : i32
        %add3A_1143 = arith.addi %add3A_1133, %add3A_1142 : i32
        %get3A_1144 = arith.constant 1 : i32
        %get3A_1145 = arith.index_cast %get3A_1144 : i32 to index
        %get3A_1146 = arith.index_cast %add3A_1143 : i32 to index
        %get3A_1147 = arith.constant 16 : index
        %get3A_1148 = tpu.vector_load %arg6[%get3A_1145, %get3A_1146, %get3A_1147] {strides = array<i32>} : memref<2x1600x32xf32, #tpu.memory_space<vmem>>, vector<1x1x16xf32>,
        %get3A_1149 = vector.shape_cast %get3A_1148 : vector<1x1x16xf32> to vector<16xf32>
        %add3A_1150 = arith.addf %scan3A_1115, %get3A_1149 : vector<16xf32>
        %add3A_1151 = arith.constant 1 : i32
        %add3A_1152 = arith.addi %add3A_1133, %add3A_1151 : i32
        %get3A_1153 = arith.constant 1 : i32
        %get3A_1154 = arith.index_cast %get3A_1153 : i32 to index
        %get3A_1155 = arith.index_cast %add3A_1152 : i32 to index
        %get3A_1156 = arith.constant 0 : index
        %get3A_1157 = tpu.vector_load %arg6[%get3A_1154, %get3A_1155, %get3A_1156] {strides = array<i32>} : memref<2x1600x32xf32, #tpu.memory_space<vmem>>, vector<1x1x16xf32>,
        %get3A_1158 = vector.shape_cast %get3A_1157 : vector<1x1x16xf32> to vector<16xf32>
        %add3A_1159 = arith.addf %scan3A_1116, %get3A_1158 : vector<16xf32>
        %add3A_1160 = arith.constant 1 : i32
        %add3A_1161 = arith.addi %add3A_1133, %add3A_1160 : i32
        %get3A_1162 = arith.constant 1 : i32
        %get3A_1163 = arith.index_cast %get3A_1162 : i32 to index
        %get3A_1164 = arith.index_cast %add3A_1161 : i32 to index
        %get3A_1165 = arith.constant 16 : index
        %get3A_1166 = tpu.vector_load %arg6[%get3A_1163, %get3A_1164, %get3A_1165] {strides = array<i32>} : memref<2x1600x32xf32, #tpu.memory_space<vmem>>, vector<1x1x16xf32>,
        %get3A_1167 = vector.shape_cast %get3A_1166 : vector<1x1x16xf32> to vector<16xf32>
        %add3A_1168 = arith.addf %scan3A_1117, %get3A_1167 : vector<16xf32>
        %add3A_1169 = arith.constant 2 : i32
        %add3A_1170 = arith.addi %add3A_1133, %add3A_1169 : i32
        %get3A_1171 = arith.constant 1 : i32
        %get3A_1172 = arith.index_cast %get3A_1171 : i32 to index
        %get3A_1173 = arith.index_cast %add3A_1170 : i32 to index
        %get3A_1174 = arith.constant 0 : index
        %get3A_1175 = tpu.vector_load %arg6[%get3A_1172, %get3A_1173, %get3A_1174] {strides = array<i32>} : memref<2x1600x32xf32, #tpu.memory_space<vmem>>, vector<1x1x16xf32>,
        %get3A_1176 = vector.shape_cast %get3A_1175 : vector<1x1x16xf32> to vector<16xf32>
        %add3A_1177 = arith.addf %scan3A_1118, %get3A_1176 : vector<16xf32>
        %add3A_1178 = arith.constant 2 : i32
        %add3A_1179 = arith.addi %add3A_1133, %add3A_1178 : i32
        %get3A_1180 = arith.constant 1 : i32
        %get3A_1181 = arith.index_cast %get3A_1180 : i32 to index
        %get3A_1182 = arith.index_cast %add3A_1179 : i32 to index
        %get3A_1183 = arith.constant 16 : index
        %get3A_1184 = tpu.vector_load %arg6[%get3A_1181, %get3A_1182, %get3A_1183] {strides = array<i32>} : memref<2x1600x32xf32, #tpu.memory_space<vmem>>, vector<1x1x16xf32>,
        %get3A_1185 = vector.shape_cast %get3A_1184 : vector<1x1x16xf32> to vector<16xf32>
        %add3A_1186 = arith.addf %scan3A_1119, %get3A_1185 : vector<16xf32>
        %add3A_1187 = arith.constant 3 : i32
        %add3A_1188 = arith.addi %add3A_1133, %add3A_1187 : i32
        %get3A_1189 = arith.constant 1 : i32
        %get3A_1190 = arith.index_cast %get3A_1189 : i32 to index
        %get3A_1191 = arith.index_cast %add3A_1188 : i32 to index
        %get3A_1192 = arith.constant 0 : index
        %get3A_1193 = tpu.vector_load %arg6[%get3A_1190, %get3A_1191, %get3A_1192] {strides = array<i32>} : memref<2x1600x32xf32, #tpu.memory_space<vmem>>, vector<1x1x16xf32>,
        %get3A_1194 = vector.shape_cast %get3A_1193 : vector<1x1x16xf32> to vector<16xf32>
        %add3A_1195 = arith.addf %scan3A_1120, %get3A_1194 : vector<16xf32>
        %add3A_1196 = arith.constant 3 : i32
        %add3A_1197 = arith.addi %add3A_1133, %add3A_1196 : i32
        %get3A_1198 = arith.constant 1 : i32
        %get3A_1199 = arith.index_cast %get3A_1198 : i32 to index
        %get3A_1200 = arith.index_cast %add3A_1197 : i32 to index
        %get3A_1201 = arith.constant 16 : index
        %get3A_1202 = tpu.vector_load %arg6[%get3A_1199, %get3A_1200, %get3A_1201] {strides = array<i32>} : memref<2x1600x32xf32, #tpu.memory_space<vmem>>, vector<1x1x16xf32>,
        %get3A_1203 = vector.shape_cast %get3A_1202 : vector<1x1x16xf32> to vector<16xf32>
        %add3A_1204 = arith.addf %scan3A_1121, %get3A_1203 : vector<16xf32>
        %add3A_1205 = arith.constant 4 : i32
        %add3A_1206 = arith.addi %add3A_1133, %add3A_1205 : i32
        %get3A_1207 = arith.constant 1 : i32
        %get3A_1208 = arith.index_cast %get3A_1207 : i32 to index
        %get3A_1209 = arith.index_cast %add3A_1206 : i32 to index
        %get3A_1210 = arith.constant 0 : index
        %get3A_1211 = tpu.vector_load %arg6[%get3A_1208, %get3A_1209, %get3A_1210] {strides = array<i32>} : memref<2x1600x32xf32, #tpu.memory_space<vmem>>, vector<1x1x16xf32>,
        %get3A_1212 = vector.shape_cast %get3A_1211 : vector<1x1x16xf32> to vector<16xf32>
        %add3A_1213 = arith.addf %scan3A_1122, %get3A_1212 : vector<16xf32>
        %add3A_1214 = arith.constant 4 : i32
        %add3A_1215 = arith.addi %add3A_1133, %add3A_1214 : i32
        %get3A_1216 = arith.constant 1 : i32
        %get3A_1217 = arith.index_cast %get3A_1216 : i32 to index
        %get3A_1218 = arith.index_cast %add3A_1215 : i32 to index
        %get3A_1219 = arith.constant 16 : index
        %get3A_1220 = tpu.vector_load %arg6[%get3A_1217, %get3A_1218, %get3A_1219] {strides = array<i32>} : memref<2x1600x32xf32, #tpu.memory_space<vmem>>, vector<1x1x16xf32>,
        %get3A_1221 = vector.shape_cast %get3A_1220 : vector<1x1x16xf32> to vector<16xf32>
        %add3A_1222 = arith.addf %scan3A_1123, %get3A_1221 : vector<16xf32>
        %add3A_1223 = arith.constant 5 : i32
        %add3A_1224 = arith.addi %add3A_1133, %add3A_1223 : i32
        %get3A_1225 = arith.constant 1 : i32
        %get3A_1226 = arith.index_cast %get3A_1225 : i32 to index
        %get3A_1227 = arith.index_cast %add3A_1224 : i32 to index
        %get3A_1228 = arith.constant 0 : index
        %get3A_1229 = tpu.vector_load %arg6[%get3A_1226, %get3A_1227, %get3A_1228] {strides = array<i32>} : memref<2x1600x32xf32, #tpu.memory_space<vmem>>, vector<1x1x16xf32>,
        %get3A_1230 = vector.shape_cast %get3A_1229 : vector<1x1x16xf32> to vector<16xf32>
        %add3A_1231 = arith.addf %scan3A_1124, %get3A_1230 : vector<16xf32>
        %add3A_1232 = arith.constant 5 : i32
        %add3A_1233 = arith.addi %add3A_1133, %add3A_1232 : i32
        %get3A_1234 = arith.constant 1 : i32
        %get3A_1235 = arith.index_cast %get3A_1234 : i32 to index
        %get3A_1236 = arith.index_cast %add3A_1233 : i32 to index
        %get3A_1237 = arith.constant 16 : index
        %get3A_1238 = tpu.vector_load %arg6[%get3A_1235, %get3A_1236, %get3A_1237] {strides = array<i32>} : memref<2x1600x32xf32, #tpu.memory_space<vmem>>, vector<1x1x16xf32>,
        %get3A_1239 = vector.shape_cast %get3A_1238 : vector<1x1x16xf32> to vector<16xf32>
        %add3A_1240 = arith.addf %scan3A_1125, %get3A_1239 : vector<16xf32>
        %add3A_1241 = arith.constant 6 : i32
        %add3A_1242 = arith.addi %add3A_1133, %add3A_1241 : i32
        %get3A_1243 = arith.constant 1 : i32
        %get3A_1244 = arith.index_cast %get3A_1243 : i32 to index
        %get3A_1245 = arith.index_cast %add3A_1242 : i32 to index
        %get3A_1246 = arith.constant 0 : index
        %get3A_1247 = tpu.vector_load %arg6[%get3A_1244, %get3A_1245, %get3A_1246] {strides = array<i32>} : memref<2x1600x32xf32, #tpu.memory_space<vmem>>, vector<1x1x16xf32>,
        %get3A_1248 = vector.shape_cast %get3A_1247 : vector<1x1x16xf32> to vector<16xf32>
        %add3A_1249 = arith.addf %scan3A_1126, %get3A_1248 : vector<16xf32>
        %add3A_1250 = arith.constant 6 : i32
        %add3A_1251 = arith.addi %add3A_1133, %add3A_1250 : i32
        %get3A_1252 = arith.constant 1 : i32
        %get3A_1253 = arith.index_cast %get3A_1252 : i32 to index
        %get3A_1254 = arith.index_cast %add3A_1251 : i32 to index
        %get3A_1255 = arith.constant 16 : index
        %get3A_1256 = tpu.vector_load %arg6[%get3A_1253, %get3A_1254, %get3A_1255] {strides = array<i32>} : memref<2x1600x32xf32, #tpu.memory_space<vmem>>, vector<1x1x16xf32>,
        %get3A_1257 = vector.shape_cast %get3A_1256 : vector<1x1x16xf32> to vector<16xf32>
        %add3A_1258 = arith.addf %scan3A_1127, %get3A_1257 : vector<16xf32>
        %add3A_1259 = arith.constant 7 : i32
        %add3A_1260 = arith.addi %add3A_1133, %add3A_1259 : i32
        %get3A_1261 = arith.constant 1 : i32
        %get3A_1262 = arith.index_cast %get3A_1261 : i32 to index
        %get3A_1263 = arith.index_cast %add3A_1260 : i32 to index
        %get3A_1264 = arith.constant 0 : index
        %get3A_1265 = tpu.vector_load %arg6[%get3A_1262, %get3A_1263, %get3A_1264] {strides = array<i32>} : memref<2x1600x32xf32, #tpu.memory_space<vmem>>, vector<1x1x16xf32>,
        %get3A_1266 = vector.shape_cast %get3A_1265 : vector<1x1x16xf32> to vector<16xf32>
        %add3A_1267 = arith.addf %scan3A_1128, %get3A_1266 : vector<16xf32>
        %add3A_1268 = arith.constant 7 : i32
        %add3A_1269 = arith.addi %add3A_1133, %add3A_1268 : i32
        %get3A_1270 = arith.constant 1 : i32
        %get3A_1271 = arith.index_cast %get3A_1270 : i32 to index
        %get3A_1272 = arith.index_cast %add3A_1269 : i32 to index
        %get3A_1273 = arith.constant 16 : index
        %get3A_1274 = tpu.vector_load %arg6[%get3A_1271, %get3A_1272, %get3A_1273] {strides = array<i32>} : memref<2x1600x32xf32, #tpu.memory_space<vmem>>, vector<1x1x16xf32>,
        %get3A_1275 = vector.shape_cast %get3A_1274 : vector<1x1x16xf32> to vector<16xf32>
        %add3A_1276 = arith.addf %scan3A_1129, %get3A_1275 : vector<16xf32>
        scf.yield %add3A_1141, %add3A_1150, %add3A_1159, %add3A_1168, %add3A_1177, %add3A_1186, %add3A_1195, %add3A_1204, %add3A_1213, %add3A_1222, %add3A_1231, %add3A_1240, %add3A_1249, %add3A_1258, %add3A_1267, %add3A_1276 : vector<16xf32>, vector<16xf32>, vector<16xf32>, vector<16xf32>, vector<16xf32>, vector<16xf32>, vector<16xf32>, vector<16xf32>, vector<16xf32>, vector<16xf32>, vector<16xf32>, vector<16xf32>, vector<16xf32>, vector<16xf32>, vector<16xf32>, vector<16xf32>
      }
      %scan3A_931 = arith.constant 25 : i32
      %add3A_932 = arith.addf %scan3A_930#0, %scan3A_930#2 : vector<16xf32>
      %add3A_933 = arith.addf %scan3A_930#1, %scan3A_930#3 : vector<16xf32>
      %add3A_934 = arith.addf %add3A_932, %scan3A_930#4 : vector<16xf32>
      %add3A_935 = arith.addf %add3A_933, %scan3A_930#5 : vector<16xf32>
      %add3A_936 = arith.addf %add3A_934, %scan3A_930#6 : vector<16xf32>
      %add3A_937 = arith.addf %add3A_935, %scan3A_930#7 : vector<16xf32>
      %add3A_938 = arith.addf %add3A_936, %scan3A_930#8 : vector<16xf32>
      %add3A_939 = arith.addf %add3A_937, %scan3A_930#9 : vector<16xf32>
      %add3A_940 = arith.addf %add3A_938, %scan3A_930#10 : vector<16xf32>
      %add3A_941 = arith.addf %add3A_939, %scan3A_930#11 : vector<16xf32>
      %add3A_942 = arith.addf %add3A_940, %scan3A_930#12 : vector<16xf32>
      %add3A_943 = arith.addf %add3A_941, %scan3A_930#13 : vector<16xf32>
      %add3A_944 = arith.addf %add3A_942, %scan3A_930#14 : vector<16xf32>
      %add3A_945 = arith.addf %add3A_943, %scan3A_930#15 : vector<16xf32>
      %mul3A_946 = arith.constant 5.000000e-03 : f32
      %mul3A_947 = vector.broadcast %mul3A_946 : f32 to vector<16xf32>
      %mul3A_948 = arith.mulf %add3A_944, %mul3A_947 : vector<16xf32>
      %swap3A_949 = arith.constant 1 : i32
      %swap3A_950 = arith.constant 4 : i32
      %swap3A_951 = arith.index_cast %swap3A_949 : i32 to index
      %swap3A_952 = arith.index_cast %swap3A_950 : i32 to index
      %swap3A_953 = arith.constant 0 : index
      %swap3A_954 = tpu.vector_load %arg7[%swap3A_951, %swap3A_952, %swap3A_953] {strides = array<i32>} : memref<2x8x32xf32, #tpu.memory_space<vmem>>, vector<1x1x16xf32>,
      %swap3A_955 = vector.shape_cast %swap3A_954 : vector<1x1x16xf32> to vector<16xf32>
      %swap3A_956 = vector.shape_cast %mul3A_948 : vector<16xf32> to vector<1x1x16xf32>
      tpu.vector_store %arg7[%swap3A_951, %swap3A_952, %swap3A_953], %swap3A_956 {strides = array<i32>} : memref<2x8x32xf32, #tpu.memory_space<vmem>>, vector<1x1x16xf32>,
      %mul3A_957 = arith.constant 5.000000e-03 : f32
      %mul3A_958 = vector.broadcast %mul3A_957 : f32 to vector<16xf32>
      %mul3A_959 = arith.mulf %add3A_945, %mul3A_958 : vector<16xf32>
      %swap3A_960 = arith.constant 1 : i32
      %swap3A_961 = arith.constant 4 : i32
      %swap3A_962 = arith.index_cast %swap3A_960 : i32 to index
      %swap3A_963 = arith.index_cast %swap3A_961 : i32 to index
      %swap3A_964 = arith.constant 16 : index
      %swap3A_965 = tpu.vector_load %arg7[%swap3A_962, %swap3A_963, %swap3A_964] {strides = array<i32>} : memref<2x8x32xf32, #tpu.memory_space<vmem>>, vector<1x1x16xf32>,
      %swap3A_966 = vector.shape_cast %swap3A_965 : vector<1x1x16xf32> to vector<16xf32>
      %swap3A_967 = vector.shape_cast %mul3A_959 : vector<16xf32> to vector<1x1x16xf32>
      tpu.vector_store %arg7[%swap3A_962, %swap3A_963, %swap3A_964], %swap3A_967 {strides = array<i32>} : memref<2x8x32xf32, #tpu.memory_space<vmem>>, vector<1x1x16xf32>,
      %broadcast_in_dim3A_968 = arith.constant 0.000000e+00 : f32
      %broadcast_in_dim3A_969 = vector.broadcast %broadcast_in_dim3A_968 : f32 to vector<16xf32>
      %scan3A_970 = arith.constant 0 : i32
      %scan3A_971 = arith.constant 25 : i32
      %scan3A_972 = arith.addi %scan3A_970, %scan3A_971 : i32
      %scan3A_973 = arith.constant 1 : i32
      %scan3A_974:16 = scf.for %scan3A_1113 = %scan3A_970 to %scan3A_972 step %scan3A_973 iter_args(%scan3A_1114 = %broadcast_in_dim3A_969, %scan3A_1115 = %broadcast_in_dim3A_969, %scan3A_1116 = %broadcast_in_dim3A_969, %scan3A_1117 = %broadcast_in_dim3A_969, %scan3A_1118 = %broadcast_in_dim3A_969, %scan3A_1119 = %broadcast_in_dim3A_969, %scan3A_1120 = %broadcast_in_dim3A_969, %scan3A_1121 = %broadcast_in_dim3A_969, %scan3A_1122 = %broadcast_in_dim3A_969, %scan3A_1123 = %broadcast_in_dim3A_969, %scan3A_1124 = %broadcast_in_dim3A_969, %scan3A_1125 = %broadcast_in_dim3A_969, %scan3A_1126 = %broadcast_in_dim3A_969, %scan3A_1127 = %broadcast_in_dim3A_969, %scan3A_1128 = %broadcast_in_dim3A_969, %scan3A_1129 = %broadcast_in_dim3A_969) -> (vector<16xf32>, vector<16xf32>, vector<16xf32>, vector<16xf32>, vector<16xf32>, vector<16xf32>, vector<16xf32>, vector<16xf32>, vector<16xf32>, vector<16xf32>, vector<16xf32>, vector<16xf32>, vector<16xf32>, vector<16xf32>, vector<16xf32>, vector<16xf32>)  : i32 {
        %mul3A_1130 = arith.constant 8 : i32
        %mul3A_1131 = arith.muli %scan3A_1113, %mul3A_1130 : i32
        %add3A_1132 = arith.constant 1000 : i32
        %add3A_1133 = arith.addi %add3A_1132, %mul3A_1131 : i32
        %add3A_1134 = arith.constant 0 : i32
        %add3A_1135 = arith.addi %add3A_1133, %add3A_1134 : i32
        %get3A = arith.constant 1 : i32
        %get3A_1136 = arith.index_cast %get3A : i32 to index
        %get3A_1137 = arith.index_cast %add3A_1135 : i32 to index
        %get3A_1138 = arith.constant 0 : index
        %get3A_1139 = tpu.vector_load %arg6[%get3A_1136, %get3A_1137, %get3A_1138] {strides = array<i32>} : memref<2x1600x32xf32, #tpu.memory_space<vmem>>, vector<1x1x16xf32>,
        %get3A_1140 = vector.shape_cast %get3A_1139 : vector<1x1x16xf32> to vector<16xf32>
        %add3A_1141 = arith.addf %scan3A_1114, %get3A_1140 : vector<16xf32>
        %add3A_1142 = arith.constant 0 : i32
        %add3A_1143 = arith.addi %add3A_1133, %add3A_1142 : i32
        %get3A_1144 = arith.constant 1 : i32
        %get3A_1145 = arith.index_cast %get3A_1144 : i32 to index
        %get3A_1146 = arith.index_cast %add3A_1143 : i32 to index
        %get3A_1147 = arith.constant 16 : index
        %get3A_1148 = tpu.vector_load %arg6[%get3A_1145, %get3A_1146, %get3A_1147] {strides = array<i32>} : memref<2x1600x32xf32, #tpu.memory_space<vmem>>, vector<1x1x16xf32>,
        %get3A_1149 = vector.shape_cast %get3A_1148 : vector<1x1x16xf32> to vector<16xf32>
        %add3A_1150 = arith.addf %scan3A_1115, %get3A_1149 : vector<16xf32>
        %add3A_1151 = arith.constant 1 : i32
        %add3A_1152 = arith.addi %add3A_1133, %add3A_1151 : i32
        %get3A_1153 = arith.constant 1 : i32
        %get3A_1154 = arith.index_cast %get3A_1153 : i32 to index
        %get3A_1155 = arith.index_cast %add3A_1152 : i32 to index
        %get3A_1156 = arith.constant 0 : index
        %get3A_1157 = tpu.vector_load %arg6[%get3A_1154, %get3A_1155, %get3A_1156] {strides = array<i32>} : memref<2x1600x32xf32, #tpu.memory_space<vmem>>, vector<1x1x16xf32>,
        %get3A_1158 = vector.shape_cast %get3A_1157 : vector<1x1x16xf32> to vector<16xf32>
        %add3A_1159 = arith.addf %scan3A_1116, %get3A_1158 : vector<16xf32>
        %add3A_1160 = arith.constant 1 : i32
        %add3A_1161 = arith.addi %add3A_1133, %add3A_1160 : i32
        %get3A_1162 = arith.constant 1 : i32
        %get3A_1163 = arith.index_cast %get3A_1162 : i32 to index
        %get3A_1164 = arith.index_cast %add3A_1161 : i32 to index
        %get3A_1165 = arith.constant 16 : index
        %get3A_1166 = tpu.vector_load %arg6[%get3A_1163, %get3A_1164, %get3A_1165] {strides = array<i32>} : memref<2x1600x32xf32, #tpu.memory_space<vmem>>, vector<1x1x16xf32>,
        %get3A_1167 = vector.shape_cast %get3A_1166 : vector<1x1x16xf32> to vector<16xf32>
        %add3A_1168 = arith.addf %scan3A_1117, %get3A_1167 : vector<16xf32>
        %add3A_1169 = arith.constant 2 : i32
        %add3A_1170 = arith.addi %add3A_1133, %add3A_1169 : i32
        %get3A_1171 = arith.constant 1 : i32
        %get3A_1172 = arith.index_cast %get3A_1171 : i32 to index
        %get3A_1173 = arith.index_cast %add3A_1170 : i32 to index
        %get3A_1174 = arith.constant 0 : index
        %get3A_1175 = tpu.vector_load %arg6[%get3A_1172, %get3A_1173, %get3A_1174] {strides = array<i32>} : memref<2x1600x32xf32, #tpu.memory_space<vmem>>, vector<1x1x16xf32>,
        %get3A_1176 = vector.shape_cast %get3A_1175 : vector<1x1x16xf32> to vector<16xf32>
        %add3A_1177 = arith.addf %scan3A_1118, %get3A_1176 : vector<16xf32>
        %add3A_1178 = arith.constant 2 : i32
        %add3A_1179 = arith.addi %add3A_1133, %add3A_1178 : i32
        %get3A_1180 = arith.constant 1 : i32
        %get3A_1181 = arith.index_cast %get3A_1180 : i32 to index
        %get3A_1182 = arith.index_cast %add3A_1179 : i32 to index
        %get3A_1183 = arith.constant 16 : index
        %get3A_1184 = tpu.vector_load %arg6[%get3A_1181, %get3A_1182, %get3A_1183] {strides = array<i32>} : memref<2x1600x32xf32, #tpu.memory_space<vmem>>, vector<1x1x16xf32>,
        %get3A_1185 = vector.shape_cast %get3A_1184 : vector<1x1x16xf32> to vector<16xf32>
        %add3A_1186 = arith.addf %scan3A_1119, %get3A_1185 : vector<16xf32>
        %add3A_1187 = arith.constant 3 : i32
        %add3A_1188 = arith.addi %add3A_1133, %add3A_1187 : i32
        %get3A_1189 = arith.constant 1 : i32
        %get3A_1190 = arith.index_cast %get3A_1189 : i32 to index
        %get3A_1191 = arith.index_cast %add3A_1188 : i32 to index
        %get3A_1192 = arith.constant 0 : index
        %get3A_1193 = tpu.vector_load %arg6[%get3A_1190, %get3A_1191, %get3A_1192] {strides = array<i32>} : memref<2x1600x32xf32, #tpu.memory_space<vmem>>, vector<1x1x16xf32>,
        %get3A_1194 = vector.shape_cast %get3A_1193 : vector<1x1x16xf32> to vector<16xf32>
        %add3A_1195 = arith.addf %scan3A_1120, %get3A_1194 : vector<16xf32>
        %add3A_1196 = arith.constant 3 : i32
        %add3A_1197 = arith.addi %add3A_1133, %add3A_1196 : i32
        %get3A_1198 = arith.constant 1 : i32
        %get3A_1199 = arith.index_cast %get3A_1198 : i32 to index
        %get3A_1200 = arith.index_cast %add3A_1197 : i32 to index
        %get3A_1201 = arith.constant 16 : index
        %get3A_1202 = tpu.vector_load %arg6[%get3A_1199, %get3A_1200, %get3A_1201] {strides = array<i32>} : memref<2x1600x32xf32, #tpu.memory_space<vmem>>, vector<1x1x16xf32>,
        %get3A_1203 = vector.shape_cast %get3A_1202 : vector<1x1x16xf32> to vector<16xf32>
        %add3A_1204 = arith.addf %scan3A_1121, %get3A_1203 : vector<16xf32>
        %add3A_1205 = arith.constant 4 : i32
        %add3A_1206 = arith.addi %add3A_1133, %add3A_1205 : i32
        %get3A_1207 = arith.constant 1 : i32
        %get3A_1208 = arith.index_cast %get3A_1207 : i32 to index
        %get3A_1209 = arith.index_cast %add3A_1206 : i32 to index
        %get3A_1210 = arith.constant 0 : index
        %get3A_1211 = tpu.vector_load %arg6[%get3A_1208, %get3A_1209, %get3A_1210] {strides = array<i32>} : memref<2x1600x32xf32, #tpu.memory_space<vmem>>, vector<1x1x16xf32>,
        %get3A_1212 = vector.shape_cast %get3A_1211 : vector<1x1x16xf32> to vector<16xf32>
        %add3A_1213 = arith.addf %scan3A_1122, %get3A_1212 : vector<16xf32>
        %add3A_1214 = arith.constant 4 : i32
        %add3A_1215 = arith.addi %add3A_1133, %add3A_1214 : i32
        %get3A_1216 = arith.constant 1 : i32
        %get3A_1217 = arith.index_cast %get3A_1216 : i32 to index
        %get3A_1218 = arith.index_cast %add3A_1215 : i32 to index
        %get3A_1219 = arith.constant 16 : index
        %get3A_1220 = tpu.vector_load %arg6[%get3A_1217, %get3A_1218, %get3A_1219] {strides = array<i32>} : memref<2x1600x32xf32, #tpu.memory_space<vmem>>, vector<1x1x16xf32>,
        %get3A_1221 = vector.shape_cast %get3A_1220 : vector<1x1x16xf32> to vector<16xf32>
        %add3A_1222 = arith.addf %scan3A_1123, %get3A_1221 : vector<16xf32>
        %add3A_1223 = arith.constant 5 : i32
        %add3A_1224 = arith.addi %add3A_1133, %add3A_1223 : i32
        %get3A_1225 = arith.constant 1 : i32
        %get3A_1226 = arith.index_cast %get3A_1225 : i32 to index
        %get3A_1227 = arith.index_cast %add3A_1224 : i32 to index
        %get3A_1228 = arith.constant 0 : index
        %get3A_1229 = tpu.vector_load %arg6[%get3A_1226, %get3A_1227, %get3A_1228] {strides = array<i32>} : memref<2x1600x32xf32, #tpu.memory_space<vmem>>, vector<1x1x16xf32>,
        %get3A_1230 = vector.shape_cast %get3A_1229 : vector<1x1x16xf32> to vector<16xf32>
        %add3A_1231 = arith.addf %scan3A_1124, %get3A_1230 : vector<16xf32>
        %add3A_1232 = arith.constant 5 : i32
        %add3A_1233 = arith.addi %add3A_1133, %add3A_1232 : i32
        %get3A_1234 = arith.constant 1 : i32
        %get3A_1235 = arith.index_cast %get3A_1234 : i32 to index
        %get3A_1236 = arith.index_cast %add3A_1233 : i32 to index
        %get3A_1237 = arith.constant 16 : index
        %get3A_1238 = tpu.vector_load %arg6[%get3A_1235, %get3A_1236, %get3A_1237] {strides = array<i32>} : memref<2x1600x32xf32, #tpu.memory_space<vmem>>, vector<1x1x16xf32>,
        %get3A_1239 = vector.shape_cast %get3A_1238 : vector<1x1x16xf32> to vector<16xf32>
        %add3A_1240 = arith.addf %scan3A_1125, %get3A_1239 : vector<16xf32>
        %add3A_1241 = arith.constant 6 : i32
        %add3A_1242 = arith.addi %add3A_1133, %add3A_1241 : i32
        %get3A_1243 = arith.constant 1 : i32
        %get3A_1244 = arith.index_cast %get3A_1243 : i32 to index
        %get3A_1245 = arith.index_cast %add3A_1242 : i32 to index
        %get3A_1246 = arith.constant 0 : index
        %get3A_1247 = tpu.vector_load %arg6[%get3A_1244, %get3A_1245, %get3A_1246] {strides = array<i32>} : memref<2x1600x32xf32, #tpu.memory_space<vmem>>, vector<1x1x16xf32>,
        %get3A_1248 = vector.shape_cast %get3A_1247 : vector<1x1x16xf32> to vector<16xf32>
        %add3A_1249 = arith.addf %scan3A_1126, %get3A_1248 : vector<16xf32>
        %add3A_1250 = arith.constant 6 : i32
        %add3A_1251 = arith.addi %add3A_1133, %add3A_1250 : i32
        %get3A_1252 = arith.constant 1 : i32
        %get3A_1253 = arith.index_cast %get3A_1252 : i32 to index
        %get3A_1254 = arith.index_cast %add3A_1251 : i32 to index
        %get3A_1255 = arith.constant 16 : index
        %get3A_1256 = tpu.vector_load %arg6[%get3A_1253, %get3A_1254, %get3A_1255] {strides = array<i32>} : memref<2x1600x32xf32, #tpu.memory_space<vmem>>, vector<1x1x16xf32>,
        %get3A_1257 = vector.shape_cast %get3A_1256 : vector<1x1x16xf32> to vector<16xf32>
        %add3A_1258 = arith.addf %scan3A_1127, %get3A_1257 : vector<16xf32>
        %add3A_1259 = arith.constant 7 : i32
        %add3A_1260 = arith.addi %add3A_1133, %add3A_1259 : i32
        %get3A_1261 = arith.constant 1 : i32
        %get3A_1262 = arith.index_cast %get3A_1261 : i32 to index
        %get3A_1263 = arith.index_cast %add3A_1260 : i32 to index
        %get3A_1264 = arith.constant 0 : index
        %get3A_1265 = tpu.vector_load %arg6[%get3A_1262, %get3A_1263, %get3A_1264] {strides = array<i32>} : memref<2x1600x32xf32, #tpu.memory_space<vmem>>, vector<1x1x16xf32>,
        %get3A_1266 = vector.shape_cast %get3A_1265 : vector<1x1x16xf32> to vector<16xf32>
        %add3A_1267 = arith.addf %scan3A_1128, %get3A_1266 : vector<16xf32>
        %add3A_1268 = arith.constant 7 : i32
        %add3A_1269 = arith.addi %add3A_1133, %add3A_1268 : i32
        %get3A_1270 = arith.constant 1 : i32
        %get3A_1271 = arith.index_cast %get3A_1270 : i32 to index
        %get3A_1272 = arith.index_cast %add3A_1269 : i32 to index
        %get3A_1273 = arith.constant 16 : index
        %get3A_1274 = tpu.vector_load %arg6[%get3A_1271, %get3A_1272, %get3A_1273] {strides = array<i32>} : memref<2x1600x32xf32, #tpu.memory_space<vmem>>, vector<1x1x16xf32>,
        %get3A_1275 = vector.shape_cast %get3A_1274 : vector<1x1x16xf32> to vector<16xf32>
        %add3A_1276 = arith.addf %scan3A_1129, %get3A_1275 : vector<16xf32>
        scf.yield %add3A_1141, %add3A_1150, %add3A_1159, %add3A_1168, %add3A_1177, %add3A_1186, %add3A_1195, %add3A_1204, %add3A_1213, %add3A_1222, %add3A_1231, %add3A_1240, %add3A_1249, %add3A_1258, %add3A_1267, %add3A_1276 : vector<16xf32>, vector<16xf32>, vector<16xf32>, vector<16xf32>, vector<16xf32>, vector<16xf32>, vector<16xf32>, vector<16xf32>, vector<16xf32>, vector<16xf32>, vector<16xf32>, vector<16xf32>, vector<16xf32>, vector<16xf32>, vector<16xf32>, vector<16xf32>
      }
      %scan3A_975 = arith.constant 25 : i32
      %add3A_976 = arith.addf %scan3A_974#0, %scan3A_974#2 : vector<16xf32>
      %add3A_977 = arith.addf %scan3A_974#1, %scan3A_974#3 : vector<16xf32>
      %add3A_978 = arith.addf %add3A_976, %scan3A_974#4 : vector<16xf32>
      %add3A_979 = arith.addf %add3A_977, %scan3A_974#5 : vector<16xf32>
      %add3A_980 = arith.addf %add3A_978, %scan3A_974#6 : vector<16xf32>
      %add3A_981 = arith.addf %add3A_979, %scan3A_974#7 : vector<16xf32>
      %add3A_982 = arith.addf %add3A_980, %scan3A_974#8 : vector<16xf32>
      %add3A_983 = arith.addf %add3A_981, %scan3A_974#9 : vector<16xf32>
      %add3A_984 = arith.addf %add3A_982, %scan3A_974#10 : vector<16xf32>
      %add3A_985 = arith.addf %add3A_983, %scan3A_974#11 : vector<16xf32>
      %add3A_986 = arith.addf %add3A_984, %scan3A_974#12 : vector<16xf32>
      %add3A_987 = arith.addf %add3A_985, %scan3A_974#13 : vector<16xf32>
      %add3A_988 = arith.addf %add3A_986, %scan3A_974#14 : vector<16xf32>
      %add3A_989 = arith.addf %add3A_987, %scan3A_974#15 : vector<16xf32>
      %mul3A_990 = arith.constant 5.000000e-03 : f32
      %mul3A_991 = vector.broadcast %mul3A_990 : f32 to vector<16xf32>
      %mul3A_992 = arith.mulf %add3A_988, %mul3A_991 : vector<16xf32>
      %swap3A_993 = arith.constant 1 : i32
      %swap3A_994 = arith.constant 5 : i32
      %swap3A_995 = arith.index_cast %swap3A_993 : i32 to index
      %swap3A_996 = arith.index_cast %swap3A_994 : i32 to index
      %swap3A_997 = arith.constant 0 : index
      %swap3A_998 = tpu.vector_load %arg7[%swap3A_995, %swap3A_996, %swap3A_997] {strides = array<i32>} : memref<2x8x32xf32, #tpu.memory_space<vmem>>, vector<1x1x16xf32>,
      %swap3A_999 = vector.shape_cast %swap3A_998 : vector<1x1x16xf32> to vector<16xf32>
      %swap3A_1000 = vector.shape_cast %mul3A_992 : vector<16xf32> to vector<1x1x16xf32>
      tpu.vector_store %arg7[%swap3A_995, %swap3A_996, %swap3A_997], %swap3A_1000 {strides = array<i32>} : memref<2x8x32xf32, #tpu.memory_space<vmem>>, vector<1x1x16xf32>,
      %mul3A_1001 = arith.constant 5.000000e-03 : f32
      %mul3A_1002 = vector.broadcast %mul3A_1001 : f32 to vector<16xf32>
      %mul3A_1003 = arith.mulf %add3A_989, %mul3A_1002 : vector<16xf32>
      %swap3A_1004 = arith.constant 1 : i32
      %swap3A_1005 = arith.constant 5 : i32
      %swap3A_1006 = arith.index_cast %swap3A_1004 : i32 to index
      %swap3A_1007 = arith.index_cast %swap3A_1005 : i32 to index
      %swap3A_1008 = arith.constant 16 : index
      %swap3A_1009 = tpu.vector_load %arg7[%swap3A_1006, %swap3A_1007, %swap3A_1008] {strides = array<i32>} : memref<2x8x32xf32, #tpu.memory_space<vmem>>, vector<1x1x16xf32>,
      %swap3A_1010 = vector.shape_cast %swap3A_1009 : vector<1x1x16xf32> to vector<16xf32>
      %swap3A_1011 = vector.shape_cast %mul3A_1003 : vector<16xf32> to vector<1x1x16xf32>
      tpu.vector_store %arg7[%swap3A_1006, %swap3A_1007, %swap3A_1008], %swap3A_1011 {strides = array<i32>} : memref<2x8x32xf32, #tpu.memory_space<vmem>>, vector<1x1x16xf32>,
      %broadcast_in_dim3A_1012 = arith.constant 0.000000e+00 : f32
      %broadcast_in_dim3A_1013 = vector.broadcast %broadcast_in_dim3A_1012 : f32 to vector<16xf32>
      %scan3A_1014 = arith.constant 0 : i32
      %scan3A_1015 = arith.constant 25 : i32
      %scan3A_1016 = arith.addi %scan3A_1014, %scan3A_1015 : i32
      %scan3A_1017 = arith.constant 1 : i32
      %scan3A_1018:16 = scf.for %scan3A_1113 = %scan3A_1014 to %scan3A_1016 step %scan3A_1017 iter_args(%scan3A_1114 = %broadcast_in_dim3A_1013, %scan3A_1115 = %broadcast_in_dim3A_1013, %scan3A_1116 = %broadcast_in_dim3A_1013, %scan3A_1117 = %broadcast_in_dim3A_1013, %scan3A_1118 = %broadcast_in_dim3A_1013, %scan3A_1119 = %broadcast_in_dim3A_1013, %scan3A_1120 = %broadcast_in_dim3A_1013, %scan3A_1121 = %broadcast_in_dim3A_1013, %scan3A_1122 = %broadcast_in_dim3A_1013, %scan3A_1123 = %broadcast_in_dim3A_1013, %scan3A_1124 = %broadcast_in_dim3A_1013, %scan3A_1125 = %broadcast_in_dim3A_1013, %scan3A_1126 = %broadcast_in_dim3A_1013, %scan3A_1127 = %broadcast_in_dim3A_1013, %scan3A_1128 = %broadcast_in_dim3A_1013, %scan3A_1129 = %broadcast_in_dim3A_1013) -> (vector<16xf32>, vector<16xf32>, vector<16xf32>, vector<16xf32>, vector<16xf32>, vector<16xf32>, vector<16xf32>, vector<16xf32>, vector<16xf32>, vector<16xf32>, vector<16xf32>, vector<16xf32>, vector<16xf32>, vector<16xf32>, vector<16xf32>, vector<16xf32>)  : i32 {
        %mul3A_1130 = arith.constant 8 : i32
        %mul3A_1131 = arith.muli %scan3A_1113, %mul3A_1130 : i32
        %add3A_1132 = arith.constant 1200 : i32
        %add3A_1133 = arith.addi %add3A_1132, %mul3A_1131 : i32
        %add3A_1134 = arith.constant 0 : i32
        %add3A_1135 = arith.addi %add3A_1133, %add3A_1134 : i32
        %get3A = arith.constant 1 : i32
        %get3A_1136 = arith.index_cast %get3A : i32 to index
        %get3A_1137 = arith.index_cast %add3A_1135 : i32 to index
        %get3A_1138 = arith.constant 0 : index
        %get3A_1139 = tpu.vector_load %arg6[%get3A_1136, %get3A_1137, %get3A_1138] {strides = array<i32>} : memref<2x1600x32xf32, #tpu.memory_space<vmem>>, vector<1x1x16xf32>,
        %get3A_1140 = vector.shape_cast %get3A_1139 : vector<1x1x16xf32> to vector<16xf32>
        %add3A_1141 = arith.addf %scan3A_1114, %get3A_1140 : vector<16xf32>
        %add3A_1142 = arith.constant 0 : i32
        %add3A_1143 = arith.addi %add3A_1133, %add3A_1142 : i32
        %get3A_1144 = arith.constant 1 : i32
        %get3A_1145 = arith.index_cast %get3A_1144 : i32 to index
        %get3A_1146 = arith.index_cast %add3A_1143 : i32 to index
        %get3A_1147 = arith.constant 16 : index
        %get3A_1148 = tpu.vector_load %arg6[%get3A_1145, %get3A_1146, %get3A_1147] {strides = array<i32>} : memref<2x1600x32xf32, #tpu.memory_space<vmem>>, vector<1x1x16xf32>,
        %get3A_1149 = vector.shape_cast %get3A_1148 : vector<1x1x16xf32> to vector<16xf32>
        %add3A_1150 = arith.addf %scan3A_1115, %get3A_1149 : vector<16xf32>
        %add3A_1151 = arith.constant 1 : i32
        %add3A_1152 = arith.addi %add3A_1133, %add3A_1151 : i32
        %get3A_1153 = arith.constant 1 : i32
        %get3A_1154 = arith.index_cast %get3A_1153 : i32 to index
        %get3A_1155 = arith.index_cast %add3A_1152 : i32 to index
        %get3A_1156 = arith.constant 0 : index
        %get3A_1157 = tpu.vector_load %arg6[%get3A_1154, %get3A_1155, %get3A_1156] {strides = array<i32>} : memref<2x1600x32xf32, #tpu.memory_space<vmem>>, vector<1x1x16xf32>,
        %get3A_1158 = vector.shape_cast %get3A_1157 : vector<1x1x16xf32> to vector<16xf32>
        %add3A_1159 = arith.addf %scan3A_1116, %get3A_1158 : vector<16xf32>
        %add3A_1160 = arith.constant 1 : i32
        %add3A_1161 = arith.addi %add3A_1133, %add3A_1160 : i32
        %get3A_1162 = arith.constant 1 : i32
        %get3A_1163 = arith.index_cast %get3A_1162 : i32 to index
        %get3A_1164 = arith.index_cast %add3A_1161 : i32 to index
        %get3A_1165 = arith.constant 16 : index
        %get3A_1166 = tpu.vector_load %arg6[%get3A_1163, %get3A_1164, %get3A_1165] {strides = array<i32>} : memref<2x1600x32xf32, #tpu.memory_space<vmem>>, vector<1x1x16xf32>,
        %get3A_1167 = vector.shape_cast %get3A_1166 : vector<1x1x16xf32> to vector<16xf32>
        %add3A_1168 = arith.addf %scan3A_1117, %get3A_1167 : vector<16xf32>
        %add3A_1169 = arith.constant 2 : i32
        %add3A_1170 = arith.addi %add3A_1133, %add3A_1169 : i32
        %get3A_1171 = arith.constant 1 : i32
        %get3A_1172 = arith.index_cast %get3A_1171 : i32 to index
        %get3A_1173 = arith.index_cast %add3A_1170 : i32 to index
        %get3A_1174 = arith.constant 0 : index
        %get3A_1175 = tpu.vector_load %arg6[%get3A_1172, %get3A_1173, %get3A_1174] {strides = array<i32>} : memref<2x1600x32xf32, #tpu.memory_space<vmem>>, vector<1x1x16xf32>,
        %get3A_1176 = vector.shape_cast %get3A_1175 : vector<1x1x16xf32> to vector<16xf32>
        %add3A_1177 = arith.addf %scan3A_1118, %get3A_1176 : vector<16xf32>
        %add3A_1178 = arith.constant 2 : i32
        %add3A_1179 = arith.addi %add3A_1133, %add3A_1178 : i32
        %get3A_1180 = arith.constant 1 : i32
        %get3A_1181 = arith.index_cast %get3A_1180 : i32 to index
        %get3A_1182 = arith.index_cast %add3A_1179 : i32 to index
        %get3A_1183 = arith.constant 16 : index
        %get3A_1184 = tpu.vector_load %arg6[%get3A_1181, %get3A_1182, %get3A_1183] {strides = array<i32>} : memref<2x1600x32xf32, #tpu.memory_space<vmem>>, vector<1x1x16xf32>,
        %get3A_1185 = vector.shape_cast %get3A_1184 : vector<1x1x16xf32> to vector<16xf32>
        %add3A_1186 = arith.addf %scan3A_1119, %get3A_1185 : vector<16xf32>
        %add3A_1187 = arith.constant 3 : i32
        %add3A_1188 = arith.addi %add3A_1133, %add3A_1187 : i32
        %get3A_1189 = arith.constant 1 : i32
        %get3A_1190 = arith.index_cast %get3A_1189 : i32 to index
        %get3A_1191 = arith.index_cast %add3A_1188 : i32 to index
        %get3A_1192 = arith.constant 0 : index
        %get3A_1193 = tpu.vector_load %arg6[%get3A_1190, %get3A_1191, %get3A_1192] {strides = array<i32>} : memref<2x1600x32xf32, #tpu.memory_space<vmem>>, vector<1x1x16xf32>,
        %get3A_1194 = vector.shape_cast %get3A_1193 : vector<1x1x16xf32> to vector<16xf32>
        %add3A_1195 = arith.addf %scan3A_1120, %get3A_1194 : vector<16xf32>
        %add3A_1196 = arith.constant 3 : i32
        %add3A_1197 = arith.addi %add3A_1133, %add3A_1196 : i32
        %get3A_1198 = arith.constant 1 : i32
        %get3A_1199 = arith.index_cast %get3A_1198 : i32 to index
        %get3A_1200 = arith.index_cast %add3A_1197 : i32 to index
        %get3A_1201 = arith.constant 16 : index
        %get3A_1202 = tpu.vector_load %arg6[%get3A_1199, %get3A_1200, %get3A_1201] {strides = array<i32>} : memref<2x1600x32xf32, #tpu.memory_space<vmem>>, vector<1x1x16xf32>,
        %get3A_1203 = vector.shape_cast %get3A_1202 : vector<1x1x16xf32> to vector<16xf32>
        %add3A_1204 = arith.addf %scan3A_1121, %get3A_1203 : vector<16xf32>
        %add3A_1205 = arith.constant 4 : i32
        %add3A_1206 = arith.addi %add3A_1133, %add3A_1205 : i32
        %get3A_1207 = arith.constant 1 : i32
        %get3A_1208 = arith.index_cast %get3A_1207 : i32 to index
        %get3A_1209 = arith.index_cast %add3A_1206 : i32 to index
        %get3A_1210 = arith.constant 0 : index
        %get3A_1211 = tpu.vector_load %arg6[%get3A_1208, %get3A_1209, %get3A_1210] {strides = array<i32>} : memref<2x1600x32xf32, #tpu.memory_space<vmem>>, vector<1x1x16xf32>,
        %get3A_1212 = vector.shape_cast %get3A_1211 : vector<1x1x16xf32> to vector<16xf32>
        %add3A_1213 = arith.addf %scan3A_1122, %get3A_1212 : vector<16xf32>
        %add3A_1214 = arith.constant 4 : i32
        %add3A_1215 = arith.addi %add3A_1133, %add3A_1214 : i32
        %get3A_1216 = arith.constant 1 : i32
        %get3A_1217 = arith.index_cast %get3A_1216 : i32 to index
        %get3A_1218 = arith.index_cast %add3A_1215 : i32 to index
        %get3A_1219 = arith.constant 16 : index
        %get3A_1220 = tpu.vector_load %arg6[%get3A_1217, %get3A_1218, %get3A_1219] {strides = array<i32>} : memref<2x1600x32xf32, #tpu.memory_space<vmem>>, vector<1x1x16xf32>,
        %get3A_1221 = vector.shape_cast %get3A_1220 : vector<1x1x16xf32> to vector<16xf32>
        %add3A_1222 = arith.addf %scan3A_1123, %get3A_1221 : vector<16xf32>
        %add3A_1223 = arith.constant 5 : i32
        %add3A_1224 = arith.addi %add3A_1133, %add3A_1223 : i32
        %get3A_1225 = arith.constant 1 : i32
        %get3A_1226 = arith.index_cast %get3A_1225 : i32 to index
        %get3A_1227 = arith.index_cast %add3A_1224 : i32 to index
        %get3A_1228 = arith.constant 0 : index
        %get3A_1229 = tpu.vector_load %arg6[%get3A_1226, %get3A_1227, %get3A_1228] {strides = array<i32>} : memref<2x1600x32xf32, #tpu.memory_space<vmem>>, vector<1x1x16xf32>,
        %get3A_1230 = vector.shape_cast %get3A_1229 : vector<1x1x16xf32> to vector<16xf32>
        %add3A_1231 = arith.addf %scan3A_1124, %get3A_1230 : vector<16xf32>
        %add3A_1232 = arith.constant 5 : i32
        %add3A_1233 = arith.addi %add3A_1133, %add3A_1232 : i32
        %get3A_1234 = arith.constant 1 : i32
        %get3A_1235 = arith.index_cast %get3A_1234 : i32 to index
        %get3A_1236 = arith.index_cast %add3A_1233 : i32 to index
        %get3A_1237 = arith.constant 16 : index
        %get3A_1238 = tpu.vector_load %arg6[%get3A_1235, %get3A_1236, %get3A_1237] {strides = array<i32>} : memref<2x1600x32xf32, #tpu.memory_space<vmem>>, vector<1x1x16xf32>,
        %get3A_1239 = vector.shape_cast %get3A_1238 : vector<1x1x16xf32> to vector<16xf32>
        %add3A_1240 = arith.addf %scan3A_1125, %get3A_1239 : vector<16xf32>
        %add3A_1241 = arith.constant 6 : i32
        %add3A_1242 = arith.addi %add3A_1133, %add3A_1241 : i32
        %get3A_1243 = arith.constant 1 : i32
        %get3A_1244 = arith.index_cast %get3A_1243 : i32 to index
        %get3A_1245 = arith.index_cast %add3A_1242 : i32 to index
        %get3A_1246 = arith.constant 0 : index
        %get3A_1247 = tpu.vector_load %arg6[%get3A_1244, %get3A_1245, %get3A_1246] {strides = array<i32>} : memref<2x1600x32xf32, #tpu.memory_space<vmem>>, vector<1x1x16xf32>,
        %get3A_1248 = vector.shape_cast %get3A_1247 : vector<1x1x16xf32> to vector<16xf32>
        %add3A_1249 = arith.addf %scan3A_1126, %get3A_1248 : vector<16xf32>
        %add3A_1250 = arith.constant 6 : i32
        %add3A_1251 = arith.addi %add3A_1133, %add3A_1250 : i32
        %get3A_1252 = arith.constant 1 : i32
        %get3A_1253 = arith.index_cast %get3A_1252 : i32 to index
        %get3A_1254 = arith.index_cast %add3A_1251 : i32 to index
        %get3A_1255 = arith.constant 16 : index
        %get3A_1256 = tpu.vector_load %arg6[%get3A_1253, %get3A_1254, %get3A_1255] {strides = array<i32>} : memref<2x1600x32xf32, #tpu.memory_space<vmem>>, vector<1x1x16xf32>,
        %get3A_1257 = vector.shape_cast %get3A_1256 : vector<1x1x16xf32> to vector<16xf32>
        %add3A_1258 = arith.addf %scan3A_1127, %get3A_1257 : vector<16xf32>
        %add3A_1259 = arith.constant 7 : i32
        %add3A_1260 = arith.addi %add3A_1133, %add3A_1259 : i32
        %get3A_1261 = arith.constant 1 : i32
        %get3A_1262 = arith.index_cast %get3A_1261 : i32 to index
        %get3A_1263 = arith.index_cast %add3A_1260 : i32 to index
        %get3A_1264 = arith.constant 0 : index
        %get3A_1265 = tpu.vector_load %arg6[%get3A_1262, %get3A_1263, %get3A_1264] {strides = array<i32>} : memref<2x1600x32xf32, #tpu.memory_space<vmem>>, vector<1x1x16xf32>,
        %get3A_1266 = vector.shape_cast %get3A_1265 : vector<1x1x16xf32> to vector<16xf32>
        %add3A_1267 = arith.addf %scan3A_1128, %get3A_1266 : vector<16xf32>
        %add3A_1268 = arith.constant 7 : i32
        %add3A_1269 = arith.addi %add3A_1133, %add3A_1268 : i32
        %get3A_1270 = arith.constant 1 : i32
        %get3A_1271 = arith.index_cast %get3A_1270 : i32 to index
        %get3A_1272 = arith.index_cast %add3A_1269 : i32 to index
        %get3A_1273 = arith.constant 16 : index
        %get3A_1274 = tpu.vector_load %arg6[%get3A_1271, %get3A_1272, %get3A_1273] {strides = array<i32>} : memref<2x1600x32xf32, #tpu.memory_space<vmem>>, vector<1x1x16xf32>,
        %get3A_1275 = vector.shape_cast %get3A_1274 : vector<1x1x16xf32> to vector<16xf32>
        %add3A_1276 = arith.addf %scan3A_1129, %get3A_1275 : vector<16xf32>
        scf.yield %add3A_1141, %add3A_1150, %add3A_1159, %add3A_1168, %add3A_1177, %add3A_1186, %add3A_1195, %add3A_1204, %add3A_1213, %add3A_1222, %add3A_1231, %add3A_1240, %add3A_1249, %add3A_1258, %add3A_1267, %add3A_1276 : vector<16xf32>, vector<16xf32>, vector<16xf32>, vector<16xf32>, vector<16xf32>, vector<16xf32>, vector<16xf32>, vector<16xf32>, vector<16xf32>, vector<16xf32>, vector<16xf32>, vector<16xf32>, vector<16xf32>, vector<16xf32>, vector<16xf32>, vector<16xf32>
      }
      %scan3A_1019 = arith.constant 25 : i32
      %add3A_1020 = arith.addf %scan3A_1018#0, %scan3A_1018#2 : vector<16xf32>
      %add3A_1021 = arith.addf %scan3A_1018#1, %scan3A_1018#3 : vector<16xf32>
      %add3A_1022 = arith.addf %add3A_1020, %scan3A_1018#4 : vector<16xf32>
      %add3A_1023 = arith.addf %add3A_1021, %scan3A_1018#5 : vector<16xf32>
      %add3A_1024 = arith.addf %add3A_1022, %scan3A_1018#6 : vector<16xf32>
      %add3A_1025 = arith.addf %add3A_1023, %scan3A_1018#7 : vector<16xf32>
      %add3A_1026 = arith.addf %add3A_1024, %scan3A_1018#8 : vector<16xf32>
      %add3A_1027 = arith.addf %add3A_1025, %scan3A_1018#9 : vector<16xf32>
      %add3A_1028 = arith.addf %add3A_1026, %scan3A_1018#10 : vector<16xf32>
      %add3A_1029 = arith.addf %add3A_1027, %scan3A_1018#11 : vector<16xf32>
      %add3A_1030 = arith.addf %add3A_1028, %scan3A_1018#12 : vector<16xf32>
      %add3A_1031 = arith.addf %add3A_1029, %scan3A_1018#13 : vector<16xf32>
      %add3A_1032 = arith.addf %add3A_1030, %scan3A_1018#14 : vector<16xf32>
      %add3A_1033 = arith.addf %add3A_1031, %scan3A_1018#15 : vector<16xf32>
      %mul3A_1034 = arith.constant 5.000000e-03 : f32
      %mul3A_1035 = vector.broadcast %mul3A_1034 : f32 to vector<16xf32>
      %mul3A_1036 = arith.mulf %add3A_1032, %mul3A_1035 : vector<16xf32>
      %swap3A_1037 = arith.constant 1 : i32
      %swap3A_1038 = arith.constant 6 : i32
      %swap3A_1039 = arith.index_cast %swap3A_1037 : i32 to index
      %swap3A_1040 = arith.index_cast %swap3A_1038 : i32 to index
      %swap3A_1041 = arith.constant 0 : index
      %swap3A_1042 = tpu.vector_load %arg7[%swap3A_1039, %swap3A_1040, %swap3A_1041] {strides = array<i32>} : memref<2x8x32xf32, #tpu.memory_space<vmem>>, vector<1x1x16xf32>,
      %swap3A_1043 = vector.shape_cast %swap3A_1042 : vector<1x1x16xf32> to vector<16xf32>
      %swap3A_1044 = vector.shape_cast %mul3A_1036 : vector<16xf32> to vector<1x1x16xf32>
      tpu.vector_store %arg7[%swap3A_1039, %swap3A_1040, %swap3A_1041], %swap3A_1044 {strides = array<i32>} : memref<2x8x32xf32, #tpu.memory_space<vmem>>, vector<1x1x16xf32>,
      %mul3A_1045 = arith.constant 5.000000e-03 : f32
      %mul3A_1046 = vector.broadcast %mul3A_1045 : f32 to vector<16xf32>
      %mul3A_1047 = arith.mulf %add3A_1033, %mul3A_1046 : vector<16xf32>
      %swap3A_1048 = arith.constant 1 : i32
      %swap3A_1049 = arith.constant 6 : i32
      %swap3A_1050 = arith.index_cast %swap3A_1048 : i32 to index
      %swap3A_1051 = arith.index_cast %swap3A_1049 : i32 to index
      %swap3A_1052 = arith.constant 16 : index
      %swap3A_1053 = tpu.vector_load %arg7[%swap3A_1050, %swap3A_1051, %swap3A_1052] {strides = array<i32>} : memref<2x8x32xf32, #tpu.memory_space<vmem>>, vector<1x1x16xf32>,
      %swap3A_1054 = vector.shape_cast %swap3A_1053 : vector<1x1x16xf32> to vector<16xf32>
      %swap3A_1055 = vector.shape_cast %mul3A_1047 : vector<16xf32> to vector<1x1x16xf32>
      tpu.vector_store %arg7[%swap3A_1050, %swap3A_1051, %swap3A_1052], %swap3A_1055 {strides = array<i32>} : memref<2x8x32xf32, #tpu.memory_space<vmem>>, vector<1x1x16xf32>,
      %broadcast_in_dim3A_1056 = arith.constant 0.000000e+00 : f32
      %broadcast_in_dim3A_1057 = vector.broadcast %broadcast_in_dim3A_1056 : f32 to vector<16xf32>
      %scan3A_1058 = arith.constant 0 : i32
      %scan3A_1059 = arith.constant 25 : i32
      %scan3A_1060 = arith.addi %scan3A_1058, %scan3A_1059 : i32
      %scan3A_1061 = arith.constant 1 : i32
      %scan3A_1062:16 = scf.for %scan3A_1113 = %scan3A_1058 to %scan3A_1060 step %scan3A_1061 iter_args(%scan3A_1114 = %broadcast_in_dim3A_1057, %scan3A_1115 = %broadcast_in_dim3A_1057, %scan3A_1116 = %broadcast_in_dim3A_1057, %scan3A_1117 = %broadcast_in_dim3A_1057, %scan3A_1118 = %broadcast_in_dim3A_1057, %scan3A_1119 = %broadcast_in_dim3A_1057, %scan3A_1120 = %broadcast_in_dim3A_1057, %scan3A_1121 = %broadcast_in_dim3A_1057, %scan3A_1122 = %broadcast_in_dim3A_1057, %scan3A_1123 = %broadcast_in_dim3A_1057, %scan3A_1124 = %broadcast_in_dim3A_1057, %scan3A_1125 = %broadcast_in_dim3A_1057, %scan3A_1126 = %broadcast_in_dim3A_1057, %scan3A_1127 = %broadcast_in_dim3A_1057, %scan3A_1128 = %broadcast_in_dim3A_1057, %scan3A_1129 = %broadcast_in_dim3A_1057) -> (vector<16xf32>, vector<16xf32>, vector<16xf32>, vector<16xf32>, vector<16xf32>, vector<16xf32>, vector<16xf32>, vector<16xf32>, vector<16xf32>, vector<16xf32>, vector<16xf32>, vector<16xf32>, vector<16xf32>, vector<16xf32>, vector<16xf32>, vector<16xf32>)  : i32 {
        %mul3A_1130 = arith.constant 8 : i32
        %mul3A_1131 = arith.muli %scan3A_1113, %mul3A_1130 : i32
        %add3A_1132 = arith.constant 1400 : i32
        %add3A_1133 = arith.addi %add3A_1132, %mul3A_1131 : i32
        %add3A_1134 = arith.constant 0 : i32
        %add3A_1135 = arith.addi %add3A_1133, %add3A_1134 : i32
        %get3A = arith.constant 1 : i32
        %get3A_1136 = arith.index_cast %get3A : i32 to index
        %get3A_1137 = arith.index_cast %add3A_1135 : i32 to index
        %get3A_1138 = arith.constant 0 : index
        %get3A_1139 = tpu.vector_load %arg6[%get3A_1136, %get3A_1137, %get3A_1138] {strides = array<i32>} : memref<2x1600x32xf32, #tpu.memory_space<vmem>>, vector<1x1x16xf32>,
        %get3A_1140 = vector.shape_cast %get3A_1139 : vector<1x1x16xf32> to vector<16xf32>
        %add3A_1141 = arith.addf %scan3A_1114, %get3A_1140 : vector<16xf32>
        %add3A_1142 = arith.constant 0 : i32
        %add3A_1143 = arith.addi %add3A_1133, %add3A_1142 : i32
        %get3A_1144 = arith.constant 1 : i32
        %get3A_1145 = arith.index_cast %get3A_1144 : i32 to index
        %get3A_1146 = arith.index_cast %add3A_1143 : i32 to index
        %get3A_1147 = arith.constant 16 : index
        %get3A_1148 = tpu.vector_load %arg6[%get3A_1145, %get3A_1146, %get3A_1147] {strides = array<i32>} : memref<2x1600x32xf32, #tpu.memory_space<vmem>>, vector<1x1x16xf32>,
        %get3A_1149 = vector.shape_cast %get3A_1148 : vector<1x1x16xf32> to vector<16xf32>
        %add3A_1150 = arith.addf %scan3A_1115, %get3A_1149 : vector<16xf32>
        %add3A_1151 = arith.constant 1 : i32
        %add3A_1152 = arith.addi %add3A_1133, %add3A_1151 : i32
        %get3A_1153 = arith.constant 1 : i32
        %get3A_1154 = arith.index_cast %get3A_1153 : i32 to index
        %get3A_1155 = arith.index_cast %add3A_1152 : i32 to index
        %get3A_1156 = arith.constant 0 : index
        %get3A_1157 = tpu.vector_load %arg6[%get3A_1154, %get3A_1155, %get3A_1156] {strides = array<i32>} : memref<2x1600x32xf32, #tpu.memory_space<vmem>>, vector<1x1x16xf32>,
        %get3A_1158 = vector.shape_cast %get3A_1157 : vector<1x1x16xf32> to vector<16xf32>
        %add3A_1159 = arith.addf %scan3A_1116, %get3A_1158 : vector<16xf32>
        %add3A_1160 = arith.constant 1 : i32
        %add3A_1161 = arith.addi %add3A_1133, %add3A_1160 : i32
        %get3A_1162 = arith.constant 1 : i32
        %get3A_1163 = arith.index_cast %get3A_1162 : i32 to index
        %get3A_1164 = arith.index_cast %add3A_1161 : i32 to index
        %get3A_1165 = arith.constant 16 : index
        %get3A_1166 = tpu.vector_load %arg6[%get3A_1163, %get3A_1164, %get3A_1165] {strides = array<i32>} : memref<2x1600x32xf32, #tpu.memory_space<vmem>>, vector<1x1x16xf32>,
        %get3A_1167 = vector.shape_cast %get3A_1166 : vector<1x1x16xf32> to vector<16xf32>
        %add3A_1168 = arith.addf %scan3A_1117, %get3A_1167 : vector<16xf32>
        %add3A_1169 = arith.constant 2 : i32
        %add3A_1170 = arith.addi %add3A_1133, %add3A_1169 : i32
        %get3A_1171 = arith.constant 1 : i32
        %get3A_1172 = arith.index_cast %get3A_1171 : i32 to index
        %get3A_1173 = arith.index_cast %add3A_1170 : i32 to index
        %get3A_1174 = arith.constant 0 : index
        %get3A_1175 = tpu.vector_load %arg6[%get3A_1172, %get3A_1173, %get3A_1174] {strides = array<i32>} : memref<2x1600x32xf32, #tpu.memory_space<vmem>>, vector<1x1x16xf32>,
        %get3A_1176 = vector.shape_cast %get3A_1175 : vector<1x1x16xf32> to vector<16xf32>
        %add3A_1177 = arith.addf %scan3A_1118, %get3A_1176 : vector<16xf32>
        %add3A_1178 = arith.constant 2 : i32
        %add3A_1179 = arith.addi %add3A_1133, %add3A_1178 : i32
        %get3A_1180 = arith.constant 1 : i32
        %get3A_1181 = arith.index_cast %get3A_1180 : i32 to index
        %get3A_1182 = arith.index_cast %add3A_1179 : i32 to index
        %get3A_1183 = arith.constant 16 : index
        %get3A_1184 = tpu.vector_load %arg6[%get3A_1181, %get3A_1182, %get3A_1183] {strides = array<i32>} : memref<2x1600x32xf32, #tpu.memory_space<vmem>>, vector<1x1x16xf32>,
        %get3A_1185 = vector.shape_cast %get3A_1184 : vector<1x1x16xf32> to vector<16xf32>
        %add3A_1186 = arith.addf %scan3A_1119, %get3A_1185 : vector<16xf32>
        %add3A_1187 = arith.constant 3 : i32
        %add3A_1188 = arith.addi %add3A_1133, %add3A_1187 : i32
        %get3A_1189 = arith.constant 1 : i32
        %get3A_1190 = arith.index_cast %get3A_1189 : i32 to index
        %get3A_1191 = arith.index_cast %add3A_1188 : i32 to index
        %get3A_1192 = arith.constant 0 : index
        %get3A_1193 = tpu.vector_load %arg6[%get3A_1190, %get3A_1191, %get3A_1192] {strides = array<i32>} : memref<2x1600x32xf32, #tpu.memory_space<vmem>>, vector<1x1x16xf32>,
        %get3A_1194 = vector.shape_cast %get3A_1193 : vector<1x1x16xf32> to vector<16xf32>
        %add3A_1195 = arith.addf %scan3A_1120, %get3A_1194 : vector<16xf32>
        %add3A_1196 = arith.constant 3 : i32
        %add3A_1197 = arith.addi %add3A_1133, %add3A_1196 : i32
        %get3A_1198 = arith.constant 1 : i32
        %get3A_1199 = arith.index_cast %get3A_1198 : i32 to index
        %get3A_1200 = arith.index_cast %add3A_1197 : i32 to index
        %get3A_1201 = arith.constant 16 : index
        %get3A_1202 = tpu.vector_load %arg6[%get3A_1199, %get3A_1200, %get3A_1201] {strides = array<i32>} : memref<2x1600x32xf32, #tpu.memory_space<vmem>>, vector<1x1x16xf32>,
        %get3A_1203 = vector.shape_cast %get3A_1202 : vector<1x1x16xf32> to vector<16xf32>
        %add3A_1204 = arith.addf %scan3A_1121, %get3A_1203 : vector<16xf32>
        %add3A_1205 = arith.constant 4 : i32
        %add3A_1206 = arith.addi %add3A_1133, %add3A_1205 : i32
        %get3A_1207 = arith.constant 1 : i32
        %get3A_1208 = arith.index_cast %get3A_1207 : i32 to index
        %get3A_1209 = arith.index_cast %add3A_1206 : i32 to index
        %get3A_1210 = arith.constant 0 : index
        %get3A_1211 = tpu.vector_load %arg6[%get3A_1208, %get3A_1209, %get3A_1210] {strides = array<i32>} : memref<2x1600x32xf32, #tpu.memory_space<vmem>>, vector<1x1x16xf32>,
        %get3A_1212 = vector.shape_cast %get3A_1211 : vector<1x1x16xf32> to vector<16xf32>
        %add3A_1213 = arith.addf %scan3A_1122, %get3A_1212 : vector<16xf32>
        %add3A_1214 = arith.constant 4 : i32
        %add3A_1215 = arith.addi %add3A_1133, %add3A_1214 : i32
        %get3A_1216 = arith.constant 1 : i32
        %get3A_1217 = arith.index_cast %get3A_1216 : i32 to index
        %get3A_1218 = arith.index_cast %add3A_1215 : i32 to index
        %get3A_1219 = arith.constant 16 : index
        %get3A_1220 = tpu.vector_load %arg6[%get3A_1217, %get3A_1218, %get3A_1219] {strides = array<i32>} : memref<2x1600x32xf32, #tpu.memory_space<vmem>>, vector<1x1x16xf32>,
        %get3A_1221 = vector.shape_cast %get3A_1220 : vector<1x1x16xf32> to vector<16xf32>
        %add3A_1222 = arith.addf %scan3A_1123, %get3A_1221 : vector<16xf32>
        %add3A_1223 = arith.constant 5 : i32
        %add3A_1224 = arith.addi %add3A_1133, %add3A_1223 : i32
        %get3A_1225 = arith.constant 1 : i32
        %get3A_1226 = arith.index_cast %get3A_1225 : i32 to index
        %get3A_1227 = arith.index_cast %add3A_1224 : i32 to index
        %get3A_1228 = arith.constant 0 : index
        %get3A_1229 = tpu.vector_load %arg6[%get3A_1226, %get3A_1227, %get3A_1228] {strides = array<i32>} : memref<2x1600x32xf32, #tpu.memory_space<vmem>>, vector<1x1x16xf32>,
        %get3A_1230 = vector.shape_cast %get3A_1229 : vector<1x1x16xf32> to vector<16xf32>
        %add3A_1231 = arith.addf %scan3A_1124, %get3A_1230 : vector<16xf32>
        %add3A_1232 = arith.constant 5 : i32
        %add3A_1233 = arith.addi %add3A_1133, %add3A_1232 : i32
        %get3A_1234 = arith.constant 1 : i32
        %get3A_1235 = arith.index_cast %get3A_1234 : i32 to index
        %get3A_1236 = arith.index_cast %add3A_1233 : i32 to index
        %get3A_1237 = arith.constant 16 : index
        %get3A_1238 = tpu.vector_load %arg6[%get3A_1235, %get3A_1236, %get3A_1237] {strides = array<i32>} : memref<2x1600x32xf32, #tpu.memory_space<vmem>>, vector<1x1x16xf32>,
        %get3A_1239 = vector.shape_cast %get3A_1238 : vector<1x1x16xf32> to vector<16xf32>
        %add3A_1240 = arith.addf %scan3A_1125, %get3A_1239 : vector<16xf32>
        %add3A_1241 = arith.constant 6 : i32
        %add3A_1242 = arith.addi %add3A_1133, %add3A_1241 : i32
        %get3A_1243 = arith.constant 1 : i32
        %get3A_1244 = arith.index_cast %get3A_1243 : i32 to index
        %get3A_1245 = arith.index_cast %add3A_1242 : i32 to index
        %get3A_1246 = arith.constant 0 : index
        %get3A_1247 = tpu.vector_load %arg6[%get3A_1244, %get3A_1245, %get3A_1246] {strides = array<i32>} : memref<2x1600x32xf32, #tpu.memory_space<vmem>>, vector<1x1x16xf32>,
        %get3A_1248 = vector.shape_cast %get3A_1247 : vector<1x1x16xf32> to vector<16xf32>
        %add3A_1249 = arith.addf %scan3A_1126, %get3A_1248 : vector<16xf32>
        %add3A_1250 = arith.constant 6 : i32
        %add3A_1251 = arith.addi %add3A_1133, %add3A_1250 : i32
        %get3A_1252 = arith.constant 1 : i32
        %get3A_1253 = arith.index_cast %get3A_1252 : i32 to index
        %get3A_1254 = arith.index_cast %add3A_1251 : i32 to index
        %get3A_1255 = arith.constant 16 : index
        %get3A_1256 = tpu.vector_load %arg6[%get3A_1253, %get3A_1254, %get3A_1255] {strides = array<i32>} : memref<2x1600x32xf32, #tpu.memory_space<vmem>>, vector<1x1x16xf32>,
        %get3A_1257 = vector.shape_cast %get3A_1256 : vector<1x1x16xf32> to vector<16xf32>
        %add3A_1258 = arith.addf %scan3A_1127, %get3A_1257 : vector<16xf32>
        %add3A_1259 = arith.constant 7 : i32
        %add3A_1260 = arith.addi %add3A_1133, %add3A_1259 : i32
        %get3A_1261 = arith.constant 1 : i32
        %get3A_1262 = arith.index_cast %get3A_1261 : i32 to index
        %get3A_1263 = arith.index_cast %add3A_1260 : i32 to index
        %get3A_1264 = arith.constant 0 : index
        %get3A_1265 = tpu.vector_load %arg6[%get3A_1262, %get3A_1263, %get3A_1264] {strides = array<i32>} : memref<2x1600x32xf32, #tpu.memory_space<vmem>>, vector<1x1x16xf32>,
        %get3A_1266 = vector.shape_cast %get3A_1265 : vector<1x1x16xf32> to vector<16xf32>
        %add3A_1267 = arith.addf %scan3A_1128, %get3A_1266 : vector<16xf32>
        %add3A_1268 = arith.constant 7 : i32
        %add3A_1269 = arith.addi %add3A_1133, %add3A_1268 : i32
        %get3A_1270 = arith.constant 1 : i32
        %get3A_1271 = arith.index_cast %get3A_1270 : i32 to index
        %get3A_1272 = arith.index_cast %add3A_1269 : i32 to index
        %get3A_1273 = arith.constant 16 : index
        %get3A_1274 = tpu.vector_load %arg6[%get3A_1271, %get3A_1272, %get3A_1273] {strides = array<i32>} : memref<2x1600x32xf32, #tpu.memory_space<vmem>>, vector<1x1x16xf32>,
        %get3A_1275 = vector.shape_cast %get3A_1274 : vector<1x1x16xf32> to vector<16xf32>
        %add3A_1276 = arith.addf %scan3A_1129, %get3A_1275 : vector<16xf32>
        scf.yield %add3A_1141, %add3A_1150, %add3A_1159, %add3A_1168, %add3A_1177, %add3A_1186, %add3A_1195, %add3A_1204, %add3A_1213, %add3A_1222, %add3A_1231, %add3A_1240, %add3A_1249, %add3A_1258, %add3A_1267, %add3A_1276 : vector<16xf32>, vector<16xf32>, vector<16xf32>, vector<16xf32>, vector<16xf32>, vector<16xf32>, vector<16xf32>, vector<16xf32>, vector<16xf32>, vector<16xf32>, vector<16xf32>, vector<16xf32>, vector<16xf32>, vector<16xf32>, vector<16xf32>, vector<16xf32>
      }
      %scan3A_1063 = arith.constant 25 : i32
      %add3A_1064 = arith.addf %scan3A_1062#0, %scan3A_1062#2 : vector<16xf32>
      %add3A_1065 = arith.addf %scan3A_1062#1, %scan3A_1062#3 : vector<16xf32>
      %add3A_1066 = arith.addf %add3A_1064, %scan3A_1062#4 : vector<16xf32>
      %add3A_1067 = arith.addf %add3A_1065, %scan3A_1062#5 : vector<16xf32>
      %add3A_1068 = arith.addf %add3A_1066, %scan3A_1062#6 : vector<16xf32>
      %add3A_1069 = arith.addf %add3A_1067, %scan3A_1062#7 : vector<16xf32>
      %add3A_1070 = arith.addf %add3A_1068, %scan3A_1062#8 : vector<16xf32>
      %add3A_1071 = arith.addf %add3A_1069, %scan3A_1062#9 : vector<16xf32>
      %add3A_1072 = arith.addf %add3A_1070, %scan3A_1062#10 : vector<16xf32>
      %add3A_1073 = arith.addf %add3A_1071, %scan3A_1062#11 : vector<16xf32>
      %add3A_1074 = arith.addf %add3A_1072, %scan3A_1062#12 : vector<16xf32>
      %add3A_1075 = arith.addf %add3A_1073, %scan3A_1062#13 : vector<16xf32>
      %add3A_1076 = arith.addf %add3A_1074, %scan3A_1062#14 : vector<16xf32>
      %add3A_1077 = arith.addf %add3A_1075, %scan3A_1062#15 : vector<16xf32>
      %mul3A_1078 = arith.constant 5.000000e-03 : f32
      %mul3A_1079 = vector.broadcast %mul3A_1078 : f32 to vector<16xf32>
      %mul3A_1080 = arith.mulf %add3A_1076, %mul3A_1079 : vector<16xf32>
      %swap3A_1081 = arith.constant 1 : i32
      %swap3A_1082 = arith.constant 7 : i32
      %swap3A_1083 = arith.index_cast %swap3A_1081 : i32 to index
      %swap3A_1084 = arith.index_cast %swap3A_1082 : i32 to index
      %swap3A_1085 = arith.constant 0 : index
      %swap3A_1086 = tpu.vector_load %arg7[%swap3A_1083, %swap3A_1084, %swap3A_1085] {strides = array<i32>} : memref<2x8x32xf32, #tpu.memory_space<vmem>>, vector<1x1x16xf32>,
      %swap3A_1087 = vector.shape_cast %swap3A_1086 : vector<1x1x16xf32> to vector<16xf32>
      %swap3A_1088 = vector.shape_cast %mul3A_1080 : vector<16xf32> to vector<1x1x16xf32>
      tpu.vector_store %arg7[%swap3A_1083, %swap3A_1084, %swap3A_1085], %swap3A_1088 {strides = array<i32>} : memref<2x8x32xf32, #tpu.memory_space<vmem>>, vector<1x1x16xf32>,
      %mul3A_1089 = arith.constant 5.000000e-03 : f32
      %mul3A_1090 = vector.broadcast %mul3A_1089 : f32 to vector<16xf32>
      %mul3A_1091 = arith.mulf %add3A_1077, %mul3A_1090 : vector<16xf32>
      %swap3A_1092 = arith.constant 1 : i32
      %swap3A_1093 = arith.constant 7 : i32
      %swap3A_1094 = arith.index_cast %swap3A_1092 : i32 to index
      %swap3A_1095 = arith.index_cast %swap3A_1093 : i32 to index
      %swap3A_1096 = arith.constant 16 : index
      %swap3A_1097 = tpu.vector_load %arg7[%swap3A_1094, %swap3A_1095, %swap3A_1096] {strides = array<i32>} : memref<2x8x32xf32, #tpu.memory_space<vmem>>, vector<1x1x16xf32>,
      %swap3A_1098 = vector.shape_cast %swap3A_1097 : vector<1x1x16xf32> to vector<16xf32>
      %swap3A_1099 = vector.shape_cast %mul3A_1091 : vector<16xf32> to vector<1x1x16xf32>
      tpu.vector_store %arg7[%swap3A_1094, %swap3A_1095, %swap3A_1096], %swap3A_1099 {strides = array<i32>} : memref<2x8x32xf32, #tpu.memory_space<vmem>>, vector<1x1x16xf32>,
      %dma_start3A_1100 = arith.constant 1 : i32
      %dma_start3A_1101 = arith.constant 0 : i32
      %dma_start3A_1102 = arith.constant 0 : i32
      %dma_start3A_1103 = tpu.memref_slice %arg7[%dma_start3A_1100, %dma_start3A_1101, %dma_start3A_1102] : memref<2x8x32xf32, #tpu.memory_space<vmem>> -> memref<1x8x32xf32, #tpu.memory_space<vmem>>
      %dma_start3A_1104 = tpu.memref_squeeze %dma_start3A_1103 : memref<1x8x32xf32, #tpu.memory_space<vmem>> -> memref<8x32xf32, #tpu.memory_space<vmem>>
      %dma_start3A_1105 = arith.constant 0 : i32
      %dma_start3A_1106 = tpu.memref_slice %arg4[%add3A_747, %dma_start3A_1105] : memref<16384x32xf32, #tpu.memory_space<hbm>> -> memref<8x32xf32, #tpu.memory_space<hbm>>
      %dma_start3A_1107 = arith.constant 0 : i32
      %dma_start3A_1108 = tpu.memref_slice %arg4[%add3A_747, %dma_start3A_1107] : memref<16384x32xf32, #tpu.memory_space<hbm>> -> memref<8x32xf32, #tpu.memory_space<hbm>>
      %dma_start3A_1109 = arith.constant 0 : i32
      %dma_start3A_1110 = arith.constant 0 : i32
      %dma_start3A_1111 = tpu.memref_slice %arg7[%dma_start3A_1100, %dma_start3A_1109, %dma_start3A_1110] : memref<2x8x32xf32, #tpu.memory_space<vmem>> -> memref<1x8x32xf32, #tpu.memory_space<vmem>>
      %dma_start3A_1112 = tpu.memref_squeeze %dma_start3A_1111 : memref<1x8x32xf32, #tpu.memory_space<vmem>> -> memref<8x32xf32, #tpu.memory_space<vmem>>
      tpu.enqueue_dma source(%dma_start3A_1112 : memref<8x32xf32, #tpu.memory_space<vmem>>) target(%dma_start3A_1108 : memref<8x32xf32, #tpu.memory_space<hbm>>) target_semaphore(%arg13 : memref<!tpu.dma_semaphore, #tpu.memory_space<semaphore_mem>>)
    }
    %scan3A_261 = arith.constant 32 : i32
    %dma_wait3A_262 = arith.constant 0 : i32
    %dma_wait3A_263 = arith.constant 0 : i32
    %dma_wait3A_264 = arith.constant 0 : i32
    %dma_wait3A_265 = tpu.memref_slice %arg7[%dma_wait3A_262, %dma_wait3A_263, %dma_wait3A_264] : memref<2x8x32xf32, #tpu.memory_space<vmem>> -> memref<1x8x32xf32, #tpu.memory_space<vmem>>
    %dma_wait3A_266 = tpu.memref_squeeze %dma_wait3A_265 : memref<1x8x32xf32, #tpu.memory_space<vmem>> -> memref<8x32xf32, #tpu.memory_space<vmem>>
    %dma_wait3A_267 = arith.constant 0 : i32
    %dma_wait3A_268 = arith.constant 0 : i32
    %dma_wait3A_269 = tpu.memref_slice %arg4[%dma_wait3A_267, %dma_wait3A_268] : memref<16384x32xf32, #tpu.memory_space<hbm>> -> memref<8x32xf32, #tpu.memory_space<hbm>>
    %dma_wait3A_270 = arith.constant 0 : i32
    %dma_wait3A_271 = arith.constant 0 : i32
    %dma_wait3A_272 = tpu.memref_slice %arg4[%dma_wait3A_270, %dma_wait3A_271] : memref<16384x32xf32, #tpu.memory_space<hbm>> -> memref<8x32xf32, #tpu.memory_space<hbm>>
    %dma_wait3A_273 = arith.constant 0 : i32
    %dma_wait3A_274 = arith.constant 0 : i32
    %dma_wait3A_275 = tpu.memref_slice %arg7[%dma_wait3A_262, %dma_wait3A_273, %dma_wait3A_274] : memref<2x8x32xf32, #tpu.memory_space<vmem>> -> memref<1x8x32xf32, #tpu.memory_space<vmem>>
    %dma_wait3A_276 = tpu.memref_squeeze %dma_wait3A_275 : memref<1x8x32xf32, #tpu.memory_space<vmem>> -> memref<8x32xf32, #tpu.memory_space<vmem>>
    tpu.wait_dma2 semaphore(%arg12 : memref<!tpu.dma_semaphore, #tpu.memory_space<semaphore_mem>>) src(%dma_wait3A_276 : memref<8x32xf32, #tpu.memory_space<vmem>>) dst(%dma_wait3A_272 : memref<8x32xf32, #tpu.memory_space<hbm>>)
    %dma_wait3A_277 = arith.constant 1 : i32
    %dma_wait3A_278 = arith.constant 0 : i32
    %dma_wait3A_279 = arith.constant 0 : i32
    %dma_wait3A_280 = tpu.memref_slice %arg7[%dma_wait3A_277, %dma_wait3A_278, %dma_wait3A_279] : memref<2x8x32xf32, #tpu.memory_space<vmem>> -> memref<1x8x32xf32, #tpu.memory_space<vmem>>
    %dma_wait3A_281 = tpu.memref_squeeze %dma_wait3A_280 : memref<1x8x32xf32, #tpu.memory_space<vmem>> -> memref<8x32xf32, #tpu.memory_space<vmem>>
    %dma_wait3A_282 = arith.constant 0 : i32
    %dma_wait3A_283 = arith.constant 0 : i32
    %dma_wait3A_284 = tpu.memref_slice %arg4[%dma_wait3A_282, %dma_wait3A_283] : memref<16384x32xf32, #tpu.memory_space<hbm>> -> memref<8x32xf32, #tpu.memory_space<hbm>>
    %dma_wait3A_285 = arith.constant 0 : i32
    %dma_wait3A_286 = arith.constant 0 : i32
    %dma_wait3A_287 = tpu.memref_slice %arg4[%dma_wait3A_285, %dma_wait3A_286] : memref<16384x32xf32, #tpu.memory_space<hbm>> -> memref<8x32xf32, #tpu.memory_space<hbm>>
    %dma_wait3A_288 = arith.constant 0 : i32
    %dma_wait3A_289 = arith.constant 0 : i32
    %dma_wait3A_290 = tpu.memref_slice %arg7[%dma_wait3A_277, %dma_wait3A_288, %dma_wait3A_289] : memref<2x8x32xf32, #tpu.memory_space<vmem>> -> memref<1x8x32xf32, #tpu.memory_space<vmem>>
    %dma_wait3A_291 = tpu.memref_squeeze %dma_wait3A_290 : memref<1x8x32xf32, #tpu.memory_space<vmem>> -> memref<8x32xf32, #tpu.memory_space<vmem>>
    tpu.wait_dma2 semaphore(%arg13 : memref<!tpu.dma_semaphore, #tpu.memory_space<semaphore_mem>>) src(%dma_wait3A_291 : memref<8x32xf32, #tpu.memory_space<vmem>>) dst(%dma_wait3A_287 : memref<8x32xf32, #tpu.memory_space<hbm>>)
    return
  }
}

</mosaic_0001>

<sc_bundles>
// kernel: kernel.3.cloned.1.call-start
scs
__scs_entry_jumppad:
0x0: {  	(pc) =	sbr.rel $0x88, $3  }
0x1: {  	(tag) =	ssettag $0x0;
	lr =	simm.s32 $0x1  }
0x2: {  	[smem:$0x3F9F] =	sst lr;
	_ =	strace $0xD0000000  }
0x3: {  	_ = 	snop  }
0x4: {  	_ = 	snop  }
0x5: {  	_ = 	snop  }
0x6: {  	_ = 	snop  }
0x7: {  	_ = 	snop  }
__scs_overlays_trampoline_lowered:
0x8: {  	[smem:$0x3FAE] =	sst s0  }
0x9: {  	[smem:$0x3FAF] =	sst s1  }
0xa: {  	[smem:$0x3FB0] =	sst s2  }
0xb: {  	[smem:$0x3FB1] =	sst s3  }
0xc: {  	[smem:$0x3FB2] =	sst s4  }
0xd: {  	[smem:$0x3FB3] =	sst s5  }
0xe: {  	[smem:$0x3FB4] =	sst s6  }
0xf: {  	[smem:$0x3FB5] =	sst s7  }
0x10: {  	[smem:$0x3FB6] =	sst s8  }
0x11: {  	[smem:$0x3FB7] =	sst s9;
	s0 =	simm.s32 @!p0 $0x0  }
0x12: {  	s1 =	sld [smem:$0x3F9D];
	s0 =	simm.s32 @p0 $0x1  }
0x13: {  	[smem:$0x3FB8] =	sst s0;
	s0 =	simm.s32 @!p1 $0x0  }
0x14: {  	s2 =	sld [smem:$0x3F9C];
	s0 =	simm.s32 @p1 $0x1  }
0x15: {  	[smem:$0x3FB9] =	sst s0;
	s0 =	simm.s32 @!p2 $0x0  }
0x16: {  	s3 =	sld [smem:$0x3FDB];
	s0 =	simm.s32 @p2 $0x1  }
0x17: {  	s4 =	simm.s32 $0x1BF5;
	[smem:$0x3FBB] =	sst s0  }
0x18: {  	s0 =	sld [smem:$0x3F9E];
	_ =	swait.ge [sflag:s4], $0x0  }
0x19: {  	s7 =	sld [smem:$0x3F9F]  }
0x1a: {  	s8 =	sadd.s32 $0xFFFFE003, lr  }
0x1b: {  	s9 =	sadd.s32 $0xFFFFFEF7, lr;
	s5 =	simm.s32 $0xFFFFFFFF;
	p2 =	slt.u32 s8, $0xFFFFF086  }
0x1c: {  	p1 =	slt.u32 s9, $0xF7A;
	s5 =	simm.s32 @!p2 $0x0  }
0x1d: {  	s5 =	simm.s32 @p1 $0x1;
	p0 =	seq.s32 s7, s2  }
0x1e: {  	s7 =	smul.u32 @!p0 $0xF7A, s2;
	p2 =	seq.s32 @!p0 s5, $0x0  }
0x1f: {  	s9 =	smul.u32 $0xF7A, s1;
	s8 =	simm.s32 @!p0 $0x1BF5;
	p2 =	por !p2, p0  }
0x20: {  	[sflag:s8] =	ssyncset.s32 @!p0 $0xFFFFF086;
	s6 =	sadd.s32 @!p0 s3, s7;
	s7 =	simm.s32 @!p0 $0x108  }
0x21: {  	s3 =	sadd.s32 s3, s9;
	s6 =	sadd.s32 @!p0 $0x88, s6;
	s7 =	simm.s32 @p2 $0x1082  }
0x22: {  	[simem:s7], [sflag:s8] =	dma.local @!p0 [hbm:s6], $0xF7A  }
0x23: {  	s9 =	sor.u32 $0xD0000000, s2;
	s6 =	simm.s32 $0x108;
	_ =	swait.ge @!p0 [sflag:s8], $0x0  }
0x24: {  	s3 =	sadd.s32 $0x88, s3;
	s6 =	simm.s32 @!p1 $0x1082;
	[sflag:s4] =	ssyncset.s32 $0xFFFFF086  }
0x25: {  	[simem:s6], [sflag:s4] =	dma.local [hbm:s3], $0xF7A  }
0x26: {  	[smem:$0x3F9F] =	sst s1;
	(tag) =	ssettag s2;
	_ =	strace s9  }
0x27: {  	s1 =	sld [smem:$0x3FAF]  }
0x28: {  	s2 =	sld [smem:$0x3FB0]  }
0x29: {  	s4 =	sld [smem:$0x3FB2]  }
0x2a: {  	p0 =	seq.s32 s5, $0x0;
	s5 =	sld [smem:$0x3FB3]  }
0x2b: {  	s6 =	sld [smem:$0x3FB4]  }
0x2c: {  	s7 =	sld [smem:$0x3FB5]  }
0x2d: {  	s3 =	simm.s32 $0x108;
	s8 =	sld [smem:$0x3FB6]  }
0x2e: {  	s3 =	simm.s32 @!p0 $0x1082;
	s9 =	sld [smem:$0x3FB7]  }
0x2f: {  	lr =	sadd.s32 s0, s3;
	s0 =	sld [smem:$0x3FAE]  }
0x30: {  	s3 =	sld [smem:$0x3FB1]  }
0x31: {  	[smem:$0x3FBA] =	sst s10  }
0x32: {  	s10 =	sld [smem:$0x3FB8];
	_ =	sdelay $0x3  }
0x33: {  	p0 =	seq.s32 s10, $0x1;
	s10 =	sld [smem:$0x3FBA];
	_ =	sdelay $0x3  }
0x34: {  	[smem:$0x3FBA] =	sst s10  }
0x35: {  	s10 =	sld [smem:$0x3FB9];
	_ =	sdelay $0x3  }
0x36: {  	p1 =	seq.s32 s10, $0x1;
	s10 =	sld [smem:$0x3FBA];
	_ =	sdelay $0x3  }
0x37: {  	[smem:$0x3FBA] =	sst s10  }
0x38: {  	s10 =	sld [smem:$0x3FBB]  }
0x39: {  	_ = 	snop;
	(pc) =	sbr.ind lr, $3  }
0x3a: {  	_ = 	snop  }
0x3b: {  	_ = 	snop  }
0x3c: {  	p2 =	seq.s32 s10, $0x1;
	s10 =	sld [smem:$0x3FBA]  }
0x3d: {  	_ =	shalt  }
0x3e: {  	_ =	shalt  }
0x3f: {  	_ =	shalt  }
0x40: {  	_ =	shalt  }
0x41: {  	_ =	shalt  }
0x42: {  	_ =	shalt  }
0x43: {  	_ =	shalt  }
0x44: {  	_ =	shalt  }
0x45: {  	_ =	shalt  }
0x46: {  	_ =	shalt  }
0x47: {  	_ =	shalt  }
0x48: {  	_ =	shalt  }
0x49: {  	_ =	shalt  }
0x4a: {  	_ =	shalt  }
0x4b: {  	_ =	shalt  }
0x4c: {  	_ =	shalt  }
0x4d: {  	_ =	shalt  }
0x4e: {  	_ =	shalt  }
0x4f: {  	_ =	shalt  }
0x50: {  	_ =	shalt  }
0x51: {  	_ =	shalt  }
0x52: {  	_ =	shalt  }
0x53: {  	_ =	shalt  }
0x54: {  	_ =	shalt  }
0x55: {  	_ =	shalt  }
0x56: {  	_ =	shalt  }
0x57: {  	_ =	shalt  }
0x58: {  	_ =	shalt  }
0x59: {  	_ =	shalt  }
0x5a: {  	_ =	shalt  }
0x5b: {  	_ =	shalt  }
0x5c: {  	_ =	shalt  }
0x5d: {  	_ =	shalt  }
0x5e: {  	_ =	shalt  }
0x5f: {  	_ =	shalt  }
0x60: {  	_ =	shalt  }
0x61: {  	_ =	shalt  }
0x62: {  	_ =	shalt  }
0x63: {  	_ =	shalt  }
0x64: {  	_ =	shalt  }
0x65: {  	_ =	shalt  }
0x66: {  	_ =	shalt  }
0x67: {  	_ =	shalt  }
0x68: {  	_ =	shalt  }
0x69: {  	_ =	shalt  }
0x6a: {  	_ =	shalt  }
0x6b: {  	_ =	shalt  }
0x6c: {  	_ =	shalt  }
0x6d: {  	_ =	shalt  }
0x6e: {  	_ =	shalt  }
0x6f: {  	_ =	shalt  }
0x70: {  	_ =	shalt  }
0x71: {  	_ =	shalt  }
0x72: {  	_ =	shalt  }
0x73: {  	_ =	shalt  }
0x74: {  	_ =	shalt  }
0x75: {  	_ =	shalt  }
0x76: {  	_ =	shalt  }
0x77: {  	_ =	shalt  }
0x78: {  	_ =	shalt  }
0x79: {  	_ =	shalt  }
0x7a: {  	_ =	shalt  }
0x7b: {  	_ =	shalt  }
0x7c: {  	_ =	shalt  }
0x7d: {  	_ =	shalt  }
0x7e: {  	_ =	shalt  }
0x7f: {  	_ =	shalt  }
0x80: {  	_ =	shalt  }
0x81: {  	_ =	shalt  }
0x82: {  	_ =	shalt  }
0x83: {  	_ =	shalt  }
0x84: {  	_ =	shalt  }
0x85: {  	_ =	shalt  }
0x86: {  	_ =	shalt  }
0x87: {  	_ =	shalt  }
.Lfunc_end0:
.L_simem_size_0:
called_computation_lowered:
.L_overlay_start_0:
0x88: {  	s2 =	sld [smem:$0x3FD9]  }
0x89: {  	s3 =	sld [smem:$0x3FFE];
	_ =	sdelay $0x1  }
0x8a: {  	s1 =	srdreg.scid  }
0x8b: {  	s0 =	sand.u32 $0x1, s1  }
0x8c: {  	s17 =	sshll.u32 s0, $0xA;
	s2 =	sadd.s32 s3, s2  }
0x8d: {  	s2 =	sadd.s32 s2, s17  }
0x8e: {  	[smem:$0x3FC6] =	sst s2  }
0x8f: {  	_ = 	snop  }
0x90: {  	s2 =	sld [smem:$0x3FD0];
	(tm) =	ssettm $0x1  }
0x91: {  	s18 =	sld [smem:$0x3FFB];
	_ =	sdelay $0x3  }
0x92: {  	_ =	strace s18  }
0x93: {  	s3 =	sld [smem:$0x3FFC];
	_ =	sdelay $0x3  }
0x94: {  	_ =	strace s3  }
0x95: {  	s3 =	sld [smem:$0x3FFD];
	_ =	sdelay $0x3  }
0x96: {  	_ =	strace s3  }
0x97: {  	_ =	strace $0x8FFFFFFF  }
0x98: {  	s19 =	sld [smem:$0x3FDB];
	_ =	sdelay $0x1  }
0x99: {  	s4 =	simm.s32 $_scs_section_size  }
0x9a: {  	s5 =	simm.s32 $_size__tile_overlayer_lowered;
	s6 =	simm.s32 $_tile_overlayer_lowered  }
0x9b: {  	s22 =	simm.s32 $0x1BFF;
	s21 =	sshll.u32 s6, $0x1;
	s3 =	sadd.s32 s4, s19  }
0x9c: {  	s7 =	simm.s32 $0x0;
	s20 =	sshll.u32 s5, $0x1;
	s5 =	sadd.s32 s21, s3  }
0x9d: {  	[timem:s7], [sflag:s22] =	dma.local [hbm:s5], s20  }
0x9e: {  	_ =	swait.ge [sflag:s22], s20  }
0x9f: {  	s4 =	ssub.s32 $0x0, s20;
	[sflag:s22] =	ssyncset.done $0x0  }
0xa0: {  	[sflag:s22] =	ssyncadd.s32 s4;
	_ =	sdelay $0x1  }
0xa1: {  	s23 =	simm.s32 $0x1B8B  }
0xa2: {  	_ =	swait.ge [sflag:s23], $0x1  }
0xa3: {  	[sflag:s23] =	ssyncset.done $0x0  }
0xa4: {  	s25 =	simm.s32 $0x1B8E;
	s24 =	sld [smem:$0x3FFE];
	[sflag:s23] =	ssyncadd.s32 $0xFFFFFFFF  }
0xa5: {  	s26 =	simm.s32 $execute0_lowered;
	[smem:$0x3FD2] =	sst s25  }
0xa6: {  	s5 =	sshll.u32 s26, $0x1;
	_ =	strace $0x80000046;
	[dreg:$0x1] =	wrdreg $0xFFFFFFFF  }
0xa7: {  	s28 =	simm.s32 $_size_execute0_lowered;
	s3 =	sadd.s32 s3, s5;
	[dreg:$0x0] =	wrdreg $0x0  }
0xa8: {  	s5 =	sshll.u32 s28, $0x1;
	[dreg:$0x2] =	wrdreg s3  }
0xa9: {  	[dreg:$0x3] =	wrdreg s5  }
0xaa: {  	[dreg:$0x4] =	wrdreg $0xC0  }
0xab: {  	_ =	task [dreg:s7], $0x5FFFF  }
0xac: {  	[dreg:$0x1] =	wrdreg $0xFFFFFFFF  }
0xad: {  	[dreg:$0x0] =	wrdreg $0x60  }
0xae: {  	[dreg:$0x2] =	wrdreg s24  }
0xaf: {  	[dreg:$0x3] =	wrdreg s2  }
0xb0: {  	[dreg:$0x4] =	wrdreg $0x9  }
0xb1: {  	_ =	task.clear_ibuf [dreg:s7], $0x5FFFF;
	_ =	strace $0x90000046  }
0xb2: {  	s29 =	simm.s32 $0x9;
	_ =	strace $0x80000048  }
0xb3: {  	_ =	swait.ge [sflag:s29], $0x1  }
0xb4: {  	[sflag:s29] =	ssyncadd.s32 $0xFFFFFFFF  }
0xb5: {  	_ =	strace $0x90000048  }
0xb6: {  	_ =	sfence  }
0xb7: {  	s30 =	sld [smem:$0x0];
	_ =	sdelay $0x2  }
0xb8: {  	s31 =	sshll.u32 s1, $0xD;
	s1 =	sshrl.u32 s1, $0x2  }
0xb9: {  	s3 =	sand.u32 $0x4000, s31;
	s1 =	sadd.s32 s1, s30  }
0xba: {  	s0 =	sor.u32 s3, s0;
	s1 =	sshll.u32 s1, $0x11  }
0xbb: {  	s0 =	sor.u32 s1, s0  }
0xbc: {  	s0 =	sadd.s32 $0x8F2B, s0  }
0xbd: {  	[sflag:s0] =	ssyncadd.remote.s32 $0x1  }
0xbe: {  	_ =	sfence.sel $0xFFFF  }
0xbf: {  	[dreg:$0x0] =	wrdreg $0xFFFFFFFF;
	(pc) =	sbr.abs _section_cstart, $3  }
0xc0: {  	[dreg:$0x1] =	wrdreg $0xFFFFFFFF  }
0xc1: {  	_ =	task.clear_ibuf [dreg:s7], $0x2FFFF;
	_ =	strace $0x9FFFFFFF  }
0xc2: {  	(tm) =	ssettm $0x7FFFFFFF  }
0xc3: {  	_ =	shalt  }
tec
execute0_lowered:
.L_overlay_start_1:
0x0: {  	(tag) =	ssettag $0x1  }
0x1: {  	s0 =	rddreg [dreg:$0x0]  }
0x2: {  	s1 =	rddreg [dreg:$0x1]  }
0x3: {  	s3 =	srdreg.scid;
	s4 =	stileid.u32  }
0x4: {  	s2 =	simm.s32 $0x0;
	s11 =	simm.s32 $0x3;
	s12 =	simm.s32 $0x64  }
0x5: {  	s21 =	simm.s32 $0x680;
	s22 =	simm.s32 $0x4;
	s28 =	simm.s32 $0x16B00  }
0x6: {  	s29 =	simm.s32 $0xBC8;
	s30 =	simm.s32 $0x17780;
	s31 =	simm.s32 $0xC30  }
0x7: {  	s10 =	simm.s32 $0x19D00;
	s13 =	simm.s32 $0x6;
	s14 =	simm.s32 $0x19E00  }
0x8: {  	s15 =	simm.s32 $0x5;
	s16 =	simm.s32 $0x0;
	s3 =	sand.u32 $0x1, s3  }
0x9: {  	s4 =	sshll.u32 s4, $0x1;
	[smem:$0x7FF] =	sst s2;
	s5 =	ssub.s32 $0x2, s3  }
0xa: {  	s6 =	sor.u32 s3, s4;
	_ =	strace $0x80000047;
	s3 =	sadd.s32 $0x600, s0  }
0xb: {  	s4 =	sadd.s32 $0xF42A00, s0;
	s7 =	sshrl.u32 s5, $0x1;
	s8 =	smul.u32 $0x3400, s6  }
0xc: {  	s24 =	sshll.u32 s6, $0xB;
	s6 =	sshll.u32 s6, $0xA;
	s23 =	ssub.s32 s5, s7  }
0xd: {  	s26 =	sor.u32 $0x30, s6;
	s5 =	simm.s32 $0x2;
	s25 =	sadd.s32 s3, s8  }
0xe: {  	s8 =	sadd.s32 s1, s24;
	[dreg:$0x5] =	wrdreg s26;
	s0 =	smax.u32 s23, $0x1  }
0xf: {  	s23 =	simm.s32 $0x1;
	s24 =	simm.s32 $0xAF8;
	s26 =	simm.s32 $0xB60  }
0x10: {  	s1 =	simm.s32 $0xC98;
	[dreg:$0x3] =	wrdreg s25;
	s7 =	sadd.s32 $0xD0, s25  }
0x11: {  	[dreg:$0x6] =	wrdreg s0;
	s25 =	simm.s32 $0x15E80;
	s0 =	simm.s32 $0x18400  }
0x12: {  	[dreg:$0x4] =	wrdreg s7;
	s7 =	sor.u32 $0x20, s6;
	s6 =	simm.s32 $0x19080  }
.LBB2_1:
0x13: {  	[dreg:$0x7] =	wrdreg s16  }
0x14: {  	s9 =	rddreg [dreg:$0x3]  }
0x15: {  	[tilespmem:s2], [sflag:$0x3] =	stream.linear.gather [hbm4b:s9+s2], $0x680, $0x38;
	[tilespmem:$0x19F00] =	vst v63  }
0x16: {  	_ =	swait.ge [sflag:s11], $0x680  }
0x17: {  	[sflag:s11] =	ssyncset.done $0x0  }
0x18: {  	s18 =	simm.s32 $0xD00;
	[sflag:s11] =	ssyncadd.s32 $0xFFFFF980  }
0x19: {  	[tilespmem:s18], [sflag:$0x1] =	stream.indirect.gather [hbm4b:s4+s12], $0x20, s2, s12, $0xb8;
	[tilespmem:$0x19F00] =	vst v63  }
0x1a: {  	s19 =	simm.s32 $0x68;
	s20 =	simm.s32 $0x1980  }
0x1b: {  	[tilespmem:s20], [sflag:$0x1] =	stream.indirect.gather [hbm4b:s4+s12], $0x20, s19, s12, $0xb8;
	[tilespmem:$0x19F00] =	vst v63  }
0x1c: {  	s17 =	simm.s32 $0xD0;
	s18 =	simm.s32 $0x2600  }
0x1d: {  	[tilespmem:s18], [sflag:$0x1] =	stream.indirect.gather [hbm4b:s4+s12], $0x20, s17, s12, $0xb8;
	[tilespmem:$0x19F00] =	vst v63  }
0x1e: {  	s19 =	simm.s32 $0x138;
	s20 =	simm.s32 $0x3280  }
0x1f: {  	[tilespmem:s20], [sflag:$0x1] =	stream.indirect.gather [hbm4b:s4+s12], $0x20, s19, s12, $0xb8;
	[tilespmem:$0x19F00] =	vst v63  }
0x20: {  	s17 =	simm.s32 $0x1A0;
	s18 =	simm.s32 $0x3F00  }
0x21: {  	[tilespmem:s18], [sflag:$0x1] =	stream.indirect.gather [hbm4b:s4+s12], $0x20, s17, s12, $0xb8;
	[tilespmem:$0x19F00] =	vst v63  }
0x22: {  	s19 =	simm.s32 $0x208;
	s20 =	simm.s32 $0x4B80  }
0x23: {  	[tilespmem:s20], [sflag:$0x1] =	stream.indirect.gather [hbm4b:s4+s12], $0x20, s19, s12, $0xb8;
	[tilespmem:$0x19F00] =	vst v63  }
0x24: {  	s17 =	simm.s32 $0x270;
	s18 =	simm.s32 $0x5800  }
0x25: {  	[tilespmem:s18], [sflag:$0x1] =	stream.indirect.gather [hbm4b:s4+s12], $0x20, s17, s12, $0xb8;
	[tilespmem:$0x19F00] =	vst v63  }
0x26: {  	s19 =	simm.s32 $0x2D8;
	s20 =	simm.s32 $0x6480  }
0x27: {  	[tilespmem:s20], [sflag:$0x1] =	stream.indirect.gather [hbm4b:s4+s12], $0x20, s19, s12, $0xb8;
	[tilespmem:$0x19F00] =	vst v63  }
0x28: {  	s17 =	simm.s32 $0x340;
	s18 =	simm.s32 $0x7100  }
0x29: {  	[tilespmem:s18], [sflag:$0x1] =	stream.indirect.gather [hbm4b:s4+s12], $0x20, s17, s12, $0xb8;
	[tilespmem:$0x19F00] =	vst v63  }
0x2a: {  	s19 =	simm.s32 $0x3A8;
	s20 =	simm.s32 $0x7D80  }
0x2b: {  	[tilespmem:s20], [sflag:$0x1] =	stream.indirect.gather [hbm4b:s4+s12], $0x20, s19, s12, $0xb8;
	[tilespmem:$0x19F00] =	vst v63  }
0x2c: {  	s17 =	simm.s32 $0x410;
	s18 =	simm.s32 $0x8A00  }
0x2d: {  	[tilespmem:s18], [sflag:$0x1] =	stream.indirect.gather [hbm4b:s4+s12], $0x20, s17, s12, $0xb8;
	[tilespmem:$0x19F00] =	vst v63  }
0x2e: {  	s19 =	simm.s32 $0x478;
	s20 =	simm.s32 $0x9680  }
0x2f: {  	[tilespmem:s20], [sflag:$0x1] =	stream.indirect.gather [hbm4b:s4+s12], $0x20, s19, s12, $0xb8;
	[tilespmem:$0x19F00] =	vst v63  }
0x30: {  	s17 =	simm.s32 $0x4E0;
	s18 =	simm.s32 $0xA300  }
0x31: {  	[tilespmem:s18], [sflag:$0x1] =	stream.indirect.gather [hbm4b:s4+s12], $0x20, s17, s12, $0xb8;
	[tilespmem:$0x19F00] =	vst v63  }
0x32: {  	s19 =	simm.s32 $0x548;
	s20 =	simm.s32 $0xAF80  }
0x33: {  	[tilespmem:s20], [sflag:$0x1] =	stream.indirect.gather [hbm4b:s4+s12], $0x20, s19, s12, $0xb8;
	[tilespmem:$0x19F00] =	vst v63  }
0x34: {  	s16 =	simm.s32 $0x5B0;
	s17 =	simm.s32 $0xBC00  }
0x35: {  	[tilespmem:s17], [sflag:$0x1] =	stream.indirect.gather [hbm4b:s4+s12], $0x20, s16, s12, $0xb8;
	[tilespmem:$0x19F00] =	vst v63  }
0x36: {  	s18 =	simm.s32 $0x618;
	s19 =	simm.s32 $0xC880  }
0x37: {  	[tilespmem:s19], [sflag:$0x1] =	stream.indirect.gather [hbm4b:s4+s12], $0x20, s18, s12, $0xb8;
	[tilespmem:$0x19F00] =	vst v63  }
0x38: {  	s20 =	rddreg [dreg:$0x4];
	s16 =	simm.s32 $0x0  }
0x39: {  	[tilespmem:s21], [sflag:$0x4] =	stream.linear.gather [hbm4b:s20+s2], $0x680, $0x38;
	[tilespmem:$0x19F00] =	vst v63  }
.LBB2_2:
0x3a: {  	_ =	swait.ge [sflag:s22], $0x680  }
0x3b: {  	[sflag:s22] =	ssyncset.done $0x0  }
0x3c: {  	[sflag:s22] =	ssyncadd.s32 $0xFFFFF980  }
0x3d: {  	_ =	swait.ge [sflag:s23], $0xC800  }
0x3e: {  	[sflag:s23] =	ssyncset.done $0x0  }
0x3f: {  	s9 =	simm.s32 $0xD500;
	[sflag:s23] =	ssyncadd.s32 $0xFFFF3800  }
0x40: {  	[tilespmem:s9], [sflag:$0x2] =	stream.indirect.gather [hbm4b:s4+s12], $0x20, s21, s12, $0xb8;
	[tilespmem:$0x19F00] =	vst v63  }
0x41: {  	s18 =	simm.s32 $0x6E8;
	s17 =	simm.s32 $0xE180  }
0x42: {  	[tilespmem:s17], [sflag:$0x2] =	stream.indirect.gather [hbm4b:s4+s12], $0x20, s18, s12, $0xb8;
	[tilespmem:$0x19F00] =	vst v63  }
0x43: {  	s19 =	simm.s32 $0x750;
	s20 =	simm.s32 $0xEE00  }
0x44: {  	[tilespmem:s20], [sflag:$0x2] =	stream.indirect.gather [hbm4b:s4+s12], $0x20, s19, s12, $0xb8;
	[tilespmem:$0x19F00] =	vst v63  }
0x45: {  	s17 =	simm.s32 $0x7B8;
	s18 =	simm.s32 $0xFA80  }
0x46: {  	[tilespmem:s18], [sflag:$0x2] =	stream.indirect.gather [hbm4b:s4+s12], $0x20, s17, s12, $0xb8;
	[tilespmem:$0x19F00] =	vst v63  }
0x47: {  	s19 =	simm.s32 $0x820;
	s20 =	simm.s32 $0x10700  }
0x48: {  	[tilespmem:s20], [sflag:$0x2] =	stream.indirect.gather [hbm4b:s4+s12], $0x20, s19, s12, $0xb8;
	[tilespmem:$0x19F00] =	vst v63  }
0x49: {  	s17 =	simm.s32 $0x888;
	s18 =	simm.s32 $0x11380  }
0x4a: {  	[tilespmem:s18], [sflag:$0x2] =	stream.indirect.gather [hbm4b:s4+s12], $0x20, s17, s12, $0xb8;
	[tilespmem:$0x19F00] =	vst v63  }
0x4b: {  	s19 =	simm.s32 $0x8F0;
	s20 =	simm.s32 $0x12000  }
0x4c: {  	[tilespmem:s20], [sflag:$0x2] =	stream.indirect.gather [hbm4b:s4+s12], $0x20, s19, s12, $0xb8;
	[tilespmem:$0x19F00] =	vst v63  }
0x4d: {  	s17 =	simm.s32 $0x958;
	s18 =	simm.s32 $0x12C80  }
0x4e: {  	[tilespmem:s18], [sflag:$0x2] =	stream.indirect.gather [hbm4b:s4+s12], $0x20, s17, s12, $0xb8;
	[tilespmem:$0x19F00] =	vst v63  }
0x4f: {  	s19 =	simm.s32 $0x9C0;
	s20 =	simm.s32 $0x13900  }
0x50: {  	[tilespmem:s20], [sflag:$0x2] =	stream.indirect.gather [hbm4b:s4+s12], $0x20, s19, s12, $0xb8;
	[tilespmem:$0x19F00] =	vst v63  }
0x51: {  	s17 =	simm.s32 $0xA28;
	s18 =	simm.s32 $0x14580  }
0x52: {  	[tilespmem:s18], [sflag:$0x2] =	stream.indirect.gather [hbm4b:s4+s12], $0x20, s17, s12, $0xb8;
	[tilespmem:$0x19F00] =	vst v63  }
0x53: {  	s19 =	simm.s32 $0xA90;
	s20 =	simm.s32 $0x15200  }
0x54: {  	[tilespmem:s20], [sflag:$0x2] =	stream.indirect.gather [hbm4b:s4+s12], $0x20, s19, s12, $0xb8;
	[tilespmem:$0x19F00] =	vst v63  }
0x55: {  	_ = 	snop  }
0x56: {  	[tilespmem:s25], [sflag:$0x2] =	stream.indirect.gather [hbm4b:s4+s12], $0x20, s24, s12, $0xb8;
	[tilespmem:$0x19F00] =	vst v63  }
0x57: {  	p0 =	seq.s32 s16, $0x1F  }
0x58: {  	[tilespmem:s28], [sflag:$0x2] =	stream.indirect.gather [hbm4b:s4+s12], $0x20, s26, s12, $0xb8;
	[tilespmem:$0x19F00] =	vst v63  }
0x59: {  	p1 =	seq.s32 @!p0 s16, $0x0  }
0x5a: {  	[tilespmem:s30], [sflag:$0x2] =	stream.indirect.gather [hbm4b:s4+s12], $0x20, s29, s12, $0xb8;
	[tilespmem:$0x19F00] =	vst v63  }
0x5b: {  	p1 =	por p0, !p1;
	s17 =	sshll.u32 @!p0 s16, $0x5  }
0x5c: {  	[tilespmem:s0], [sflag:$0x2] =	stream.indirect.gather [hbm4b:s4+s12], $0x20, s31, s12, $0xb8;
	[tilespmem:$0x19F00] =	vst v63  }
.Ltmp0:
0x5d: {  	s17 =	sadd.s32 @!p0 s17, s7;
	(pc) =	sbr.rel @!p1 .LBB2_3-.Ltmp0, $4  }
0x5e: {  	s17 =	smul.u32 @!p0 $0xD, s17  }
0x5f: {  	[tilespmem:s6], [sflag:$0x2] =	stream.indirect.gather [hbm4b:s4+s12], $0x20, s1, s12, $0xb8;
	[tilespmem:$0x19F00] =	vst v63  }
0x60: {  	s18 =	simm.s32 @!p0 $0x0;
	s17 =	sadd.s32 @!p0 s3, s17  }
0x61: {  	[tilespmem:s18], [sflag:$0x3] =	stream.linear.gather @!p0 [hbm4b:s17+s18], $0x680, $0x38;
	[tilespmem:$0x19F00] =	vst v63  }
.Ltmp1:
0x62: {  	(pc) =	sbr.rel .LBB2_5-.Ltmp1, $4  }
0x63: {  	_ = 	snop  }
0x64: {  	_ =	swait.ge [sflag:s15], $0x100  }
0x65: {  	[sflag:s15] =	ssyncset.done $0x0  }
0x66: {  	p0 =	por $0x0, $0x0;
	[sflag:s15] =	ssyncadd.s32 $0xFFFFFF00  }
.LBB2_3:
0x67: {  	p0 =	por @!p0 $0x1, $0x1  }
.LBB2_5:
0x68: {  	s9 =	simm.s32 $0x0  }
0x69: {  	v0 =	vld [tilespmem:s9+$0xDF0]  }
0x6a: {  	v1 =	vld [tilespmem:s9+$0xD00]  }
0x6b: {  	v2 =	vld [tilespmem:s9+$0xD10]  }
0x6c: {  	v3 =	vld [tilespmem:s9+$0xD20]  }
0x6d: {  	v4 =	vld [tilespmem:s9+$0xD30]  }
0x6e: {  	v5 =	vld [tilespmem:s9+$0xD40]  }
0x6f: {  	v12 =	vld [tilespmem:s9+$0xD50]  }
0x70: {  	v13 =	vld [tilespmem:s9+$0xD60]  }
0x71: {  	v14 =	vld [tilespmem:s9+$0xD70]  }
0x72: {  	v11 =	vimm.f32 $0.0e+00;
	v15 =	vld [tilespmem:s9+$0xD80]  }
0x73: {  	v20 =	vld [tilespmem:s9+$0xD90];
	v0 =	vadd.f32 v0, v11  }
0x74: {  	v9 =	vadd.f32 v1, v11;
	v6 =	vadd.f32 v2, v11  }
0x75: {  	v16 =	vld [tilespmem:s9+$0xDA0];
	v10 =	vadd.f32 v3, v11;
	v7 =	vadd.f32 v4, v11  }
0x76: {  	v17 =	vld [tilespmem:s9+$0xDB0];
	v8 =	vadd.f32 v5, v11;
	v5 =	vadd.f32 v12, v11  }
0x77: {  	v18 =	vld [tilespmem:s9+$0xDC0];
	v4 =	vadd.f32 v13, v11;
	v2 =	vadd.f32 v14, v11  }
0x78: {  	s18 =	sshll.u32 s16, $0x6;
	v19 =	vld [tilespmem:s9+$0xDD0];
	v3 =	vadd.f32 v15, v11;
	v1 =	vadd.f32 v20, v11;
	v12 =	vimm.f32 $0.0e+00  }
0x79: {  	s19 =	simm.s32 $0x100;
	s20 =	simm.s32 $0x800;
	s17 =	sor.u32 $0x20, s18;
	v20 =	vld [tilespmem:s9+$0xDE0];
	v15 =	vimm.f32 $0.0e+00;
	v13 =	vimm.f32 $0.0e+00;
	v14 =	vimm.f32 $0.0e+00  }
.LBB2_6:
0x7a: {  	p1 =	sne.s32 s20, $0x6000;
	v21 =	vld [tilespmem:s19+$0xDF0];
	v11 =	vadd.f32 v16, v11  }
0x7b: {  	v16 =	vld [tilespmem:s19+$0xD00];
	v12 =	vadd.f32 v17, v12  }
0x7c: {  	v17 =	vld [tilespmem:s19+$0xD10];
	v15 =	vadd.f32 v18, v15  }
0x7d: {  	v18 =	vld [tilespmem:s19+$0xD20];
	v13 =	vadd.f32 v19, v13  }
0x7e: {  	v19 =	vld [tilespmem:s19+$0xD30];
	v14 =	vadd.f32 v20, v14  }
0x7f: {  	v20 =	vld [tilespmem:s19+$0xD40];
	v0 =	vadd.f32 v21, v0  }
0x80: {  	v9 =	vadd.f32 v16, v9;
	v16 =	vld [tilespmem:s19+$0xD50]  }
0x81: {  	v6 =	vadd.f32 v17, v6;
	v17 =	vld [tilespmem:s19+$0xD60]  }
0x82: {  	v10 =	vadd.f32 v18, v10;
	v18 =	vld [tilespmem:s19+$0xD70]  }
0x83: {  	v7 =	vadd.f32 v19, v7;
	v19 =	vld [tilespmem:s19+$0xD80]  }
0x84: {  	v8 =	vadd.f32 v20, v8;
	v20 =	vld [tilespmem:s19+$0xD90]  }
.Ltmp2:
0x85: {  	v5 =	vadd.f32 v16, v5;
	v16 =	vld [tilespmem:s19+$0xDA0];
	(pc) =	sbr.rel @p1 .LBB2_6-.Ltmp2, $4  }
0x86: {  	v4 =	vadd.f32 v17, v4;
	v17 =	vld [tilespmem:s19+$0xDB0]  }
0x87: {  	v2 =	vadd.f32 v18, v2;
	v18 =	vld [tilespmem:s19+$0xDC0]  }
0x88: {  	v3 =	vadd.f32 v19, v3;
	v19 =	vld [tilespmem:s19+$0xDD0]  }
0x89: {  	v1 =	vadd.f32 v20, v1;
	v20 =	vld [tilespmem:s19+$0xDE0];
	s19 =	sshra.s32 s20, $0x2;
	s20 =	sadd.s32 $0x400, s20  }
0x8a: {  	v21 =	vld [tilespmem:s19+$0xD00]  }
0x8b: {  	v22 =	vld [tilespmem:s19+$0xD10]  }
0x8c: {  	v23 =	vld [tilespmem:s19+$0xD20]  }
0x8d: {  	v24 =	vld [tilespmem:s19+$0xD30]  }
0x8e: {  	v11 =	vadd.f32 v16, v11;
	v16 =	vld [tilespmem:s19+$0xD40]  }
0x8f: {  	v12 =	vadd.f32 v17, v12;
	v17 =	vld [tilespmem:s19+$0xD50];
	v15 =	vadd.f32 v18, v15  }
0x90: {  	v18 =	vld [tilespmem:s19+$0xD60];
	v13 =	vadd.f32 v19, v13;
	v14 =	vadd.f32 v20, v14  }
0x91: {  	v19 =	vld [tilespmem:s19+$0xD70];
	v9 =	vadd.f32 v21, v9;
	v10 =	vadd.f32 v23, v10  }
0x92: {  	v20 =	vld [tilespmem:s19+$0xD80];
	v6 =	vadd.f32 v22, v6;
	v7 =	vadd.f32 v24, v7  }
0x93: {  	v8 =	vadd.f32 v16, v8;
	v16 =	vld [tilespmem:s19+$0xD90];
	v9 =	vadd.f32 v10, v9  }
0x94: {  	v5 =	vadd.f32 v17, v5;
	v10 =	vld [tilespmem:s19+$0xDA0];
	v6 =	vadd.f32 v7, v6  }
0x95: {  	v4 =	vadd.f32 v18, v4;
	v7 =	vld [tilespmem:s19+$0xDB0];
	v8 =	vadd.f32 v8, v9  }
0x96: {  	v2 =	vadd.f32 v19, v2;
	v9 =	vld [tilespmem:s19+$0xDC0];
	v5 =	vadd.f32 v5, v6  }
0x97: {  	v3 =	vadd.f32 v20, v3;
	v6 =	vld [tilespmem:s19+$0xDD0];
	v4 =	vadd.f32 v4, v8  }
0x98: {  	v1 =	vadd.f32 v16, v1;
	v8 =	vld [tilespmem:s19+$0xDE0];
	v2 =	vadd.f32 v2, v5  }
0x99: {  	v5 =	vld [tilespmem:s19+$0xDF0];
	v10 =	vadd.f32 v10, v11;
	v3 =	vadd.f32 v3, v4  }
0x9a: {  	v4 =	vadd.f32 v7, v12;
	v1 =	vadd.f32 v1, v2  }
0x9b: {  	v2 =	vadd.f32 v9, v15;
	v3 =	vadd.f32 v10, v3  }
0x9c: {  	v6 =	vadd.f32 v6, v13;
	v1 =	vadd.f32 v4, v1  }
0x9d: {  	v4 =	vadd.f32 v8, v14;
	v2 =	vadd.f32 v2, v3  }
0x9e: {  	v0 =	vadd.f32 v5, v0;
	v1 =	vadd.f32 v6, v1  }
0x9f: {  	v2 =	vadd.f32 v4, v2  }
0xa0: {  	v0 =	vadd.f32 v0, v1  }
0xa1: {  	v1 =	vmul.f32 $4.999999890e-03, v2  }
0xa2: {  	v0 =	vmul.f32 $4.999999890e-03, v0  }
0xa3: {  	[tilespmem:$0x19D00] =	vst v1  }
0xa4: {  	s9 =	simm.s32 $0x0;
	[tilespmem:$0x19D10] =	vst v0  }
0xa5: {  	v0 =	vld [tilespmem:s9+$0x26F0]  }
0xa6: {  	v1 =	vld [tilespmem:s9+$0x2600]  }
0xa7: {  	v2 =	vld [tilespmem:s9+$0x2610]  }
0xa8: {  	v3 =	vld [tilespmem:s9+$0x2620]  }
0xa9: {  	v4 =	vld [tilespmem:s9+$0x2630]  }
0xaa: {  	v5 =	vld [tilespmem:s9+$0x2640]  }
0xab: {  	v12 =	vld [tilespmem:s9+$0x2650]  }
0xac: {  	v13 =	vld [tilespmem:s9+$0x2660]  }
0xad: {  	v14 =	vld [tilespmem:s9+$0x2670]  }
0xae: {  	v11 =	vimm.f32 $0.0e+00;
	v15 =	vld [tilespmem:s9+$0x2680]  }
0xaf: {  	v20 =	vld [tilespmem:s9+$0x2690];
	v0 =	vadd.f32 v0, v11  }
0xb0: {  	v9 =	vadd.f32 v1, v11;
	v6 =	vadd.f32 v2, v11  }
0xb1: {  	v16 =	vld [tilespmem:s9+$0x26A0];
	v10 =	vadd.f32 v3, v11;
	v7 =	vadd.f32 v4, v11  }
0xb2: {  	v17 =	vld [tilespmem:s9+$0x26B0];
	v8 =	vadd.f32 v5, v11;
	v5 =	vadd.f32 v12, v11  }
0xb3: {  	v18 =	vld [tilespmem:s9+$0x26C0];
	v4 =	vadd.f32 v13, v11;
	v3 =	vadd.f32 v14, v11  }
0xb4: {  	v19 =	vld [tilespmem:s9+$0x26D0];
	v2 =	vadd.f32 v15, v11;
	v1 =	vadd.f32 v20, v11;
	v12 =	vimm.f32 $0.0e+00  }
0xb5: {  	s20 =	simm.s32 $0x800;
	s19 =	simm.s32 $0x100;
	v20 =	vld [tilespmem:s9+$0x26E0];
	v15 =	vimm.f32 $0.0e+00;
	v13 =	vimm.f32 $0.0e+00;
	v14 =	vimm.f32 $0.0e+00  }
.LBB2_8:
0xb6: {  	p1 =	sne.s32 s20, $0x6000;
	v21 =	vld [tilespmem:s19+$0x26F0];
	v11 =	vadd.f32 v16, v11  }
0xb7: {  	v16 =	vld [tilespmem:s19+$0x2600];
	v12 =	vadd.f32 v17, v12  }
0xb8: {  	v17 =	vld [tilespmem:s19+$0x2610];
	v15 =	vadd.f32 v18, v15  }
0xb9: {  	v18 =	vld [tilespmem:s19+$0x2620];
	v13 =	vadd.f32 v19, v13  }
0xba: {  	v19 =	vld [tilespmem:s19+$0x2630];
	v14 =	vadd.f32 v20, v14  }
0xbb: {  	v20 =	vld [tilespmem:s19+$0x2640];
	v0 =	vadd.f32 v21, v0  }
0xbc: {  	v9 =	vadd.f32 v16, v9;
	v16 =	vld [tilespmem:s19+$0x2650]  }
0xbd: {  	v6 =	vadd.f32 v17, v6;
	v17 =	vld [tilespmem:s19+$0x2660]  }
0xbe: {  	v10 =	vadd.f32 v18, v10;
	v18 =	vld [tilespmem:s19+$0x2670]  }
0xbf: {  	v7 =	vadd.f32 v19, v7;
	v19 =	vld [tilespmem:s19+$0x2680]  }
0xc0: {  	v8 =	vadd.f32 v20, v8;
	v20 =	vld [tilespmem:s19+$0x2690]  }
.Ltmp3:
0xc1: {  	v5 =	vadd.f32 v16, v5;
	v16 =	vld [tilespmem:s19+$0x26A0];
	(pc) =	sbr.rel @p1 .LBB2_8-.Ltmp3, $4  }
0xc2: {  	v4 =	vadd.f32 v17, v4;
	v17 =	vld [tilespmem:s19+$0x26B0]  }
0xc3: {  	v3 =	vadd.f32 v18, v3;
	v18 =	vld [tilespmem:s19+$0x26C0]  }
0xc4: {  	v2 =	vadd.f32 v19, v2;
	v19 =	vld [tilespmem:s19+$0x26D0]  }
0xc5: {  	v1 =	vadd.f32 v20, v1;
	v20 =	vld [tilespmem:s19+$0x26E0];
	s19 =	sshra.s32 s20, $0x2;
	s20 =	sadd.s32 $0x400, s20  }
0xc6: {  	v21 =	vld [tilespmem:s19+$0x2600]  }
0xc7: {  	v22 =	vld [tilespmem:s19+$0x2610]  }
0xc8: {  	v23 =	vld [tilespmem:s19+$0x2620]  }
0xc9: {  	v24 =	vld [tilespmem:s19+$0x2630]  }
0xca: {  	v11 =	vadd.f32 v16, v11;
	v16 =	vld [tilespmem:s19+$0x2640]  }
0xcb: {  	v12 =	vadd.f32 v17, v12;
	v17 =	vld [tilespmem:s19+$0x2650];
	v15 =	vadd.f32 v18, v15  }
0xcc: {  	v18 =	vld [tilespmem:s19+$0x2660];
	v13 =	vadd.f32 v19, v13;
	v14 =	vadd.f32 v20, v14  }
0xcd: {  	v19 =	vld [tilespmem:s19+$0x2670];
	v9 =	vadd.f32 v21, v9;
	v10 =	vadd.f32 v23, v10  }
0xce: {  	v20 =	vld [tilespmem:s19+$0x2680];
	v6 =	vadd.f32 v22, v6;
	v7 =	vadd.f32 v24, v7  }
0xcf: {  	v8 =	vadd.f32 v16, v8;
	v16 =	vld [tilespmem:s19+$0x2690];
	v9 =	vadd.f32 v10, v9  }
0xd0: {  	v5 =	vadd.f32 v17, v5;
	v10 =	vld [tilespmem:s19+$0x26A0];
	v6 =	vadd.f32 v7, v6  }
0xd1: {  	v4 =	vadd.f32 v18, v4;
	v7 =	vld [tilespmem:s19+$0x26B0];
	v8 =	vadd.f32 v8, v9  }
0xd2: {  	v3 =	vadd.f32 v19, v3;
	v9 =	vld [tilespmem:s19+$0x26C0];
	v5 =	vadd.f32 v5, v6  }
0xd3: {  	v2 =	vadd.f32 v20, v2;
	v6 =	vld [tilespmem:s19+$0x26D0];
	v4 =	vadd.f32 v4, v8  }
0xd4: {  	v1 =	vadd.f32 v16, v1;
	v8 =	vld [tilespmem:s19+$0x26E0];
	v3 =	vadd.f32 v3, v5  }
0xd5: {  	v5 =	vld [tilespmem:s19+$0x26F0];
	v10 =	vadd.f32 v10, v11;
	v2 =	vadd.f32 v2, v4  }
0xd6: {  	v4 =	vadd.f32 v7, v12;
	v1 =	vadd.f32 v1, v3  }
0xd7: {  	v3 =	vadd.f32 v9, v15;
	v2 =	vadd.f32 v10, v2  }
0xd8: {  	v6 =	vadd.f32 v6, v13;
	v1 =	vadd.f32 v4, v1  }
0xd9: {  	v4 =	vadd.f32 v8, v14;
	v2 =	vadd.f32 v3, v2  }
0xda: {  	v0 =	vadd.f32 v5, v0;
	v1 =	vadd.f32 v6, v1  }
0xdb: {  	v2 =	vadd.f32 v4, v2  }
0xdc: {  	v0 =	vadd.f32 v0, v1  }
0xdd: {  	v1 =	vmul.f32 $4.999999890e-03, v2  }
0xde: {  	v0 =	vmul.f32 $4.999999890e-03, v0  }
0xdf: {  	[tilespmem:$0x19D20] =	vst v1  }
0xe0: {  	s9 =	simm.s32 $0x0;
	[tilespmem:$0x19D30] =	vst v0  }
0xe1: {  	v0 =	vld [tilespmem:s9+$0x3FF0]  }
0xe2: {  	v1 =	vld [tilespmem:s9+$0x3F00]  }
0xe3: {  	v2 =	vld [tilespmem:s9+$0x3F10]  }
0xe4: {  	v3 =	vld [tilespmem:s9+$0x3F20]  }
0xe5: {  	v4 =	vld [tilespmem:s9+$0x3F30]  }
0xe6: {  	v5 =	vld [tilespmem:s9+$0x3F40]  }
0xe7: {  	v12 =	vld [tilespmem:s9+$0x3F50]  }
0xe8: {  	v13 =	vld [tilespmem:s9+$0x3F60]  }
0xe9: {  	v14 =	vld [tilespmem:s9+$0x3F70]  }
0xea: {  	v11 =	vimm.f32 $0.0e+00;
	v15 =	vld [tilespmem:s9+$0x3F80]  }
0xeb: {  	v20 =	vld [tilespmem:s9+$0x3F90];
	v0 =	vadd.f32 v0, v11  }
0xec: {  	v9 =	vadd.f32 v1, v11;
	v6 =	vadd.f32 v2, v11  }
0xed: {  	v16 =	vld [tilespmem:s9+$0x3FA0];
	v10 =	vadd.f32 v3, v11;
	v7 =	vadd.f32 v4, v11  }
0xee: {  	v17 =	vld [tilespmem:s9+$0x3FB0];
	v8 =	vadd.f32 v5, v11;
	v5 =	vadd.f32 v12, v11  }
0xef: {  	v18 =	vld [tilespmem:s9+$0x3FC0];
	v4 =	vadd.f32 v13, v11;
	v3 =	vadd.f32 v14, v11  }
0xf0: {  	v19 =	vld [tilespmem:s9+$0x3FD0];
	v2 =	vadd.f32 v15, v11;
	v1 =	vadd.f32 v20, v11;
	v12 =	vimm.f32 $0.0e+00  }
0xf1: {  	s20 =	simm.s32 $0x800;
	s19 =	simm.s32 $0x100;
	v20 =	vld [tilespmem:s9+$0x3FE0];
	v15 =	vimm.f32 $0.0e+00;
	v13 =	vimm.f32 $0.0e+00;
	v14 =	vimm.f32 $0.0e+00  }
.LBB2_10:
0xf2: {  	p1 =	sne.s32 s20, $0x6000;
	v21 =	vld [tilespmem:s19+$0x3FF0];
	v11 =	vadd.f32 v16, v11  }
0xf3: {  	v16 =	vld [tilespmem:s19+$0x3F00];
	v12 =	vadd.f32 v17, v12  }
0xf4: {  	v17 =	vld [tilespmem:s19+$0x3F10];
	v15 =	vadd.f32 v18, v15  }
0xf5: {  	v18 =	vld [tilespmem:s19+$0x3F20];
	v13 =	vadd.f32 v19, v13  }
0xf6: {  	v19 =	vld [tilespmem:s19+$0x3F30];
	v14 =	vadd.f32 v20, v14  }
0xf7: {  	v20 =	vld [tilespmem:s19+$0x3F40];
	v0 =	vadd.f32 v21, v0  }
0xf8: {  	v9 =	vadd.f32 v16, v9;
	v16 =	vld [tilespmem:s19+$0x3F50]  }
0xf9: {  	v6 =	vadd.f32 v17, v6;
	v17 =	vld [tilespmem:s19+$0x3F60]  }
0xfa: {  	v10 =	vadd.f32 v18, v10;
	v18 =	vld [tilespmem:s19+$0x3F70]  }
0xfb: {  	v7 =	vadd.f32 v19, v7;
	v19 =	vld [tilespmem:s19+$0x3F80]  }
0xfc: {  	v8 =	vadd.f32 v20, v8;
	v20 =	vld [tilespmem:s19+$0x3F90]  }
.Ltmp4:
0xfd: {  	v5 =	vadd.f32 v16, v5;
	v16 =	vld [tilespmem:s19+$0x3FA0];
	(pc) =	sbr.rel @p1 .LBB2_10-.Ltmp4, $4  }
0xfe: {  	v4 =	vadd.f32 v17, v4;
	v17 =	vld [tilespmem:s19+$0x3FB0]  }
0xff: {  	v3 =	vadd.f32 v18, v3;
	v18 =	vld [tilespmem:s19+$0x3FC0]  }
0x100: {  	v2 =	vadd.f32 v19, v2;
	v19 =	vld [tilespmem:s19+$0x3FD0]  }
0x101: {  	v1 =	vadd.f32 v20, v1;
	v20 =	vld [tilespmem:s19+$0x3FE0];
	s19 =	sshra.s32 s20, $0x2;
	s20 =	sadd.s32 $0x400, s20  }
0x102: {  	v21 =	vld [tilespmem:s19+$0x3F00]  }
0x103: {  	v22 =	vld [tilespmem:s19+$0x3F10]  }
0x104: {  	v23 =	vld [tilespmem:s19+$0x3F20]  }
0x105: {  	v24 =	vld [tilespmem:s19+$0x3F30]  }
0x106: {  	v11 =	vadd.f32 v16, v11;
	v16 =	vld [tilespmem:s19+$0x3F40]  }
0x107: {  	v12 =	vadd.f32 v17, v12;
	v17 =	vld [tilespmem:s19+$0x3F50];
	v15 =	vadd.f32 v18, v15  }
0x108: {  	v18 =	vld [tilespmem:s19+$0x3F60];
	v13 =	vadd.f32 v19, v13;
	v14 =	vadd.f32 v20, v14  }
0x109: {  	v19 =	vld [tilespmem:s19+$0x3F70];
	v9 =	vadd.f32 v21, v9;
	v10 =	vadd.f32 v23, v10  }
0x10a: {  	v20 =	vld [tilespmem:s19+$0x3F80];
	v6 =	vadd.f32 v22, v6;
	v7 =	vadd.f32 v24, v7  }
0x10b: {  	v8 =	vadd.f32 v16, v8;
	v16 =	vld [tilespmem:s19+$0x3F90];
	v9 =	vadd.f32 v10, v9  }
0x10c: {  	v5 =	vadd.f32 v17, v5;
	v10 =	vld [tilespmem:s19+$0x3FA0];
	v6 =	vadd.f32 v7, v6  }
0x10d: {  	v4 =	vadd.f32 v18, v4;
	v7 =	vld [tilespmem:s19+$0x3FB0];
	v8 =	vadd.f32 v8, v9  }
0x10e: {  	v3 =	vadd.f32 v19, v3;
	v9 =	vld [tilespmem:s19+$0x3FC0];
	v5 =	vadd.f32 v5, v6  }
0x10f: {  	v2 =	vadd.f32 v20, v2;
	v6 =	vld [tilespmem:s19+$0x3FD0];
	v4 =	vadd.f32 v4, v8  }
0x110: {  	v1 =	vadd.f32 v16, v1;
	v8 =	vld [tilespmem:s19+$0x3FE0];
	v3 =	vadd.f32 v3, v5  }
0x111: {  	v5 =	vld [tilespmem:s19+$0x3FF0];
	v10 =	vadd.f32 v10, v11;
	v2 =	vadd.f32 v2, v4  }
0x112: {  	v4 =	vadd.f32 v7, v12;
	v1 =	vadd.f32 v1, v3  }
0x113: {  	v3 =	vadd.f32 v9, v15;
	v2 =	vadd.f32 v10, v2  }
0x114: {  	v6 =	vadd.f32 v6, v13;
	v1 =	vadd.f32 v4, v1  }
0x115: {  	v4 =	vadd.f32 v8, v14;
	v2 =	vadd.f32 v3, v2  }
0x116: {  	v0 =	vadd.f32 v5, v0;
	v1 =	vadd.f32 v6, v1  }
0x117: {  	v2 =	vadd.f32 v4, v2  }
0x118: {  	v0 =	vadd.f32 v0, v1  }
0x119: {  	v1 =	vmul.f32 $4.999999890e-03, v2  }
0x11a: {  	v0 =	vmul.f32 $4.999999890e-03, v0  }
0x11b: {  	[tilespmem:$0x19D40] =	vst v1  }
0x11c: {  	s9 =	simm.s32 $0x0;
	[tilespmem:$0x19D50] =	vst v0  }
0x11d: {  	v0 =	vld [tilespmem:s9+$0x58F0]  }
0x11e: {  	v1 =	vld [tilespmem:s9+$0x5800]  }
0x11f: {  	v2 =	vld [tilespmem:s9+$0x5810]  }
0x120: {  	v3 =	vld [tilespmem:s9+$0x5820]  }
0x121: {  	v4 =	vld [tilespmem:s9+$0x5830]  }
0x122: {  	v5 =	vld [tilespmem:s9+$0x5840]  }
0x123: {  	v12 =	vld [tilespmem:s9+$0x5850]  }
0x124: {  	v13 =	vld [tilespmem:s9+$0x5860]  }
0x125: {  	v14 =	vld [tilespmem:s9+$0x5870]  }
0x126: {  	v11 =	vimm.f32 $0.0e+00;
	v15 =	vld [tilespmem:s9+$0x5880]  }
0x127: {  	v20 =	vld [tilespmem:s9+$0x5890];
	v0 =	vadd.f32 v0, v11  }
0x128: {  	v9 =	vadd.f32 v1, v11;
	v6 =	vadd.f32 v2, v11  }
0x129: {  	v16 =	vld [tilespmem:s9+$0x58A0];
	v10 =	vadd.f32 v3, v11;
	v7 =	vadd.f32 v4, v11  }
0x12a: {  	v17 =	vld [tilespmem:s9+$0x58B0];
	v8 =	vadd.f32 v5, v11;
	v5 =	vadd.f32 v12, v11  }
0x12b: {  	v18 =	vld [tilespmem:s9+$0x58C0];
	v4 =	vadd.f32 v13, v11;
	v3 =	vadd.f32 v14, v11  }
0x12c: {  	v19 =	vld [tilespmem:s9+$0x58D0];
	v2 =	vadd.f32 v15, v11;
	v1 =	vadd.f32 v20, v11;
	v12 =	vimm.f32 $0.0e+00  }
0x12d: {  	s20 =	simm.s32 $0x800;
	s19 =	simm.s32 $0x100;
	v20 =	vld [tilespmem:s9+$0x58E0];
	v15 =	vimm.f32 $0.0e+00;
	v13 =	vimm.f32 $0.0e+00;
	v14 =	vimm.f32 $0.0e+00  }
.LBB2_12:
0x12e: {  	p1 =	sne.s32 s20, $0x6000;
	v21 =	vld [tilespmem:s19+$0x58F0];
	v11 =	vadd.f32 v16, v11  }
0x12f: {  	v16 =	vld [tilespmem:s19+$0x5800];
	v12 =	vadd.f32 v17, v12  }
0x130: {  	v17 =	vld [tilespmem:s19+$0x5810];
	v15 =	vadd.f32 v18, v15  }
0x131: {  	v18 =	vld [tilespmem:s19+$0x5820];
	v13 =	vadd.f32 v19, v13  }
0x132: {  	v19 =	vld [tilespmem:s19+$0x5830];
	v14 =	vadd.f32 v20, v14  }
0x133: {  	v20 =	vld [tilespmem:s19+$0x5840];
	v0 =	vadd.f32 v21, v0  }
0x134: {  	v9 =	vadd.f32 v16, v9;
	v16 =	vld [tilespmem:s19+$0x5850]  }
0x135: {  	v6 =	vadd.f32 v17, v6;
	v17 =	vld [tilespmem:s19+$0x5860]  }
0x136: {  	v10 =	vadd.f32 v18, v10;
	v18 =	vld [tilespmem:s19+$0x5870]  }
0x137: {  	v7 =	vadd.f32 v19, v7;
	v19 =	vld [tilespmem:s19+$0x5880]  }
0x138: {  	v8 =	vadd.f32 v20, v8;
	v20 =	vld [tilespmem:s19+$0x5890]  }
.Ltmp5:
0x139: {  	v5 =	vadd.f32 v16, v5;
	v16 =	vld [tilespmem:s19+$0x58A0];
	(pc) =	sbr.rel @p1 .LBB2_12-.Ltmp5, $4  }
0x13a: {  	v4 =	vadd.f32 v17, v4;
	v17 =	vld [tilespmem:s19+$0x58B0]  }
0x13b: {  	v3 =	vadd.f32 v18, v3;
	v18 =	vld [tilespmem:s19+$0x58C0]  }
0x13c: {  	v2 =	vadd.f32 v19, v2;
	v19 =	vld [tilespmem:s19+$0x58D0]  }
0x13d: {  	v1 =	vadd.f32 v20, v1;
	v20 =	vld [tilespmem:s19+$0x58E0];
	s19 =	sshra.s32 s20, $0x2;
	s20 =	sadd.s32 $0x400, s20  }
0x13e: {  	v21 =	vld [tilespmem:s19+$0x5800]  }
0x13f: {  	v22 =	vld [tilespmem:s19+$0x5810]  }
0x140: {  	v23 =	vld [tilespmem:s19+$0x5820]  }
0x141: {  	v24 =	vld [tilespmem:s19+$0x5830]  }
0x142: {  	v11 =	vadd.f32 v16, v11;
	v16 =	vld [tilespmem:s19+$0x5840]  }
0x143: {  	v12 =	vadd.f32 v17, v12;
	v17 =	vld [tilespmem:s19+$0x5850];
	v15 =	vadd.f32 v18, v15  }
0x144: {  	v18 =	vld [tilespmem:s19+$0x5860];
	v13 =	vadd.f32 v19, v13;
	v14 =	vadd.f32 v20, v14  }
0x145: {  	v19 =	vld [tilespmem:s19+$0x5870];
	v9 =	vadd.f32 v21, v9;
	v10 =	vadd.f32 v23, v10  }
0x146: {  	v20 =	vld [tilespmem:s19+$0x5880];
	v6 =	vadd.f32 v22, v6;
	v7 =	vadd.f32 v24, v7  }
0x147: {  	v8 =	vadd.f32 v16, v8;
	v16 =	vld [tilespmem:s19+$0x5890];
	v9 =	vadd.f32 v10, v9  }
0x148: {  	v5 =	vadd.f32 v17, v5;
	v10 =	vld [tilespmem:s19+$0x58A0];
	v6 =	vadd.f32 v7, v6  }
0x149: {  	v4 =	vadd.f32 v18, v4;
	v7 =	vld [tilespmem:s19+$0x58B0];
	v8 =	vadd.f32 v8, v9  }
0x14a: {  	v3 =	vadd.f32 v19, v3;
	v9 =	vld [tilespmem:s19+$0x58C0];
	v5 =	vadd.f32 v5, v6  }
0x14b: {  	v2 =	vadd.f32 v20, v2;
	v6 =	vld [tilespmem:s19+$0x58D0];
	v4 =	vadd.f32 v4, v8  }
0x14c: {  	v1 =	vadd.f32 v16, v1;
	v8 =	vld [tilespmem:s19+$0x58E0];
	v3 =	vadd.f32 v3, v5  }
0x14d: {  	v5 =	vld [tilespmem:s19+$0x58F0];
	v10 =	vadd.f32 v10, v11;
	v2 =	vadd.f32 v2, v4  }
0x14e: {  	v4 =	vadd.f32 v7, v12;
	v1 =	vadd.f32 v1, v3  }
0x14f: {  	v3 =	vadd.f32 v9, v15;
	v2 =	vadd.f32 v10, v2  }
0x150: {  	v6 =	vadd.f32 v6, v13;
	v1 =	vadd.f32 v4, v1  }
0x151: {  	v4 =	vadd.f32 v8, v14;
	v2 =	vadd.f32 v3, v2  }
0x152: {  	v0 =	vadd.f32 v5, v0;
	v1 =	vadd.f32 v6, v1  }
0x153: {  	v2 =	vadd.f32 v4, v2  }
0x154: {  	v0 =	vadd.f32 v0, v1  }
0x155: {  	v1 =	vmul.f32 $4.999999890e-03, v2  }
0x156: {  	v0 =	vmul.f32 $4.999999890e-03, v0  }
0x157: {  	[tilespmem:$0x19D60] =	vst v1  }
0x158: {  	s9 =	simm.s32 $0x0;
	[tilespmem:$0x19D70] =	vst v0  }
0x159: {  	v0 =	vld [tilespmem:s9+$0x71F0]  }
0x15a: {  	v1 =	vld [tilespmem:s9+$0x7100]  }
0x15b: {  	v2 =	vld [tilespmem:s9+$0x7110]  }
0x15c: {  	v3 =	vld [tilespmem:s9+$0x7120]  }
0x15d: {  	v4 =	vld [tilespmem:s9+$0x7130]  }
0x15e: {  	v5 =	vld [tilespmem:s9+$0x7140]  }
0x15f: {  	v12 =	vld [tilespmem:s9+$0x7150]  }
0x160: {  	v13 =	vld [tilespmem:s9+$0x7160]  }
0x161: {  	v14 =	vld [tilespmem:s9+$0x7170]  }
0x162: {  	v11 =	vimm.f32 $0.0e+00;
	v15 =	vld [tilespmem:s9+$0x7180]  }
0x163: {  	v20 =	vld [tilespmem:s9+$0x7190];
	v0 =	vadd.f32 v0, v11  }
0x164: {  	v9 =	vadd.f32 v1, v11;
	v6 =	vadd.f32 v2, v11  }
0x165: {  	v16 =	vld [tilespmem:s9+$0x71A0];
	v10 =	vadd.f32 v3, v11;
	v7 =	vadd.f32 v4, v11  }
0x166: {  	v17 =	vld [tilespmem:s9+$0x71B0];
	v8 =	vadd.f32 v5, v11;
	v5 =	vadd.f32 v12, v11  }
0x167: {  	v18 =	vld [tilespmem:s9+$0x71C0];
	v4 =	vadd.f32 v13, v11;
	v3 =	vadd.f32 v14, v11  }
0x168: {  	v19 =	vld [tilespmem:s9+$0x71D0];
	v2 =	vadd.f32 v15, v11;
	v1 =	vadd.f32 v20, v11;
	v12 =	vimm.f32 $0.0e+00  }
0x169: {  	s20 =	simm.s32 $0x800;
	s19 =	simm.s32 $0x100;
	v20 =	vld [tilespmem:s9+$0x71E0];
	v15 =	vimm.f32 $0.0e+00;
	v13 =	vimm.f32 $0.0e+00;
	v14 =	vimm.f32 $0.0e+00  }
.LBB2_14:
0x16a: {  	p1 =	sne.s32 s20, $0x6000;
	v21 =	vld [tilespmem:s19+$0x71F0];
	v11 =	vadd.f32 v16, v11  }
0x16b: {  	v16 =	vld [tilespmem:s19+$0x7100];
	v12 =	vadd.f32 v17, v12  }
0x16c: {  	v17 =	vld [tilespmem:s19+$0x7110];
	v15 =	vadd.f32 v18, v15  }
0x16d: {  	v18 =	vld [tilespmem:s19+$0x7120];
	v13 =	vadd.f32 v19, v13  }
0x16e: {  	v19 =	vld [tilespmem:s19+$0x7130];
	v14 =	vadd.f32 v20, v14  }
0x16f: {  	v20 =	vld [tilespmem:s19+$0x7140];
	v0 =	vadd.f32 v21, v0  }
0x170: {  	v9 =	vadd.f32 v16, v9;
	v16 =	vld [tilespmem:s19+$0x7150]  }
0x171: {  	v6 =	vadd.f32 v17, v6;
	v17 =	vld [tilespmem:s19+$0x7160]  }
0x172: {  	v10 =	vadd.f32 v18, v10;
	v18 =	vld [tilespmem:s19+$0x7170]  }
0x173: {  	v7 =	vadd.f32 v19, v7;
	v19 =	vld [tilespmem:s19+$0x7180]  }
0x174: {  	v8 =	vadd.f32 v20, v8;
	v20 =	vld [tilespmem:s19+$0x7190]  }
.Ltmp6:
0x175: {  	v5 =	vadd.f32 v16, v5;
	v16 =	vld [tilespmem:s19+$0x71A0];
	(pc) =	sbr.rel @p1 .LBB2_14-.Ltmp6, $4  }
0x176: {  	v4 =	vadd.f32 v17, v4;
	v17 =	vld [tilespmem:s19+$0x71B0]  }
0x177: {  	v3 =	vadd.f32 v18, v3;
	v18 =	vld [tilespmem:s19+$0x71C0]  }
0x178: {  	v2 =	vadd.f32 v19, v2;
	v19 =	vld [tilespmem:s19+$0x71D0]  }
0x179: {  	v1 =	vadd.f32 v20, v1;
	v20 =	vld [tilespmem:s19+$0x71E0];
	s19 =	sshra.s32 s20, $0x2;
	s20 =	sadd.s32 $0x400, s20  }
0x17a: {  	v21 =	vld [tilespmem:s19+$0x7100]  }
0x17b: {  	v22 =	vld [tilespmem:s19+$0x7110]  }
0x17c: {  	v23 =	vld [tilespmem:s19+$0x7120]  }
0x17d: {  	v24 =	vld [tilespmem:s19+$0x7130]  }
0x17e: {  	v11 =	vadd.f32 v16, v11;
	v16 =	vld [tilespmem:s19+$0x7140]  }
0x17f: {  	v12 =	vadd.f32 v17, v12;
	v17 =	vld [tilespmem:s19+$0x7150];
	v15 =	vadd.f32 v18, v15  }
0x180: {  	v18 =	vld [tilespmem:s19+$0x7160];
	v13 =	vadd.f32 v19, v13;
	v14 =	vadd.f32 v20, v14  }
0x181: {  	v19 =	vld [tilespmem:s19+$0x7170];
	v9 =	vadd.f32 v21, v9;
	v10 =	vadd.f32 v23, v10  }
0x182: {  	v20 =	vld [tilespmem:s19+$0x7180];
	v6 =	vadd.f32 v22, v6;
	v7 =	vadd.f32 v24, v7  }
0x183: {  	v8 =	vadd.f32 v16, v8;
	v16 =	vld [tilespmem:s19+$0x7190];
	v9 =	vadd.f32 v10, v9  }
0x184: {  	v5 =	vadd.f32 v17, v5;
	v10 =	vld [tilespmem:s19+$0x71A0];
	v6 =	vadd.f32 v7, v6  }
0x185: {  	v4 =	vadd.f32 v18, v4;
	v7 =	vld [tilespmem:s19+$0x71B0];
	v8 =	vadd.f32 v8, v9  }
0x186: {  	v3 =	vadd.f32 v19, v3;
	v9 =	vld [tilespmem:s19+$0x71C0];
	v5 =	vadd.f32 v5, v6  }
0x187: {  	v2 =	vadd.f32 v20, v2;
	v6 =	vld [tilespmem:s19+$0x71D0];
	v4 =	vadd.f32 v4, v8  }
0x188: {  	v1 =	vadd.f32 v16, v1;
	v8 =	vld [tilespmem:s19+$0x71E0];
	v3 =	vadd.f32 v3, v5  }
0x189: {  	v5 =	vld [tilespmem:s19+$0x71F0];
	v10 =	vadd.f32 v10, v11;
	v2 =	vadd.f32 v2, v4  }
0x18a: {  	v4 =	vadd.f32 v7, v12;
	v1 =	vadd.f32 v1, v3  }
0x18b: {  	v3 =	vadd.f32 v9, v15;
	v2 =	vadd.f32 v10, v2  }
0x18c: {  	v6 =	vadd.f32 v6, v13;
	v1 =	vadd.f32 v4, v1  }
0x18d: {  	v4 =	vadd.f32 v8, v14;
	v2 =	vadd.f32 v3, v2  }
0x18e: {  	v0 =	vadd.f32 v5, v0;
	v1 =	vadd.f32 v6, v1  }
0x18f: {  	v2 =	vadd.f32 v4, v2  }
0x190: {  	v0 =	vadd.f32 v0, v1  }
0x191: {  	v1 =	vmul.f32 $4.999999890e-03, v2  }
0x192: {  	v0 =	vmul.f32 $4.999999890e-03, v0  }
0x193: {  	[tilespmem:$0x19D80] =	vst v1  }
0x194: {  	s9 =	simm.s32 $0x0;
	[tilespmem:$0x19D90] =	vst v0  }
0x195: {  	v0 =	vld [tilespmem:s9+$0x8AF0]  }
0x196: {  	v1 =	vld [tilespmem:s9+$0x8A00]  }
0x197: {  	v2 =	vld [tilespmem:s9+$0x8A10]  }
0x198: {  	v3 =	vld [tilespmem:s9+$0x8A20]  }
0x199: {  	v4 =	vld [tilespmem:s9+$0x8A30]  }
0x19a: {  	v5 =	vld [tilespmem:s9+$0x8A40]  }
0x19b: {  	v12 =	vld [tilespmem:s9+$0x8A50]  }
0x19c: {  	v13 =	vld [tilespmem:s9+$0x8A60]  }
0x19d: {  	v14 =	vld [tilespmem:s9+$0x8A70]  }
0x19e: {  	v11 =	vimm.f32 $0.0e+00;
	v15 =	vld [tilespmem:s9+$0x8A80]  }
0x19f: {  	v20 =	vld [tilespmem:s9+$0x8A90];
	v0 =	vadd.f32 v0, v11  }
0x1a0: {  	v9 =	vadd.f32 v1, v11;
	v6 =	vadd.f32 v2, v11  }
0x1a1: {  	v16 =	vld [tilespmem:s9+$0x8AA0];
	v10 =	vadd.f32 v3, v11;
	v7 =	vadd.f32 v4, v11  }
0x1a2: {  	v17 =	vld [tilespmem:s9+$0x8AB0];
	v8 =	vadd.f32 v5, v11;
	v5 =	vadd.f32 v12, v11  }
0x1a3: {  	v18 =	vld [tilespmem:s9+$0x8AC0];
	v4 =	vadd.f32 v13, v11;
	v3 =	vadd.f32 v14, v11  }
0x1a4: {  	v19 =	vld [tilespmem:s9+$0x8AD0];
	v2 =	vadd.f32 v15, v11;
	v1 =	vadd.f32 v20, v11;
	v12 =	vimm.f32 $0.0e+00  }
0x1a5: {  	s20 =	simm.s32 $0x800;
	s19 =	simm.s32 $0x100;
	v20 =	vld [tilespmem:s9+$0x8AE0];
	v15 =	vimm.f32 $0.0e+00;
	v13 =	vimm.f32 $0.0e+00;
	v14 =	vimm.f32 $0.0e+00  }
.LBB2_16:
0x1a6: {  	p1 =	sne.s32 s20, $0x6000;
	v21 =	vld [tilespmem:s19+$0x8AF0];
	v11 =	vadd.f32 v16, v11  }
0x1a7: {  	v16 =	vld [tilespmem:s19+$0x8A00];
	v12 =	vadd.f32 v17, v12  }
0x1a8: {  	v17 =	vld [tilespmem:s19+$0x8A10];
	v15 =	vadd.f32 v18, v15  }
0x1a9: {  	v18 =	vld [tilespmem:s19+$0x8A20];
	v13 =	vadd.f32 v19, v13  }
0x1aa: {  	v19 =	vld [tilespmem:s19+$0x8A30];
	v14 =	vadd.f32 v20, v14  }
0x1ab: {  	v20 =	vld [tilespmem:s19+$0x8A40];
	v0 =	vadd.f32 v21, v0  }
0x1ac: {  	v9 =	vadd.f32 v16, v9;
	v16 =	vld [tilespmem:s19+$0x8A50]  }
0x1ad: {  	v6 =	vadd.f32 v17, v6;
	v17 =	vld [tilespmem:s19+$0x8A60]  }
0x1ae: {  	v10 =	vadd.f32 v18, v10;
	v18 =	vld [tilespmem:s19+$0x8A70]  }
0x1af: {  	v7 =	vadd.f32 v19, v7;
	v19 =	vld [tilespmem:s19+$0x8A80]  }
0x1b0: {  	v8 =	vadd.f32 v20, v8;
	v20 =	vld [tilespmem:s19+$0x8A90]  }
.Ltmp7:
0x1b1: {  	v5 =	vadd.f32 v16, v5;
	v16 =	vld [tilespmem:s19+$0x8AA0];
	(pc) =	sbr.rel @p1 .LBB2_16-.Ltmp7, $4  }
0x1b2: {  	v4 =	vadd.f32 v17, v4;
	v17 =	vld [tilespmem:s19+$0x8AB0]  }
0x1b3: {  	v3 =	vadd.f32 v18, v3;
	v18 =	vld [tilespmem:s19+$0x8AC0]  }
0x1b4: {  	v2 =	vadd.f32 v19, v2;
	v19 =	vld [tilespmem:s19+$0x8AD0]  }
0x1b5: {  	v1 =	vadd.f32 v20, v1;
	v20 =	vld [tilespmem:s19+$0x8AE0];
	s19 =	sshra.s32 s20, $0x2;
	s20 =	sadd.s32 $0x400, s20  }
0x1b6: {  	v21 =	vld [tilespmem:s19+$0x8A00]  }
0x1b7: {  	v22 =	vld [tilespmem:s19+$0x8A10]  }
0x1b8: {  	v23 =	vld [tilespmem:s19+$0x8A20]  }
0x1b9: {  	v24 =	vld [tilespmem:s19+$0x8A30]  }
0x1ba: {  	v11 =	vadd.f32 v16, v11;
	v16 =	vld [tilespmem:s19+$0x8A40]  }
0x1bb: {  	v12 =	vadd.f32 v17, v12;
	v17 =	vld [tilespmem:s19+$0x8A50];
	v15 =	vadd.f32 v18, v15  }
0x1bc: {  	v18 =	vld [tilespmem:s19+$0x8A60];
	v13 =	vadd.f32 v19, v13;
	v14 =	vadd.f32 v20, v14  }
0x1bd: {  	v19 =	vld [tilespmem:s19+$0x8A70];
	v9 =	vadd.f32 v21, v9;
	v10 =	vadd.f32 v23, v10  }
0x1be: {  	v20 =	vld [tilespmem:s19+$0x8A80];
	v6 =	vadd.f32 v22, v6;
	v7 =	vadd.f32 v24, v7  }
0x1bf: {  	v8 =	vadd.f32 v16, v8;
	v16 =	vld [tilespmem:s19+$0x8A90];
	v9 =	vadd.f32 v10, v9  }
0x1c0: {  	v5 =	vadd.f32 v17, v5;
	v10 =	vld [tilespmem:s19+$0x8AA0];
	v6 =	vadd.f32 v7, v6  }
0x1c1: {  	v4 =	vadd.f32 v18, v4;
	v7 =	vld [tilespmem:s19+$0x8AB0];
	v8 =	vadd.f32 v8, v9  }
0x1c2: {  	v3 =	vadd.f32 v19, v3;
	v9 =	vld [tilespmem:s19+$0x8AC0];
	v5 =	vadd.f32 v5, v6  }
0x1c3: {  	v2 =	vadd.f32 v20, v2;
	v6 =	vld [tilespmem:s19+$0x8AD0];
	v4 =	vadd.f32 v4, v8  }
0x1c4: {  	v1 =	vadd.f32 v16, v1;
	v8 =	vld [tilespmem:s19+$0x8AE0];
	v3 =	vadd.f32 v3, v5  }
0x1c5: {  	v5 =	vld [tilespmem:s19+$0x8AF0];
	v10 =	vadd.f32 v10, v11;
	v2 =	vadd.f32 v2, v4  }
0x1c6: {  	v4 =	vadd.f32 v7, v12;
	v1 =	vadd.f32 v1, v3  }
0x1c7: {  	v3 =	vadd.f32 v9, v15;
	v2 =	vadd.f32 v10, v2  }
0x1c8: {  	v6 =	vadd.f32 v6, v13;
	v1 =	vadd.f32 v4, v1  }
0x1c9: {  	v4 =	vadd.f32 v8, v14;
	v2 =	vadd.f32 v3, v2  }
0x1ca: {  	v0 =	vadd.f32 v5, v0;
	v1 =	vadd.f32 v6, v1  }
0x1cb: {  	v2 =	vadd.f32 v4, v2  }
0x1cc: {  	v0 =	vadd.f32 v0, v1  }
0x1cd: {  	v1 =	vmul.f32 $4.999999890e-03, v2  }
0x1ce: {  	v0 =	vmul.f32 $4.999999890e-03, v0  }
0x1cf: {  	[tilespmem:$0x19DA0] =	vst v1  }
0x1d0: {  	s9 =	simm.s32 $0x0;
	[tilespmem:$0x19DB0] =	vst v0  }
0x1d1: {  	v0 =	vld [tilespmem:s9+$0xA3F0]  }
0x1d2: {  	v1 =	vld [tilespmem:s9+$0xA300]  }
0x1d3: {  	v2 =	vld [tilespmem:s9+$0xA310]  }
0x1d4: {  	v3 =	vld [tilespmem:s9+$0xA320]  }
0x1d5: {  	v4 =	vld [tilespmem:s9+$0xA330]  }
0x1d6: {  	v5 =	vld [tilespmem:s9+$0xA340]  }
0x1d7: {  	v12 =	vld [tilespmem:s9+$0xA350]  }
0x1d8: {  	v13 =	vld [tilespmem:s9+$0xA360]  }
0x1d9: {  	v14 =	vld [tilespmem:s9+$0xA370]  }
0x1da: {  	v11 =	vimm.f32 $0.0e+00;
	v15 =	vld [tilespmem:s9+$0xA380]  }
0x1db: {  	v20 =	vld [tilespmem:s9+$0xA390];
	v0 =	vadd.f32 v0, v11  }
0x1dc: {  	v9 =	vadd.f32 v1, v11;
	v6 =	vadd.f32 v2, v11  }
0x1dd: {  	v16 =	vld [tilespmem:s9+$0xA3A0];
	v10 =	vadd.f32 v3, v11;
	v7 =	vadd.f32 v4, v11  }
0x1de: {  	v17 =	vld [tilespmem:s9+$0xA3B0];
	v8 =	vadd.f32 v5, v11;
	v5 =	vadd.f32 v12, v11  }
0x1df: {  	v18 =	vld [tilespmem:s9+$0xA3C0];
	v4 =	vadd.f32 v13, v11;
	v3 =	vadd.f32 v14, v11  }
0x1e0: {  	v19 =	vld [tilespmem:s9+$0xA3D0];
	v2 =	vadd.f32 v15, v11;
	v1 =	vadd.f32 v20, v11;
	v12 =	vimm.f32 $0.0e+00  }
0x1e1: {  	s20 =	simm.s32 $0x800;
	s19 =	simm.s32 $0x100;
	v20 =	vld [tilespmem:s9+$0xA3E0];
	v15 =	vimm.f32 $0.0e+00;
	v13 =	vimm.f32 $0.0e+00;
	v14 =	vimm.f32 $0.0e+00  }
.LBB2_18:
0x1e2: {  	p1 =	sne.s32 s20, $0x6000;
	v21 =	vld [tilespmem:s19+$0xA3F0];
	v11 =	vadd.f32 v16, v11  }
0x1e3: {  	v16 =	vld [tilespmem:s19+$0xA300];
	v12 =	vadd.f32 v17, v12  }
0x1e4: {  	v17 =	vld [tilespmem:s19+$0xA310];
	v15 =	vadd.f32 v18, v15  }
0x1e5: {  	v18 =	vld [tilespmem:s19+$0xA320];
	v13 =	vadd.f32 v19, v13  }
0x1e6: {  	v19 =	vld [tilespmem:s19+$0xA330];
	v14 =	vadd.f32 v20, v14  }
0x1e7: {  	v20 =	vld [tilespmem:s19+$0xA340];
	v0 =	vadd.f32 v21, v0  }
0x1e8: {  	v9 =	vadd.f32 v16, v9;
	v16 =	vld [tilespmem:s19+$0xA350]  }
0x1e9: {  	v6 =	vadd.f32 v17, v6;
	v17 =	vld [tilespmem:s19+$0xA360]  }
0x1ea: {  	v10 =	vadd.f32 v18, v10;
	v18 =	vld [tilespmem:s19+$0xA370]  }
0x1eb: {  	v7 =	vadd.f32 v19, v7;
	v19 =	vld [tilespmem:s19+$0xA380]  }
0x1ec: {  	v8 =	vadd.f32 v20, v8;
	v20 =	vld [tilespmem:s19+$0xA390]  }
.Ltmp8:
0x1ed: {  	v5 =	vadd.f32 v16, v5;
	v16 =	vld [tilespmem:s19+$0xA3A0];
	(pc) =	sbr.rel @p1 .LBB2_18-.Ltmp8, $4  }
0x1ee: {  	v4 =	vadd.f32 v17, v4;
	v17 =	vld [tilespmem:s19+$0xA3B0]  }
0x1ef: {  	v3 =	vadd.f32 v18, v3;
	v18 =	vld [tilespmem:s19+$0xA3C0]  }
0x1f0: {  	v2 =	vadd.f32 v19, v2;
	v19 =	vld [tilespmem:s19+$0xA3D0]  }
0x1f1: {  	v1 =	vadd.f32 v20, v1;
	v20 =	vld [tilespmem:s19+$0xA3E0];
	s19 =	sshra.s32 s20, $0x2;
	s20 =	sadd.s32 $0x400, s20  }
0x1f2: {  	v21 =	vld [tilespmem:s19+$0xA300]  }
0x1f3: {  	v22 =	vld [tilespmem:s19+$0xA310]  }
0x1f4: {  	v23 =	vld [tilespmem:s19+$0xA320]  }
0x1f5: {  	v24 =	vld [tilespmem:s19+$0xA330]  }
0x1f6: {  	v11 =	vadd.f32 v16, v11;
	v16 =	vld [tilespmem:s19+$0xA340]  }
0x1f7: {  	v12 =	vadd.f32 v17, v12;
	v17 =	vld [tilespmem:s19+$0xA350];
	v15 =	vadd.f32 v18, v15  }
0x1f8: {  	v18 =	vld [tilespmem:s19+$0xA360];
	v13 =	vadd.f32 v19, v13;
	v14 =	vadd.f32 v20, v14  }
0x1f9: {  	v19 =	vld [tilespmem:s19+$0xA370];
	v9 =	vadd.f32 v21, v9;
	v10 =	vadd.f32 v23, v10  }
0x1fa: {  	v20 =	vld [tilespmem:s19+$0xA380];
	v6 =	vadd.f32 v22, v6;
	v7 =	vadd.f32 v24, v7  }
0x1fb: {  	v8 =	vadd.f32 v16, v8;
	v16 =	vld [tilespmem:s19+$0xA390];
	v9 =	vadd.f32 v10, v9  }
0x1fc: {  	v5 =	vadd.f32 v17, v5;
	v10 =	vld [tilespmem:s19+$0xA3A0];
	v6 =	vadd.f32 v7, v6  }
0x1fd: {  	v4 =	vadd.f32 v18, v4;
	v7 =	vld [tilespmem:s19+$0xA3B0];
	v8 =	vadd.f32 v8, v9  }
0x1fe: {  	v3 =	vadd.f32 v19, v3;
	v9 =	vld [tilespmem:s19+$0xA3C0];
	v5 =	vadd.f32 v5, v6  }
0x1ff: {  	v2 =	vadd.f32 v20, v2;
	v6 =	vld [tilespmem:s19+$0xA3D0];
	v4 =	vadd.f32 v4, v8  }
0x200: {  	v1 =	vadd.f32 v16, v1;
	v8 =	vld [tilespmem:s19+$0xA3E0];
	v3 =	vadd.f32 v3, v5  }
0x201: {  	v5 =	vld [tilespmem:s19+$0xA3F0];
	v10 =	vadd.f32 v10, v11;
	v2 =	vadd.f32 v2, v4  }
0x202: {  	v4 =	vadd.f32 v7, v12;
	v1 =	vadd.f32 v1, v3  }
0x203: {  	v3 =	vadd.f32 v9, v15;
	v2 =	vadd.f32 v10, v2  }
0x204: {  	v6 =	vadd.f32 v6, v13;
	v1 =	vadd.f32 v4, v1  }
0x205: {  	v4 =	vadd.f32 v8, v14;
	v2 =	vadd.f32 v3, v2  }
0x206: {  	v0 =	vadd.f32 v5, v0;
	v1 =	vadd.f32 v6, v1  }
0x207: {  	v2 =	vadd.f32 v4, v2  }
0x208: {  	v0 =	vadd.f32 v0, v1  }
0x209: {  	v1 =	vmul.f32 $4.999999890e-03, v2  }
0x20a: {  	v0 =	vmul.f32 $4.999999890e-03, v0  }
0x20b: {  	[tilespmem:$0x19DC0] =	vst v1  }
0x20c: {  	s9 =	simm.s32 $0x0;
	[tilespmem:$0x19DD0] =	vst v0  }
0x20d: {  	v0 =	vld [tilespmem:s9+$0xBCF0]  }
0x20e: {  	v1 =	vld [tilespmem:s9+$0xBC00]  }
0x20f: {  	v2 =	vld [tilespmem:s9+$0xBC10]  }
0x210: {  	v3 =	vld [tilespmem:s9+$0xBC20]  }
0x211: {  	v4 =	vld [tilespmem:s9+$0xBC30]  }
0x212: {  	v5 =	vld [tilespmem:s9+$0xBC40]  }
0x213: {  	v12 =	vld [tilespmem:s9+$0xBC50]  }
0x214: {  	v13 =	vld [tilespmem:s9+$0xBC60]  }
0x215: {  	v14 =	vld [tilespmem:s9+$0xBC70]  }
0x216: {  	v11 =	vimm.f32 $0.0e+00;
	v15 =	vld [tilespmem:s9+$0xBC80]  }
0x217: {  	v20 =	vld [tilespmem:s9+$0xBC90];
	v0 =	vadd.f32 v0, v11  }
0x218: {  	v9 =	vadd.f32 v1, v11;
	v6 =	vadd.f32 v2, v11  }
0x219: {  	v16 =	vld [tilespmem:s9+$0xBCA0];
	v10 =	vadd.f32 v3, v11;
	v7 =	vadd.f32 v4, v11  }
0x21a: {  	v17 =	vld [tilespmem:s9+$0xBCB0];
	v8 =	vadd.f32 v5, v11;
	v5 =	vadd.f32 v12, v11  }
0x21b: {  	v18 =	vld [tilespmem:s9+$0xBCC0];
	v4 =	vadd.f32 v13, v11;
	v3 =	vadd.f32 v14, v11  }
0x21c: {  	v19 =	vld [tilespmem:s9+$0xBCD0];
	v2 =	vadd.f32 v15, v11;
	v1 =	vadd.f32 v20, v11;
	v12 =	vimm.f32 $0.0e+00  }
0x21d: {  	s20 =	simm.s32 $0x800;
	s19 =	simm.s32 $0x100;
	v20 =	vld [tilespmem:s9+$0xBCE0];
	v15 =	vimm.f32 $0.0e+00;
	v13 =	vimm.f32 $0.0e+00;
	v14 =	vimm.f32 $0.0e+00  }
.LBB2_20:
0x21e: {  	p1 =	sne.s32 s20, $0x6000;
	v21 =	vld [tilespmem:s19+$0xBCF0];
	v11 =	vadd.f32 v16, v11  }
0x21f: {  	v16 =	vld [tilespmem:s19+$0xBC00];
	v12 =	vadd.f32 v17, v12  }
0x220: {  	v17 =	vld [tilespmem:s19+$0xBC10];
	v15 =	vadd.f32 v18, v15  }
0x221: {  	v18 =	vld [tilespmem:s19+$0xBC20];
	v13 =	vadd.f32 v19, v13  }
0x222: {  	v19 =	vld [tilespmem:s19+$0xBC30];
	v14 =	vadd.f32 v20, v14  }
0x223: {  	v20 =	vld [tilespmem:s19+$0xBC40];
	v0 =	vadd.f32 v21, v0  }
0x224: {  	v9 =	vadd.f32 v16, v9;
	v16 =	vld [tilespmem:s19+$0xBC50]  }
0x225: {  	v6 =	vadd.f32 v17, v6;
	v17 =	vld [tilespmem:s19+$0xBC60]  }
0x226: {  	v10 =	vadd.f32 v18, v10;
	v18 =	vld [tilespmem:s19+$0xBC70]  }
0x227: {  	v7 =	vadd.f32 v19, v7;
	v19 =	vld [tilespmem:s19+$0xBC80]  }
0x228: {  	v8 =	vadd.f32 v20, v8;
	v20 =	vld [tilespmem:s19+$0xBC90]  }
.Ltmp9:
0x229: {  	v5 =	vadd.f32 v16, v5;
	v16 =	vld [tilespmem:s19+$0xBCA0];
	(pc) =	sbr.rel @p1 .LBB2_20-.Ltmp9, $4  }
0x22a: {  	v4 =	vadd.f32 v17, v4;
	v17 =	vld [tilespmem:s19+$0xBCB0]  }
0x22b: {  	v3 =	vadd.f32 v18, v3;
	v18 =	vld [tilespmem:s19+$0xBCC0]  }
0x22c: {  	v2 =	vadd.f32 v19, v2;
	v19 =	vld [tilespmem:s19+$0xBCD0]  }
0x22d: {  	v1 =	vadd.f32 v20, v1;
	v20 =	vld [tilespmem:s19+$0xBCE0];
	s19 =	sshra.s32 s20, $0x2;
	s20 =	sadd.s32 $0x400, s20  }
0x22e: {  	v21 =	vld [tilespmem:s19+$0xBC00]  }
0x22f: {  	v22 =	vld [tilespmem:s19+$0xBC10]  }
0x230: {  	v23 =	vld [tilespmem:s19+$0xBC20]  }
0x231: {  	v24 =	vld [tilespmem:s19+$0xBC30]  }
0x232: {  	v11 =	vadd.f32 v16, v11;
	v48 =	vld [tilespmem:s19+$0xBC40]  }
0x233: {  	v49 =	vld [tilespmem:s19+$0xBC50];
	v12 =	vadd.f32 v17, v12;
	v15 =	vadd.f32 v18, v15  }
0x234: {  	v50 =	vld [tilespmem:s19+$0xBC60];
	v13 =	vadd.f32 v19, v13;
	v14 =	vadd.f32 v20, v14  }
0x235: {  	v51 =	vld [tilespmem:s19+$0xBC70];
	v9 =	vadd.f32 v21, v9;
	v10 =	vadd.f32 v23, v10  }
0x236: {  	v52 =	vld [tilespmem:s19+$0xBC80];
	v6 =	vadd.f32 v22, v6;
	v7 =	vadd.f32 v24, v7  }
0x237: {  	v53 =	vld [tilespmem:s19+$0xBC90];
	v8 =	vadd.f32 v48, v8;
	v9 =	vadd.f32 v10, v9  }
0x238: {  	v54 =	vld [tilespmem:s19+$0xBCA0];
	v5 =	vadd.f32 v49, v5;
	v6 =	vadd.f32 v7, v6  }
0x239: {  	v55 =	vld [tilespmem:s19+$0xBCB0];
	v4 =	vadd.f32 v50, v4;
	v8 =	vadd.f32 v8, v9  }
0x23a: {  	v56 =	vld [tilespmem:s19+$0xBCC0];
	v3 =	vadd.f32 v51, v3;
	v5 =	vadd.f32 v5, v6  }
0x23b: {  	v57 =	vld [tilespmem:s19+$0xBCD0];
	v2 =	vadd.f32 v52, v2;
	v4 =	vadd.f32 v4, v8  }
0x23c: {  	v58 =	vld [tilespmem:s19+$0xBCE0];
	v1 =	vadd.f32 v53, v1;
	v3 =	vadd.f32 v3, v5  }
0x23d: {  	v59 =	vld [tilespmem:s19+$0xBCF0];
	v10 =	vadd.f32 v54, v11;
	v2 =	vadd.f32 v2, v4  }
0x23e: {  	v60 =	vadd.f32 v55, v12;
	v1 =	vadd.f32 v1, v3  }
0x23f: {  	v61 =	vadd.f32 v56, v15;
	v2 =	vadd.f32 v10, v2  }
0x240: {  	v6 =	vadd.f32 v57, v13;
	v1 =	vadd.f32 v60, v1  }
0x241: {  	v62 =	vadd.f32 v58, v14;
	v2 =	vadd.f32 v61, v2  }
0x242: {  	v0 =	vadd.f32 v59, v0;
	v1 =	vadd.f32 v6, v1  }
0x243: {  	v2 =	vadd.f32 v62, v2  }
0x244: {  	p1 =	sne.s32 s16, $0x1F;
	v0 =	vadd.f32 v0, v1  }
.Ltmp10:
0x245: {  	v63 =	vmul.f32 $4.999999890e-03, v2;
	(pc) =	sbr.rel @p1 .LBB2_23-.Ltmp10, $4  }
0x246: {  	v0 =	vmul.f32 $4.999999890e-03, v0  }
0x247: {  	[tilespmem:$0x19DE0] =	vst v63  }
0x248: {  	s9 =	sadd.s32 s18, s8;
	[tilespmem:$0x19DF0] =	vst v0  }
0x249: {  	[hbm4b:s9+s2] =	stream.linear.scatter [tilespmem:s10], [sflag:$0x5], $0x100, $0x38;
	[tilespmem:$0x19F00] =	vst v63  }
.Ltmp11:
0x24a: {  	(pc) =	sbr.rel .LBB2_24-.Ltmp11, $4  }
0x24b: {  	_ = 	snop  }
0x24c: {  	_ =	swait.ge [sflag:s5], $0xC800  }
0x24d: {  	[sflag:s5] =	ssyncset.done $0x0  }
0x24e: {  	[sflag:s5] =	ssyncadd.s32 $0xFFFF3800  }
.LBB2_23:
0x24f: {  	_ =	swait.ge [sflag:s11], $0x680  }
0x250: {  	[sflag:s11] =	ssyncset.done $0x0  }
0x251: {  	[sflag:s11] =	ssyncadd.s32 $0xFFFFF980  }
0x252: {  	_ =	swait.ge [sflag:s5], $0xC800  }
0x253: {  	[sflag:s5] =	ssyncset.done $0x0  }
0x254: {  	s9 =	simm.s32 $0xD00;
	[sflag:s5] =	ssyncadd.s32 $0xFFFF3800  }
0x255: {  	[tilespmem:s9], [sflag:$0x1] =	stream.indirect.gather [hbm4b:s4+s12], $0x20, s2, s12, $0xb8;
	[tilespmem:$0x19F00] =	vst v63  }
0x256: {  	s20 =	simm.s32 $0x68;
	s18 =	simm.s32 $0x1980  }
0x257: {  	[tilespmem:s18], [sflag:$0x1] =	stream.indirect.gather [hbm4b:s4+s12], $0x20, s20, s12, $0xb8;
	[tilespmem:$0x19F00] =	vst v63  }
0x258: {  	s19 =	simm.s32 $0xD0;
	s20 =	simm.s32 $0x2600  }
0x259: {  	[tilespmem:s20], [sflag:$0x1] =	stream.indirect.gather [hbm4b:s4+s12], $0x20, s19, s12, $0xb8;
	[tilespmem:$0x19F00] =	vst v63  }
0x25a: {  	s19 =	simm.s32 $0x138;
	s20 =	simm.s32 $0x3280  }
0x25b: {  	[tilespmem:s20], [sflag:$0x1] =	stream.indirect.gather [hbm4b:s4+s12], $0x20, s19, s12, $0xb8;
	[tilespmem:$0x19F00] =	vst v63  }
0x25c: {  	s19 =	simm.s32 $0x1A0;
	s20 =	simm.s32 $0x3F00  }
0x25d: {  	[tilespmem:s20], [sflag:$0x1] =	stream.indirect.gather [hbm4b:s4+s12], $0x20, s19, s12, $0xb8;
	[tilespmem:$0x19F00] =	vst v63  }
0x25e: {  	s19 =	simm.s32 $0x208;
	s20 =	simm.s32 $0x4B80  }
0x25f: {  	[tilespmem:s20], [sflag:$0x1] =	stream.indirect.gather [hbm4b:s4+s12], $0x20, s19, s12, $0xb8;
	[tilespmem:$0x19F00] =	vst v63  }
0x260: {  	s19 =	simm.s32 $0x270;
	s20 =	simm.s32 $0x5800  }
0x261: {  	[tilespmem:s20], [sflag:$0x1] =	stream.indirect.gather [hbm4b:s4+s12], $0x20, s19, s12, $0xb8;
	[tilespmem:$0x19F00] =	vst v63  }
0x262: {  	s19 =	simm.s32 $0x2D8;
	s20 =	simm.s32 $0x6480  }
0x263: {  	[tilespmem:s20], [sflag:$0x1] =	stream.indirect.gather [hbm4b:s4+s12], $0x20, s19, s12, $0xb8;
	[tilespmem:$0x19F00] =	vst v63  }
0x264: {  	s19 =	simm.s32 $0x340;
	s20 =	simm.s32 $0x7100  }
0x265: {  	[tilespmem:s20], [sflag:$0x1] =	stream.indirect.gather [hbm4b:s4+s12], $0x20, s19, s12, $0xb8;
	[tilespmem:$0x19F00] =	vst v63  }
0x266: {  	s19 =	simm.s32 $0x3A8;
	s20 =	simm.s32 $0x7D80  }
0x267: {  	[tilespmem:s20], [sflag:$0x1] =	stream.indirect.gather [hbm4b:s4+s12], $0x20, s19, s12, $0xb8;
	[tilespmem:$0x19F00] =	vst v63  }
0x268: {  	s19 =	simm.s32 $0x410;
	s20 =	simm.s32 $0x8A00  }
0x269: {  	[tilespmem:s20], [sflag:$0x1] =	stream.indirect.gather [hbm4b:s4+s12], $0x20, s19, s12, $0xb8;
	[tilespmem:$0x19F00] =	vst v63  }
0x26a: {  	s19 =	simm.s32 $0x478;
	s20 =	simm.s32 $0x9680  }
0x26b: {  	[tilespmem:s20], [sflag:$0x1] =	stream.indirect.gather [hbm4b:s4+s12], $0x20, s19, s12, $0xb8;
	[tilespmem:$0x19F00] =	vst v63  }
0x26c: {  	s19 =	simm.s32 $0x4E0;
	s20 =	simm.s32 $0xA300  }
0x26d: {  	[tilespmem:s20], [sflag:$0x1] =	stream.indirect.gather [hbm4b:s4+s12], $0x20, s19, s12, $0xb8;
	[tilespmem:$0x19F00] =	vst v63  }
0x26e: {  	s19 =	simm.s32 $0x548;
	s20 =	simm.s32 $0xAF80  }
0x26f: {  	[tilespmem:s20], [sflag:$0x1] =	stream.indirect.gather [hbm4b:s4+s12], $0x20, s19, s12, $0xb8;
	[tilespmem:$0x19F00] =	vst v63  }
0x270: {  	s19 =	simm.s32 $0x5B0;
	s20 =	simm.s32 $0xBC00  }
0x271: {  	[tilespmem:s20], [sflag:$0x1] =	stream.indirect.gather [hbm4b:s4+s12], $0x20, s19, s12, $0xb8;
	[tilespmem:$0x19F00] =	vst v63  }
0x272: {  	s18 =	sshll.u32 s16, $0x5;
	s19 =	rddreg [dreg:$0x5]  }
.Ltmp12:
0x273: {  	s9 =	sadd.s32 s18, s19;
	(pc) =	sbr.rel @p0 .LBB2_25-.Ltmp12, $4  }
0x274: {  	s20 =	simm.s32 $0x618;
	s19 =	simm.s32 $0xC880;
	s9 =	smul.u32 $0xD, s9  }
0x275: {  	[tilespmem:s19], [sflag:$0x1] =	stream.indirect.gather [hbm4b:s4+s12], $0x20, s20, s12, $0xb8;
	[tilespmem:$0x19F00] =	vst v63  }
0x276: {  	s9 =	sadd.s32 s3, s9  }
0x277: {  	[tilespmem:s21], [sflag:$0x4] =	stream.linear.gather [hbm4b:s9+s2], $0x680, $0x38;
	[tilespmem:$0x19F00] =	vst v63  }
.LBB2_24:
0x278: {  	_ =	swait.ge [sflag:s13], $0x100  }
0x279: {  	[sflag:s13] =	ssyncset.done $0x0  }
0x27a: {  	[sflag:s13] =	ssyncadd.s32 $0xFFFFFF00  }
.LBB2_25:
0x27b: {  	s9 =	simm.s32 $0x0  }
0x27c: {  	v0 =	vld [tilespmem:s9+$0xD5F0]  }
0x27d: {  	v1 =	vld [tilespmem:s9+$0xD500]  }
0x27e: {  	v2 =	vld [tilespmem:s9+$0xD510]  }
0x27f: {  	v3 =	vld [tilespmem:s9+$0xD520]  }
0x280: {  	v4 =	vld [tilespmem:s9+$0xD530]  }
0x281: {  	v5 =	vld [tilespmem:s9+$0xD540]  }
0x282: {  	v12 =	vld [tilespmem:s9+$0xD550]  }
0x283: {  	v13 =	vld [tilespmem:s9+$0xD560]  }
0x284: {  	v14 =	vld [tilespmem:s9+$0xD570]  }
0x285: {  	v11 =	vimm.f32 $0.0e+00;
	v15 =	vld [tilespmem:s9+$0xD580]  }
0x286: {  	v20 =	vld [tilespmem:s9+$0xD590];
	v0 =	vadd.f32 v0, v11  }
0x287: {  	v9 =	vadd.f32 v1, v11;
	v6 =	vadd.f32 v2, v11  }
0x288: {  	v16 =	vld [tilespmem:s9+$0xD5A0];
	v10 =	vadd.f32 v3, v11;
	v7 =	vadd.f32 v4, v11  }
0x289: {  	v17 =	vld [tilespmem:s9+$0xD5B0];
	v8 =	vadd.f32 v5, v11;
	v5 =	vadd.f32 v12, v11  }
0x28a: {  	v18 =	vld [tilespmem:s9+$0xD5C0];
	v4 =	vadd.f32 v13, v11;
	v3 =	vadd.f32 v14, v11  }
0x28b: {  	v19 =	vld [tilespmem:s9+$0xD5D0];
	v2 =	vadd.f32 v15, v11;
	v1 =	vadd.f32 v20, v11;
	v12 =	vimm.f32 $0.0e+00  }
0x28c: {  	s18 =	simm.s32 $0x100;
	s19 =	simm.s32 $0x800;
	v20 =	vld [tilespmem:s9+$0xD5E0];
	v15 =	vimm.f32 $0.0e+00;
	v13 =	vimm.f32 $0.0e+00;
	v14 =	vimm.f32 $0.0e+00  }
.LBB2_26:
0x28d: {  	p0 =	sne.s32 s19, $0x6000;
	v21 =	vld [tilespmem:s18+$0xD5F0];
	v11 =	vadd.f32 v16, v11  }
0x28e: {  	v16 =	vld [tilespmem:s18+$0xD500];
	v12 =	vadd.f32 v17, v12  }
0x28f: {  	v17 =	vld [tilespmem:s18+$0xD510];
	v15 =	vadd.f32 v18, v15  }
0x290: {  	v18 =	vld [tilespmem:s18+$0xD520];
	v13 =	vadd.f32 v19, v13  }
0x291: {  	v19 =	vld [tilespmem:s18+$0xD530];
	v14 =	vadd.f32 v20, v14  }
0x292: {  	v20 =	vld [tilespmem:s18+$0xD540];
	v0 =	vadd.f32 v21, v0  }
0x293: {  	v9 =	vadd.f32 v16, v9;
	v16 =	vld [tilespmem:s18+$0xD550]  }
0x294: {  	v6 =	vadd.f32 v17, v6;
	v17 =	vld [tilespmem:s18+$0xD560]  }
0x295: {  	v10 =	vadd.f32 v18, v10;
	v18 =	vld [tilespmem:s18+$0xD570]  }
0x296: {  	v7 =	vadd.f32 v19, v7;
	v19 =	vld [tilespmem:s18+$0xD580]  }
0x297: {  	v8 =	vadd.f32 v20, v8;
	v20 =	vld [tilespmem:s18+$0xD590]  }
.Ltmp13:
0x298: {  	v5 =	vadd.f32 v16, v5;
	v16 =	vld [tilespmem:s18+$0xD5A0];
	(pc) =	sbr.rel @p0 .LBB2_26-.Ltmp13, $4  }
0x299: {  	v4 =	vadd.f32 v17, v4;
	v17 =	vld [tilespmem:s18+$0xD5B0]  }
0x29a: {  	v3 =	vadd.f32 v18, v3;
	v18 =	vld [tilespmem:s18+$0xD5C0]  }
0x29b: {  	v2 =	vadd.f32 v19, v2;
	v19 =	vld [tilespmem:s18+$0xD5D0]  }
0x29c: {  	v1 =	vadd.f32 v20, v1;
	v20 =	vld [tilespmem:s18+$0xD5E0];
	s18 =	sshra.s32 s19, $0x2;
	s19 =	sadd.s32 $0x400, s19  }
0x29d: {  	v21 =	vld [tilespmem:s18+$0xD500]  }
0x29e: {  	v22 =	vld [tilespmem:s18+$0xD510]  }
0x29f: {  	v23 =	vld [tilespmem:s18+$0xD520]  }
0x2a0: {  	v24 =	vld [tilespmem:s18+$0xD530]  }
0x2a1: {  	v11 =	vadd.f32 v16, v11;
	v16 =	vld [tilespmem:s18+$0xD540]  }
0x2a2: {  	v12 =	vadd.f32 v17, v12;
	v17 =	vld [tilespmem:s18+$0xD550];
	v15 =	vadd.f32 v18, v15  }
0x2a3: {  	v18 =	vld [tilespmem:s18+$0xD560];
	v13 =	vadd.f32 v19, v13;
	v14 =	vadd.f32 v20, v14  }
0x2a4: {  	v19 =	vld [tilespmem:s18+$0xD570];
	v9 =	vadd.f32 v21, v9;
	v10 =	vadd.f32 v23, v10  }
0x2a5: {  	v20 =	vld [tilespmem:s18+$0xD580];
	v6 =	vadd.f32 v22, v6;
	v7 =	vadd.f32 v24, v7  }
0x2a6: {  	v8 =	vadd.f32 v16, v8;
	v16 =	vld [tilespmem:s18+$0xD590];
	v9 =	vadd.f32 v10, v9  }
0x2a7: {  	v5 =	vadd.f32 v17, v5;
	v10 =	vld [tilespmem:s18+$0xD5A0];
	v6 =	vadd.f32 v7, v6  }
0x2a8: {  	v4 =	vadd.f32 v18, v4;
	v7 =	vld [tilespmem:s18+$0xD5B0];
	v8 =	vadd.f32 v8, v9  }
0x2a9: {  	v3 =	vadd.f32 v19, v3;
	v9 =	vld [tilespmem:s18+$0xD5C0];
	v5 =	vadd.f32 v5, v6  }
0x2aa: {  	v2 =	vadd.f32 v20, v2;
	v6 =	vld [tilespmem:s18+$0xD5D0];
	v4 =	vadd.f32 v4, v8  }
0x2ab: {  	v1 =	vadd.f32 v16, v1;
	v8 =	vld [tilespmem:s18+$0xD5E0];
	v3 =	vadd.f32 v3, v5  }
0x2ac: {  	v5 =	vld [tilespmem:s18+$0xD5F0];
	v10 =	vadd.f32 v10, v11;
	v2 =	vadd.f32 v2, v4  }
0x2ad: {  	v4 =	vadd.f32 v7, v12;
	v1 =	vadd.f32 v1, v3  }
0x2ae: {  	v3 =	vadd.f32 v9, v15;
	v2 =	vadd.f32 v10, v2  }
0x2af: {  	v6 =	vadd.f32 v6, v13;
	v1 =	vadd.f32 v4, v1  }
0x2b0: {  	v4 =	vadd.f32 v8, v14;
	v2 =	vadd.f32 v3, v2  }
0x2b1: {  	v0 =	vadd.f32 v5, v0;
	v1 =	vadd.f32 v6, v1  }
0x2b2: {  	v2 =	vadd.f32 v4, v2  }
0x2b3: {  	v0 =	vadd.f32 v0, v1  }
0x2b4: {  	v1 =	vmul.f32 $4.999999890e-03, v2  }
0x2b5: {  	v0 =	vmul.f32 $4.999999890e-03, v0  }
0x2b6: {  	[tilespmem:$0x19E00] =	vst v1  }
0x2b7: {  	s9 =	simm.s32 $0x0;
	[tilespmem:$0x19E10] =	vst v0  }
0x2b8: {  	v0 =	vld [tilespmem:s9+$0xEEF0]  }
0x2b9: {  	v1 =	vld [tilespmem:s9+$0xEE00]  }
0x2ba: {  	v2 =	vld [tilespmem:s9+$0xEE10]  }
0x2bb: {  	v3 =	vld [tilespmem:s9+$0xEE20]  }
0x2bc: {  	v4 =	vld [tilespmem:s9+$0xEE30]  }
0x2bd: {  	v5 =	vld [tilespmem:s9+$0xEE40]  }
0x2be: {  	v12 =	vld [tilespmem:s9+$0xEE50]  }
0x2bf: {  	v13 =	vld [tilespmem:s9+$0xEE60]  }
0x2c0: {  	v14 =	vld [tilespmem:s9+$0xEE70]  }
0x2c1: {  	v11 =	vimm.f32 $0.0e+00;
	v15 =	vld [tilespmem:s9+$0xEE80]  }
0x2c2: {  	v20 =	vld [tilespmem:s9+$0xEE90];
	v0 =	vadd.f32 v0, v11  }
0x2c3: {  	v9 =	vadd.f32 v1, v11;
	v6 =	vadd.f32 v2, v11  }
0x2c4: {  	v16 =	vld [tilespmem:s9+$0xEEA0];
	v10 =	vadd.f32 v3, v11;
	v7 =	vadd.f32 v4, v11  }
0x2c5: {  	v17 =	vld [tilespmem:s9+$0xEEB0];
	v8 =	vadd.f32 v5, v11;
	v5 =	vadd.f32 v12, v11  }
0x2c6: {  	v18 =	vld [tilespmem:s9+$0xEEC0];
	v4 =	vadd.f32 v13, v11;
	v3 =	vadd.f32 v14, v11  }
0x2c7: {  	v19 =	vld [tilespmem:s9+$0xEED0];
	v2 =	vadd.f32 v15, v11;
	v1 =	vadd.f32 v20, v11;
	v12 =	vimm.f32 $0.0e+00  }
0x2c8: {  	s19 =	simm.s32 $0x800;
	s18 =	simm.s32 $0x100;
	v20 =	vld [tilespmem:s9+$0xEEE0];
	v15 =	vimm.f32 $0.0e+00;
	v13 =	vimm.f32 $0.0e+00;
	v14 =	vimm.f32 $0.0e+00  }
.LBB2_28:
0x2c9: {  	p0 =	sne.s32 s19, $0x6000;
	v21 =	vld [tilespmem:s18+$0xEEF0];
	v11 =	vadd.f32 v16, v11  }
0x2ca: {  	v16 =	vld [tilespmem:s18+$0xEE00];
	v12 =	vadd.f32 v17, v12  }
0x2cb: {  	v17 =	vld [tilespmem:s18+$0xEE10];
	v15 =	vadd.f32 v18, v15  }
0x2cc: {  	v18 =	vld [tilespmem:s18+$0xEE20];
	v13 =	vadd.f32 v19, v13  }
0x2cd: {  	v19 =	vld [tilespmem:s18+$0xEE30];
	v14 =	vadd.f32 v20, v14  }
0x2ce: {  	v20 =	vld [tilespmem:s18+$0xEE40];
	v0 =	vadd.f32 v21, v0  }
0x2cf: {  	v9 =	vadd.f32 v16, v9;
	v16 =	vld [tilespmem:s18+$0xEE50]  }
0x2d0: {  	v6 =	vadd.f32 v17, v6;
	v17 =	vld [tilespmem:s18+$0xEE60]  }
0x2d1: {  	v10 =	vadd.f32 v18, v10;
	v18 =	vld [tilespmem:s18+$0xEE70]  }
0x2d2: {  	v7 =	vadd.f32 v19, v7;
	v19 =	vld [tilespmem:s18+$0xEE80]  }
0x2d3: {  	v8 =	vadd.f32 v20, v8;
	v20 =	vld [tilespmem:s18+$0xEE90]  }
.Ltmp14:
0x2d4: {  	v5 =	vadd.f32 v16, v5;
	v16 =	vld [tilespmem:s18+$0xEEA0];
	(pc) =	sbr.rel @p0 .LBB2_28-.Ltmp14, $4  }
0x2d5: {  	v4 =	vadd.f32 v17, v4;
	v17 =	vld [tilespmem:s18+$0xEEB0]  }
0x2d6: {  	v3 =	vadd.f32 v18, v3;
	v18 =	vld [tilespmem:s18+$0xEEC0]  }
0x2d7: {  	v2 =	vadd.f32 v19, v2;
	v19 =	vld [tilespmem:s18+$0xEED0]  }
0x2d8: {  	v1 =	vadd.f32 v20, v1;
	v20 =	vld [tilespmem:s18+$0xEEE0];
	s18 =	sshra.s32 s19, $0x2;
	s19 =	sadd.s32 $0x400, s19  }
0x2d9: {  	v21 =	vld [tilespmem:s18+$0xEE00]  }
0x2da: {  	v22 =	vld [tilespmem:s18+$0xEE10]  }
0x2db: {  	v23 =	vld [tilespmem:s18+$0xEE20]  }
0x2dc: {  	v24 =	vld [tilespmem:s18+$0xEE30]  }
0x2dd: {  	v11 =	vadd.f32 v16, v11;
	v16 =	vld [tilespmem:s18+$0xEE40]  }
0x2de: {  	v12 =	vadd.f32 v17, v12;
	v17 =	vld [tilespmem:s18+$0xEE50];
	v15 =	vadd.f32 v18, v15  }
0x2df: {  	v18 =	vld [tilespmem:s18+$0xEE60];
	v13 =	vadd.f32 v19, v13;
	v14 =	vadd.f32 v20, v14  }
0x2e0: {  	v19 =	vld [tilespmem:s18+$0xEE70];
	v9 =	vadd.f32 v21, v9;
	v10 =	vadd.f32 v23, v10  }
0x2e1: {  	v20 =	vld [tilespmem:s18+$0xEE80];
	v6 =	vadd.f32 v22, v6;
	v7 =	vadd.f32 v24, v7  }
0x2e2: {  	v8 =	vadd.f32 v16, v8;
	v16 =	vld [tilespmem:s18+$0xEE90];
	v9 =	vadd.f32 v10, v9  }
0x2e3: {  	v5 =	vadd.f32 v17, v5;
	v10 =	vld [tilespmem:s18+$0xEEA0];
	v6 =	vadd.f32 v7, v6  }
0x2e4: {  	v4 =	vadd.f32 v18, v4;
	v7 =	vld [tilespmem:s18+$0xEEB0];
	v8 =	vadd.f32 v8, v9  }
0x2e5: {  	v3 =	vadd.f32 v19, v3;
	v9 =	vld [tilespmem:s18+$0xEEC0];
	v5 =	vadd.f32 v5, v6  }
0x2e6: {  	v2 =	vadd.f32 v20, v2;
	v6 =	vld [tilespmem:s18+$0xEED0];
	v4 =	vadd.f32 v4, v8  }
0x2e7: {  	v1 =	vadd.f32 v16, v1;
	v8 =	vld [tilespmem:s18+$0xEEE0];
	v3 =	vadd.f32 v3, v5  }
0x2e8: {  	v5 =	vld [tilespmem:s18+$0xEEF0];
	v10 =	vadd.f32 v10, v11;
	v2 =	vadd.f32 v2, v4  }
0x2e9: {  	v4 =	vadd.f32 v7, v12;
	v1 =	vadd.f32 v1, v3  }
0x2ea: {  	v3 =	vadd.f32 v9, v15;
	v2 =	vadd.f32 v10, v2  }
0x2eb: {  	v6 =	vadd.f32 v6, v13;
	v1 =	vadd.f32 v4, v1  }
0x2ec: {  	v4 =	vadd.f32 v8, v14;
	v2 =	vadd.f32 v3, v2  }
0x2ed: {  	v0 =	vadd.f32 v5, v0;
	v1 =	vadd.f32 v6, v1  }
0x2ee: {  	v2 =	vadd.f32 v4, v2  }
0x2ef: {  	v0 =	vadd.f32 v0, v1  }
0x2f0: {  	v1 =	vmul.f32 $4.999999890e-03, v2  }
0x2f1: {  	v0 =	vmul.f32 $4.999999890e-03, v0  }
0x2f2: {  	[tilespmem:$0x19E20] =	vst v1  }
0x2f3: {  	s9 =	simm.s32 $0x0;
	[tilespmem:$0x19E30] =	vst v0  }
0x2f4: {  	v0 =	vld [tilespmem:s9+$0x107F0]  }
0x2f5: {  	v1 =	vld [tilespmem:s9+$0x10700]  }
0x2f6: {  	v2 =	vld [tilespmem:s9+$0x10710]  }
0x2f7: {  	v3 =	vld [tilespmem:s9+$0x10720]  }
0x2f8: {  	v4 =	vld [tilespmem:s9+$0x10730]  }
0x2f9: {  	v5 =	vld [tilespmem:s9+$0x10740]  }
0x2fa: {  	v12 =	vld [tilespmem:s9+$0x10750]  }
0x2fb: {  	v13 =	vld [tilespmem:s9+$0x10760]  }
0x2fc: {  	v14 =	vld [tilespmem:s9+$0x10770]  }
0x2fd: {  	v11 =	vimm.f32 $0.0e+00;
	v15 =	vld [tilespmem:s9+$0x10780]  }
0x2fe: {  	v20 =	vld [tilespmem:s9+$0x10790];
	v0 =	vadd.f32 v0, v11  }
0x2ff: {  	v9 =	vadd.f32 v1, v11;
	v6 =	vadd.f32 v2, v11  }
0x300: {  	v16 =	vld [tilespmem:s9+$0x107A0];
	v10 =	vadd.f32 v3, v11;
	v7 =	vadd.f32 v4, v11  }
0x301: {  	v17 =	vld [tilespmem:s9+$0x107B0];
	v8 =	vadd.f32 v5, v11;
	v5 =	vadd.f32 v12, v11  }
0x302: {  	v18 =	vld [tilespmem:s9+$0x107C0];
	v4 =	vadd.f32 v13, v11;
	v3 =	vadd.f32 v14, v11  }
0x303: {  	v19 =	vld [tilespmem:s9+$0x107D0];
	v2 =	vadd.f32 v15, v11;
	v1 =	vadd.f32 v20, v11;
	v12 =	vimm.f32 $0.0e+00  }
0x304: {  	s19 =	simm.s32 $0x800;
	s18 =	simm.s32 $0x100;
	v20 =	vld [tilespmem:s9+$0x107E0];
	v15 =	vimm.f32 $0.0e+00;
	v13 =	vimm.f32 $0.0e+00;
	v14 =	vimm.f32 $0.0e+00  }
.LBB2_30:
0x305: {  	p0 =	sne.s32 s19, $0x6000;
	v21 =	vld [tilespmem:s18+$0x107F0];
	v11 =	vadd.f32 v16, v11  }
0x306: {  	v16 =	vld [tilespmem:s18+$0x10700];
	v12 =	vadd.f32 v17, v12  }
0x307: {  	v17 =	vld [tilespmem:s18+$0x10710];
	v15 =	vadd.f32 v18, v15  }
0x308: {  	v18 =	vld [tilespmem:s18+$0x10720];
	v13 =	vadd.f32 v19, v13  }
0x309: {  	v19 =	vld [tilespmem:s18+$0x10730];
	v14 =	vadd.f32 v20, v14  }
0x30a: {  	v20 =	vld [tilespmem:s18+$0x10740];
	v0 =	vadd.f32 v21, v0  }
0x30b: {  	v9 =	vadd.f32 v16, v9;
	v16 =	vld [tilespmem:s18+$0x10750]  }
0x30c: {  	v6 =	vadd.f32 v17, v6;
	v17 =	vld [tilespmem:s18+$0x10760]  }
0x30d: {  	v10 =	vadd.f32 v18, v10;
	v18 =	vld [tilespmem:s18+$0x10770]  }
0x30e: {  	v7 =	vadd.f32 v19, v7;
	v19 =	vld [tilespmem:s18+$0x10780]  }
0x30f: {  	v8 =	vadd.f32 v20, v8;
	v20 =	vld [tilespmem:s18+$0x10790]  }
.Ltmp15:
0x310: {  	v5 =	vadd.f32 v16, v5;
	v16 =	vld [tilespmem:s18+$0x107A0];
	(pc) =	sbr.rel @p0 .LBB2_30-.Ltmp15, $4  }
0x311: {  	v4 =	vadd.f32 v17, v4;
	v17 =	vld [tilespmem:s18+$0x107B0]  }
0x312: {  	v3 =	vadd.f32 v18, v3;
	v18 =	vld [tilespmem:s18+$0x107C0]  }
0x313: {  	v2 =	vadd.f32 v19, v2;
	v19 =	vld [tilespmem:s18+$0x107D0]  }
0x314: {  	v1 =	vadd.f32 v20, v1;
	v20 =	vld [tilespmem:s18+$0x107E0];
	s18 =	sshra.s32 s19, $0x2;
	s19 =	sadd.s32 $0x400, s19  }
0x315: {  	v21 =	vld [tilespmem:s18+$0x10700]  }
0x316: {  	v22 =	vld [tilespmem:s18+$0x10710]  }
0x317: {  	v23 =	vld [tilespmem:s18+$0x10720]  }
0x318: {  	v24 =	vld [tilespmem:s18+$0x10730]  }
0x319: {  	v11 =	vadd.f32 v16, v11;
	v16 =	vld [tilespmem:s18+$0x10740]  }
0x31a: {  	v12 =	vadd.f32 v17, v12;
	v17 =	vld [tilespmem:s18+$0x10750];
	v15 =	vadd.f32 v18, v15  }
0x31b: {  	v18 =	vld [tilespmem:s18+$0x10760];
	v13 =	vadd.f32 v19, v13;
	v14 =	vadd.f32 v20, v14  }
0x31c: {  	v19 =	vld [tilespmem:s18+$0x10770];
	v9 =	vadd.f32 v21, v9;
	v10 =	vadd.f32 v23, v10  }
0x31d: {  	v20 =	vld [tilespmem:s18+$0x10780];
	v6 =	vadd.f32 v22, v6;
	v7 =	vadd.f32 v24, v7  }
0x31e: {  	v8 =	vadd.f32 v16, v8;
	v16 =	vld [tilespmem:s18+$0x10790];
	v9 =	vadd.f32 v10, v9  }
0x31f: {  	v5 =	vadd.f32 v17, v5;
	v10 =	vld [tilespmem:s18+$0x107A0];
	v6 =	vadd.f32 v7, v6  }
0x320: {  	v4 =	vadd.f32 v18, v4;
	v7 =	vld [tilespmem:s18+$0x107B0];
	v8 =	vadd.f32 v8, v9  }
0x321: {  	v3 =	vadd.f32 v19, v3;
	v9 =	vld [tilespmem:s18+$0x107C0];
	v5 =	vadd.f32 v5, v6  }
0x322: {  	v2 =	vadd.f32 v20, v2;
	v6 =	vld [tilespmem:s18+$0x107D0];
	v4 =	vadd.f32 v4, v8  }
0x323: {  	v1 =	vadd.f32 v16, v1;
	v8 =	vld [tilespmem:s18+$0x107E0];
	v3 =	vadd.f32 v3, v5  }
0x324: {  	v5 =	vld [tilespmem:s18+$0x107F0];
	v10 =	vadd.f32 v10, v11;
	v2 =	vadd.f32 v2, v4  }
0x325: {  	v4 =	vadd.f32 v7, v12;
	v1 =	vadd.f32 v1, v3  }
0x326: {  	v3 =	vadd.f32 v9, v15;
	v2 =	vadd.f32 v10, v2  }
0x327: {  	v6 =	vadd.f32 v6, v13;
	v1 =	vadd.f32 v4, v1  }
0x328: {  	v4 =	vadd.f32 v8, v14;
	v2 =	vadd.f32 v3, v2  }
0x329: {  	v0 =	vadd.f32 v5, v0;
	v1 =	vadd.f32 v6, v1  }
0x32a: {  	v2 =	vadd.f32 v4, v2  }
0x32b: {  	v0 =	vadd.f32 v0, v1  }
0x32c: {  	v1 =	vmul.f32 $4.999999890e-03, v2  }
0x32d: {  	v0 =	vmul.f32 $4.999999890e-03, v0  }
0x32e: {  	[tilespmem:$0x19E40] =	vst v1  }
0x32f: {  	s9 =	simm.s32 $0x0;
	[tilespmem:$0x19E50] =	vst v0  }
0x330: {  	v0 =	vld [tilespmem:s9+$0x120F0]  }
0x331: {  	v1 =	vld [tilespmem:s9+$0x12000]  }
0x332: {  	v2 =	vld [tilespmem:s9+$0x12010]  }
0x333: {  	v3 =	vld [tilespmem:s9+$0x12020]  }
0x334: {  	v4 =	vld [tilespmem:s9+$0x12030]  }
0x335: {  	v5 =	vld [tilespmem:s9+$0x12040]  }
0x336: {  	v12 =	vld [tilespmem:s9+$0x12050]  }
0x337: {  	v13 =	vld [tilespmem:s9+$0x12060]  }
0x338: {  	v14 =	vld [tilespmem:s9+$0x12070]  }
0x339: {  	v11 =	vimm.f32 $0.0e+00;
	v15 =	vld [tilespmem:s9+$0x12080]  }
0x33a: {  	v20 =	vld [tilespmem:s9+$0x12090];
	v0 =	vadd.f32 v0, v11  }
0x33b: {  	v9 =	vadd.f32 v1, v11;
	v6 =	vadd.f32 v2, v11  }
0x33c: {  	v16 =	vld [tilespmem:s9+$0x120A0];
	v10 =	vadd.f32 v3, v11;
	v7 =	vadd.f32 v4, v11  }
0x33d: {  	v17 =	vld [tilespmem:s9+$0x120B0];
	v8 =	vadd.f32 v5, v11;
	v5 =	vadd.f32 v12, v11  }
0x33e: {  	v18 =	vld [tilespmem:s9+$0x120C0];
	v4 =	vadd.f32 v13, v11;
	v3 =	vadd.f32 v14, v11  }
0x33f: {  	v19 =	vld [tilespmem:s9+$0x120D0];
	v2 =	vadd.f32 v15, v11;
	v1 =	vadd.f32 v20, v11;
	v12 =	vimm.f32 $0.0e+00  }
0x340: {  	s19 =	simm.s32 $0x800;
	s18 =	simm.s32 $0x100;
	v20 =	vld [tilespmem:s9+$0x120E0];
	v15 =	vimm.f32 $0.0e+00;
	v13 =	vimm.f32 $0.0e+00;
	v14 =	vimm.f32 $0.0e+00  }
.LBB2_32:
0x341: {  	p0 =	sne.s32 s19, $0x6000;
	v21 =	vld [tilespmem:s18+$0x120F0];
	v11 =	vadd.f32 v16, v11  }
0x342: {  	v16 =	vld [tilespmem:s18+$0x12000];
	v12 =	vadd.f32 v17, v12  }
0x343: {  	v17 =	vld [tilespmem:s18+$0x12010];
	v15 =	vadd.f32 v18, v15  }
0x344: {  	v18 =	vld [tilespmem:s18+$0x12020];
	v13 =	vadd.f32 v19, v13  }
0x345: {  	v19 =	vld [tilespmem:s18+$0x12030];
	v14 =	vadd.f32 v20, v14  }
0x346: {  	v20 =	vld [tilespmem:s18+$0x12040];
	v0 =	vadd.f32 v21, v0  }
0x347: {  	v9 =	vadd.f32 v16, v9;
	v16 =	vld [tilespmem:s18+$0x12050]  }
0x348: {  	v6 =	vadd.f32 v17, v6;
	v17 =	vld [tilespmem:s18+$0x12060]  }
0x349: {  	v10 =	vadd.f32 v18, v10;
	v18 =	vld [tilespmem:s18+$0x12070]  }
0x34a: {  	v7 =	vadd.f32 v19, v7;
	v19 =	vld [tilespmem:s18+$0x12080]  }
0x34b: {  	v8 =	vadd.f32 v20, v8;
	v20 =	vld [tilespmem:s18+$0x12090]  }
.Ltmp16:
0x34c: {  	v5 =	vadd.f32 v16, v5;
	v16 =	vld [tilespmem:s18+$0x120A0];
	(pc) =	sbr.rel @p0 .LBB2_32-.Ltmp16, $4  }
0x34d: {  	v4 =	vadd.f32 v17, v4;
	v17 =	vld [tilespmem:s18+$0x120B0]  }
0x34e: {  	v3 =	vadd.f32 v18, v3;
	v18 =	vld [tilespmem:s18+$0x120C0]  }
0x34f: {  	v2 =	vadd.f32 v19, v2;
	v19 =	vld [tilespmem:s18+$0x120D0]  }
0x350: {  	v1 =	vadd.f32 v20, v1;
	v20 =	vld [tilespmem:s18+$0x120E0];
	s18 =	sshra.s32 s19, $0x2;
	s19 =	sadd.s32 $0x400, s19  }
0x351: {  	v21 =	vld [tilespmem:s18+$0x12000]  }
0x352: {  	v22 =	vld [tilespmem:s18+$0x12010]  }
0x353: {  	v23 =	vld [tilespmem:s18+$0x12020]  }
0x354: {  	v24 =	vld [tilespmem:s18+$0x12030]  }
0x355: {  	v11 =	vadd.f32 v16, v11;
	v16 =	vld [tilespmem:s18+$0x12040]  }
0x356: {  	v12 =	vadd.f32 v17, v12;
	v17 =	vld [tilespmem:s18+$0x12050];
	v15 =	vadd.f32 v18, v15  }
0x357: {  	v18 =	vld [tilespmem:s18+$0x12060];
	v13 =	vadd.f32 v19, v13;
	v14 =	vadd.f32 v20, v14  }
0x358: {  	v19 =	vld [tilespmem:s18+$0x12070];
	v9 =	vadd.f32 v21, v9;
	v10 =	vadd.f32 v23, v10  }
0x359: {  	v20 =	vld [tilespmem:s18+$0x12080];
	v6 =	vadd.f32 v22, v6;
	v7 =	vadd.f32 v24, v7  }
0x35a: {  	v8 =	vadd.f32 v16, v8;
	v16 =	vld [tilespmem:s18+$0x12090];
	v9 =	vadd.f32 v10, v9  }
0x35b: {  	v5 =	vadd.f32 v17, v5;
	v10 =	vld [tilespmem:s18+$0x120A0];
	v6 =	vadd.f32 v7, v6  }
0x35c: {  	v4 =	vadd.f32 v18, v4;
	v7 =	vld [tilespmem:s18+$0x120B0];
	v8 =	vadd.f32 v8, v9  }
0x35d: {  	v3 =	vadd.f32 v19, v3;
	v9 =	vld [tilespmem:s18+$0x120C0];
	v5 =	vadd.f32 v5, v6  }
0x35e: {  	v2 =	vadd.f32 v20, v2;
	v6 =	vld [tilespmem:s18+$0x120D0];
	v4 =	vadd.f32 v4, v8  }
0x35f: {  	v1 =	vadd.f32 v16, v1;
	v8 =	vld [tilespmem:s18+$0x120E0];
	v3 =	vadd.f32 v3, v5  }
0x360: {  	v5 =	vld [tilespmem:s18+$0x120F0];
	v10 =	vadd.f32 v10, v11;
	v2 =	vadd.f32 v2, v4  }
0x361: {  	v4 =	vadd.f32 v7, v12;
	v1 =	vadd.f32 v1, v3  }
0x362: {  	v3 =	vadd.f32 v9, v15;
	v2 =	vadd.f32 v10, v2  }
0x363: {  	v6 =	vadd.f32 v6, v13;
	v1 =	vadd.f32 v4, v1  }
0x364: {  	v4 =	vadd.f32 v8, v14;
	v2 =	vadd.f32 v3, v2  }
0x365: {  	v0 =	vadd.f32 v5, v0;
	v1 =	vadd.f32 v6, v1  }
0x366: {  	v2 =	vadd.f32 v4, v2  }
0x367: {  	v0 =	vadd.f32 v0, v1  }
0x368: {  	v1 =	vmul.f32 $4.999999890e-03, v2  }
0x369: {  	v0 =	vmul.f32 $4.999999890e-03, v0  }
0x36a: {  	[tilespmem:$0x19E60] =	vst v1  }
0x36b: {  	s9 =	simm.s32 $0x0;
	[tilespmem:$0x19E70] =	vst v0  }
0x36c: {  	v0 =	vld [tilespmem:s9+$0x139F0]  }
0x36d: {  	v1 =	vld [tilespmem:s9+$0x13900]  }
0x36e: {  	v2 =	vld [tilespmem:s9+$0x13910]  }
0x36f: {  	v3 =	vld [tilespmem:s9+$0x13920]  }
0x370: {  	v4 =	vld [tilespmem:s9+$0x13930]  }
0x371: {  	v5 =	vld [tilespmem:s9+$0x13940]  }
0x372: {  	v12 =	vld [tilespmem:s9+$0x13950]  }
0x373: {  	v13 =	vld [tilespmem:s9+$0x13960]  }
0x374: {  	v14 =	vld [tilespmem:s9+$0x13970]  }
0x375: {  	v11 =	vimm.f32 $0.0e+00;
	v15 =	vld [tilespmem:s9+$0x13980]  }
0x376: {  	v20 =	vld [tilespmem:s9+$0x13990];
	v0 =	vadd.f32 v0, v11  }
0x377: {  	v9 =	vadd.f32 v1, v11;
	v6 =	vadd.f32 v2, v11  }
0x378: {  	v16 =	vld [tilespmem:s9+$0x139A0];
	v10 =	vadd.f32 v3, v11;
	v7 =	vadd.f32 v4, v11  }
0x379: {  	v17 =	vld [tilespmem:s9+$0x139B0];
	v8 =	vadd.f32 v5, v11;
	v5 =	vadd.f32 v12, v11  }
0x37a: {  	v18 =	vld [tilespmem:s9+$0x139C0];
	v4 =	vadd.f32 v13, v11;
	v3 =	vadd.f32 v14, v11  }
0x37b: {  	v19 =	vld [tilespmem:s9+$0x139D0];
	v2 =	vadd.f32 v15, v11;
	v1 =	vadd.f32 v20, v11;
	v12 =	vimm.f32 $0.0e+00  }
0x37c: {  	s19 =	simm.s32 $0x800;
	s18 =	simm.s32 $0x100;
	v20 =	vld [tilespmem:s9+$0x139E0];
	v15 =	vimm.f32 $0.0e+00;
	v13 =	vimm.f32 $0.0e+00;
	v14 =	vimm.f32 $0.0e+00  }
.LBB2_34:
0x37d: {  	p0 =	sne.s32 s19, $0x6000;
	v21 =	vld [tilespmem:s18+$0x139F0];
	v11 =	vadd.f32 v16, v11  }
0x37e: {  	v16 =	vld [tilespmem:s18+$0x13900];
	v12 =	vadd.f32 v17, v12  }
0x37f: {  	v17 =	vld [tilespmem:s18+$0x13910];
	v15 =	vadd.f32 v18, v15  }
0x380: {  	v18 =	vld [tilespmem:s18+$0x13920];
	v13 =	vadd.f32 v19, v13  }
0x381: {  	v19 =	vld [tilespmem:s18+$0x13930];
	v14 =	vadd.f32 v20, v14  }
0x382: {  	v20 =	vld [tilespmem:s18+$0x13940];
	v0 =	vadd.f32 v21, v0  }
0x383: {  	v9 =	vadd.f32 v16, v9;
	v16 =	vld [tilespmem:s18+$0x13950]  }
0x384: {  	v6 =	vadd.f32 v17, v6;
	v17 =	vld [tilespmem:s18+$0x13960]  }
0x385: {  	v10 =	vadd.f32 v18, v10;
	v18 =	vld [tilespmem:s18+$0x13970]  }
0x386: {  	v7 =	vadd.f32 v19, v7;
	v19 =	vld [tilespmem:s18+$0x13980]  }
0x387: {  	v8 =	vadd.f32 v20, v8;
	v20 =	vld [tilespmem:s18+$0x13990]  }
.Ltmp17:
0x388: {  	v5 =	vadd.f32 v16, v5;
	v16 =	vld [tilespmem:s18+$0x139A0];
	(pc) =	sbr.rel @p0 .LBB2_34-.Ltmp17, $4  }
0x389: {  	v4 =	vadd.f32 v17, v4;
	v17 =	vld [tilespmem:s18+$0x139B0]  }
0x38a: {  	v3 =	vadd.f32 v18, v3;
	v18 =	vld [tilespmem:s18+$0x139C0]  }
0x38b: {  	v2 =	vadd.f32 v19, v2;
	v19 =	vld [tilespmem:s18+$0x139D0]  }
0x38c: {  	v1 =	vadd.f32 v20, v1;
	v20 =	vld [tilespmem:s18+$0x139E0];
	s18 =	sshra.s32 s19, $0x2;
	s19 =	sadd.s32 $0x400, s19  }
0x38d: {  	v21 =	vld [tilespmem:s18+$0x13900]  }
0x38e: {  	v22 =	vld [tilespmem:s18+$0x13910]  }
0x38f: {  	v23 =	vld [tilespmem:s18+$0x13920]  }
0x390: {  	v24 =	vld [tilespmem:s18+$0x13930]  }
0x391: {  	v11 =	vadd.f32 v16, v11;
	v16 =	vld [tilespmem:s18+$0x13940]  }
0x392: {  	v12 =	vadd.f32 v17, v12;
	v17 =	vld [tilespmem:s18+$0x13950];
	v15 =	vadd.f32 v18, v15  }
0x393: {  	v18 =	vld [tilespmem:s18+$0x13960];
	v13 =	vadd.f32 v19, v13;
	v14 =	vadd.f32 v20, v14  }
0x394: {  	v19 =	vld [tilespmem:s18+$0x13970];
	v9 =	vadd.f32 v21, v9;
	v10 =	vadd.f32 v23, v10  }
0x395: {  	v20 =	vld [tilespmem:s18+$0x13980];
	v6 =	vadd.f32 v22, v6;
	v7 =	vadd.f32 v24, v7  }
0x396: {  	v8 =	vadd.f32 v16, v8;
	v16 =	vld [tilespmem:s18+$0x13990];
	v9 =	vadd.f32 v10, v9  }
0x397: {  	v5 =	vadd.f32 v17, v5;
	v10 =	vld [tilespmem:s18+$0x139A0];
	v6 =	vadd.f32 v7, v6  }
0x398: {  	v4 =	vadd.f32 v18, v4;
	v7 =	vld [tilespmem:s18+$0x139B0];
	v8 =	vadd.f32 v8, v9  }
0x399: {  	v3 =	vadd.f32 v19, v3;
	v9 =	vld [tilespmem:s18+$0x139C0];
	v5 =	vadd.f32 v5, v6  }
0x39a: {  	v2 =	vadd.f32 v20, v2;
	v6 =	vld [tilespmem:s18+$0x139D0];
	v4 =	vadd.f32 v4, v8  }
0x39b: {  	v1 =	vadd.f32 v16, v1;
	v8 =	vld [tilespmem:s18+$0x139E0];
	v3 =	vadd.f32 v3, v5  }
0x39c: {  	v5 =	vld [tilespmem:s18+$0x139F0];
	v10 =	vadd.f32 v10, v11;
	v2 =	vadd.f32 v2, v4  }
0x39d: {  	v4 =	vadd.f32 v7, v12;
	v1 =	vadd.f32 v1, v3  }
0x39e: {  	v3 =	vadd.f32 v9, v15;
	v2 =	vadd.f32 v10, v2  }
0x39f: {  	v6 =	vadd.f32 v6, v13;
	v1 =	vadd.f32 v4, v1  }
0x3a0: {  	v4 =	vadd.f32 v8, v14;
	v2 =	vadd.f32 v3, v2  }
0x3a1: {  	v0 =	vadd.f32 v5, v0;
	v1 =	vadd.f32 v6, v1  }
0x3a2: {  	v2 =	vadd.f32 v4, v2  }
0x3a3: {  	v0 =	vadd.f32 v0, v1  }
0x3a4: {  	v1 =	vmul.f32 $4.999999890e-03, v2  }
0x3a5: {  	v0 =	vmul.f32 $4.999999890e-03, v0  }
0x3a6: {  	[tilespmem:$0x19E80] =	vst v1  }
0x3a7: {  	s9 =	simm.s32 $0x0;
	[tilespmem:$0x19E90] =	vst v0  }
0x3a8: {  	v0 =	vld [tilespmem:s9+$0x152F0]  }
0x3a9: {  	v1 =	vld [tilespmem:s9+$0x15200]  }
0x3aa: {  	v2 =	vld [tilespmem:s9+$0x15210]  }
0x3ab: {  	v3 =	vld [tilespmem:s9+$0x15220]  }
0x3ac: {  	v4 =	vld [tilespmem:s9+$0x15230]  }
0x3ad: {  	v5 =	vld [tilespmem:s9+$0x15240]  }
0x3ae: {  	v12 =	vld [tilespmem:s9+$0x15250]  }
0x3af: {  	v13 =	vld [tilespmem:s9+$0x15260]  }
0x3b0: {  	v14 =	vld [tilespmem:s9+$0x15270]  }
0x3b1: {  	v11 =	vimm.f32 $0.0e+00;
	v15 =	vld [tilespmem:s9+$0x15280]  }
0x3b2: {  	v20 =	vld [tilespmem:s9+$0x15290];
	v0 =	vadd.f32 v0, v11  }
0x3b3: {  	v9 =	vadd.f32 v1, v11;
	v6 =	vadd.f32 v2, v11  }
0x3b4: {  	v16 =	vld [tilespmem:s9+$0x152A0];
	v10 =	vadd.f32 v3, v11;
	v7 =	vadd.f32 v4, v11  }
0x3b5: {  	v17 =	vld [tilespmem:s9+$0x152B0];
	v8 =	vadd.f32 v5, v11;
	v5 =	vadd.f32 v12, v11  }
0x3b6: {  	v18 =	vld [tilespmem:s9+$0x152C0];
	v4 =	vadd.f32 v13, v11;
	v3 =	vadd.f32 v14, v11  }
0x3b7: {  	v19 =	vld [tilespmem:s9+$0x152D0];
	v2 =	vadd.f32 v15, v11;
	v1 =	vadd.f32 v20, v11;
	v12 =	vimm.f32 $0.0e+00  }
0x3b8: {  	s19 =	simm.s32 $0x800;
	s18 =	simm.s32 $0x100;
	v20 =	vld [tilespmem:s9+$0x152E0];
	v15 =	vimm.f32 $0.0e+00;
	v13 =	vimm.f32 $0.0e+00;
	v14 =	vimm.f32 $0.0e+00  }
.LBB2_36:
0x3b9: {  	p0 =	sne.s32 s19, $0x6000;
	v21 =	vld [tilespmem:s18+$0x152F0];
	v11 =	vadd.f32 v16, v11  }
0x3ba: {  	v16 =	vld [tilespmem:s18+$0x15200];
	v12 =	vadd.f32 v17, v12  }
0x3bb: {  	v17 =	vld [tilespmem:s18+$0x15210];
	v15 =	vadd.f32 v18, v15  }
0x3bc: {  	v18 =	vld [tilespmem:s18+$0x15220];
	v13 =	vadd.f32 v19, v13  }
0x3bd: {  	v19 =	vld [tilespmem:s18+$0x15230];
	v14 =	vadd.f32 v20, v14  }
0x3be: {  	v20 =	vld [tilespmem:s18+$0x15240];
	v0 =	vadd.f32 v21, v0  }
0x3bf: {  	v9 =	vadd.f32 v16, v9;
	v16 =	vld [tilespmem:s18+$0x15250]  }
0x3c0: {  	v6 =	vadd.f32 v17, v6;
	v17 =	vld [tilespmem:s18+$0x15260]  }
0x3c1: {  	v10 =	vadd.f32 v18, v10;
	v18 =	vld [tilespmem:s18+$0x15270]  }
0x3c2: {  	v7 =	vadd.f32 v19, v7;
	v19 =	vld [tilespmem:s18+$0x15280]  }
0x3c3: {  	v8 =	vadd.f32 v20, v8;
	v20 =	vld [tilespmem:s18+$0x15290]  }
.Ltmp18:
0x3c4: {  	v5 =	vadd.f32 v16, v5;
	v16 =	vld [tilespmem:s18+$0x152A0];
	(pc) =	sbr.rel @p0 .LBB2_36-.Ltmp18, $4  }
0x3c5: {  	v4 =	vadd.f32 v17, v4;
	v17 =	vld [tilespmem:s18+$0x152B0]  }
0x3c6: {  	v3 =	vadd.f32 v18, v3;
	v18 =	vld [tilespmem:s18+$0x152C0]  }
0x3c7: {  	v2 =	vadd.f32 v19, v2;
	v19 =	vld [tilespmem:s18+$0x152D0]  }
0x3c8: {  	v1 =	vadd.f32 v20, v1;
	v20 =	vld [tilespmem:s18+$0x152E0];
	s18 =	sshra.s32 s19, $0x2;
	s19 =	sadd.s32 $0x400, s19  }
0x3c9: {  	v21 =	vld [tilespmem:s18+$0x15200]  }
0x3ca: {  	v22 =	vld [tilespmem:s18+$0x15210]  }
0x3cb: {  	v23 =	vld [tilespmem:s18+$0x15220]  }
0x3cc: {  	v24 =	vld [tilespmem:s18+$0x15230]  }
0x3cd: {  	v11 =	vadd.f32 v16, v11;
	v16 =	vld [tilespmem:s18+$0x15240]  }
0x3ce: {  	v12 =	vadd.f32 v17, v12;
	v17 =	vld [tilespmem:s18+$0x15250];
	v15 =	vadd.f32 v18, v15  }
0x3cf: {  	v18 =	vld [tilespmem:s18+$0x15260];
	v13 =	vadd.f32 v19, v13;
	v14 =	vadd.f32 v20, v14  }
0x3d0: {  	v19 =	vld [tilespmem:s18+$0x15270];
	v9 =	vadd.f32 v21, v9;
	v10 =	vadd.f32 v23, v10  }
0x3d1: {  	v20 =	vld [tilespmem:s18+$0x15280];
	v6 =	vadd.f32 v22, v6;
	v7 =	vadd.f32 v24, v7  }
0x3d2: {  	v8 =	vadd.f32 v16, v8;
	v16 =	vld [tilespmem:s18+$0x15290];
	v9 =	vadd.f32 v10, v9  }
0x3d3: {  	v5 =	vadd.f32 v17, v5;
	v10 =	vld [tilespmem:s18+$0x152A0];
	v6 =	vadd.f32 v7, v6  }
0x3d4: {  	v4 =	vadd.f32 v18, v4;
	v7 =	vld [tilespmem:s18+$0x152B0];
	v8 =	vadd.f32 v8, v9  }
0x3d5: {  	v3 =	vadd.f32 v19, v3;
	v9 =	vld [tilespmem:s18+$0x152C0];
	v5 =	vadd.f32 v5, v6  }
0x3d6: {  	v2 =	vadd.f32 v20, v2;
	v6 =	vld [tilespmem:s18+$0x152D0];
	v4 =	vadd.f32 v4, v8  }
0x3d7: {  	v1 =	vadd.f32 v16, v1;
	v8 =	vld [tilespmem:s18+$0x152E0];
	v3 =	vadd.f32 v3, v5  }
0x3d8: {  	v5 =	vld [tilespmem:s18+$0x152F0];
	v10 =	vadd.f32 v10, v11;
	v2 =	vadd.f32 v2, v4  }
0x3d9: {  	v4 =	vadd.f32 v7, v12;
	v1 =	vadd.f32 v1, v3  }
0x3da: {  	v3 =	vadd.f32 v9, v15;
	v2 =	vadd.f32 v10, v2  }
0x3db: {  	v6 =	vadd.f32 v6, v13;
	v1 =	vadd.f32 v4, v1  }
0x3dc: {  	v4 =	vadd.f32 v8, v14;
	v2 =	vadd.f32 v3, v2  }
0x3dd: {  	v0 =	vadd.f32 v5, v0;
	v1 =	vadd.f32 v6, v1  }
0x3de: {  	v2 =	vadd.f32 v4, v2  }
0x3df: {  	v0 =	vadd.f32 v0, v1  }
0x3e0: {  	v1 =	vmul.f32 $4.999999890e-03, v2  }
0x3e1: {  	v0 =	vmul.f32 $4.999999890e-03, v0  }
0x3e2: {  	[tilespmem:$0x19EA0] =	vst v1  }
0x3e3: {  	s9 =	simm.s32 $0x0;
	[tilespmem:$0x19EB0] =	vst v0  }
0x3e4: {  	v0 =	vld [tilespmem:s9+$0x16BF0]  }
0x3e5: {  	v1 =	vld [tilespmem:s9+$0x16B00]  }
0x3e6: {  	v2 =	vld [tilespmem:s9+$0x16B10]  }
0x3e7: {  	v3 =	vld [tilespmem:s9+$0x16B20]  }
0x3e8: {  	v4 =	vld [tilespmem:s9+$0x16B30]  }
0x3e9: {  	v5 =	vld [tilespmem:s9+$0x16B40]  }
0x3ea: {  	v12 =	vld [tilespmem:s9+$0x16B50]  }
0x3eb: {  	v13 =	vld [tilespmem:s9+$0x16B60]  }
0x3ec: {  	v14 =	vld [tilespmem:s9+$0x16B70]  }
0x3ed: {  	v11 =	vimm.f32 $0.0e+00;
	v15 =	vld [tilespmem:s9+$0x16B80]  }
0x3ee: {  	v20 =	vld [tilespmem:s9+$0x16B90];
	v0 =	vadd.f32 v0, v11  }
0x3ef: {  	v9 =	vadd.f32 v1, v11;
	v6 =	vadd.f32 v2, v11  }
0x3f0: {  	v16 =	vld [tilespmem:s9+$0x16BA0];
	v10 =	vadd.f32 v3, v11;
	v7 =	vadd.f32 v4, v11  }
0x3f1: {  	v17 =	vld [tilespmem:s9+$0x16BB0];
	v8 =	vadd.f32 v5, v11;
	v5 =	vadd.f32 v12, v11  }
0x3f2: {  	v18 =	vld [tilespmem:s9+$0x16BC0];
	v4 =	vadd.f32 v13, v11;
	v3 =	vadd.f32 v14, v11  }
0x3f3: {  	v19 =	vld [tilespmem:s9+$0x16BD0];
	v2 =	vadd.f32 v15, v11;
	v1 =	vadd.f32 v20, v11;
	v12 =	vimm.f32 $0.0e+00  }
0x3f4: {  	s19 =	simm.s32 $0x800;
	s18 =	simm.s32 $0x100;
	v20 =	vld [tilespmem:s9+$0x16BE0];
	v15 =	vimm.f32 $0.0e+00;
	v13 =	vimm.f32 $0.0e+00;
	v14 =	vimm.f32 $0.0e+00  }
.LBB2_38:
0x3f5: {  	p0 =	sne.s32 s19, $0x6000;
	v21 =	vld [tilespmem:s18+$0x16BF0];
	v11 =	vadd.f32 v16, v11  }
0x3f6: {  	v16 =	vld [tilespmem:s18+$0x16B00];
	v12 =	vadd.f32 v17, v12  }
0x3f7: {  	v17 =	vld [tilespmem:s18+$0x16B10];
	v15 =	vadd.f32 v18, v15  }
0x3f8: {  	v18 =	vld [tilespmem:s18+$0x16B20];
	v13 =	vadd.f32 v19, v13  }
0x3f9: {  	v19 =	vld [tilespmem:s18+$0x16B30];
	v14 =	vadd.f32 v20, v14  }
0x3fa: {  	v20 =	vld [tilespmem:s18+$0x16B40];
	v0 =	vadd.f32 v21, v0  }
0x3fb: {  	v9 =	vadd.f32 v16, v9;
	v16 =	vld [tilespmem:s18+$0x16B50]  }
0x3fc: {  	v6 =	vadd.f32 v17, v6;
	v17 =	vld [tilespmem:s18+$0x16B60]  }
0x3fd: {  	v10 =	vadd.f32 v18, v10;
	v18 =	vld [tilespmem:s18+$0x16B70]  }
0x3fe: {  	v7 =	vadd.f32 v19, v7;
	v19 =	vld [tilespmem:s18+$0x16B80]  }
0x3ff: {  	v8 =	vadd.f32 v20, v8;
	v20 =	vld [tilespmem:s18+$0x16B90]  }
.Ltmp19:
0x400: {  	v5 =	vadd.f32 v16, v5;
	v16 =	vld [tilespmem:s18+$0x16BA0];
	(pc) =	sbr.rel @p0 .LBB2_38-.Ltmp19, $4  }
0x401: {  	v4 =	vadd.f32 v17, v4;
	v17 =	vld [tilespmem:s18+$0x16BB0]  }
0x402: {  	v3 =	vadd.f32 v18, v3;
	v18 =	vld [tilespmem:s18+$0x16BC0]  }
0x403: {  	v2 =	vadd.f32 v19, v2;
	v19 =	vld [tilespmem:s18+$0x16BD0]  }
0x404: {  	v1 =	vadd.f32 v20, v1;
	v20 =	vld [tilespmem:s18+$0x16BE0];
	s18 =	sshra.s32 s19, $0x2;
	s19 =	sadd.s32 $0x400, s19  }
0x405: {  	v21 =	vld [tilespmem:s18+$0x16B00]  }
0x406: {  	v22 =	vld [tilespmem:s18+$0x16B10]  }
0x407: {  	v23 =	vld [tilespmem:s18+$0x16B20]  }
0x408: {  	v24 =	vld [tilespmem:s18+$0x16B30]  }
0x409: {  	v11 =	vadd.f32 v16, v11;
	v16 =	vld [tilespmem:s18+$0x16B40]  }
0x40a: {  	v12 =	vadd.f32 v17, v12;
	v17 =	vld [tilespmem:s18+$0x16B50];
	v15 =	vadd.f32 v18, v15  }
0x40b: {  	v18 =	vld [tilespmem:s18+$0x16B60];
	v13 =	vadd.f32 v19, v13;
	v14 =	vadd.f32 v20, v14  }
0x40c: {  	v19 =	vld [tilespmem:s18+$0x16B70];
	v9 =	vadd.f32 v21, v9;
	v10 =	vadd.f32 v23, v10  }
0x40d: {  	v20 =	vld [tilespmem:s18+$0x16B80];
	v6 =	vadd.f32 v22, v6;
	v7 =	vadd.f32 v24, v7  }
0x40e: {  	v8 =	vadd.f32 v16, v8;
	v16 =	vld [tilespmem:s18+$0x16B90];
	v9 =	vadd.f32 v10, v9  }
0x40f: {  	v5 =	vadd.f32 v17, v5;
	v10 =	vld [tilespmem:s18+$0x16BA0];
	v6 =	vadd.f32 v7, v6  }
0x410: {  	v4 =	vadd.f32 v18, v4;
	v7 =	vld [tilespmem:s18+$0x16BB0];
	v8 =	vadd.f32 v8, v9  }
0x411: {  	v3 =	vadd.f32 v19, v3;
	v9 =	vld [tilespmem:s18+$0x16BC0];
	v5 =	vadd.f32 v5, v6  }
0x412: {  	v2 =	vadd.f32 v20, v2;
	v6 =	vld [tilespmem:s18+$0x16BD0];
	v4 =	vadd.f32 v4, v8  }
0x413: {  	v1 =	vadd.f32 v16, v1;
	v8 =	vld [tilespmem:s18+$0x16BE0];
	v3 =	vadd.f32 v3, v5  }
0x414: {  	v5 =	vld [tilespmem:s18+$0x16BF0];
	v10 =	vadd.f32 v10, v11;
	v2 =	vadd.f32 v2, v4  }
0x415: {  	v4 =	vadd.f32 v7, v12;
	v1 =	vadd.f32 v1, v3  }
0x416: {  	v3 =	vadd.f32 v9, v15;
	v2 =	vadd.f32 v10, v2  }
0x417: {  	v6 =	vadd.f32 v6, v13;
	v1 =	vadd.f32 v4, v1  }
0x418: {  	v4 =	vadd.f32 v8, v14;
	v2 =	vadd.f32 v3, v2  }
0x419: {  	v0 =	vadd.f32 v5, v0;
	v1 =	vadd.f32 v6, v1  }
0x41a: {  	v2 =	vadd.f32 v4, v2  }
0x41b: {  	v0 =	vadd.f32 v0, v1  }
0x41c: {  	v1 =	vmul.f32 $4.999999890e-03, v2  }
0x41d: {  	v0 =	vmul.f32 $4.999999890e-03, v0  }
0x41e: {  	[tilespmem:$0x19EC0] =	vst v1  }
0x41f: {  	s9 =	simm.s32 $0x0;
	[tilespmem:$0x19ED0] =	vst v0  }
0x420: {  	v0 =	vld [tilespmem:s9+$0x184F0]  }
0x421: {  	v1 =	vld [tilespmem:s9+$0x18400]  }
0x422: {  	v2 =	vld [tilespmem:s9+$0x18410]  }
0x423: {  	v3 =	vld [tilespmem:s9+$0x18420]  }
0x424: {  	v4 =	vld [tilespmem:s9+$0x18430]  }
0x425: {  	v5 =	vld [tilespmem:s9+$0x18440]  }
0x426: {  	v12 =	vld [tilespmem:s9+$0x18450]  }
0x427: {  	v13 =	vld [tilespmem:s9+$0x18460]  }
0x428: {  	v14 =	vld [tilespmem:s9+$0x18470]  }
0x429: {  	v11 =	vimm.f32 $0.0e+00;
	v15 =	vld [tilespmem:s9+$0x18480]  }
0x42a: {  	v20 =	vld [tilespmem:s9+$0x18490];
	v0 =	vadd.f32 v0, v11  }
0x42b: {  	v9 =	vadd.f32 v1, v11;
	v6 =	vadd.f32 v2, v11  }
0x42c: {  	v16 =	vld [tilespmem:s9+$0x184A0];
	v10 =	vadd.f32 v3, v11;
	v7 =	vadd.f32 v4, v11  }
0x42d: {  	v17 =	vld [tilespmem:s9+$0x184B0];
	v8 =	vadd.f32 v5, v11;
	v5 =	vadd.f32 v12, v11  }
0x42e: {  	v18 =	vld [tilespmem:s9+$0x184C0];
	v4 =	vadd.f32 v13, v11;
	v3 =	vadd.f32 v14, v11  }
0x42f: {  	v19 =	vld [tilespmem:s9+$0x184D0];
	v2 =	vadd.f32 v15, v11;
	v1 =	vadd.f32 v20, v11;
	v12 =	vimm.f32 $0.0e+00  }
0x430: {  	s19 =	simm.s32 $0x800;
	s18 =	simm.s32 $0x100;
	v20 =	vld [tilespmem:s9+$0x184E0];
	v15 =	vimm.f32 $0.0e+00;
	v13 =	vimm.f32 $0.0e+00;
	v14 =	vimm.f32 $0.0e+00  }
.LBB2_40:
0x431: {  	p0 =	sne.s32 s19, $0x6000;
	v21 =	vld [tilespmem:s18+$0x184F0];
	v11 =	vadd.f32 v16, v11  }
0x432: {  	v16 =	vld [tilespmem:s18+$0x18400];
	v12 =	vadd.f32 v17, v12  }
0x433: {  	v17 =	vld [tilespmem:s18+$0x18410];
	v15 =	vadd.f32 v18, v15  }
0x434: {  	v18 =	vld [tilespmem:s18+$0x18420];
	v13 =	vadd.f32 v19, v13  }
0x435: {  	v19 =	vld [tilespmem:s18+$0x18430];
	v14 =	vadd.f32 v20, v14  }
0x436: {  	v20 =	vld [tilespmem:s18+$0x18440];
	v0 =	vadd.f32 v21, v0  }
0x437: {  	v9 =	vadd.f32 v16, v9;
	v16 =	vld [tilespmem:s18+$0x18450]  }
0x438: {  	v6 =	vadd.f32 v17, v6;
	v17 =	vld [tilespmem:s18+$0x18460]  }
0x439: {  	v10 =	vadd.f32 v18, v10;
	v18 =	vld [tilespmem:s18+$0x18470]  }
0x43a: {  	v7 =	vadd.f32 v19, v7;
	v19 =	vld [tilespmem:s18+$0x18480]  }
0x43b: {  	v8 =	vadd.f32 v20, v8;
	v20 =	vld [tilespmem:s18+$0x18490]  }
.Ltmp20:
0x43c: {  	v5 =	vadd.f32 v16, v5;
	v16 =	vld [tilespmem:s18+$0x184A0];
	(pc) =	sbr.rel @p0 .LBB2_40-.Ltmp20, $4  }
0x43d: {  	v4 =	vadd.f32 v17, v4;
	v17 =	vld [tilespmem:s18+$0x184B0]  }
0x43e: {  	v3 =	vadd.f32 v18, v3;
	v18 =	vld [tilespmem:s18+$0x184C0]  }
0x43f: {  	v2 =	vadd.f32 v19, v2;
	v19 =	vld [tilespmem:s18+$0x184D0]  }
0x440: {  	v1 =	vadd.f32 v20, v1;
	v20 =	vld [tilespmem:s18+$0x184E0];
	s18 =	sshra.s32 s19, $0x2;
	s19 =	sadd.s32 $0x400, s19  }
0x441: {  	v21 =	vld [tilespmem:s18+$0x18400]  }
0x442: {  	v22 =	vld [tilespmem:s18+$0x18410]  }
0x443: {  	v23 =	vld [tilespmem:s18+$0x18420]  }
0x444: {  	v24 =	vld [tilespmem:s18+$0x18430]  }
0x445: {  	v11 =	vadd.f32 v16, v11;
	v48 =	vld [tilespmem:s18+$0x18440]  }
0x446: {  	v49 =	vld [tilespmem:s18+$0x18450];
	v12 =	vadd.f32 v17, v12;
	v15 =	vadd.f32 v18, v15  }
0x447: {  	v50 =	vld [tilespmem:s18+$0x18460];
	v13 =	vadd.f32 v19, v13;
	v14 =	vadd.f32 v20, v14  }
0x448: {  	v51 =	vld [tilespmem:s18+$0x18470];
	v9 =	vadd.f32 v21, v9;
	v10 =	vadd.f32 v23, v10  }
0x449: {  	v52 =	vld [tilespmem:s18+$0x18480];
	v6 =	vadd.f32 v22, v6;
	v7 =	vadd.f32 v24, v7  }
0x44a: {  	v53 =	vld [tilespmem:s18+$0x18490];
	v8 =	vadd.f32 v48, v8;
	v9 =	vadd.f32 v10, v9  }
0x44b: {  	v54 =	vld [tilespmem:s18+$0x184A0];
	v5 =	vadd.f32 v49, v5;
	v6 =	vadd.f32 v7, v6  }
0x44c: {  	v55 =	vld [tilespmem:s18+$0x184B0];
	v4 =	vadd.f32 v50, v4;
	v8 =	vadd.f32 v8, v9  }
0x44d: {  	v56 =	vld [tilespmem:s18+$0x184C0];
	v3 =	vadd.f32 v51, v3;
	v5 =	vadd.f32 v5, v6  }
0x44e: {  	v57 =	vld [tilespmem:s18+$0x184D0];
	v2 =	vadd.f32 v52, v2;
	v4 =	vadd.f32 v4, v8  }
0x44f: {  	v58 =	vld [tilespmem:s18+$0x184E0];
	v1 =	vadd.f32 v53, v1;
	v3 =	vadd.f32 v3, v5  }
0x450: {  	v59 =	vld [tilespmem:s18+$0x184F0];
	v10 =	vadd.f32 v54, v11;
	v2 =	vadd.f32 v2, v4  }
0x451: {  	v60 =	vadd.f32 v55, v12;
	v1 =	vadd.f32 v1, v3  }
0x452: {  	v61 =	vadd.f32 v56, v15;
	v2 =	vadd.f32 v10, v2  }
0x453: {  	v6 =	vadd.f32 v57, v13;
	v1 =	vadd.f32 v60, v1  }
0x454: {  	v62 =	vadd.f32 v58, v14;
	v2 =	vadd.f32 v61, v2  }
0x455: {  	v0 =	vadd.f32 v59, v0;
	v1 =	vadd.f32 v6, v1  }
0x456: {  	s16 =	sadd.s32 $0x1, s16;
	v2 =	vadd.f32 v62, v2  }
0x457: {  	p0 =	sne.s32 s16, $0x20;
	v0 =	vadd.f32 v0, v1  }
.Ltmp21:
0x458: {  	v63 =	vmul.f32 $4.999999890e-03, v2;
	(pc) =	sbr.rel @p0 .LBB2_2-.Ltmp21, $4  }
0x459: {  	v0 =	vmul.f32 $4.999999890e-03, v0  }
0x45a: {  	[tilespmem:$0x19EE0] =	vst v63  }
0x45b: {  	s9 =	sadd.s32 s17, s8;
	[tilespmem:$0x19EF0] =	vst v0  }
0x45c: {  	[hbm4b:s9+s2] =	stream.linear.scatter [tilespmem:s14], [sflag:$0x6], $0x100, $0x38;
	[tilespmem:$0x19F00] =	vst v63  }
0x45d: {  	_ =	swait.ge [sflag:s15], $0x100  }
0x45e: {  	[sflag:s15] =	ssyncset.done $0x0  }
0x45f: {  	[sflag:s15] =	ssyncadd.s32 $0xFFFFFF00  }
0x460: {  	_ =	swait.ge [sflag:s13], $0x100  }
0x461: {  	s16 =	rddreg [dreg:$0x7]  }
0x462: {  	s9 =	rddreg [dreg:$0x6];
	s16 =	sadd.s32 $0x1, s16  }
0x463: {  	p0 =	sne.s32 s16, s9  }
.Ltmp22:
0x464: {  	_ = 	snop;
	(pc) =	sbr.rel @p0 .LBB2_1-.Ltmp22, $3  }
0x465: {  	_ =	sdelay $0x1  }
0x466: {  	[sflag:s13] =	ssyncset.done $0x0  }
0x467: {  	[sflag:s13] =	ssyncadd.s32 $0xFFFFFF00  }
0x468: {  	_ =	sfence.sel $0x180000  }
0x469: {  	[bflag:$0x0] =	sbarrier.arrive $0xFFFF  }
0x46a: {  	_ =	strace $0x90000047  }
0x46b: {  	s0 =	stileid.u32;
	[bflag:$0x2] =	sbarrier.arrive $0xFFFF  }
0x46c: {  	p0 =	sne.s32 s0, $0x0;
	s0 =	rddreg [dreg:$0x2]  }
0x46d: {  	s0 =	sadd.s32 @!p0 $0x100000, s0  }
0x46e: {  	[sflag:s0] =	ssyncadd.tile.s32 @!p0 $0x1;
	_ =	shalt  }
.Lfunc_end2:
_tile_overlayer_lowered:
.L_overlay_start_2:
0x46f: {  	(tag) =	ssettag $0x2  }
0x470: {  	s0 =	rddreg [dreg:$0x0];
	s2 =	stileid.u32  }
0x471: {  	s1 =	rddreg [dreg:$0x1];
	p0 =	sne.s32 s2, $0x0  }
0x472: {  	s3 =	rddreg [dreg:$0x2];
	[bflag:$0x3] =	sbarrier.arrive $0xFFFF;
	s2 =	simm.s32 @!p0 $0x1C07  }
0x473: {  	[timem:s3], [sflag:s2] =	dma.local @!p0 [hbm:s0], s1  }
0x474: {  	s0 =	simm.s32 @!p0 $0x7  }
0x475: {  	_ =	swait.ge @!p0 [sflag:s0], s1  }
0x476: {  	s1 =	ssub.s32 @!p0 $0x0, s1;
	[sflag:s0] =	ssyncset.done @!p0 $0x0  }
0x477: {  	[sflag:s0] =	ssyncadd.s32 @!p0 s1  }
0x478: {  	[bflag:$0x3] =	sbarrier.arrive $0xFFFF  }
0x479: {  	_ =	shalt  }

</sc_bundles>
